<compile_context>
chip_gen: v7x
topology: tpu7x:2x2x1
jax: 0.10.2.dev20260603
libtpu: 0.0.44.dev20260713+nightly
codegen_flags: <defaults>
</compile_context>

<pallas_src>
import functools

import jax
import jax.numpy as jnp
from jax import lax
from jax.experimental import pallas as pl
from jax.experimental.pallas import tpu as pltpu
from jax.experimental.pallas import tpu_sc as plsc

_K = 64
_N = 4096
_GROUPS = 256
_SLABS = _N // _GROUPS


def _f32_to_key(x):
    bits = lax.bitcast_convert_type(x, jnp.int32)
    return jnp.where(bits < 0, bits ^ jnp.int32(0x7FFFFFFF), bits)


def _key_to_f32(k):
    return lax.bitcast_convert_type(
        jnp.where(k < 0, k ^ jnp.int32(0x7FFFFFFF), k), jnp.float32)


def _ceil_mid(lo, hi):
    return (lo >> 1) + (hi >> 1) + ((lo | hi) & 1)




def _prescreen_body(x_ref, o_ref):
    x = x_ref[...]
    r = x.shape[0]
    acc = x[:, 0:_GROUPS]
    for k in range(1, _SLABS):
        acc = jnp.maximum(acc, x[:, k * _GROUPS:(k + 1) * _GROUPS])
    key = _f32_to_key(acc)

    def step(_, lohi):
        lo, hi = lohi
        mid = _ceil_mid(lo, hi)
        cnt = jnp.sum((key >= mid).astype(jnp.float32), axis=1, keepdims=True)
        ok = cnt >= jnp.float32(_K)
        return (jnp.where(ok, mid, lo), jnp.where(ok, hi, mid - jnp.int32(1)))

    lo0 = jnp.full((r, 1), -0x80000000, jnp.int32)
    hi0 = jnp.full((r, 1), 0x7FFFFFFF, jnp.int32)
    lo, _ = jax.lax.fori_loop(0, 16, step, (lo0, hi0))
    o_ref[...] = jnp.broadcast_to(lo, (r, 16))


def _prescreen(x2):
    rows = x2.shape[0]
    blk = 256
    return pl.pallas_call(
        _prescreen_body,
        grid=(rows // blk,),
        in_specs=[pl.BlockSpec((blk, _N), lambda i: (i, 0))],
        out_specs=pl.BlockSpec((blk, 16), lambda i: (i, 0)),
        out_shape=jax.ShapeDtypeStruct((rows, 16), jnp.int32),
    )(x2)




def _sc_topk(x_flat, thr_flat, rows):
    nw = 32
    rows_per = rows // nw
    pairs = rows_per // 2
    mesh = plsc.VectorSubcoreMesh(core_axis_name="c", subcore_axis_name="s")

    @functools.partial(
        pl.kernel,
        mesh=mesh,
        compiler_params=pltpu.CompilerParams(needs_layout_passes=False),
        out_type=jax.ShapeDtypeStruct((rows * _K,), jnp.float32),
        scratch_types=[
            pltpu.VMEM((_N,), jnp.float32),
            pltpu.VMEM((_N,), jnp.float32),
            pltpu.VMEM((_N,), jnp.int32),
            pltpu.VMEM((rows_per * 16,), jnp.int32),
            pltpu.VMEM((64 * _K,), jnp.float32),
            pltpu.VMEM((16,), jnp.int32),
            pltpu.SemaphoreType.DMA,
            pltpu.SemaphoreType.DMA,
        ],
    )
    def sck(x_hbm, thr_hbm, out_hbm, buf0, buf1, cand, thr_v, outstage,
            cnt_v, sem0, sem1):
        wid = lax.axis_index("s") * 2 + lax.axis_index("c")
        row0 = wid * rows_per
        lanes = lax.iota(jnp.int32, 16)
        zero_i = jnp.zeros((16,), jnp.int32)
        one_i = jnp.full((16,), 1, jnp.int32)
        k64 = jnp.full((16,), _K, jnp.int32)
        fifteens = jnp.full((16,), 15, jnp.int32)
        int_min = jnp.full((16,), -0x80000000, jnp.int32)
        int_max = jnp.full((16,), 0x7FFFFFFF, jnp.int32)
        j128 = jnp.full((16,), 128, jnp.int32)

        pltpu.sync_copy(thr_hbm.at[pl.ds(row0 * 16, rows_per * 16)], thr_v)

        def row_src(row):
            return x_hbm.at[pl.ds(row * _N, _N)]

        def splat_last(c):
            return lax.gather(
                c, fifteens[:, None],
                dimension_numbers=lax.GatherDimensionNumbers(
                    offset_dims=(), collapsed_slice_dims=(0,),
                    start_index_map=(0,)),
                slice_sizes=(1,),
                mode=lax.GatherScatterMode.PROMISE_IN_BOUNDS)

        def process(buf, row, rm_vec):
            rloc = row - row0
            lk = thr_v[pl.ds(rloc * 16, 16)]
            for q in range(8):
                cand[pl.ds(q * 16, 16)] = int_min

            def hot(jo, base):
                for u in range(8):
                    x = buf[pl.ds(jo * 128 + u * 16, 16)]
                    uk = _f32_to_key(x)
                    m = uk >= lk
                    c = plsc.cumsum(jnp.where(m, jnp.int32(1), jnp.int32(0)))
                    idx = base + c - 1
                    plsc.store_scatter(cand, [idx], uk, mask=m)
                    base = base + splat_last(c)
                return base

            nsplat = jax.lax.fori_loop(0, _N // 128, hot, zero_i)
            nceil = ((nsplat + 15) >> 4) << 4
            padidx = lanes + nceil - 16
            plsc.store_scatter(cand, [padidx], int_min, mask=padidx >= nsplat)

            kvs = [cand[pl.ds(q * 16, 16)] for q in range(8)]

            def count3(m1, m2, m3):
                a1 = a2 = a3 = zero_i
                for q in range(8):
                    a1 = a1 + jnp.where(kvs[q] >= m1, jnp.int32(1),
                                        jnp.int32(0))
                    a2 = a2 + jnp.where(kvs[q] >= m2, jnp.int32(1),
                                        jnp.int32(0))
                    a3 = a3 + jnp.where(kvs[q] >= m3, jnp.int32(1),
                                        jnp.int32(0))

                def cond(st):
                    return jnp.any(st[0] < nceil)

                def body(st):
                    j, b1, b2, b3 = st
                    kv = plsc.load_gather(cand, [lanes + j])
                    return (j + 16,
                            b1 + jnp.where(kv >= m1, jnp.int32(1),
                                           jnp.int32(0)),
                            b2 + jnp.where(kv >= m2, jnp.int32(1),
                                           jnp.int32(0)),
                            b3 + jnp.where(kv >= m3, jnp.int32(1),
                                           jnp.int32(0)))

                _, a1, a2, a3 = jax.lax.while_loop(cond, body,
                                                   (j128, a1, a2, a3))
                return (splat_last(plsc.cumsum(a1)),
                        splat_last(plsc.cumsum(a2)),
                        splat_last(plsc.cumsum(a3)))

            def count_ge(mid):
                c, _, _ = count3(mid, mid, mid)
                return c

            def bstep(_, lohi):
                lo, hi = lohi
                m2 = _ceil_mid(lo, hi)
                m1 = _ceil_mid(lo, m2 - 1)
                m3 = _ceil_mid(m2, hi)
                c1, c2, c3 = count3(m1, m2, m3)
                ok1 = c1 >= k64
                ok2 = c2 >= k64
                ok3 = c3 >= k64
                lo = jnp.where(ok3, m3,
                               jnp.where(ok2, m2, jnp.where(ok1, m1, lo)))
                hi = jnp.where(ok3, hi,
                               jnp.where(ok2, m3 - 1,
                                         jnp.where(ok1, m2 - 1, m1 - 1)))
                return (lo, hi)

            tkey, _ = jax.lax.fori_loop(0, 16, bstep, (int_min, int_max))
            n_ge = count_ge(tkey)

            def emit_fast(kv, ob):
                keep = kv >= tkey
                pc = plsc.cumsum(jnp.where(keep, jnp.int32(1), jnp.int32(0)))
                pos = ob + pc - 1 + rm_vec
                plsc.store_scatter(outstage, [pos], _key_to_f32(kv),
                                   mask=keep)
                return ob + splat_last(pc)

            @pl.when(jnp.all(n_ge == k64))
            def _():
                ob = zero_i
                for q in range(8):
                    ob = emit_fast(kvs[q], ob)

                def fcond(st):
                    return jnp.any(st[0] < nceil)

                def fbody(st):
                    j, ob = st
                    kv = plsc.load_gather(cand, [lanes + j])
                    return (j + 16, emit_fast(kv, ob))

                jax.lax.while_loop(fcond, fbody, (j128, ob))

            @pl.when(jnp.any(n_ge != k64))
            def _():
                eqb = zero_i
                ob = zero_i
                budget = k64 - count_ge(tkey + 1)

                def emit(kv, eqb, ob):
                    gt = kv > tkey
                    eq = kv == tkey
                    eqc = plsc.cumsum(jnp.where(eq, jnp.int32(1),
                                                jnp.int32(0))) + eqb
                    keep = gt | (eq & (eqc <= budget))
                    pc = plsc.cumsum(jnp.where(keep, jnp.int32(1),
                                               jnp.int32(0)))
                    pos = ob + pc - 1 + rm_vec
                    plsc.store_scatter(outstage, [pos], _key_to_f32(kv),
                                       mask=keep)
                    return splat_last(eqc), ob + splat_last(pc)

                for q in range(8):
                    eqb, ob = emit(kvs[q], eqb, ob)

                def fcond(st):
                    return jnp.any(st[0] < nceil)

                def fbody(st):
                    j, eqb, ob = st
                    kv = plsc.load_gather(cand, [lanes + j])
                    eqb, ob = emit(kv, eqb, ob)
                    return (j + 16, eqb, ob)

                jax.lax.while_loop(fcond, fbody, (j128, eqb, ob))

            @pl.when((row & 63) == 63)
            def _():
                pltpu.sync_copy(
                    outstage, out_hbm.at[pl.ds((row - 63) * _K, 64 * _K)])

        pltpu.async_copy(row_src(row0), buf0, sem0)

        def pair(i, rm_vec):
            row_a = row0 + 2 * i
            pltpu.make_async_copy(row_src(row_a), buf0, sem0).wait()
            pltpu.async_copy(row_src(row_a + 1), buf1, sem1)
            process(buf0, row_a, rm_vec)
            pltpu.make_async_copy(row_src(row_a + 1), buf1, sem1).wait()

            @pl.when(i < pairs - 1)
            def _():
                pltpu.async_copy(row_src(row_a + 2), buf0, sem0)

            process(buf1, row_a + 1, rm_vec + _K)
            return (rm_vec + 2 * _K) & jnp.int32(_N - 1)

        jax.lax.fori_loop(0, pairs, pair, zero_i)

    return sck(x_flat, thr_flat)


def kernel(inputs):
    b, s, n = inputs.shape
    rows = b * s
    x2 = inputs.reshape(rows, n)
    thr = _prescreen(x2).reshape(-1)
    out = _sc_topk(x2.reshape(-1), thr, rows)
    return out.reshape(b, s, _K)

# --- scband reference (transcript-rebuilt; emitter-appended) ---
"""Pipeline reference for scband-kmax-pool1d-53120155517169 (READ-ONLY COPY).

The authoritative reference and input builder live on the scoring server;
editing this copy changes nothing except your own understanding.
"""

import jax, jax.numpy as jnp
import numpy as np

TOP_K = 64

def setup_inputs(seed: int = 0) -> dict:
    key = jax.random.key(seed)
    inputs = jax.random.normal(key, (16, 768, 4096), dtype=jnp.float32)
    return {"inputs": inputs}

def reference(inputs):
    # torch.topk(inputs, k, dim=2)[1] -> indices of top-k along last dim
    _, rand_top_idxs = jax.lax.top_k(inputs, TOP_K)
    # sort indices ascending to preserve original sequence order
    top_idxs = jnp.sort(rand_top_idxs, axis=2)
    # gather along last dim
    return jnp.take_along_axis(inputs, top_idxs, axis=2)

if __name__ == "__main__":
    import jax
    _d = setup_inputs()
    print(jax.jit(kernel)(*tuple(_d.values())))

</pallas_src>

<mosaic_0001>
#map = affine_map<(d0, d1) -> (0)>
module attributes {stable_mosaic.version = 14 : i64} {
  func.func @sck(%arg0: i32, %arg1: i32, %arg2: memref<50331648xf32, #tpu.memory_space<hbm>>, %arg3: memref<196608xi32, #tpu.memory_space<hbm>>, %arg4: memref<786432xf32, #tpu.memory_space<hbm>>, %arg5: memref<4096xf32, #tpu.memory_space<vmem>>, %arg6: memref<4096xf32, #tpu.memory_space<vmem>>, %arg7: memref<4096xi32, #tpu.memory_space<vmem>>, %arg8: memref<6144xi32, #tpu.memory_space<vmem>>, %arg9: memref<4096xf32, #tpu.memory_space<vmem>>, %arg10: memref<16xi32, #tpu.memory_space<vmem>>, %arg11: memref<!tpu.dma_semaphore, #tpu.memory_space<semaphore_mem>>, %arg12: memref<!tpu.dma_semaphore, #tpu.memory_space<semaphore_mem>>) attributes {dimension_semantics = [#tpu.dimension_semantics<core_parallel>, #tpu.dimension_semantics<subcore_parallel>], iteration_bounds = array<i64: 2, 16>, scalar_prefetch = 0 : i64, scratch_operands = 8 : i64, tpu.core_type = #tpu.core_type<sc_vector_subcore>, window_params = [{transform_indices = #map}, {transform_indices = #map}, {transform_indices = #map}]} {
    %mul3A = arith.constant 2 : i32
    %mul3A_0 = arith.muli %arg1, %mul3A : i32
    %add3A = arith.addi %mul3A_0, %arg0 : i32
    %mul3A_1 = arith.constant 384 : i32
    %mul3A_2 = arith.muli %add3A, %mul3A_1 : i32
    %iota3A = tpu.iota {dimensions = array<i32: 0>} : vector<16xi32>
    %broadcast_in_dim3A = arith.constant 0 : i32
    %broadcast_in_dim3A_3 = vector.broadcast %broadcast_in_dim3A : i32 to vector<16xi32>
    %broadcast_in_dim3A_4 = arith.constant 1 : i32
    %broadcast_in_dim3A_5 = vector.broadcast %broadcast_in_dim3A_4 : i32 to vector<16xi32>
    %broadcast_in_dim3A_6 = arith.constant 64 : i32
    %broadcast_in_dim3A_7 = vector.broadcast %broadcast_in_dim3A_6 : i32 to vector<16xi32>
    %broadcast_in_dim3A_8 = arith.constant 15 : i32
    %broadcast_in_dim3A_9 = vector.broadcast %broadcast_in_dim3A_8 : i32 to vector<16xi32>
    %broadcast_in_dim3A_10 = arith.constant -2147483648 : i32
    %broadcast_in_dim3A_11 = vector.broadcast %broadcast_in_dim3A_10 : i32 to vector<16xi32>
    %broadcast_in_dim3A_12 = arith.constant 2147483647 : i32
    %broadcast_in_dim3A_13 = vector.broadcast %broadcast_in_dim3A_12 : i32 to vector<16xi32>
    %broadcast_in_dim3A_14 = arith.constant 128 : i32
    %broadcast_in_dim3A_15 = vector.broadcast %broadcast_in_dim3A_14 : i32 to vector<16xi32>
    %mul3A_16 = arith.constant 16 : i32
    %mul3A_17 = arith.muli %mul3A_2, %mul3A_16 : i32
    "tpu.region"() ({
      %run_scoped3A = tpu.sem_alloc : memref<!tpu.dma_semaphore, #tpu.memory_space<semaphore_mem>>
      %dma_start3A_26 = tpu.memref_slice %arg3[%mul3A_17] : memref<196608xi32, #tpu.memory_space<hbm>> -> memref<6144xi32, #tpu.memory_space<hbm>>
      %dma_start3A_27 = tpu.memref_slice %arg3[%mul3A_17] : memref<196608xi32, #tpu.memory_space<hbm>> -> memref<6144xi32, #tpu.memory_space<hbm>>
      tpu.enqueue_dma source(%dma_start3A_27 : memref<6144xi32, #tpu.memory_space<hbm>>) target(%arg8 : memref<6144xi32, #tpu.memory_space<vmem>>) target_semaphore(%run_scoped3A : memref<!tpu.dma_semaphore, #tpu.memory_space<semaphore_mem>>)
      %dma_wait3A = tpu.memref_slice %arg3[%mul3A_17] : memref<196608xi32, #tpu.memory_space<hbm>> -> memref<6144xi32, #tpu.memory_space<hbm>>
      %dma_wait3A_28 = tpu.memref_slice %arg3[%mul3A_17] : memref<196608xi32, #tpu.memory_space<hbm>> -> memref<6144xi32, #tpu.memory_space<hbm>>
      tpu.wait_dma2 semaphore(%run_scoped3A : memref<!tpu.dma_semaphore, #tpu.memory_space<semaphore_mem>>) src(%dma_wait3A_28 : memref<6144xi32, #tpu.memory_space<hbm>>) dst(%arg8 : memref<6144xi32, #tpu.memory_space<vmem>>)
      tpu.yield
    }) : () -> ()
    %mul3A_18 = arith.constant 4096 : i32
    %mul3A_19 = arith.muli %mul3A_2, %mul3A_18 : i32
    %dma_start3A = tpu.memref_slice %arg2[%mul3A_19] : memref<50331648xf32, #tpu.memory_space<hbm>> -> memref<4096xf32, #tpu.memory_space<hbm>>
    %dma_start3A_20 = tpu.memref_slice %arg2[%mul3A_19] : memref<50331648xf32, #tpu.memory_space<hbm>> -> memref<4096xf32, #tpu.memory_space<hbm>>
    tpu.enqueue_dma source(%dma_start3A_20 : memref<4096xf32, #tpu.memory_space<hbm>>) target(%arg5 : memref<4096xf32, #tpu.memory_space<vmem>>) target_semaphore(%arg11 : memref<!tpu.dma_semaphore, #tpu.memory_space<semaphore_mem>>)
    %scan3A = arith.constant 0 : i32
    %scan3A_21 = arith.constant 192 : i32
    %scan3A_22 = arith.addi %scan3A, %scan3A_21 : i32
    %scan3A_23 = arith.constant 1 : i32
    %scan3A_24 = scf.for %scan3A_26 = %scan3A to %scan3A_22 step %scan3A_23 iter_args(%scan3A_27 = %broadcast_in_dim3A_3) -> (vector<16xi32>)  : i32 {
      %mul3A_28 = arith.constant 2 : i32
      %mul3A_29 = arith.muli %mul3A_28, %scan3A_26 : i32
      %add3A_30 = arith.addi %mul3A_2, %mul3A_29 : i32
      %mul3A_31 = arith.constant 4096 : i32
      %mul3A_32 = arith.muli %add3A_30, %mul3A_31 : i32
      %dma_wait3A = tpu.memref_slice %arg2[%mul3A_32] : memref<50331648xf32, #tpu.memory_space<hbm>> -> memref<4096xf32, #tpu.memory_space<hbm>>
      %dma_wait3A_33 = tpu.memref_slice %arg2[%mul3A_32] : memref<50331648xf32, #tpu.memory_space<hbm>> -> memref<4096xf32, #tpu.memory_space<hbm>>
      tpu.wait_dma2 semaphore(%arg11 : memref<!tpu.dma_semaphore, #tpu.memory_space<semaphore_mem>>) src(%dma_wait3A_33 : memref<4096xf32, #tpu.memory_space<hbm>>) dst(%arg5 : memref<4096xf32, #tpu.memory_space<vmem>>)
      %add3A_34 = arith.constant 1 : i32
      %add3A_35 = arith.addi %add3A_30, %add3A_34 : i32
      %mul3A_36 = arith.constant 4096 : i32
      %mul3A_37 = arith.muli %add3A_35, %mul3A_36 : i32
      %dma_start3A_38 = tpu.memref_slice %arg2[%mul3A_37] : memref<50331648xf32, #tpu.memory_space<hbm>> -> memref<4096xf32, #tpu.memory_space<hbm>>
      %dma_start3A_39 = tpu.memref_slice %arg2[%mul3A_37] : memref<50331648xf32, #tpu.memory_space<hbm>> -> memref<4096xf32, #tpu.memory_space<hbm>>
      tpu.enqueue_dma source(%dma_start3A_39 : memref<4096xf32, #tpu.memory_space<hbm>>) target(%arg6 : memref<4096xf32, #tpu.memory_space<vmem>>) target_semaphore(%arg12 : memref<!tpu.dma_semaphore, #tpu.memory_space<semaphore_mem>>)
      %sub3A = arith.subi %add3A_30, %mul3A_2 : i32
      %mul3A_40 = arith.constant 16 : i32
      %mul3A_41 = arith.muli %sub3A, %mul3A_40 : i32
      %get3A = arith.index_cast %mul3A_41 : i32 to index
      %get3A_42 = tpu.vector_load %arg8[%get3A] {strides = array<i32>} : memref<6144xi32, #tpu.memory_space<vmem>>, vector<16xi32>,
      %swap3A = arith.constant 0 : index
      %swap3A_43 = tpu.vector_load %arg7[%swap3A] {strides = array<i32>} : memref<4096xi32, #tpu.memory_space<vmem>>, vector<16xi32>,
      tpu.vector_store %arg7[%swap3A], %broadcast_in_dim3A_11 {strides = array<i32>} : memref<4096xi32, #tpu.memory_space<vmem>>, vector<16xi32>,
      %swap3A_44 = arith.constant 16 : index
      %swap3A_45 = tpu.vector_load %arg7[%swap3A_44] {strides = array<i32>} : memref<4096xi32, #tpu.memory_space<vmem>>, vector<16xi32>,
      tpu.vector_store %arg7[%swap3A_44], %broadcast_in_dim3A_11 {strides = array<i32>} : memref<4096xi32, #tpu.memory_space<vmem>>, vector<16xi32>,
      %swap3A_46 = arith.constant 32 : index
      %swap3A_47 = tpu.vector_load %arg7[%swap3A_46] {strides = array<i32>} : memref<4096xi32, #tpu.memory_space<vmem>>, vector<16xi32>,
      tpu.vector_store %arg7[%swap3A_46], %broadcast_in_dim3A_11 {strides = array<i32>} : memref<4096xi32, #tpu.memory_space<vmem>>, vector<16xi32>,
      %swap3A_48 = arith.constant 48 : index
      %swap3A_49 = tpu.vector_load %arg7[%swap3A_48] {strides = array<i32>} : memref<4096xi32, #tpu.memory_space<vmem>>, vector<16xi32>,
      tpu.vector_store %arg7[%swap3A_48], %broadcast_in_dim3A_11 {strides = array<i32>} : memref<4096xi32, #tpu.memory_space<vmem>>, vector<16xi32>,
      %swap3A_50 = arith.constant 64 : index
      %swap3A_51 = tpu.vector_load %arg7[%swap3A_50] {strides = array<i32>} : memref<4096xi32, #tpu.memory_space<vmem>>, vector<16xi32>,
      tpu.vector_store %arg7[%swap3A_50], %broadcast_in_dim3A_11 {strides = array<i32>} : memref<4096xi32, #tpu.memory_space<vmem>>, vector<16xi32>,
      %swap3A_52 = arith.constant 80 : index
      %swap3A_53 = tpu.vector_load %arg7[%swap3A_52] {strides = array<i32>} : memref<4096xi32, #tpu.memory_space<vmem>>, vector<16xi32>,
      tpu.vector_store %arg7[%swap3A_52], %broadcast_in_dim3A_11 {strides = array<i32>} : memref<4096xi32, #tpu.memory_space<vmem>>, vector<16xi32>,
      %swap3A_54 = arith.constant 96 : index
      %swap3A_55 = tpu.vector_load %arg7[%swap3A_54] {strides = array<i32>} : memref<4096xi32, #tpu.memory_space<vmem>>, vector<16xi32>,
      tpu.vector_store %arg7[%swap3A_54], %broadcast_in_dim3A_11 {strides = array<i32>} : memref<4096xi32, #tpu.memory_space<vmem>>, vector<16xi32>,
      %swap3A_56 = arith.constant 112 : index
      %swap3A_57 = tpu.vector_load %arg7[%swap3A_56] {strides = array<i32>} : memref<4096xi32, #tpu.memory_space<vmem>>, vector<16xi32>,
      tpu.vector_store %arg7[%swap3A_56], %broadcast_in_dim3A_11 {strides = array<i32>} : memref<4096xi32, #tpu.memory_space<vmem>>, vector<16xi32>,
      %scan3A_58 = arith.constant 0 : i32
      %scan3A_59 = arith.constant 32 : i32
      %scan3A_60 = arith.addi %scan3A_58, %scan3A_59 : i32
      %scan3A_61 = arith.constant 1 : i32
      %scan3A_62 = scf.for %scan3A_617 = %scan3A_58 to %scan3A_60 step %scan3A_61 iter_args(%scan3A_618 = %broadcast_in_dim3A_3) -> (vector<16xi32>)  : i32 {
        %mul3A_619 = arith.constant 128 : i32
        %mul3A_620 = arith.muli %scan3A_617, %mul3A_619 : i32
        %add3A_621 = arith.constant 0 : i32
        %add3A_622 = arith.addi %mul3A_620, %add3A_621 : i32
        %get3A_623 = arith.index_cast %add3A_622 : i32 to index
        %get3A_624 = tpu.vector_load %arg5[%get3A_623] {strides = array<i32>} : memref<4096xf32, #tpu.memory_space<vmem>>, vector<16xf32>,
        %bitcast_convert_type3A = tpu.bitcast %get3A_624 : vector<16xf32> -> vector<16xi32>
        %lt3A_625 = arith.constant 0 : i32
        %lt3A_626 = vector.broadcast %lt3A_625 : i32 to vector<16xi32>
        %lt3A_627 = arith.cmpi slt, %bitcast_convert_type3A, %lt3A_626 : vector<16xi32>
        %xor3A = arith.constant 2147483647 : i32
        %xor3A_628 = vector.broadcast %xor3A : i32 to vector<16xi32>
        %xor3A_629 = arith.xori %bitcast_convert_type3A, %xor3A_628 : vector<16xi32>
        %select_n3A_630 = arith.select %lt3A_627, %xor3A_629, %bitcast_convert_type3A : vector<16xi1>, vector<16xi32>
        %ge3A_631 = arith.cmpi sge, %select_n3A_630, %get3A_42 : vector<16xi32>
        %jit3A_632 = arith.constant 1 : i32
        %jit3A_633 = arith.constant 0 : i32
        %broadcast_in_dim3A_634 = vector.broadcast %jit3A_632 : i32 to vector<16xi32>
        %broadcast_in_dim3A_635 = vector.broadcast %jit3A_633 : i32 to vector<16xi32>
        %select_n3A_636 = arith.select %ge3A_631, %broadcast_in_dim3A_634, %broadcast_in_dim3A_635 : vector<16xi1>, vector<16xi32>
        %broadcast_in_dim3A_637 = arith.constant true
        %broadcast_in_dim3A_638 = vector.broadcast %broadcast_in_dim3A_637 : i1 to vector<16xi1>
        %masked_cumsum3A_639 = tpu.scan <sum>, %select_n3A_636 masked %broadcast_in_dim3A_638 : vector<16xi32>, vector<16xi1> -> vector<16xi32>
        %add3A_640 = arith.addi %scan3A_618, %masked_cumsum3A_639 : vector<16xi32>
        %sub3A_641 = arith.constant 1 : i32
        %sub3A_642 = vector.broadcast %sub3A_641 : i32 to vector<16xi32>
        %sub3A_643 = arith.subi %add3A_640, %sub3A_642 : vector<16xi32>
        tpu.vector_store_idx %arg7[%sub3A_643], %select_n3A_630 masked %ge3A_631 : memref<4096xi32, #tpu.memory_space<vmem>>[vector<16xi32>], vector<16xi32>, vector<16xi1>
        %broadcast_in_dim3A_644 = vector.shape_cast %broadcast_in_dim3A_9 : vector<16xi32> to vector<16x1xi32>
        %gather3A_645 = vector.shape_cast %broadcast_in_dim3A_644 : vector<16x1xi32> to vector<16xi32>
        %gather3A_646 = tpu.dynamic_gather %masked_cumsum3A_639[%gather3A_645] in [0] : vector<16xi32>, vector<16xi32> -> vector<16xi32>
        %add3A_647 = arith.addi %scan3A_618, %gather3A_646 : vector<16xi32>
        %mul3A_648 = arith.constant 128 : i32
        %mul3A_649 = arith.muli %scan3A_617, %mul3A_648 : i32
        %add3A_650 = arith.constant 16 : i32
        %add3A_651 = arith.addi %mul3A_649, %add3A_650 : i32
        %get3A_652 = arith.index_cast %add3A_651 : i32 to index
        %get3A_653 = tpu.vector_load %arg5[%get3A_652] {strides = array<i32>} : memref<4096xf32, #tpu.memory_space<vmem>>, vector<16xf32>,
        %bitcast_convert_type3A_654 = tpu.bitcast %get3A_653 : vector<16xf32> -> vector<16xi32>
        %lt3A_655 = arith.constant 0 : i32
        %lt3A_656 = vector.broadcast %lt3A_655 : i32 to vector<16xi32>
        %lt3A_657 = arith.cmpi slt, %bitcast_convert_type3A_654, %lt3A_656 : vector<16xi32>
        %xor3A_658 = arith.constant 2147483647 : i32
        %xor3A_659 = vector.broadcast %xor3A_658 : i32 to vector<16xi32>
        %xor3A_660 = arith.xori %bitcast_convert_type3A_654, %xor3A_659 : vector<16xi32>
        %select_n3A_661 = arith.select %lt3A_657, %xor3A_660, %bitcast_convert_type3A_654 : vector<16xi1>, vector<16xi32>
        %ge3A_662 = arith.cmpi sge, %select_n3A_661, %get3A_42 : vector<16xi32>
        %jit3A_663 = arith.constant 1 : i32
        %jit3A_664 = arith.constant 0 : i32
        %broadcast_in_dim3A_665 = vector.broadcast %jit3A_663 : i32 to vector<16xi32>
        %broadcast_in_dim3A_666 = vector.broadcast %jit3A_664 : i32 to vector<16xi32>
        %select_n3A_667 = arith.select %ge3A_662, %broadcast_in_dim3A_665, %broadcast_in_dim3A_666 : vector<16xi1>, vector<16xi32>
        %broadcast_in_dim3A_668 = arith.constant true
        %broadcast_in_dim3A_669 = vector.broadcast %broadcast_in_dim3A_668 : i1 to vector<16xi1>
        %masked_cumsum3A_670 = tpu.scan <sum>, %select_n3A_667 masked %broadcast_in_dim3A_669 : vector<16xi32>, vector<16xi1> -> vector<16xi32>
        %add3A_671 = arith.addi %add3A_647, %masked_cumsum3A_670 : vector<16xi32>
        %sub3A_672 = arith.constant 1 : i32
        %sub3A_673 = vector.broadcast %sub3A_672 : i32 to vector<16xi32>
        %sub3A_674 = arith.subi %add3A_671, %sub3A_673 : vector<16xi32>
        tpu.vector_store_idx %arg7[%sub3A_674], %select_n3A_661 masked %ge3A_662 : memref<4096xi32, #tpu.memory_space<vmem>>[vector<16xi32>], vector<16xi32>, vector<16xi1>
        %broadcast_in_dim3A_675 = vector.shape_cast %broadcast_in_dim3A_9 : vector<16xi32> to vector<16x1xi32>
        %gather3A_676 = vector.shape_cast %broadcast_in_dim3A_675 : vector<16x1xi32> to vector<16xi32>
        %gather3A_677 = tpu.dynamic_gather %masked_cumsum3A_670[%gather3A_676] in [0] : vector<16xi32>, vector<16xi32> -> vector<16xi32>
        %add3A_678 = arith.addi %add3A_647, %gather3A_677 : vector<16xi32>
        %mul3A_679 = arith.constant 128 : i32
        %mul3A_680 = arith.muli %scan3A_617, %mul3A_679 : i32
        %add3A_681 = arith.constant 32 : i32
        %add3A_682 = arith.addi %mul3A_680, %add3A_681 : i32
        %get3A_683 = arith.index_cast %add3A_682 : i32 to index
        %get3A_684 = tpu.vector_load %arg5[%get3A_683] {strides = array<i32>} : memref<4096xf32, #tpu.memory_space<vmem>>, vector<16xf32>,
        %bitcast_convert_type3A_685 = tpu.bitcast %get3A_684 : vector<16xf32> -> vector<16xi32>
        %lt3A_686 = arith.constant 0 : i32
        %lt3A_687 = vector.broadcast %lt3A_686 : i32 to vector<16xi32>
        %lt3A_688 = arith.cmpi slt, %bitcast_convert_type3A_685, %lt3A_687 : vector<16xi32>
        %xor3A_689 = arith.constant 2147483647 : i32
        %xor3A_690 = vector.broadcast %xor3A_689 : i32 to vector<16xi32>
        %xor3A_691 = arith.xori %bitcast_convert_type3A_685, %xor3A_690 : vector<16xi32>
        %select_n3A_692 = arith.select %lt3A_688, %xor3A_691, %bitcast_convert_type3A_685 : vector<16xi1>, vector<16xi32>
        %ge3A_693 = arith.cmpi sge, %select_n3A_692, %get3A_42 : vector<16xi32>
        %jit3A_694 = arith.constant 1 : i32
        %jit3A_695 = arith.constant 0 : i32
        %broadcast_in_dim3A_696 = vector.broadcast %jit3A_694 : i32 to vector<16xi32>
        %broadcast_in_dim3A_697 = vector.broadcast %jit3A_695 : i32 to vector<16xi32>
        %select_n3A_698 = arith.select %ge3A_693, %broadcast_in_dim3A_696, %broadcast_in_dim3A_697 : vector<16xi1>, vector<16xi32>
        %broadcast_in_dim3A_699 = arith.constant true
        %broadcast_in_dim3A_700 = vector.broadcast %broadcast_in_dim3A_699 : i1 to vector<16xi1>
        %masked_cumsum3A_701 = tpu.scan <sum>, %select_n3A_698 masked %broadcast_in_dim3A_700 : vector<16xi32>, vector<16xi1> -> vector<16xi32>
        %add3A_702 = arith.addi %add3A_678, %masked_cumsum3A_701 : vector<16xi32>
        %sub3A_703 = arith.constant 1 : i32
        %sub3A_704 = vector.broadcast %sub3A_703 : i32 to vector<16xi32>
        %sub3A_705 = arith.subi %add3A_702, %sub3A_704 : vector<16xi32>
        tpu.vector_store_idx %arg7[%sub3A_705], %select_n3A_692 masked %ge3A_693 : memref<4096xi32, #tpu.memory_space<vmem>>[vector<16xi32>], vector<16xi32>, vector<16xi1>
        %broadcast_in_dim3A_706 = vector.shape_cast %broadcast_in_dim3A_9 : vector<16xi32> to vector<16x1xi32>
        %gather3A_707 = vector.shape_cast %broadcast_in_dim3A_706 : vector<16x1xi32> to vector<16xi32>
        %gather3A_708 = tpu.dynamic_gather %masked_cumsum3A_701[%gather3A_707] in [0] : vector<16xi32>, vector<16xi32> -> vector<16xi32>
        %add3A_709 = arith.addi %add3A_678, %gather3A_708 : vector<16xi32>
        %mul3A_710 = arith.constant 128 : i32
        %mul3A_711 = arith.muli %scan3A_617, %mul3A_710 : i32
        %add3A_712 = arith.constant 48 : i32
        %add3A_713 = arith.addi %mul3A_711, %add3A_712 : i32
        %get3A_714 = arith.index_cast %add3A_713 : i32 to index
        %get3A_715 = tpu.vector_load %arg5[%get3A_714] {strides = array<i32>} : memref<4096xf32, #tpu.memory_space<vmem>>, vector<16xf32>,
        %bitcast_convert_type3A_716 = tpu.bitcast %get3A_715 : vector<16xf32> -> vector<16xi32>
        %lt3A_717 = arith.constant 0 : i32
        %lt3A_718 = vector.broadcast %lt3A_717 : i32 to vector<16xi32>
        %lt3A_719 = arith.cmpi slt, %bitcast_convert_type3A_716, %lt3A_718 : vector<16xi32>
        %xor3A_720 = arith.constant 2147483647 : i32
        %xor3A_721 = vector.broadcast %xor3A_720 : i32 to vector<16xi32>
        %xor3A_722 = arith.xori %bitcast_convert_type3A_716, %xor3A_721 : vector<16xi32>
        %select_n3A_723 = arith.select %lt3A_719, %xor3A_722, %bitcast_convert_type3A_716 : vector<16xi1>, vector<16xi32>
        %ge3A_724 = arith.cmpi sge, %select_n3A_723, %get3A_42 : vector<16xi32>
        %jit3A_725 = arith.constant 1 : i32
        %jit3A_726 = arith.constant 0 : i32
        %broadcast_in_dim3A_727 = vector.broadcast %jit3A_725 : i32 to vector<16xi32>
        %broadcast_in_dim3A_728 = vector.broadcast %jit3A_726 : i32 to vector<16xi32>
        %select_n3A_729 = arith.select %ge3A_724, %broadcast_in_dim3A_727, %broadcast_in_dim3A_728 : vector<16xi1>, vector<16xi32>
        %broadcast_in_dim3A_730 = arith.constant true
        %broadcast_in_dim3A_731 = vector.broadcast %broadcast_in_dim3A_730 : i1 to vector<16xi1>
        %masked_cumsum3A_732 = tpu.scan <sum>, %select_n3A_729 masked %broadcast_in_dim3A_731 : vector<16xi32>, vector<16xi1> -> vector<16xi32>
        %add3A_733 = arith.addi %add3A_709, %masked_cumsum3A_732 : vector<16xi32>
        %sub3A_734 = arith.constant 1 : i32
        %sub3A_735 = vector.broadcast %sub3A_734 : i32 to vector<16xi32>
        %sub3A_736 = arith.subi %add3A_733, %sub3A_735 : vector<16xi32>
        tpu.vector_store_idx %arg7[%sub3A_736], %select_n3A_723 masked %ge3A_724 : memref<4096xi32, #tpu.memory_space<vmem>>[vector<16xi32>], vector<16xi32>, vector<16xi1>
        %broadcast_in_dim3A_737 = vector.shape_cast %broadcast_in_dim3A_9 : vector<16xi32> to vector<16x1xi32>
        %gather3A_738 = vector.shape_cast %broadcast_in_dim3A_737 : vector<16x1xi32> to vector<16xi32>
        %gather3A_739 = tpu.dynamic_gather %masked_cumsum3A_732[%gather3A_738] in [0] : vector<16xi32>, vector<16xi32> -> vector<16xi32>
        %add3A_740 = arith.addi %add3A_709, %gather3A_739 : vector<16xi32>
        %mul3A_741 = arith.constant 128 : i32
        %mul3A_742 = arith.muli %scan3A_617, %mul3A_741 : i32
        %add3A_743 = arith.constant 64 : i32
        %add3A_744 = arith.addi %mul3A_742, %add3A_743 : i32
        %get3A_745 = arith.index_cast %add3A_744 : i32 to index
        %get3A_746 = tpu.vector_load %arg5[%get3A_745] {strides = array<i32>} : memref<4096xf32, #tpu.memory_space<vmem>>, vector<16xf32>,
        %bitcast_convert_type3A_747 = tpu.bitcast %get3A_746 : vector<16xf32> -> vector<16xi32>
        %lt3A_748 = arith.constant 0 : i32
        %lt3A_749 = vector.broadcast %lt3A_748 : i32 to vector<16xi32>
        %lt3A_750 = arith.cmpi slt, %bitcast_convert_type3A_747, %lt3A_749 : vector<16xi32>
        %xor3A_751 = arith.constant 2147483647 : i32
        %xor3A_752 = vector.broadcast %xor3A_751 : i32 to vector<16xi32>
        %xor3A_753 = arith.xori %bitcast_convert_type3A_747, %xor3A_752 : vector<16xi32>
        %select_n3A_754 = arith.select %lt3A_750, %xor3A_753, %bitcast_convert_type3A_747 : vector<16xi1>, vector<16xi32>
        %ge3A_755 = arith.cmpi sge, %select_n3A_754, %get3A_42 : vector<16xi32>
        %jit3A_756 = arith.constant 1 : i32
        %jit3A_757 = arith.constant 0 : i32
        %broadcast_in_dim3A_758 = vector.broadcast %jit3A_756 : i32 to vector<16xi32>
        %broadcast_in_dim3A_759 = vector.broadcast %jit3A_757 : i32 to vector<16xi32>
        %select_n3A_760 = arith.select %ge3A_755, %broadcast_in_dim3A_758, %broadcast_in_dim3A_759 : vector<16xi1>, vector<16xi32>
        %broadcast_in_dim3A_761 = arith.constant true
        %broadcast_in_dim3A_762 = vector.broadcast %broadcast_in_dim3A_761 : i1 to vector<16xi1>
        %masked_cumsum3A_763 = tpu.scan <sum>, %select_n3A_760 masked %broadcast_in_dim3A_762 : vector<16xi32>, vector<16xi1> -> vector<16xi32>
        %add3A_764 = arith.addi %add3A_740, %masked_cumsum3A_763 : vector<16xi32>
        %sub3A_765 = arith.constant 1 : i32
        %sub3A_766 = vector.broadcast %sub3A_765 : i32 to vector<16xi32>
        %sub3A_767 = arith.subi %add3A_764, %sub3A_766 : vector<16xi32>
        tpu.vector_store_idx %arg7[%sub3A_767], %select_n3A_754 masked %ge3A_755 : memref<4096xi32, #tpu.memory_space<vmem>>[vector<16xi32>], vector<16xi32>, vector<16xi1>
        %broadcast_in_dim3A_768 = vector.shape_cast %broadcast_in_dim3A_9 : vector<16xi32> to vector<16x1xi32>
        %gather3A_769 = vector.shape_cast %broadcast_in_dim3A_768 : vector<16x1xi32> to vector<16xi32>
        %gather3A_770 = tpu.dynamic_gather %masked_cumsum3A_763[%gather3A_769] in [0] : vector<16xi32>, vector<16xi32> -> vector<16xi32>
        %add3A_771 = arith.addi %add3A_740, %gather3A_770 : vector<16xi32>
        %mul3A_772 = arith.constant 128 : i32
        %mul3A_773 = arith.muli %scan3A_617, %mul3A_772 : i32
        %add3A_774 = arith.constant 80 : i32
        %add3A_775 = arith.addi %mul3A_773, %add3A_774 : i32
        %get3A_776 = arith.index_cast %add3A_775 : i32 to index
        %get3A_777 = tpu.vector_load %arg5[%get3A_776] {strides = array<i32>} : memref<4096xf32, #tpu.memory_space<vmem>>, vector<16xf32>,
        %bitcast_convert_type3A_778 = tpu.bitcast %get3A_777 : vector<16xf32> -> vector<16xi32>
        %lt3A_779 = arith.constant 0 : i32
        %lt3A_780 = vector.broadcast %lt3A_779 : i32 to vector<16xi32>
        %lt3A_781 = arith.cmpi slt, %bitcast_convert_type3A_778, %lt3A_780 : vector<16xi32>
        %xor3A_782 = arith.constant 2147483647 : i32
        %xor3A_783 = vector.broadcast %xor3A_782 : i32 to vector<16xi32>
        %xor3A_784 = arith.xori %bitcast_convert_type3A_778, %xor3A_783 : vector<16xi32>
        %select_n3A_785 = arith.select %lt3A_781, %xor3A_784, %bitcast_convert_type3A_778 : vector<16xi1>, vector<16xi32>
        %ge3A_786 = arith.cmpi sge, %select_n3A_785, %get3A_42 : vector<16xi32>
        %jit3A_787 = arith.constant 1 : i32
        %jit3A_788 = arith.constant 0 : i32
        %broadcast_in_dim3A_789 = vector.broadcast %jit3A_787 : i32 to vector<16xi32>
        %broadcast_in_dim3A_790 = vector.broadcast %jit3A_788 : i32 to vector<16xi32>
        %select_n3A_791 = arith.select %ge3A_786, %broadcast_in_dim3A_789, %broadcast_in_dim3A_790 : vector<16xi1>, vector<16xi32>
        %broadcast_in_dim3A_792 = arith.constant true
        %broadcast_in_dim3A_793 = vector.broadcast %broadcast_in_dim3A_792 : i1 to vector<16xi1>
        %masked_cumsum3A_794 = tpu.scan <sum>, %select_n3A_791 masked %broadcast_in_dim3A_793 : vector<16xi32>, vector<16xi1> -> vector<16xi32>
        %add3A_795 = arith.addi %add3A_771, %masked_cumsum3A_794 : vector<16xi32>
        %sub3A_796 = arith.constant 1 : i32
        %sub3A_797 = vector.broadcast %sub3A_796 : i32 to vector<16xi32>
        %sub3A_798 = arith.subi %add3A_795, %sub3A_797 : vector<16xi32>
        tpu.vector_store_idx %arg7[%sub3A_798], %select_n3A_785 masked %ge3A_786 : memref<4096xi32, #tpu.memory_space<vmem>>[vector<16xi32>], vector<16xi32>, vector<16xi1>
        %broadcast_in_dim3A_799 = vector.shape_cast %broadcast_in_dim3A_9 : vector<16xi32> to vector<16x1xi32>
        %gather3A_800 = vector.shape_cast %broadcast_in_dim3A_799 : vector<16x1xi32> to vector<16xi32>
        %gather3A_801 = tpu.dynamic_gather %masked_cumsum3A_794[%gather3A_800] in [0] : vector<16xi32>, vector<16xi32> -> vector<16xi32>
        %add3A_802 = arith.addi %add3A_771, %gather3A_801 : vector<16xi32>
        %mul3A_803 = arith.constant 128 : i32
        %mul3A_804 = arith.muli %scan3A_617, %mul3A_803 : i32
        %add3A_805 = arith.constant 96 : i32
        %add3A_806 = arith.addi %mul3A_804, %add3A_805 : i32
        %get3A_807 = arith.index_cast %add3A_806 : i32 to index
        %get3A_808 = tpu.vector_load %arg5[%get3A_807] {strides = array<i32>} : memref<4096xf32, #tpu.memory_space<vmem>>, vector<16xf32>,
        %bitcast_convert_type3A_809 = tpu.bitcast %get3A_808 : vector<16xf32> -> vector<16xi32>
        %lt3A_810 = arith.constant 0 : i32
        %lt3A_811 = vector.broadcast %lt3A_810 : i32 to vector<16xi32>
        %lt3A_812 = arith.cmpi slt, %bitcast_convert_type3A_809, %lt3A_811 : vector<16xi32>
        %xor3A_813 = arith.constant 2147483647 : i32
        %xor3A_814 = vector.broadcast %xor3A_813 : i32 to vector<16xi32>
        %xor3A_815 = arith.xori %bitcast_convert_type3A_809, %xor3A_814 : vector<16xi32>
        %select_n3A_816 = arith.select %lt3A_812, %xor3A_815, %bitcast_convert_type3A_809 : vector<16xi1>, vector<16xi32>
        %ge3A_817 = arith.cmpi sge, %select_n3A_816, %get3A_42 : vector<16xi32>
        %jit3A_818 = arith.constant 1 : i32
        %jit3A_819 = arith.constant 0 : i32
        %broadcast_in_dim3A_820 = vector.broadcast %jit3A_818 : i32 to vector<16xi32>
        %broadcast_in_dim3A_821 = vector.broadcast %jit3A_819 : i32 to vector<16xi32>
        %select_n3A_822 = arith.select %ge3A_817, %broadcast_in_dim3A_820, %broadcast_in_dim3A_821 : vector<16xi1>, vector<16xi32>
        %broadcast_in_dim3A_823 = arith.constant true
        %broadcast_in_dim3A_824 = vector.broadcast %broadcast_in_dim3A_823 : i1 to vector<16xi1>
        %masked_cumsum3A_825 = tpu.scan <sum>, %select_n3A_822 masked %broadcast_in_dim3A_824 : vector<16xi32>, vector<16xi1> -> vector<16xi32>
        %add3A_826 = arith.addi %add3A_802, %masked_cumsum3A_825 : vector<16xi32>
        %sub3A_827 = arith.constant 1 : i32
        %sub3A_828 = vector.broadcast %sub3A_827 : i32 to vector<16xi32>
        %sub3A_829 = arith.subi %add3A_826, %sub3A_828 : vector<16xi32>
        tpu.vector_store_idx %arg7[%sub3A_829], %select_n3A_816 masked %ge3A_817 : memref<4096xi32, #tpu.memory_space<vmem>>[vector<16xi32>], vector<16xi32>, vector<16xi1>
        %broadcast_in_dim3A_830 = vector.shape_cast %broadcast_in_dim3A_9 : vector<16xi32> to vector<16x1xi32>
        %gather3A_831 = vector.shape_cast %broadcast_in_dim3A_830 : vector<16x1xi32> to vector<16xi32>
        %gather3A_832 = tpu.dynamic_gather %masked_cumsum3A_825[%gather3A_831] in [0] : vector<16xi32>, vector<16xi32> -> vector<16xi32>
        %add3A_833 = arith.addi %add3A_802, %gather3A_832 : vector<16xi32>
        %mul3A_834 = arith.constant 128 : i32
        %mul3A_835 = arith.muli %scan3A_617, %mul3A_834 : i32
        %add3A_836 = arith.constant 112 : i32
        %add3A_837 = arith.addi %mul3A_835, %add3A_836 : i32
        %get3A_838 = arith.index_cast %add3A_837 : i32 to index
        %get3A_839 = tpu.vector_load %arg5[%get3A_838] {strides = array<i32>} : memref<4096xf32, #tpu.memory_space<vmem>>, vector<16xf32>,
        %bitcast_convert_type3A_840 = tpu.bitcast %get3A_839 : vector<16xf32> -> vector<16xi32>
        %lt3A_841 = arith.constant 0 : i32
        %lt3A_842 = vector.broadcast %lt3A_841 : i32 to vector<16xi32>
        %lt3A_843 = arith.cmpi slt, %bitcast_convert_type3A_840, %lt3A_842 : vector<16xi32>
        %xor3A_844 = arith.constant 2147483647 : i32
        %xor3A_845 = vector.broadcast %xor3A_844 : i32 to vector<16xi32>
        %xor3A_846 = arith.xori %bitcast_convert_type3A_840, %xor3A_845 : vector<16xi32>
        %select_n3A_847 = arith.select %lt3A_843, %xor3A_846, %bitcast_convert_type3A_840 : vector<16xi1>, vector<16xi32>
        %ge3A_848 = arith.cmpi sge, %select_n3A_847, %get3A_42 : vector<16xi32>
        %jit3A_849 = arith.constant 1 : i32
        %jit3A_850 = arith.constant 0 : i32
        %broadcast_in_dim3A_851 = vector.broadcast %jit3A_849 : i32 to vector<16xi32>
        %broadcast_in_dim3A_852 = vector.broadcast %jit3A_850 : i32 to vector<16xi32>
        %select_n3A_853 = arith.select %ge3A_848, %broadcast_in_dim3A_851, %broadcast_in_dim3A_852 : vector<16xi1>, vector<16xi32>
        %broadcast_in_dim3A_854 = arith.constant true
        %broadcast_in_dim3A_855 = vector.broadcast %broadcast_in_dim3A_854 : i1 to vector<16xi1>
        %masked_cumsum3A_856 = tpu.scan <sum>, %select_n3A_853 masked %broadcast_in_dim3A_855 : vector<16xi32>, vector<16xi1> -> vector<16xi32>
        %add3A_857 = arith.addi %add3A_833, %masked_cumsum3A_856 : vector<16xi32>
        %sub3A_858 = arith.constant 1 : i32
        %sub3A_859 = vector.broadcast %sub3A_858 : i32 to vector<16xi32>
        %sub3A_860 = arith.subi %add3A_857, %sub3A_859 : vector<16xi32>
        tpu.vector_store_idx %arg7[%sub3A_860], %select_n3A_847 masked %ge3A_848 : memref<4096xi32, #tpu.memory_space<vmem>>[vector<16xi32>], vector<16xi32>, vector<16xi1>
        %broadcast_in_dim3A_861 = vector.shape_cast %broadcast_in_dim3A_9 : vector<16xi32> to vector<16x1xi32>
        %gather3A_862 = vector.shape_cast %broadcast_in_dim3A_861 : vector<16x1xi32> to vector<16xi32>
        %gather3A_863 = tpu.dynamic_gather %masked_cumsum3A_856[%gather3A_862] in [0] : vector<16xi32>, vector<16xi32> -> vector<16xi32>
        %add3A_864 = arith.addi %add3A_833, %gather3A_863 : vector<16xi32>
        scf.yield %add3A_864 : vector<16xi32>
      }
      %scan3A_63 = arith.constant 32 : i32
      %add3A_64 = arith.constant 15 : i32
      %add3A_65 = vector.broadcast %add3A_64 : i32 to vector<16xi32>
      %add3A_66 = arith.addi %scan3A_62, %add3A_65 : vector<16xi32>
      %shift_right_arithmetic3A = arith.constant 4 : i32
      %shift_right_arithmetic3A_67 = vector.broadcast %shift_right_arithmetic3A : i32 to vector<16xi32>
      %shift_right_arithmetic3A_68 = arith.shrsi %add3A_66, %shift_right_arithmetic3A_67 : vector<16xi32>
      %shift_left3A = arith.constant 4 : i32
      %shift_left3A_69 = vector.broadcast %shift_left3A : i32 to vector<16xi32>
      %shift_left3A_70 = arith.shli %shift_right_arithmetic3A_68, %shift_left3A_69 : vector<16xi32>
      %add3A_71 = arith.addi %iota3A, %shift_left3A_70 : vector<16xi32>
      %sub3A_72 = arith.constant 16 : i32
      %sub3A_73 = vector.broadcast %sub3A_72 : i32 to vector<16xi32>
      %sub3A_74 = arith.subi %add3A_71, %sub3A_73 : vector<16xi32>
      %ge3A = arith.cmpi sge, %sub3A_74, %scan3A_62 : vector<16xi32>
      tpu.vector_store_idx %arg7[%sub3A_74], %broadcast_in_dim3A_11 masked %ge3A : memref<4096xi32, #tpu.memory_space<vmem>>[vector<16xi32>], vector<16xi32>, vector<16xi1>
      %get3A_75 = arith.constant 0 : index
      %get3A_76 = tpu.vector_load %arg7[%get3A_75] {strides = array<i32>} : memref<4096xi32, #tpu.memory_space<vmem>>, vector<16xi32>,
      %get3A_77 = arith.constant 16 : index
      %get3A_78 = tpu.vector_load %arg7[%get3A_77] {strides = array<i32>} : memref<4096xi32, #tpu.memory_space<vmem>>, vector<16xi32>,
      %get3A_79 = arith.constant 32 : index
      %get3A_80 = tpu.vector_load %arg7[%get3A_79] {strides = array<i32>} : memref<4096xi32, #tpu.memory_space<vmem>>, vector<16xi32>,
      %get3A_81 = arith.constant 48 : index
      %get3A_82 = tpu.vector_load %arg7[%get3A_81] {strides = array<i32>} : memref<4096xi32, #tpu.memory_space<vmem>>, vector<16xi32>,
      %get3A_83 = arith.constant 64 : index
      %get3A_84 = tpu.vector_load %arg7[%get3A_83] {strides = array<i32>} : memref<4096xi32, #tpu.memory_space<vmem>>, vector<16xi32>,
      %get3A_85 = arith.constant 80 : index
      %get3A_86 = tpu.vector_load %arg7[%get3A_85] {strides = array<i32>} : memref<4096xi32, #tpu.memory_space<vmem>>, vector<16xi32>,
      %get3A_87 = arith.constant 96 : index
      %get3A_88 = tpu.vector_load %arg7[%get3A_87] {strides = array<i32>} : memref<4096xi32, #tpu.memory_space<vmem>>, vector<16xi32>,
      %get3A_89 = arith.constant 112 : index
      %get3A_90 = tpu.vector_load %arg7[%get3A_89] {strides = array<i32>} : memref<4096xi32, #tpu.memory_space<vmem>>, vector<16xi32>,
      %scan3A_91 = arith.constant 0 : i32
      %scan3A_92 = arith.constant 16 : i32
      %scan3A_93 = arith.addi %scan3A_91, %scan3A_92 : i32
      %scan3A_94 = arith.constant 1 : i32
      %scan3A_95:2 = scf.for %scan3A_617 = %scan3A_91 to %scan3A_93 step %scan3A_94 iter_args(%scan3A_618 = %broadcast_in_dim3A_11, %scan3A_619 = %broadcast_in_dim3A_13) -> (vector<16xi32>, vector<16xi32>)  : i32 {
        %shift_right_arithmetic3A_620 = arith.constant 1 : i32
        %shift_right_arithmetic3A_621 = vector.broadcast %shift_right_arithmetic3A_620 : i32 to vector<16xi32>
        %shift_right_arithmetic3A_622 = arith.shrsi %scan3A_618, %shift_right_arithmetic3A_621 : vector<16xi32>
        %shift_right_arithmetic3A_623 = arith.constant 1 : i32
        %shift_right_arithmetic3A_624 = vector.broadcast %shift_right_arithmetic3A_623 : i32 to vector<16xi32>
        %shift_right_arithmetic3A_625 = arith.shrsi %scan3A_619, %shift_right_arithmetic3A_624 : vector<16xi32>
        %add3A_626 = arith.addi %shift_right_arithmetic3A_622, %shift_right_arithmetic3A_625 : vector<16xi32>
        %or3A = arith.ori %scan3A_618, %scan3A_619 : vector<16xi32>
        %and3A_627 = arith.constant 1 : i32
        %and3A_628 = vector.broadcast %and3A_627 : i32 to vector<16xi32>
        %and3A_629 = arith.andi %or3A, %and3A_628 : vector<16xi32>
        %add3A_630 = arith.addi %add3A_626, %and3A_629 : vector<16xi32>
        %sub3A_631 = arith.constant 1 : i32
        %sub3A_632 = vector.broadcast %sub3A_631 : i32 to vector<16xi32>
        %sub3A_633 = arith.subi %add3A_630, %sub3A_632 : vector<16xi32>
        %shift_right_arithmetic3A_634 = arith.constant 1 : i32
        %shift_right_arithmetic3A_635 = vector.broadcast %shift_right_arithmetic3A_634 : i32 to vector<16xi32>
        %shift_right_arithmetic3A_636 = arith.shrsi %scan3A_618, %shift_right_arithmetic3A_635 : vector<16xi32>
        %shift_right_arithmetic3A_637 = arith.constant 1 : i32
        %shift_right_arithmetic3A_638 = vector.broadcast %shift_right_arithmetic3A_637 : i32 to vector<16xi32>
        %shift_right_arithmetic3A_639 = arith.shrsi %sub3A_633, %shift_right_arithmetic3A_638 : vector<16xi32>
        %add3A_640 = arith.addi %shift_right_arithmetic3A_636, %shift_right_arithmetic3A_639 : vector<16xi32>
        %or3A_641 = arith.ori %scan3A_618, %sub3A_633 : vector<16xi32>
        %and3A_642 = arith.constant 1 : i32
        %and3A_643 = vector.broadcast %and3A_642 : i32 to vector<16xi32>
        %and3A_644 = arith.andi %or3A_641, %and3A_643 : vector<16xi32>
        %add3A_645 = arith.addi %add3A_640, %and3A_644 : vector<16xi32>
        %shift_right_arithmetic3A_646 = arith.constant 1 : i32
        %shift_right_arithmetic3A_647 = vector.broadcast %shift_right_arithmetic3A_646 : i32 to vector<16xi32>
        %shift_right_arithmetic3A_648 = arith.shrsi %add3A_630, %shift_right_arithmetic3A_647 : vector<16xi32>
        %shift_right_arithmetic3A_649 = arith.constant 1 : i32
        %shift_right_arithmetic3A_650 = vector.broadcast %shift_right_arithmetic3A_649 : i32 to vector<16xi32>
        %shift_right_arithmetic3A_651 = arith.shrsi %scan3A_619, %shift_right_arithmetic3A_650 : vector<16xi32>
        %add3A_652 = arith.addi %shift_right_arithmetic3A_648, %shift_right_arithmetic3A_651 : vector<16xi32>
        %or3A_653 = arith.ori %add3A_630, %scan3A_619 : vector<16xi32>
        %and3A_654 = arith.constant 1 : i32
        %and3A_655 = vector.broadcast %and3A_654 : i32 to vector<16xi32>
        %and3A_656 = arith.andi %or3A_653, %and3A_655 : vector<16xi32>
        %add3A_657 = arith.addi %add3A_652, %and3A_656 : vector<16xi32>
        %ge3A_658 = arith.cmpi sge, %get3A_76, %add3A_645 : vector<16xi32>
        %jit3A_659 = arith.constant 1 : i32
        %jit3A_660 = arith.constant 0 : i32
        %broadcast_in_dim3A_661 = vector.broadcast %jit3A_659 : i32 to vector<16xi32>
        %broadcast_in_dim3A_662 = vector.broadcast %jit3A_660 : i32 to vector<16xi32>
        %select_n3A_663 = arith.select %ge3A_658, %broadcast_in_dim3A_661, %broadcast_in_dim3A_662 : vector<16xi1>, vector<16xi32>
        %add3A_664 = arith.addi %broadcast_in_dim3A_3, %select_n3A_663 : vector<16xi32>
        %ge3A_665 = arith.cmpi sge, %get3A_76, %add3A_630 : vector<16xi32>
        %jit3A_666 = arith.constant 1 : i32
        %jit3A_667 = arith.constant 0 : i32
        %broadcast_in_dim3A_668 = vector.broadcast %jit3A_666 : i32 to vector<16xi32>
        %broadcast_in_dim3A_669 = vector.broadcast %jit3A_667 : i32 to vector<16xi32>
        %select_n3A_670 = arith.select %ge3A_665, %broadcast_in_dim3A_668, %broadcast_in_dim3A_669 : vector<16xi1>, vector<16xi32>
        %add3A_671 = arith.addi %broadcast_in_dim3A_3, %select_n3A_670 : vector<16xi32>
        %ge3A_672 = arith.cmpi sge, %get3A_76, %add3A_657 : vector<16xi32>
        %jit3A_673 = arith.constant 1 : i32
        %jit3A_674 = arith.constant 0 : i32
        %broadcast_in_dim3A_675 = vector.broadcast %jit3A_673 : i32 to vector<16xi32>
        %broadcast_in_dim3A_676 = vector.broadcast %jit3A_674 : i32 to vector<16xi32>
        %select_n3A_677 = arith.select %ge3A_672, %broadcast_in_dim3A_675, %broadcast_in_dim3A_676 : vector<16xi1>, vector<16xi32>
        %add3A_678 = arith.addi %broadcast_in_dim3A_3, %select_n3A_677 : vector<16xi32>
        %ge3A_679 = arith.cmpi sge, %get3A_78, %add3A_645 : vector<16xi32>
        %jit3A_680 = arith.constant 1 : i32
        %jit3A_681 = arith.constant 0 : i32
        %broadcast_in_dim3A_682 = vector.broadcast %jit3A_680 : i32 to vector<16xi32>
        %broadcast_in_dim3A_683 = vector.broadcast %jit3A_681 : i32 to vector<16xi32>
        %select_n3A_684 = arith.select %ge3A_679, %broadcast_in_dim3A_682, %broadcast_in_dim3A_683 : vector<16xi1>, vector<16xi32>
        %add3A_685 = arith.addi %add3A_664, %select_n3A_684 : vector<16xi32>
        %ge3A_686 = arith.cmpi sge, %get3A_78, %add3A_630 : vector<16xi32>
        %jit3A_687 = arith.constant 1 : i32
        %jit3A_688 = arith.constant 0 : i32
        %broadcast_in_dim3A_689 = vector.broadcast %jit3A_687 : i32 to vector<16xi32>
        %broadcast_in_dim3A_690 = vector.broadcast %jit3A_688 : i32 to vector<16xi32>
        %select_n3A_691 = arith.select %ge3A_686, %broadcast_in_dim3A_689, %broadcast_in_dim3A_690 : vector<16xi1>, vector<16xi32>
        %add3A_692 = arith.addi %add3A_671, %select_n3A_691 : vector<16xi32>
        %ge3A_693 = arith.cmpi sge, %get3A_78, %add3A_657 : vector<16xi32>
        %jit3A_694 = arith.constant 1 : i32
        %jit3A_695 = arith.constant 0 : i32
        %broadcast_in_dim3A_696 = vector.broadcast %jit3A_694 : i32 to vector<16xi32>
        %broadcast_in_dim3A_697 = vector.broadcast %jit3A_695 : i32 to vector<16xi32>
        %select_n3A_698 = arith.select %ge3A_693, %broadcast_in_dim3A_696, %broadcast_in_dim3A_697 : vector<16xi1>, vector<16xi32>
        %add3A_699 = arith.addi %add3A_678, %select_n3A_698 : vector<16xi32>
        %ge3A_700 = arith.cmpi sge, %get3A_80, %add3A_645 : vector<16xi32>
        %jit3A_701 = arith.constant 1 : i32
        %jit3A_702 = arith.constant 0 : i32
        %broadcast_in_dim3A_703 = vector.broadcast %jit3A_701 : i32 to vector<16xi32>
        %broadcast_in_dim3A_704 = vector.broadcast %jit3A_702 : i32 to vector<16xi32>
        %select_n3A_705 = arith.select %ge3A_700, %broadcast_in_dim3A_703, %broadcast_in_dim3A_704 : vector<16xi1>, vector<16xi32>
        %add3A_706 = arith.addi %add3A_685, %select_n3A_705 : vector<16xi32>
        %ge3A_707 = arith.cmpi sge, %get3A_80, %add3A_630 : vector<16xi32>
        %jit3A_708 = arith.constant 1 : i32
        %jit3A_709 = arith.constant 0 : i32
        %broadcast_in_dim3A_710 = vector.broadcast %jit3A_708 : i32 to vector<16xi32>
        %broadcast_in_dim3A_711 = vector.broadcast %jit3A_709 : i32 to vector<16xi32>
        %select_n3A_712 = arith.select %ge3A_707, %broadcast_in_dim3A_710, %broadcast_in_dim3A_711 : vector<16xi1>, vector<16xi32>
        %add3A_713 = arith.addi %add3A_692, %select_n3A_712 : vector<16xi32>
        %ge3A_714 = arith.cmpi sge, %get3A_80, %add3A_657 : vector<16xi32>
        %jit3A_715 = arith.constant 1 : i32
        %jit3A_716 = arith.constant 0 : i32
        %broadcast_in_dim3A_717 = vector.broadcast %jit3A_715 : i32 to vector<16xi32>
        %broadcast_in_dim3A_718 = vector.broadcast %jit3A_716 : i32 to vector<16xi32>
        %select_n3A_719 = arith.select %ge3A_714, %broadcast_in_dim3A_717, %broadcast_in_dim3A_718 : vector<16xi1>, vector<16xi32>
        %add3A_720 = arith.addi %add3A_699, %select_n3A_719 : vector<16xi32>
        %ge3A_721 = arith.cmpi sge, %get3A_82, %add3A_645 : vector<16xi32>
        %jit3A_722 = arith.constant 1 : i32
        %jit3A_723 = arith.constant 0 : i32
        %broadcast_in_dim3A_724 = vector.broadcast %jit3A_722 : i32 to vector<16xi32>
        %broadcast_in_dim3A_725 = vector.broadcast %jit3A_723 : i32 to vector<16xi32>
        %select_n3A_726 = arith.select %ge3A_721, %broadcast_in_dim3A_724, %broadcast_in_dim3A_725 : vector<16xi1>, vector<16xi32>
        %add3A_727 = arith.addi %add3A_706, %select_n3A_726 : vector<16xi32>
        %ge3A_728 = arith.cmpi sge, %get3A_82, %add3A_630 : vector<16xi32>
        %jit3A_729 = arith.constant 1 : i32
        %jit3A_730 = arith.constant 0 : i32
        %broadcast_in_dim3A_731 = vector.broadcast %jit3A_729 : i32 to vector<16xi32>
        %broadcast_in_dim3A_732 = vector.broadcast %jit3A_730 : i32 to vector<16xi32>
        %select_n3A_733 = arith.select %ge3A_728, %broadcast_in_dim3A_731, %broadcast_in_dim3A_732 : vector<16xi1>, vector<16xi32>
        %add3A_734 = arith.addi %add3A_713, %select_n3A_733 : vector<16xi32>
        %ge3A_735 = arith.cmpi sge, %get3A_82, %add3A_657 : vector<16xi32>
        %jit3A_736 = arith.constant 1 : i32
        %jit3A_737 = arith.constant 0 : i32
        %broadcast_in_dim3A_738 = vector.broadcast %jit3A_736 : i32 to vector<16xi32>
        %broadcast_in_dim3A_739 = vector.broadcast %jit3A_737 : i32 to vector<16xi32>
        %select_n3A_740 = arith.select %ge3A_735, %broadcast_in_dim3A_738, %broadcast_in_dim3A_739 : vector<16xi1>, vector<16xi32>
        %add3A_741 = arith.addi %add3A_720, %select_n3A_740 : vector<16xi32>
        %ge3A_742 = arith.cmpi sge, %get3A_84, %add3A_645 : vector<16xi32>
        %jit3A_743 = arith.constant 1 : i32
        %jit3A_744 = arith.constant 0 : i32
        %broadcast_in_dim3A_745 = vector.broadcast %jit3A_743 : i32 to vector<16xi32>
        %broadcast_in_dim3A_746 = vector.broadcast %jit3A_744 : i32 to vector<16xi32>
        %select_n3A_747 = arith.select %ge3A_742, %broadcast_in_dim3A_745, %broadcast_in_dim3A_746 : vector<16xi1>, vector<16xi32>
        %add3A_748 = arith.addi %add3A_727, %select_n3A_747 : vector<16xi32>
        %ge3A_749 = arith.cmpi sge, %get3A_84, %add3A_630 : vector<16xi32>
        %jit3A_750 = arith.constant 1 : i32
        %jit3A_751 = arith.constant 0 : i32
        %broadcast_in_dim3A_752 = vector.broadcast %jit3A_750 : i32 to vector<16xi32>
        %broadcast_in_dim3A_753 = vector.broadcast %jit3A_751 : i32 to vector<16xi32>
        %select_n3A_754 = arith.select %ge3A_749, %broadcast_in_dim3A_752, %broadcast_in_dim3A_753 : vector<16xi1>, vector<16xi32>
        %add3A_755 = arith.addi %add3A_734, %select_n3A_754 : vector<16xi32>
        %ge3A_756 = arith.cmpi sge, %get3A_84, %add3A_657 : vector<16xi32>
        %jit3A_757 = arith.constant 1 : i32
        %jit3A_758 = arith.constant 0 : i32
        %broadcast_in_dim3A_759 = vector.broadcast %jit3A_757 : i32 to vector<16xi32>
        %broadcast_in_dim3A_760 = vector.broadcast %jit3A_758 : i32 to vector<16xi32>
        %select_n3A_761 = arith.select %ge3A_756, %broadcast_in_dim3A_759, %broadcast_in_dim3A_760 : vector<16xi1>, vector<16xi32>
        %add3A_762 = arith.addi %add3A_741, %select_n3A_761 : vector<16xi32>
        %ge3A_763 = arith.cmpi sge, %get3A_86, %add3A_645 : vector<16xi32>
        %jit3A_764 = arith.constant 1 : i32
        %jit3A_765 = arith.constant 0 : i32
        %broadcast_in_dim3A_766 = vector.broadcast %jit3A_764 : i32 to vector<16xi32>
        %broadcast_in_dim3A_767 = vector.broadcast %jit3A_765 : i32 to vector<16xi32>
        %select_n3A_768 = arith.select %ge3A_763, %broadcast_in_dim3A_766, %broadcast_in_dim3A_767 : vector<16xi1>, vector<16xi32>
        %add3A_769 = arith.addi %add3A_748, %select_n3A_768 : vector<16xi32>
        %ge3A_770 = arith.cmpi sge, %get3A_86, %add3A_630 : vector<16xi32>
        %jit3A_771 = arith.constant 1 : i32
        %jit3A_772 = arith.constant 0 : i32
        %broadcast_in_dim3A_773 = vector.broadcast %jit3A_771 : i32 to vector<16xi32>
        %broadcast_in_dim3A_774 = vector.broadcast %jit3A_772 : i32 to vector<16xi32>
        %select_n3A_775 = arith.select %ge3A_770, %broadcast_in_dim3A_773, %broadcast_in_dim3A_774 : vector<16xi1>, vector<16xi32>
        %add3A_776 = arith.addi %add3A_755, %select_n3A_775 : vector<16xi32>
        %ge3A_777 = arith.cmpi sge, %get3A_86, %add3A_657 : vector<16xi32>
        %jit3A_778 = arith.constant 1 : i32
        %jit3A_779 = arith.constant 0 : i32
        %broadcast_in_dim3A_780 = vector.broadcast %jit3A_778 : i32 to vector<16xi32>
        %broadcast_in_dim3A_781 = vector.broadcast %jit3A_779 : i32 to vector<16xi32>
        %select_n3A_782 = arith.select %ge3A_777, %broadcast_in_dim3A_780, %broadcast_in_dim3A_781 : vector<16xi1>, vector<16xi32>
        %add3A_783 = arith.addi %add3A_762, %select_n3A_782 : vector<16xi32>
        %ge3A_784 = arith.cmpi sge, %get3A_88, %add3A_645 : vector<16xi32>
        %jit3A_785 = arith.constant 1 : i32
        %jit3A_786 = arith.constant 0 : i32
        %broadcast_in_dim3A_787 = vector.broadcast %jit3A_785 : i32 to vector<16xi32>
        %broadcast_in_dim3A_788 = vector.broadcast %jit3A_786 : i32 to vector<16xi32>
        %select_n3A_789 = arith.select %ge3A_784, %broadcast_in_dim3A_787, %broadcast_in_dim3A_788 : vector<16xi1>, vector<16xi32>
        %add3A_790 = arith.addi %add3A_769, %select_n3A_789 : vector<16xi32>
        %ge3A_791 = arith.cmpi sge, %get3A_88, %add3A_630 : vector<16xi32>
        %jit3A_792 = arith.constant 1 : i32
        %jit3A_793 = arith.constant 0 : i32
        %broadcast_in_dim3A_794 = vector.broadcast %jit3A_792 : i32 to vector<16xi32>
        %broadcast_in_dim3A_795 = vector.broadcast %jit3A_793 : i32 to vector<16xi32>
        %select_n3A_796 = arith.select %ge3A_791, %broadcast_in_dim3A_794, %broadcast_in_dim3A_795 : vector<16xi1>, vector<16xi32>
        %add3A_797 = arith.addi %add3A_776, %select_n3A_796 : vector<16xi32>
        %ge3A_798 = arith.cmpi sge, %get3A_88, %add3A_657 : vector<16xi32>
        %jit3A_799 = arith.constant 1 : i32
        %jit3A_800 = arith.constant 0 : i32
        %broadcast_in_dim3A_801 = vector.broadcast %jit3A_799 : i32 to vector<16xi32>
        %broadcast_in_dim3A_802 = vector.broadcast %jit3A_800 : i32 to vector<16xi32>
        %select_n3A_803 = arith.select %ge3A_798, %broadcast_in_dim3A_801, %broadcast_in_dim3A_802 : vector<16xi1>, vector<16xi32>
        %add3A_804 = arith.addi %add3A_783, %select_n3A_803 : vector<16xi32>
        %ge3A_805 = arith.cmpi sge, %get3A_90, %add3A_645 : vector<16xi32>
        %jit3A_806 = arith.constant 1 : i32
        %jit3A_807 = arith.constant 0 : i32
        %broadcast_in_dim3A_808 = vector.broadcast %jit3A_806 : i32 to vector<16xi32>
        %broadcast_in_dim3A_809 = vector.broadcast %jit3A_807 : i32 to vector<16xi32>
        %select_n3A_810 = arith.select %ge3A_805, %broadcast_in_dim3A_808, %broadcast_in_dim3A_809 : vector<16xi1>, vector<16xi32>
        %add3A_811 = arith.addi %add3A_790, %select_n3A_810 : vector<16xi32>
        %ge3A_812 = arith.cmpi sge, %get3A_90, %add3A_630 : vector<16xi32>
        %jit3A_813 = arith.constant 1 : i32
        %jit3A_814 = arith.constant 0 : i32
        %broadcast_in_dim3A_815 = vector.broadcast %jit3A_813 : i32 to vector<16xi32>
        %broadcast_in_dim3A_816 = vector.broadcast %jit3A_814 : i32 to vector<16xi32>
        %select_n3A_817 = arith.select %ge3A_812, %broadcast_in_dim3A_815, %broadcast_in_dim3A_816 : vector<16xi1>, vector<16xi32>
        %add3A_818 = arith.addi %add3A_797, %select_n3A_817 : vector<16xi32>
        %ge3A_819 = arith.cmpi sge, %get3A_90, %add3A_657 : vector<16xi32>
        %jit3A_820 = arith.constant 1 : i32
        %jit3A_821 = arith.constant 0 : i32
        %broadcast_in_dim3A_822 = vector.broadcast %jit3A_820 : i32 to vector<16xi32>
        %broadcast_in_dim3A_823 = vector.broadcast %jit3A_821 : i32 to vector<16xi32>
        %select_n3A_824 = arith.select %ge3A_819, %broadcast_in_dim3A_822, %broadcast_in_dim3A_823 : vector<16xi1>, vector<16xi32>
        %add3A_825 = arith.addi %add3A_804, %select_n3A_824 : vector<16xi32>
        %while3A_826:4 = scf.while (%while3A_863 = %broadcast_in_dim3A_15, %while3A_864 = %add3A_811, %while3A_865 = %add3A_818, %while3A_866 = %add3A_825) : (vector<16xi32>, vector<16xi32>, vector<16xi32>, vector<16xi32>) -> (vector<16xi32>, vector<16xi32>, vector<16xi32>, vector<16xi32>) {
          %lt3A_867 = arith.cmpi slt, %while3A_863, %shift_left3A_70 : vector<16xi32>
          %reduce_or3A_868 = arith.constant 1.000000e+00 : f32
          %reduce_or3A_869 = arith.constant 0.000000e+00 : f32
          %reduce_or3A_870 = vector.broadcast %reduce_or3A_868 : f32 to vector<16xf32>
          %reduce_or3A_871 = vector.broadcast %reduce_or3A_869 : f32 to vector<16xf32>
          %reduce_or3A_872 = arith.select %lt3A_867, %reduce_or3A_870, %reduce_or3A_871 : vector<16xi1>, vector<16xf32>
          %reduce_or3A_873 = arith.constant true
          %reduce_or3A_874 = vector.broadcast %reduce_or3A_873 : i1 to vector<16xi1>
          %reduce_or3A_875 = tpu.scan <max>, %reduce_or3A_872 masked %reduce_or3A_874 : vector<16xf32>, vector<16xi1> -> vector<16xf32>
          %reduce_or3A_876 = vector.extract %reduce_or3A_875[15] : f32 from vector<16xf32>
          %reduce_or3A_877 = arith.constant 0.000000e+00 : f32
          %reduce_or3A_878 = arith.cmpf ogt, %reduce_or3A_876, %reduce_or3A_877 : f32
          scf.condition(%reduce_or3A_878) %while3A_863, %while3A_864, %while3A_865, %while3A_866 : vector<16xi32>, vector<16xi32>, vector<16xi32>, vector<16xi32>
        } do {
        ^bb0(%while3A_863: vector<16xi32>, %while3A_864: vector<16xi32>, %while3A_865: vector<16xi32>, %while3A_866: vector<16xi32>):
          %add3A_867 = arith.addi %iota3A, %while3A_863 : vector<16xi32>
          %gather3A_868 = tpu.vector_load_idx %arg7[%add3A_867] : memref<4096xi32, #tpu.memory_space<vmem>>[vector<16xi32>], vector<16xi32>,
          %add3A_869 = arith.constant 16 : i32
          %add3A_870 = vector.broadcast %add3A_869 : i32 to vector<16xi32>
          %add3A_871 = arith.addi %while3A_863, %add3A_870 : vector<16xi32>
          %ge3A_872 = arith.cmpi sge, %gather3A_868, %add3A_645 : vector<16xi32>
          %jit3A_873 = arith.constant 1 : i32
          %jit3A_874 = arith.constant 0 : i32
          %broadcast_in_dim3A_875 = vector.broadcast %jit3A_873 : i32 to vector<16xi32>
          %broadcast_in_dim3A_876 = vector.broadcast %jit3A_874 : i32 to vector<16xi32>
          %select_n3A_877 = arith.select %ge3A_872, %broadcast_in_dim3A_875, %broadcast_in_dim3A_876 : vector<16xi1>, vector<16xi32>
          %add3A_878 = arith.addi %while3A_864, %select_n3A_877 : vector<16xi32>
          %ge3A_879 = arith.cmpi sge, %gather3A_868, %add3A_630 : vector<16xi32>
          %jit3A_880 = arith.constant 1 : i32
          %jit3A_881 = arith.constant 0 : i32
          %broadcast_in_dim3A_882 = vector.broadcast %jit3A_880 : i32 to vector<16xi32>
          %broadcast_in_dim3A_883 = vector.broadcast %jit3A_881 : i32 to vector<16xi32>
          %select_n3A_884 = arith.select %ge3A_879, %broadcast_in_dim3A_882, %broadcast_in_dim3A_883 : vector<16xi1>, vector<16xi32>
          %add3A_885 = arith.addi %while3A_865, %select_n3A_884 : vector<16xi32>
          %ge3A_886 = arith.cmpi sge, %gather3A_868, %add3A_657 : vector<16xi32>
          %jit3A_887 = arith.constant 1 : i32
          %jit3A_888 = arith.constant 0 : i32
          %broadcast_in_dim3A_889 = vector.broadcast %jit3A_887 : i32 to vector<16xi32>
          %broadcast_in_dim3A_890 = vector.broadcast %jit3A_888 : i32 to vector<16xi32>
          %select_n3A_891 = arith.select %ge3A_886, %broadcast_in_dim3A_889, %broadcast_in_dim3A_890 : vector<16xi1>, vector<16xi32>
          %add3A_892 = arith.addi %while3A_866, %select_n3A_891 : vector<16xi32>
          scf.yield %add3A_871, %add3A_878, %add3A_885, %add3A_892 : vector<16xi32>, vector<16xi32>, vector<16xi32>, vector<16xi32>
        }
        %broadcast_in_dim3A_827 = arith.constant true
        %broadcast_in_dim3A_828 = vector.broadcast %broadcast_in_dim3A_827 : i1 to vector<16xi1>
        %masked_cumsum3A_829 = tpu.scan <sum>, %while3A_826#1 masked %broadcast_in_dim3A_828 : vector<16xi32>, vector<16xi1> -> vector<16xi32>
        %broadcast_in_dim3A_830 = vector.shape_cast %broadcast_in_dim3A_9 : vector<16xi32> to vector<16x1xi32>
        %gather3A_831 = vector.shape_cast %broadcast_in_dim3A_830 : vector<16x1xi32> to vector<16xi32>
        %gather3A_832 = tpu.dynamic_gather %masked_cumsum3A_829[%gather3A_831] in [0] : vector<16xi32>, vector<16xi32> -> vector<16xi32>
        %broadcast_in_dim3A_833 = arith.constant true
        %broadcast_in_dim3A_834 = vector.broadcast %broadcast_in_dim3A_833 : i1 to vector<16xi1>
        %masked_cumsum3A_835 = tpu.scan <sum>, %while3A_826#2 masked %broadcast_in_dim3A_834 : vector<16xi32>, vector<16xi1> -> vector<16xi32>
        %broadcast_in_dim3A_836 = vector.shape_cast %broadcast_in_dim3A_9 : vector<16xi32> to vector<16x1xi32>
        %gather3A_837 = vector.shape_cast %broadcast_in_dim3A_836 : vector<16x1xi32> to vector<16xi32>
        %gather3A_838 = tpu.dynamic_gather %masked_cumsum3A_835[%gather3A_837] in [0] : vector<16xi32>, vector<16xi32> -> vector<16xi32>
        %broadcast_in_dim3A_839 = arith.constant true
        %broadcast_in_dim3A_840 = vector.broadcast %broadcast_in_dim3A_839 : i1 to vector<16xi1>
        %masked_cumsum3A_841 = tpu.scan <sum>, %while3A_826#3 masked %broadcast_in_dim3A_840 : vector<16xi32>, vector<16xi1> -> vector<16xi32>
        %broadcast_in_dim3A_842 = vector.shape_cast %broadcast_in_dim3A_9 : vector<16xi32> to vector<16x1xi32>
        %gather3A_843 = vector.shape_cast %broadcast_in_dim3A_842 : vector<16x1xi32> to vector<16xi32>
        %gather3A_844 = tpu.dynamic_gather %masked_cumsum3A_841[%gather3A_843] in [0] : vector<16xi32>, vector<16xi32> -> vector<16xi32>
        %ge3A_845 = arith.cmpi sge, %gather3A_832, %broadcast_in_dim3A_7 : vector<16xi32>
        %ge3A_846 = arith.cmpi sge, %gather3A_838, %broadcast_in_dim3A_7 : vector<16xi32>
        %ge3A_847 = arith.cmpi sge, %gather3A_844, %broadcast_in_dim3A_7 : vector<16xi32>
        %select_n3A_848 = arith.select %ge3A_845, %add3A_645, %scan3A_618 : vector<16xi1>, vector<16xi32>
        %select_n3A_849 = arith.select %ge3A_846, %add3A_630, %select_n3A_848 : vector<16xi1>, vector<16xi32>
        %select_n3A_850 = arith.select %ge3A_847, %add3A_657, %select_n3A_849 : vector<16xi1>, vector<16xi32>
        %sub3A_851 = arith.constant 1 : i32
        %sub3A_852 = vector.broadcast %sub3A_851 : i32 to vector<16xi32>
        %sub3A_853 = arith.subi %add3A_657, %sub3A_852 : vector<16xi32>
        %sub3A_854 = arith.constant 1 : i32
        %sub3A_855 = vector.broadcast %sub3A_854 : i32 to vector<16xi32>
        %sub3A_856 = arith.subi %add3A_630, %sub3A_855 : vector<16xi32>
        %sub3A_857 = arith.constant 1 : i32
        %sub3A_858 = vector.broadcast %sub3A_857 : i32 to vector<16xi32>
        %sub3A_859 = arith.subi %add3A_645, %sub3A_858 : vector<16xi32>
        %select_n3A_860 = arith.select %ge3A_845, %sub3A_856, %sub3A_859 : vector<16xi1>, vector<16xi32>
        %select_n3A_861 = arith.select %ge3A_846, %sub3A_853, %select_n3A_860 : vector<16xi1>, vector<16xi32>
        %select_n3A_862 = arith.select %ge3A_847, %scan3A_619, %select_n3A_861 : vector<16xi1>, vector<16xi32>
        scf.yield %select_n3A_850, %select_n3A_862 : vector<16xi32>, vector<16xi32>
      }
      %scan3A_96 = arith.constant 16 : i32
      %ge3A_97 = arith.cmpi sge, %get3A_76, %scan3A_95#0 : vector<16xi32>
      %jit3A = arith.constant 1 : i32
      %jit3A_98 = arith.constant 0 : i32
      %broadcast_in_dim3A_99 = vector.broadcast %jit3A : i32 to vector<16xi32>
      %broadcast_in_dim3A_100 = vector.broadcast %jit3A_98 : i32 to vector<16xi32>
      %select_n3A = arith.select %ge3A_97, %broadcast_in_dim3A_99, %broadcast_in_dim3A_100 : vector<16xi1>, vector<16xi32>
      %add3A_101 = arith.addi %broadcast_in_dim3A_3, %select_n3A : vector<16xi32>
      %ge3A_102 = arith.cmpi sge, %get3A_76, %scan3A_95#0 : vector<16xi32>
      %jit3A_103 = arith.constant 1 : i32
      %jit3A_104 = arith.constant 0 : i32
      %broadcast_in_dim3A_105 = vector.broadcast %jit3A_103 : i32 to vector<16xi32>
      %broadcast_in_dim3A_106 = vector.broadcast %jit3A_104 : i32 to vector<16xi32>
      %select_n3A_107 = arith.select %ge3A_102, %broadcast_in_dim3A_105, %broadcast_in_dim3A_106 : vector<16xi1>, vector<16xi32>
      %add3A_108 = arith.addi %broadcast_in_dim3A_3, %select_n3A_107 : vector<16xi32>
      %ge3A_109 = arith.cmpi sge, %get3A_76, %scan3A_95#0 : vector<16xi32>
      %jit3A_110 = arith.constant 1 : i32
      %jit3A_111 = arith.constant 0 : i32
      %broadcast_in_dim3A_112 = vector.broadcast %jit3A_110 : i32 to vector<16xi32>
      %broadcast_in_dim3A_113 = vector.broadcast %jit3A_111 : i32 to vector<16xi32>
      %select_n3A_114 = arith.select %ge3A_109, %broadcast_in_dim3A_112, %broadcast_in_dim3A_113 : vector<16xi1>, vector<16xi32>
      %add3A_115 = arith.addi %broadcast_in_dim3A_3, %select_n3A_114 : vector<16xi32>
      %ge3A_116 = arith.cmpi sge, %get3A_78, %scan3A_95#0 : vector<16xi32>
      %jit3A_117 = arith.constant 1 : i32
      %jit3A_118 = arith.constant 0 : i32
      %broadcast_in_dim3A_119 = vector.broadcast %jit3A_117 : i32 to vector<16xi32>
      %broadcast_in_dim3A_120 = vector.broadcast %jit3A_118 : i32 to vector<16xi32>
      %select_n3A_121 = arith.select %ge3A_116, %broadcast_in_dim3A_119, %broadcast_in_dim3A_120 : vector<16xi1>, vector<16xi32>
      %add3A_122 = arith.addi %add3A_101, %select_n3A_121 : vector<16xi32>
      %ge3A_123 = arith.cmpi sge, %get3A_78, %scan3A_95#0 : vector<16xi32>
      %jit3A_124 = arith.constant 1 : i32
      %jit3A_125 = arith.constant 0 : i32
      %broadcast_in_dim3A_126 = vector.broadcast %jit3A_124 : i32 to vector<16xi32>
      %broadcast_in_dim3A_127 = vector.broadcast %jit3A_125 : i32 to vector<16xi32>
      %select_n3A_128 = arith.select %ge3A_123, %broadcast_in_dim3A_126, %broadcast_in_dim3A_127 : vector<16xi1>, vector<16xi32>
      %add3A_129 = arith.addi %add3A_108, %select_n3A_128 : vector<16xi32>
      %ge3A_130 = arith.cmpi sge, %get3A_78, %scan3A_95#0 : vector<16xi32>
      %jit3A_131 = arith.constant 1 : i32
      %jit3A_132 = arith.constant 0 : i32
      %broadcast_in_dim3A_133 = vector.broadcast %jit3A_131 : i32 to vector<16xi32>
      %broadcast_in_dim3A_134 = vector.broadcast %jit3A_132 : i32 to vector<16xi32>
      %select_n3A_135 = arith.select %ge3A_130, %broadcast_in_dim3A_133, %broadcast_in_dim3A_134 : vector<16xi1>, vector<16xi32>
      %add3A_136 = arith.addi %add3A_115, %select_n3A_135 : vector<16xi32>
      %ge3A_137 = arith.cmpi sge, %get3A_80, %scan3A_95#0 : vector<16xi32>
      %jit3A_138 = arith.constant 1 : i32
      %jit3A_139 = arith.constant 0 : i32
      %broadcast_in_dim3A_140 = vector.broadcast %jit3A_138 : i32 to vector<16xi32>
      %broadcast_in_dim3A_141 = vector.broadcast %jit3A_139 : i32 to vector<16xi32>
      %select_n3A_142 = arith.select %ge3A_137, %broadcast_in_dim3A_140, %broadcast_in_dim3A_141 : vector<16xi1>, vector<16xi32>
      %add3A_143 = arith.addi %add3A_122, %select_n3A_142 : vector<16xi32>
      %ge3A_144 = arith.cmpi sge, %get3A_80, %scan3A_95#0 : vector<16xi32>
      %jit3A_145 = arith.constant 1 : i32
      %jit3A_146 = arith.constant 0 : i32
      %broadcast_in_dim3A_147 = vector.broadcast %jit3A_145 : i32 to vector<16xi32>
      %broadcast_in_dim3A_148 = vector.broadcast %jit3A_146 : i32 to vector<16xi32>
      %select_n3A_149 = arith.select %ge3A_144, %broadcast_in_dim3A_147, %broadcast_in_dim3A_148 : vector<16xi1>, vector<16xi32>
      %add3A_150 = arith.addi %add3A_129, %select_n3A_149 : vector<16xi32>
      %ge3A_151 = arith.cmpi sge, %get3A_80, %scan3A_95#0 : vector<16xi32>
      %jit3A_152 = arith.constant 1 : i32
      %jit3A_153 = arith.constant 0 : i32
      %broadcast_in_dim3A_154 = vector.broadcast %jit3A_152 : i32 to vector<16xi32>
      %broadcast_in_dim3A_155 = vector.broadcast %jit3A_153 : i32 to vector<16xi32>
      %select_n3A_156 = arith.select %ge3A_151, %broadcast_in_dim3A_154, %broadcast_in_dim3A_155 : vector<16xi1>, vector<16xi32>
      %add3A_157 = arith.addi %add3A_136, %select_n3A_156 : vector<16xi32>
      %ge3A_158 = arith.cmpi sge, %get3A_82, %scan3A_95#0 : vector<16xi32>
      %jit3A_159 = arith.constant 1 : i32
      %jit3A_160 = arith.constant 0 : i32
      %broadcast_in_dim3A_161 = vector.broadcast %jit3A_159 : i32 to vector<16xi32>
      %broadcast_in_dim3A_162 = vector.broadcast %jit3A_160 : i32 to vector<16xi32>
      %select_n3A_163 = arith.select %ge3A_158, %broadcast_in_dim3A_161, %broadcast_in_dim3A_162 : vector<16xi1>, vector<16xi32>
      %add3A_164 = arith.addi %add3A_143, %select_n3A_163 : vector<16xi32>
      %ge3A_165 = arith.cmpi sge, %get3A_82, %scan3A_95#0 : vector<16xi32>
      %jit3A_166 = arith.constant 1 : i32
      %jit3A_167 = arith.constant 0 : i32
      %broadcast_in_dim3A_168 = vector.broadcast %jit3A_166 : i32 to vector<16xi32>
      %broadcast_in_dim3A_169 = vector.broadcast %jit3A_167 : i32 to vector<16xi32>
      %select_n3A_170 = arith.select %ge3A_165, %broadcast_in_dim3A_168, %broadcast_in_dim3A_169 : vector<16xi1>, vector<16xi32>
      %add3A_171 = arith.addi %add3A_150, %select_n3A_170 : vector<16xi32>
      %ge3A_172 = arith.cmpi sge, %get3A_82, %scan3A_95#0 : vector<16xi32>
      %jit3A_173 = arith.constant 1 : i32
      %jit3A_174 = arith.constant 0 : i32
      %broadcast_in_dim3A_175 = vector.broadcast %jit3A_173 : i32 to vector<16xi32>
      %broadcast_in_dim3A_176 = vector.broadcast %jit3A_174 : i32 to vector<16xi32>
      %select_n3A_177 = arith.select %ge3A_172, %broadcast_in_dim3A_175, %broadcast_in_dim3A_176 : vector<16xi1>, vector<16xi32>
      %add3A_178 = arith.addi %add3A_157, %select_n3A_177 : vector<16xi32>
      %ge3A_179 = arith.cmpi sge, %get3A_84, %scan3A_95#0 : vector<16xi32>
      %jit3A_180 = arith.constant 1 : i32
      %jit3A_181 = arith.constant 0 : i32
      %broadcast_in_dim3A_182 = vector.broadcast %jit3A_180 : i32 to vector<16xi32>
      %broadcast_in_dim3A_183 = vector.broadcast %jit3A_181 : i32 to vector<16xi32>
      %select_n3A_184 = arith.select %ge3A_179, %broadcast_in_dim3A_182, %broadcast_in_dim3A_183 : vector<16xi1>, vector<16xi32>
      %add3A_185 = arith.addi %add3A_164, %select_n3A_184 : vector<16xi32>
      %ge3A_186 = arith.cmpi sge, %get3A_84, %scan3A_95#0 : vector<16xi32>
      %jit3A_187 = arith.constant 1 : i32
      %jit3A_188 = arith.constant 0 : i32
      %broadcast_in_dim3A_189 = vector.broadcast %jit3A_187 : i32 to vector<16xi32>
      %broadcast_in_dim3A_190 = vector.broadcast %jit3A_188 : i32 to vector<16xi32>
      %select_n3A_191 = arith.select %ge3A_186, %broadcast_in_dim3A_189, %broadcast_in_dim3A_190 : vector<16xi1>, vector<16xi32>
      %add3A_192 = arith.addi %add3A_171, %select_n3A_191 : vector<16xi32>
      %ge3A_193 = arith.cmpi sge, %get3A_84, %scan3A_95#0 : vector<16xi32>
      %jit3A_194 = arith.constant 1 : i32
      %jit3A_195 = arith.constant 0 : i32
      %broadcast_in_dim3A_196 = vector.broadcast %jit3A_194 : i32 to vector<16xi32>
      %broadcast_in_dim3A_197 = vector.broadcast %jit3A_195 : i32 to vector<16xi32>
      %select_n3A_198 = arith.select %ge3A_193, %broadcast_in_dim3A_196, %broadcast_in_dim3A_197 : vector<16xi1>, vector<16xi32>
      %add3A_199 = arith.addi %add3A_178, %select_n3A_198 : vector<16xi32>
      %ge3A_200 = arith.cmpi sge, %get3A_86, %scan3A_95#0 : vector<16xi32>
      %jit3A_201 = arith.constant 1 : i32
      %jit3A_202 = arith.constant 0 : i32
      %broadcast_in_dim3A_203 = vector.broadcast %jit3A_201 : i32 to vector<16xi32>
      %broadcast_in_dim3A_204 = vector.broadcast %jit3A_202 : i32 to vector<16xi32>
      %select_n3A_205 = arith.select %ge3A_200, %broadcast_in_dim3A_203, %broadcast_in_dim3A_204 : vector<16xi1>, vector<16xi32>
      %add3A_206 = arith.addi %add3A_185, %select_n3A_205 : vector<16xi32>
      %ge3A_207 = arith.cmpi sge, %get3A_86, %scan3A_95#0 : vector<16xi32>
      %jit3A_208 = arith.constant 1 : i32
      %jit3A_209 = arith.constant 0 : i32
      %broadcast_in_dim3A_210 = vector.broadcast %jit3A_208 : i32 to vector<16xi32>
      %broadcast_in_dim3A_211 = vector.broadcast %jit3A_209 : i32 to vector<16xi32>
      %select_n3A_212 = arith.select %ge3A_207, %broadcast_in_dim3A_210, %broadcast_in_dim3A_211 : vector<16xi1>, vector<16xi32>
      %add3A_213 = arith.addi %add3A_192, %select_n3A_212 : vector<16xi32>
      %ge3A_214 = arith.cmpi sge, %get3A_86, %scan3A_95#0 : vector<16xi32>
      %jit3A_215 = arith.constant 1 : i32
      %jit3A_216 = arith.constant 0 : i32
      %broadcast_in_dim3A_217 = vector.broadcast %jit3A_215 : i32 to vector<16xi32>
      %broadcast_in_dim3A_218 = vector.broadcast %jit3A_216 : i32 to vector<16xi32>
      %select_n3A_219 = arith.select %ge3A_214, %broadcast_in_dim3A_217, %broadcast_in_dim3A_218 : vector<16xi1>, vector<16xi32>
      %add3A_220 = arith.addi %add3A_199, %select_n3A_219 : vector<16xi32>
      %ge3A_221 = arith.cmpi sge, %get3A_88, %scan3A_95#0 : vector<16xi32>
      %jit3A_222 = arith.constant 1 : i32
      %jit3A_223 = arith.constant 0 : i32
      %broadcast_in_dim3A_224 = vector.broadcast %jit3A_222 : i32 to vector<16xi32>
      %broadcast_in_dim3A_225 = vector.broadcast %jit3A_223 : i32 to vector<16xi32>
      %select_n3A_226 = arith.select %ge3A_221, %broadcast_in_dim3A_224, %broadcast_in_dim3A_225 : vector<16xi1>, vector<16xi32>
      %add3A_227 = arith.addi %add3A_206, %select_n3A_226 : vector<16xi32>
      %ge3A_228 = arith.cmpi sge, %get3A_88, %scan3A_95#0 : vector<16xi32>
      %jit3A_229 = arith.constant 1 : i32
      %jit3A_230 = arith.constant 0 : i32
      %broadcast_in_dim3A_231 = vector.broadcast %jit3A_229 : i32 to vector<16xi32>
      %broadcast_in_dim3A_232 = vector.broadcast %jit3A_230 : i32 to vector<16xi32>
      %select_n3A_233 = arith.select %ge3A_228, %broadcast_in_dim3A_231, %broadcast_in_dim3A_232 : vector<16xi1>, vector<16xi32>
      %add3A_234 = arith.addi %add3A_213, %select_n3A_233 : vector<16xi32>
      %ge3A_235 = arith.cmpi sge, %get3A_88, %scan3A_95#0 : vector<16xi32>
      %jit3A_236 = arith.constant 1 : i32
      %jit3A_237 = arith.constant 0 : i32
      %broadcast_in_dim3A_238 = vector.broadcast %jit3A_236 : i32 to vector<16xi32>
      %broadcast_in_dim3A_239 = vector.broadcast %jit3A_237 : i32 to vector<16xi32>
      %select_n3A_240 = arith.select %ge3A_235, %broadcast_in_dim3A_238, %broadcast_in_dim3A_239 : vector<16xi1>, vector<16xi32>
      %add3A_241 = arith.addi %add3A_220, %select_n3A_240 : vector<16xi32>
      %ge3A_242 = arith.cmpi sge, %get3A_90, %scan3A_95#0 : vector<16xi32>
      %jit3A_243 = arith.constant 1 : i32
      %jit3A_244 = arith.constant 0 : i32
      %broadcast_in_dim3A_245 = vector.broadcast %jit3A_243 : i32 to vector<16xi32>
      %broadcast_in_dim3A_246 = vector.broadcast %jit3A_244 : i32 to vector<16xi32>
      %select_n3A_247 = arith.select %ge3A_242, %broadcast_in_dim3A_245, %broadcast_in_dim3A_246 : vector<16xi1>, vector<16xi32>
      %add3A_248 = arith.addi %add3A_227, %select_n3A_247 : vector<16xi32>
      %ge3A_249 = arith.cmpi sge, %get3A_90, %scan3A_95#0 : vector<16xi32>
      %jit3A_250 = arith.constant 1 : i32
      %jit3A_251 = arith.constant 0 : i32
      %broadcast_in_dim3A_252 = vector.broadcast %jit3A_250 : i32 to vector<16xi32>
      %broadcast_in_dim3A_253 = vector.broadcast %jit3A_251 : i32 to vector<16xi32>
      %select_n3A_254 = arith.select %ge3A_249, %broadcast_in_dim3A_252, %broadcast_in_dim3A_253 : vector<16xi1>, vector<16xi32>
      %add3A_255 = arith.addi %add3A_234, %select_n3A_254 : vector<16xi32>
      %ge3A_256 = arith.cmpi sge, %get3A_90, %scan3A_95#0 : vector<16xi32>
      %jit3A_257 = arith.constant 1 : i32
      %jit3A_258 = arith.constant 0 : i32
      %broadcast_in_dim3A_259 = vector.broadcast %jit3A_257 : i32 to vector<16xi32>
      %broadcast_in_dim3A_260 = vector.broadcast %jit3A_258 : i32 to vector<16xi32>
      %select_n3A_261 = arith.select %ge3A_256, %broadcast_in_dim3A_259, %broadcast_in_dim3A_260 : vector<16xi1>, vector<16xi32>
      %add3A_262 = arith.addi %add3A_241, %select_n3A_261 : vector<16xi32>
      %while3A:4 = scf.while (%while3A_617 = %broadcast_in_dim3A_15, %while3A_618 = %add3A_248, %while3A_619 = %add3A_255, %while3A_620 = %add3A_262) : (vector<16xi32>, vector<16xi32>, vector<16xi32>, vector<16xi32>) -> (vector<16xi32>, vector<16xi32>, vector<16xi32>, vector<16xi32>) {
        %lt3A_621 = arith.cmpi slt, %while3A_617, %shift_left3A_70 : vector<16xi32>
        %reduce_or3A_622 = arith.constant 1.000000e+00 : f32
        %reduce_or3A_623 = arith.constant 0.000000e+00 : f32
        %reduce_or3A_624 = vector.broadcast %reduce_or3A_622 : f32 to vector<16xf32>
        %reduce_or3A_625 = vector.broadcast %reduce_or3A_623 : f32 to vector<16xf32>
        %reduce_or3A_626 = arith.select %lt3A_621, %reduce_or3A_624, %reduce_or3A_625 : vector<16xi1>, vector<16xf32>
        %reduce_or3A_627 = arith.constant true
        %reduce_or3A_628 = vector.broadcast %reduce_or3A_627 : i1 to vector<16xi1>
        %reduce_or3A_629 = tpu.scan <max>, %reduce_or3A_626 masked %reduce_or3A_628 : vector<16xf32>, vector<16xi1> -> vector<16xf32>
        %reduce_or3A_630 = vector.extract %reduce_or3A_629[15] : f32 from vector<16xf32>
        %reduce_or3A_631 = arith.constant 0.000000e+00 : f32
        %reduce_or3A_632 = arith.cmpf ogt, %reduce_or3A_630, %reduce_or3A_631 : f32
        scf.condition(%reduce_or3A_632) %while3A_617, %while3A_618, %while3A_619, %while3A_620 : vector<16xi32>, vector<16xi32>, vector<16xi32>, vector<16xi32>
      } do {
      ^bb0(%while3A_617: vector<16xi32>, %while3A_618: vector<16xi32>, %while3A_619: vector<16xi32>, %while3A_620: vector<16xi32>):
        %add3A_621 = arith.addi %iota3A, %while3A_617 : vector<16xi32>
        %gather3A_622 = tpu.vector_load_idx %arg7[%add3A_621] : memref<4096xi32, #tpu.memory_space<vmem>>[vector<16xi32>], vector<16xi32>,
        %add3A_623 = arith.constant 16 : i32
        %add3A_624 = vector.broadcast %add3A_623 : i32 to vector<16xi32>
        %add3A_625 = arith.addi %while3A_617, %add3A_624 : vector<16xi32>
        %ge3A_626 = arith.cmpi sge, %gather3A_622, %scan3A_95#0 : vector<16xi32>
        %jit3A_627 = arith.constant 1 : i32
        %jit3A_628 = arith.constant 0 : i32
        %broadcast_in_dim3A_629 = vector.broadcast %jit3A_627 : i32 to vector<16xi32>
        %broadcast_in_dim3A_630 = vector.broadcast %jit3A_628 : i32 to vector<16xi32>
        %select_n3A_631 = arith.select %ge3A_626, %broadcast_in_dim3A_629, %broadcast_in_dim3A_630 : vector<16xi1>, vector<16xi32>
        %add3A_632 = arith.addi %while3A_618, %select_n3A_631 : vector<16xi32>
        %ge3A_633 = arith.cmpi sge, %gather3A_622, %scan3A_95#0 : vector<16xi32>
        %jit3A_634 = arith.constant 1 : i32
        %jit3A_635 = arith.constant 0 : i32
        %broadcast_in_dim3A_636 = vector.broadcast %jit3A_634 : i32 to vector<16xi32>
        %broadcast_in_dim3A_637 = vector.broadcast %jit3A_635 : i32 to vector<16xi32>
        %select_n3A_638 = arith.select %ge3A_633, %broadcast_in_dim3A_636, %broadcast_in_dim3A_637 : vector<16xi1>, vector<16xi32>
        %add3A_639 = arith.addi %while3A_619, %select_n3A_638 : vector<16xi32>
        %ge3A_640 = arith.cmpi sge, %gather3A_622, %scan3A_95#0 : vector<16xi32>
        %jit3A_641 = arith.constant 1 : i32
        %jit3A_642 = arith.constant 0 : i32
        %broadcast_in_dim3A_643 = vector.broadcast %jit3A_641 : i32 to vector<16xi32>
        %broadcast_in_dim3A_644 = vector.broadcast %jit3A_642 : i32 to vector<16xi32>
        %select_n3A_645 = arith.select %ge3A_640, %broadcast_in_dim3A_643, %broadcast_in_dim3A_644 : vector<16xi1>, vector<16xi32>
        %add3A_646 = arith.addi %while3A_620, %select_n3A_645 : vector<16xi32>
        scf.yield %add3A_625, %add3A_632, %add3A_639, %add3A_646 : vector<16xi32>, vector<16xi32>, vector<16xi32>, vector<16xi32>
      }
      %broadcast_in_dim3A_263 = arith.constant true
      %broadcast_in_dim3A_264 = vector.broadcast %broadcast_in_dim3A_263 : i1 to vector<16xi1>
      %masked_cumsum3A = tpu.scan <sum>, %while3A#1 masked %broadcast_in_dim3A_264 : vector<16xi32>, vector<16xi1> -> vector<16xi32>
      %broadcast_in_dim3A_265 = vector.shape_cast %broadcast_in_dim3A_9 : vector<16xi32> to vector<16x1xi32>
      %gather3A = vector.shape_cast %broadcast_in_dim3A_265 : vector<16x1xi32> to vector<16xi32>
      %gather3A_266 = tpu.dynamic_gather %masked_cumsum3A[%gather3A] in [0] : vector<16xi32>, vector<16xi32> -> vector<16xi32>
      %broadcast_in_dim3A_267 = arith.constant true
      %broadcast_in_dim3A_268 = vector.broadcast %broadcast_in_dim3A_267 : i1 to vector<16xi1>
      %masked_cumsum3A_269 = tpu.scan <sum>, %while3A#2 masked %broadcast_in_dim3A_268 : vector<16xi32>, vector<16xi1> -> vector<16xi32>
      %broadcast_in_dim3A_270 = vector.shape_cast %broadcast_in_dim3A_9 : vector<16xi32> to vector<16x1xi32>
      %gather3A_271 = vector.shape_cast %broadcast_in_dim3A_270 : vector<16x1xi32> to vector<16xi32>
      %gather3A_272 = tpu.dynamic_gather %masked_cumsum3A_269[%gather3A_271] in [0] : vector<16xi32>, vector<16xi32> -> vector<16xi32>
      %broadcast_in_dim3A_273 = arith.constant true
      %broadcast_in_dim3A_274 = vector.broadcast %broadcast_in_dim3A_273 : i1 to vector<16xi1>
      %masked_cumsum3A_275 = tpu.scan <sum>, %while3A#3 masked %broadcast_in_dim3A_274 : vector<16xi32>, vector<16xi1> -> vector<16xi32>
      %broadcast_in_dim3A_276 = vector.shape_cast %broadcast_in_dim3A_9 : vector<16xi32> to vector<16x1xi32>
      %gather3A_277 = vector.shape_cast %broadcast_in_dim3A_276 : vector<16x1xi32> to vector<16xi32>
      %gather3A_278 = tpu.dynamic_gather %masked_cumsum3A_275[%gather3A_277] in [0] : vector<16xi32>, vector<16xi32> -> vector<16xi32>
      %eq3A = arith.cmpi eq, %gather3A_266, %broadcast_in_dim3A_7 : vector<16xi32>
      %reduce_and3A = arith.constant 1.000000e+00 : f32
      %reduce_and3A_279 = arith.constant 0.000000e+00 : f32
      %reduce_and3A_280 = vector.broadcast %reduce_and3A : f32 to vector<16xf32>
      %reduce_and3A_281 = vector.broadcast %reduce_and3A_279 : f32 to vector<16xf32>
      %reduce_and3A_282 = arith.select %eq3A, %reduce_and3A_280, %reduce_and3A_281 : vector<16xi1>, vector<16xf32>
      %reduce_and3A_283 = arith.constant true
      %reduce_and3A_284 = vector.broadcast %reduce_and3A_283 : i1 to vector<16xi1>
      %reduce_and3A_285 = tpu.scan <min>, %reduce_and3A_282 masked %reduce_and3A_284 : vector<16xf32>, vector<16xi1> -> vector<16xf32>
      %reduce_and3A_286 = vector.extract %reduce_and3A_285[15] : f32 from vector<16xf32>
      %reduce_and3A_287 = arith.constant 0.000000e+00 : f32
      %reduce_and3A_288 = arith.cmpf ogt, %reduce_and3A_286, %reduce_and3A_287 : f32
      %convert_element_type3A = arith.extui %reduce_and3A_288 : i1 to i32
      %cond3A = arith.constant 0 : i32
      %cond3A_289 = arith.cmpi ne, %convert_element_type3A, %cond3A : i32
      scf.if %cond3A_289 {
        %ge3A_617 = arith.cmpi sge, %get3A_76, %scan3A_95#0 : vector<16xi32>
        %jit3A_618 = arith.constant 1 : i32
        %jit3A_619 = arith.constant 0 : i32
        %broadcast_in_dim3A_620 = vector.broadcast %jit3A_618 : i32 to vector<16xi32>
        %broadcast_in_dim3A_621 = vector.broadcast %jit3A_619 : i32 to vector<16xi32>
        %select_n3A_622 = arith.select %ge3A_617, %broadcast_in_dim3A_620, %broadcast_in_dim3A_621 : vector<16xi1>, vector<16xi32>
        %broadcast_in_dim3A_623 = arith.constant true
        %broadcast_in_dim3A_624 = vector.broadcast %broadcast_in_dim3A_623 : i1 to vector<16xi1>
        %masked_cumsum3A_625 = tpu.scan <sum>, %select_n3A_622 masked %broadcast_in_dim3A_624 : vector<16xi32>, vector<16xi1> -> vector<16xi32>
        %add3A_626 = arith.addi %broadcast_in_dim3A_3, %masked_cumsum3A_625 : vector<16xi32>
        %sub3A_627 = arith.constant 1 : i32
        %sub3A_628 = vector.broadcast %sub3A_627 : i32 to vector<16xi32>
        %sub3A_629 = arith.subi %add3A_626, %sub3A_628 : vector<16xi32>
        %add3A_630 = arith.addi %sub3A_629, %scan3A_27 : vector<16xi32>
        %lt3A_631 = arith.constant 0 : i32
        %lt3A_632 = vector.broadcast %lt3A_631 : i32 to vector<16xi32>
        %lt3A_633 = arith.cmpi slt, %get3A_76, %lt3A_632 : vector<16xi32>
        %xor3A = arith.constant 2147483647 : i32
        %xor3A_634 = vector.broadcast %xor3A : i32 to vector<16xi32>
        %xor3A_635 = arith.xori %get3A_76, %xor3A_634 : vector<16xi32>
        %select_n3A_636 = arith.select %lt3A_633, %xor3A_635, %get3A_76 : vector<16xi1>, vector<16xi32>
        %bitcast_convert_type3A = tpu.bitcast %select_n3A_636 : vector<16xi32> -> vector<16xf32>
        tpu.vector_store_idx %arg9[%add3A_630], %bitcast_convert_type3A masked %ge3A_617 : memref<4096xf32, #tpu.memory_space<vmem>>[vector<16xi32>], vector<16xf32>, vector<16xi1>
        %broadcast_in_dim3A_637 = vector.shape_cast %broadcast_in_dim3A_9 : vector<16xi32> to vector<16x1xi32>
        %gather3A_638 = vector.shape_cast %broadcast_in_dim3A_637 : vector<16x1xi32> to vector<16xi32>
        %gather3A_639 = tpu.dynamic_gather %masked_cumsum3A_625[%gather3A_638] in [0] : vector<16xi32>, vector<16xi32> -> vector<16xi32>
        %add3A_640 = arith.addi %broadcast_in_dim3A_3, %gather3A_639 : vector<16xi32>
        %ge3A_641 = arith.cmpi sge, %get3A_78, %scan3A_95#0 : vector<16xi32>
        %jit3A_642 = arith.constant 1 : i32
        %jit3A_643 = arith.constant 0 : i32
        %broadcast_in_dim3A_644 = vector.broadcast %jit3A_642 : i32 to vector<16xi32>
        %broadcast_in_dim3A_645 = vector.broadcast %jit3A_643 : i32 to vector<16xi32>
        %select_n3A_646 = arith.select %ge3A_641, %broadcast_in_dim3A_644, %broadcast_in_dim3A_645 : vector<16xi1>, vector<16xi32>
        %broadcast_in_dim3A_647 = arith.constant true
        %broadcast_in_dim3A_648 = vector.broadcast %broadcast_in_dim3A_647 : i1 to vector<16xi1>
        %masked_cumsum3A_649 = tpu.scan <sum>, %select_n3A_646 masked %broadcast_in_dim3A_648 : vector<16xi32>, vector<16xi1> -> vector<16xi32>
        %add3A_650 = arith.addi %add3A_640, %masked_cumsum3A_649 : vector<16xi32>
        %sub3A_651 = arith.constant 1 : i32
        %sub3A_652 = vector.broadcast %sub3A_651 : i32 to vector<16xi32>
        %sub3A_653 = arith.subi %add3A_650, %sub3A_652 : vector<16xi32>
        %add3A_654 = arith.addi %sub3A_653, %scan3A_27 : vector<16xi32>
        %lt3A_655 = arith.constant 0 : i32
        %lt3A_656 = vector.broadcast %lt3A_655 : i32 to vector<16xi32>
        %lt3A_657 = arith.cmpi slt, %get3A_78, %lt3A_656 : vector<16xi32>
        %xor3A_658 = arith.constant 2147483647 : i32
        %xor3A_659 = vector.broadcast %xor3A_658 : i32 to vector<16xi32>
        %xor3A_660 = arith.xori %get3A_78, %xor3A_659 : vector<16xi32>
        %select_n3A_661 = arith.select %lt3A_657, %xor3A_660, %get3A_78 : vector<16xi1>, vector<16xi32>
        %bitcast_convert_type3A_662 = tpu.bitcast %select_n3A_661 : vector<16xi32> -> vector<16xf32>
        tpu.vector_store_idx %arg9[%add3A_654], %bitcast_convert_type3A_662 masked %ge3A_641 : memref<4096xf32, #tpu.memory_space<vmem>>[vector<16xi32>], vector<16xf32>, vector<16xi1>
        %broadcast_in_dim3A_663 = vector.shape_cast %broadcast_in_dim3A_9 : vector<16xi32> to vector<16x1xi32>
        %gather3A_664 = vector.shape_cast %broadcast_in_dim3A_663 : vector<16x1xi32> to vector<16xi32>
        %gather3A_665 = tpu.dynamic_gather %masked_cumsum3A_649[%gather3A_664] in [0] : vector<16xi32>, vector<16xi32> -> vector<16xi32>
        %add3A_666 = arith.addi %add3A_640, %gather3A_665 : vector<16xi32>
        %ge3A_667 = arith.cmpi sge, %get3A_80, %scan3A_95#0 : vector<16xi32>
        %jit3A_668 = arith.constant 1 : i32
        %jit3A_669 = arith.constant 0 : i32
        %broadcast_in_dim3A_670 = vector.broadcast %jit3A_668 : i32 to vector<16xi32>
        %broadcast_in_dim3A_671 = vector.broadcast %jit3A_669 : i32 to vector<16xi32>
        %select_n3A_672 = arith.select %ge3A_667, %broadcast_in_dim3A_670, %broadcast_in_dim3A_671 : vector<16xi1>, vector<16xi32>
        %broadcast_in_dim3A_673 = arith.constant true
        %broadcast_in_dim3A_674 = vector.broadcast %broadcast_in_dim3A_673 : i1 to vector<16xi1>
        %masked_cumsum3A_675 = tpu.scan <sum>, %select_n3A_672 masked %broadcast_in_dim3A_674 : vector<16xi32>, vector<16xi1> -> vector<16xi32>
        %add3A_676 = arith.addi %add3A_666, %masked_cumsum3A_675 : vector<16xi32>
        %sub3A_677 = arith.constant 1 : i32
        %sub3A_678 = vector.broadcast %sub3A_677 : i32 to vector<16xi32>
        %sub3A_679 = arith.subi %add3A_676, %sub3A_678 : vector<16xi32>
        %add3A_680 = arith.addi %sub3A_679, %scan3A_27 : vector<16xi32>
        %lt3A_681 = arith.constant 0 : i32
        %lt3A_682 = vector.broadcast %lt3A_681 : i32 to vector<16xi32>
        %lt3A_683 = arith.cmpi slt, %get3A_80, %lt3A_682 : vector<16xi32>
        %xor3A_684 = arith.constant 2147483647 : i32
        %xor3A_685 = vector.broadcast %xor3A_684 : i32 to vector<16xi32>
        %xor3A_686 = arith.xori %get3A_80, %xor3A_685 : vector<16xi32>
        %select_n3A_687 = arith.select %lt3A_683, %xor3A_686, %get3A_80 : vector<16xi1>, vector<16xi32>
        %bitcast_convert_type3A_688 = tpu.bitcast %select_n3A_687 : vector<16xi32> -> vector<16xf32>
        tpu.vector_store_idx %arg9[%add3A_680], %bitcast_convert_type3A_688 masked %ge3A_667 : memref<4096xf32, #tpu.memory_space<vmem>>[vector<16xi32>], vector<16xf32>, vector<16xi1>
        %broadcast_in_dim3A_689 = vector.shape_cast %broadcast_in_dim3A_9 : vector<16xi32> to vector<16x1xi32>
        %gather3A_690 = vector.shape_cast %broadcast_in_dim3A_689 : vector<16x1xi32> to vector<16xi32>
        %gather3A_691 = tpu.dynamic_gather %masked_cumsum3A_675[%gather3A_690] in [0] : vector<16xi32>, vector<16xi32> -> vector<16xi32>
        %add3A_692 = arith.addi %add3A_666, %gather3A_691 : vector<16xi32>
        %ge3A_693 = arith.cmpi sge, %get3A_82, %scan3A_95#0 : vector<16xi32>
        %jit3A_694 = arith.constant 1 : i32
        %jit3A_695 = arith.constant 0 : i32
        %broadcast_in_dim3A_696 = vector.broadcast %jit3A_694 : i32 to vector<16xi32>
        %broadcast_in_dim3A_697 = vector.broadcast %jit3A_695 : i32 to vector<16xi32>
        %select_n3A_698 = arith.select %ge3A_693, %broadcast_in_dim3A_696, %broadcast_in_dim3A_697 : vector<16xi1>, vector<16xi32>
        %broadcast_in_dim3A_699 = arith.constant true
        %broadcast_in_dim3A_700 = vector.broadcast %broadcast_in_dim3A_699 : i1 to vector<16xi1>
        %masked_cumsum3A_701 = tpu.scan <sum>, %select_n3A_698 masked %broadcast_in_dim3A_700 : vector<16xi32>, vector<16xi1> -> vector<16xi32>
        %add3A_702 = arith.addi %add3A_692, %masked_cumsum3A_701 : vector<16xi32>
        %sub3A_703 = arith.constant 1 : i32
        %sub3A_704 = vector.broadcast %sub3A_703 : i32 to vector<16xi32>
        %sub3A_705 = arith.subi %add3A_702, %sub3A_704 : vector<16xi32>
        %add3A_706 = arith.addi %sub3A_705, %scan3A_27 : vector<16xi32>
        %lt3A_707 = arith.constant 0 : i32
        %lt3A_708 = vector.broadcast %lt3A_707 : i32 to vector<16xi32>
        %lt3A_709 = arith.cmpi slt, %get3A_82, %lt3A_708 : vector<16xi32>
        %xor3A_710 = arith.constant 2147483647 : i32
        %xor3A_711 = vector.broadcast %xor3A_710 : i32 to vector<16xi32>
        %xor3A_712 = arith.xori %get3A_82, %xor3A_711 : vector<16xi32>
        %select_n3A_713 = arith.select %lt3A_709, %xor3A_712, %get3A_82 : vector<16xi1>, vector<16xi32>
        %bitcast_convert_type3A_714 = tpu.bitcast %select_n3A_713 : vector<16xi32> -> vector<16xf32>
        tpu.vector_store_idx %arg9[%add3A_706], %bitcast_convert_type3A_714 masked %ge3A_693 : memref<4096xf32, #tpu.memory_space<vmem>>[vector<16xi32>], vector<16xf32>, vector<16xi1>
        %broadcast_in_dim3A_715 = vector.shape_cast %broadcast_in_dim3A_9 : vector<16xi32> to vector<16x1xi32>
        %gather3A_716 = vector.shape_cast %broadcast_in_dim3A_715 : vector<16x1xi32> to vector<16xi32>
        %gather3A_717 = tpu.dynamic_gather %masked_cumsum3A_701[%gather3A_716] in [0] : vector<16xi32>, vector<16xi32> -> vector<16xi32>
        %add3A_718 = arith.addi %add3A_692, %gather3A_717 : vector<16xi32>
        %ge3A_719 = arith.cmpi sge, %get3A_84, %scan3A_95#0 : vector<16xi32>
        %jit3A_720 = arith.constant 1 : i32
        %jit3A_721 = arith.constant 0 : i32
        %broadcast_in_dim3A_722 = vector.broadcast %jit3A_720 : i32 to vector<16xi32>
        %broadcast_in_dim3A_723 = vector.broadcast %jit3A_721 : i32 to vector<16xi32>
        %select_n3A_724 = arith.select %ge3A_719, %broadcast_in_dim3A_722, %broadcast_in_dim3A_723 : vector<16xi1>, vector<16xi32>
        %broadcast_in_dim3A_725 = arith.constant true
        %broadcast_in_dim3A_726 = vector.broadcast %broadcast_in_dim3A_725 : i1 to vector<16xi1>
        %masked_cumsum3A_727 = tpu.scan <sum>, %select_n3A_724 masked %broadcast_in_dim3A_726 : vector<16xi32>, vector<16xi1> -> vector<16xi32>
        %add3A_728 = arith.addi %add3A_718, %masked_cumsum3A_727 : vector<16xi32>
        %sub3A_729 = arith.constant 1 : i32
        %sub3A_730 = vector.broadcast %sub3A_729 : i32 to vector<16xi32>
        %sub3A_731 = arith.subi %add3A_728, %sub3A_730 : vector<16xi32>
        %add3A_732 = arith.addi %sub3A_731, %scan3A_27 : vector<16xi32>
        %lt3A_733 = arith.constant 0 : i32
        %lt3A_734 = vector.broadcast %lt3A_733 : i32 to vector<16xi32>
        %lt3A_735 = arith.cmpi slt, %get3A_84, %lt3A_734 : vector<16xi32>
        %xor3A_736 = arith.constant 2147483647 : i32
        %xor3A_737 = vector.broadcast %xor3A_736 : i32 to vector<16xi32>
        %xor3A_738 = arith.xori %get3A_84, %xor3A_737 : vector<16xi32>
        %select_n3A_739 = arith.select %lt3A_735, %xor3A_738, %get3A_84 : vector<16xi1>, vector<16xi32>
        %bitcast_convert_type3A_740 = tpu.bitcast %select_n3A_739 : vector<16xi32> -> vector<16xf32>
        tpu.vector_store_idx %arg9[%add3A_732], %bitcast_convert_type3A_740 masked %ge3A_719 : memref<4096xf32, #tpu.memory_space<vmem>>[vector<16xi32>], vector<16xf32>, vector<16xi1>
        %broadcast_in_dim3A_741 = vector.shape_cast %broadcast_in_dim3A_9 : vector<16xi32> to vector<16x1xi32>
        %gather3A_742 = vector.shape_cast %broadcast_in_dim3A_741 : vector<16x1xi32> to vector<16xi32>
        %gather3A_743 = tpu.dynamic_gather %masked_cumsum3A_727[%gather3A_742] in [0] : vector<16xi32>, vector<16xi32> -> vector<16xi32>
        %add3A_744 = arith.addi %add3A_718, %gather3A_743 : vector<16xi32>
        %ge3A_745 = arith.cmpi sge, %get3A_86, %scan3A_95#0 : vector<16xi32>
        %jit3A_746 = arith.constant 1 : i32
        %jit3A_747 = arith.constant 0 : i32
        %broadcast_in_dim3A_748 = vector.broadcast %jit3A_746 : i32 to vector<16xi32>
        %broadcast_in_dim3A_749 = vector.broadcast %jit3A_747 : i32 to vector<16xi32>
        %select_n3A_750 = arith.select %ge3A_745, %broadcast_in_dim3A_748, %broadcast_in_dim3A_749 : vector<16xi1>, vector<16xi32>
        %broadcast_in_dim3A_751 = arith.constant true
        %broadcast_in_dim3A_752 = vector.broadcast %broadcast_in_dim3A_751 : i1 to vector<16xi1>
        %masked_cumsum3A_753 = tpu.scan <sum>, %select_n3A_750 masked %broadcast_in_dim3A_752 : vector<16xi32>, vector<16xi1> -> vector<16xi32>
        %add3A_754 = arith.addi %add3A_744, %masked_cumsum3A_753 : vector<16xi32>
        %sub3A_755 = arith.constant 1 : i32
        %sub3A_756 = vector.broadcast %sub3A_755 : i32 to vector<16xi32>
        %sub3A_757 = arith.subi %add3A_754, %sub3A_756 : vector<16xi32>
        %add3A_758 = arith.addi %sub3A_757, %scan3A_27 : vector<16xi32>
        %lt3A_759 = arith.constant 0 : i32
        %lt3A_760 = vector.broadcast %lt3A_759 : i32 to vector<16xi32>
        %lt3A_761 = arith.cmpi slt, %get3A_86, %lt3A_760 : vector<16xi32>
        %xor3A_762 = arith.constant 2147483647 : i32
        %xor3A_763 = vector.broadcast %xor3A_762 : i32 to vector<16xi32>
        %xor3A_764 = arith.xori %get3A_86, %xor3A_763 : vector<16xi32>
        %select_n3A_765 = arith.select %lt3A_761, %xor3A_764, %get3A_86 : vector<16xi1>, vector<16xi32>
        %bitcast_convert_type3A_766 = tpu.bitcast %select_n3A_765 : vector<16xi32> -> vector<16xf32>
        tpu.vector_store_idx %arg9[%add3A_758], %bitcast_convert_type3A_766 masked %ge3A_745 : memref<4096xf32, #tpu.memory_space<vmem>>[vector<16xi32>], vector<16xf32>, vector<16xi1>
        %broadcast_in_dim3A_767 = vector.shape_cast %broadcast_in_dim3A_9 : vector<16xi32> to vector<16x1xi32>
        %gather3A_768 = vector.shape_cast %broadcast_in_dim3A_767 : vector<16x1xi32> to vector<16xi32>
        %gather3A_769 = tpu.dynamic_gather %masked_cumsum3A_753[%gather3A_768] in [0] : vector<16xi32>, vector<16xi32> -> vector<16xi32>
        %add3A_770 = arith.addi %add3A_744, %gather3A_769 : vector<16xi32>
        %ge3A_771 = arith.cmpi sge, %get3A_88, %scan3A_95#0 : vector<16xi32>
        %jit3A_772 = arith.constant 1 : i32
        %jit3A_773 = arith.constant 0 : i32
        %broadcast_in_dim3A_774 = vector.broadcast %jit3A_772 : i32 to vector<16xi32>
        %broadcast_in_dim3A_775 = vector.broadcast %jit3A_773 : i32 to vector<16xi32>
        %select_n3A_776 = arith.select %ge3A_771, %broadcast_in_dim3A_774, %broadcast_in_dim3A_775 : vector<16xi1>, vector<16xi32>
        %broadcast_in_dim3A_777 = arith.constant true
        %broadcast_in_dim3A_778 = vector.broadcast %broadcast_in_dim3A_777 : i1 to vector<16xi1>
        %masked_cumsum3A_779 = tpu.scan <sum>, %select_n3A_776 masked %broadcast_in_dim3A_778 : vector<16xi32>, vector<16xi1> -> vector<16xi32>
        %add3A_780 = arith.addi %add3A_770, %masked_cumsum3A_779 : vector<16xi32>
        %sub3A_781 = arith.constant 1 : i32
        %sub3A_782 = vector.broadcast %sub3A_781 : i32 to vector<16xi32>
        %sub3A_783 = arith.subi %add3A_780, %sub3A_782 : vector<16xi32>
        %add3A_784 = arith.addi %sub3A_783, %scan3A_27 : vector<16xi32>
        %lt3A_785 = arith.constant 0 : i32
        %lt3A_786 = vector.broadcast %lt3A_785 : i32 to vector<16xi32>
        %lt3A_787 = arith.cmpi slt, %get3A_88, %lt3A_786 : vector<16xi32>
        %xor3A_788 = arith.constant 2147483647 : i32
        %xor3A_789 = vector.broadcast %xor3A_788 : i32 to vector<16xi32>
        %xor3A_790 = arith.xori %get3A_88, %xor3A_789 : vector<16xi32>
        %select_n3A_791 = arith.select %lt3A_787, %xor3A_790, %get3A_88 : vector<16xi1>, vector<16xi32>
        %bitcast_convert_type3A_792 = tpu.bitcast %select_n3A_791 : vector<16xi32> -> vector<16xf32>
        tpu.vector_store_idx %arg9[%add3A_784], %bitcast_convert_type3A_792 masked %ge3A_771 : memref<4096xf32, #tpu.memory_space<vmem>>[vector<16xi32>], vector<16xf32>, vector<16xi1>
        %broadcast_in_dim3A_793 = vector.shape_cast %broadcast_in_dim3A_9 : vector<16xi32> to vector<16x1xi32>
        %gather3A_794 = vector.shape_cast %broadcast_in_dim3A_793 : vector<16x1xi32> to vector<16xi32>
        %gather3A_795 = tpu.dynamic_gather %masked_cumsum3A_779[%gather3A_794] in [0] : vector<16xi32>, vector<16xi32> -> vector<16xi32>
        %add3A_796 = arith.addi %add3A_770, %gather3A_795 : vector<16xi32>
        %ge3A_797 = arith.cmpi sge, %get3A_90, %scan3A_95#0 : vector<16xi32>
        %jit3A_798 = arith.constant 1 : i32
        %jit3A_799 = arith.constant 0 : i32
        %broadcast_in_dim3A_800 = vector.broadcast %jit3A_798 : i32 to vector<16xi32>
        %broadcast_in_dim3A_801 = vector.broadcast %jit3A_799 : i32 to vector<16xi32>
        %select_n3A_802 = arith.select %ge3A_797, %broadcast_in_dim3A_800, %broadcast_in_dim3A_801 : vector<16xi1>, vector<16xi32>
        %broadcast_in_dim3A_803 = arith.constant true
        %broadcast_in_dim3A_804 = vector.broadcast %broadcast_in_dim3A_803 : i1 to vector<16xi1>
        %masked_cumsum3A_805 = tpu.scan <sum>, %select_n3A_802 masked %broadcast_in_dim3A_804 : vector<16xi32>, vector<16xi1> -> vector<16xi32>
        %add3A_806 = arith.addi %add3A_796, %masked_cumsum3A_805 : vector<16xi32>
        %sub3A_807 = arith.constant 1 : i32
        %sub3A_808 = vector.broadcast %sub3A_807 : i32 to vector<16xi32>
        %sub3A_809 = arith.subi %add3A_806, %sub3A_808 : vector<16xi32>
        %add3A_810 = arith.addi %sub3A_809, %scan3A_27 : vector<16xi32>
        %lt3A_811 = arith.constant 0 : i32
        %lt3A_812 = vector.broadcast %lt3A_811 : i32 to vector<16xi32>
        %lt3A_813 = arith.cmpi slt, %get3A_90, %lt3A_812 : vector<16xi32>
        %xor3A_814 = arith.constant 2147483647 : i32
        %xor3A_815 = vector.broadcast %xor3A_814 : i32 to vector<16xi32>
        %xor3A_816 = arith.xori %get3A_90, %xor3A_815 : vector<16xi32>
        %select_n3A_817 = arith.select %lt3A_813, %xor3A_816, %get3A_90 : vector<16xi1>, vector<16xi32>
        %bitcast_convert_type3A_818 = tpu.bitcast %select_n3A_817 : vector<16xi32> -> vector<16xf32>
        tpu.vector_store_idx %arg9[%add3A_810], %bitcast_convert_type3A_818 masked %ge3A_797 : memref<4096xf32, #tpu.memory_space<vmem>>[vector<16xi32>], vector<16xf32>, vector<16xi1>
        %broadcast_in_dim3A_819 = vector.shape_cast %broadcast_in_dim3A_9 : vector<16xi32> to vector<16x1xi32>
        %gather3A_820 = vector.shape_cast %broadcast_in_dim3A_819 : vector<16x1xi32> to vector<16xi32>
        %gather3A_821 = tpu.dynamic_gather %masked_cumsum3A_805[%gather3A_820] in [0] : vector<16xi32>, vector<16xi32> -> vector<16xi32>
        %add3A_822 = arith.addi %add3A_796, %gather3A_821 : vector<16xi32>
        %while3A_823:2 = scf.while (%while3A_824 = %broadcast_in_dim3A_15, %while3A_825 = %add3A_822) : (vector<16xi32>, vector<16xi32>) -> (vector<16xi32>, vector<16xi32>) {
          %lt3A_826 = arith.cmpi slt, %while3A_824, %shift_left3A_70 : vector<16xi32>
          %reduce_or3A_827 = arith.constant 1.000000e+00 : f32
          %reduce_or3A_828 = arith.constant 0.000000e+00 : f32
          %reduce_or3A_829 = vector.broadcast %reduce_or3A_827 : f32 to vector<16xf32>
          %reduce_or3A_830 = vector.broadcast %reduce_or3A_828 : f32 to vector<16xf32>
          %reduce_or3A_831 = arith.select %lt3A_826, %reduce_or3A_829, %reduce_or3A_830 : vector<16xi1>, vector<16xf32>
          %reduce_or3A_832 = arith.constant true
          %reduce_or3A_833 = vector.broadcast %reduce_or3A_832 : i1 to vector<16xi1>
          %reduce_or3A_834 = tpu.scan <max>, %reduce_or3A_831 masked %reduce_or3A_833 : vector<16xf32>, vector<16xi1> -> vector<16xf32>
          %reduce_or3A_835 = vector.extract %reduce_or3A_834[15] : f32 from vector<16xf32>
          %reduce_or3A_836 = arith.constant 0.000000e+00 : f32
          %reduce_or3A_837 = arith.cmpf ogt, %reduce_or3A_835, %reduce_or3A_836 : f32
          scf.condition(%reduce_or3A_837) %while3A_824, %while3A_825 : vector<16xi32>, vector<16xi32>
        } do {
        ^bb0(%while3A_824: vector<16xi32>, %while3A_825: vector<16xi32>):
          %add3A_826 = arith.addi %iota3A, %while3A_824 : vector<16xi32>
          %gather3A_827 = tpu.vector_load_idx %arg7[%add3A_826] : memref<4096xi32, #tpu.memory_space<vmem>>[vector<16xi32>], vector<16xi32>,
          %add3A_828 = arith.constant 16 : i32
          %add3A_829 = vector.broadcast %add3A_828 : i32 to vector<16xi32>
          %add3A_830 = arith.addi %while3A_824, %add3A_829 : vector<16xi32>
          %ge3A_831 = arith.cmpi sge, %gather3A_827, %scan3A_95#0 : vector<16xi32>
          %jit3A_832 = arith.constant 1 : i32
          %jit3A_833 = arith.constant 0 : i32
          %broadcast_in_dim3A_834 = vector.broadcast %jit3A_832 : i32 to vector<16xi32>
          %broadcast_in_dim3A_835 = vector.broadcast %jit3A_833 : i32 to vector<16xi32>
          %select_n3A_836 = arith.select %ge3A_831, %broadcast_in_dim3A_834, %broadcast_in_dim3A_835 : vector<16xi1>, vector<16xi32>
          %broadcast_in_dim3A_837 = arith.constant true
          %broadcast_in_dim3A_838 = vector.broadcast %broadcast_in_dim3A_837 : i1 to vector<16xi1>
          %masked_cumsum3A_839 = tpu.scan <sum>, %select_n3A_836 masked %broadcast_in_dim3A_838 : vector<16xi32>, vector<16xi1> -> vector<16xi32>
          %add3A_840 = arith.addi %while3A_825, %masked_cumsum3A_839 : vector<16xi32>
          %sub3A_841 = arith.constant 1 : i32
          %sub3A_842 = vector.broadcast %sub3A_841 : i32 to vector<16xi32>
          %sub3A_843 = arith.subi %add3A_840, %sub3A_842 : vector<16xi32>
          %add3A_844 = arith.addi %sub3A_843, %scan3A_27 : vector<16xi32>
          %lt3A_845 = arith.constant 0 : i32
          %lt3A_846 = vector.broadcast %lt3A_845 : i32 to vector<16xi32>
          %lt3A_847 = arith.cmpi slt, %gather3A_827, %lt3A_846 : vector<16xi32>
          %xor3A_848 = arith.constant 2147483647 : i32
          %xor3A_849 = vector.broadcast %xor3A_848 : i32 to vector<16xi32>
          %xor3A_850 = arith.xori %gather3A_827, %xor3A_849 : vector<16xi32>
          %select_n3A_851 = arith.select %lt3A_847, %xor3A_850, %gather3A_827 : vector<16xi1>, vector<16xi32>
          %bitcast_convert_type3A_852 = tpu.bitcast %select_n3A_851 : vector<16xi32> -> vector<16xf32>
          tpu.vector_store_idx %arg9[%add3A_844], %bitcast_convert_type3A_852 masked %ge3A_831 : memref<4096xf32, #tpu.memory_space<vmem>>[vector<16xi32>], vector<16xf32>, vector<16xi1>
          %broadcast_in_dim3A_853 = vector.shape_cast %broadcast_in_dim3A_9 : vector<16xi32> to vector<16x1xi32>
          %gather3A_854 = vector.shape_cast %broadcast_in_dim3A_853 : vector<16x1xi32> to vector<16xi32>
          %gather3A_855 = tpu.dynamic_gather %masked_cumsum3A_839[%gather3A_854] in [0] : vector<16xi32>, vector<16xi32> -> vector<16xi32>
          %add3A_856 = arith.addi %while3A_825, %gather3A_855 : vector<16xi32>
          scf.yield %add3A_830, %add3A_856 : vector<16xi32>, vector<16xi32>
        }
      } else {
      }
      %ne3A = arith.cmpi ne, %gather3A_266, %broadcast_in_dim3A_7 : vector<16xi32>
      %reduce_or3A = arith.constant 1.000000e+00 : f32
      %reduce_or3A_290 = arith.constant 0.000000e+00 : f32
      %reduce_or3A_291 = vector.broadcast %reduce_or3A : f32 to vector<16xf32>
      %reduce_or3A_292 = vector.broadcast %reduce_or3A_290 : f32 to vector<16xf32>
      %reduce_or3A_293 = arith.select %ne3A, %reduce_or3A_291, %reduce_or3A_292 : vector<16xi1>, vector<16xf32>
      %reduce_or3A_294 = arith.constant true
      %reduce_or3A_295 = vector.broadcast %reduce_or3A_294 : i1 to vector<16xi1>
      %reduce_or3A_296 = tpu.scan <max>, %reduce_or3A_293 masked %reduce_or3A_295 : vector<16xf32>, vector<16xi1> -> vector<16xf32>
      %reduce_or3A_297 = vector.extract %reduce_or3A_296[15] : f32 from vector<16xf32>
      %reduce_or3A_298 = arith.constant 0.000000e+00 : f32
      %reduce_or3A_299 = arith.cmpf ogt, %reduce_or3A_297, %reduce_or3A_298 : f32
      %convert_element_type3A_300 = arith.extui %reduce_or3A_299 : i1 to i32
      %cond3A_301 = arith.constant 0 : i32
      %cond3A_302 = arith.cmpi ne, %convert_element_type3A_300, %cond3A_301 : i32
      scf.if %cond3A_302 {
        %add3A_617 = arith.constant 1 : i32
        %add3A_618 = vector.broadcast %add3A_617 : i32 to vector<16xi32>
        %add3A_619 = arith.addi %scan3A_95#0, %add3A_618 : vector<16xi32>
        %ge3A_620 = arith.cmpi sge, %get3A_76, %add3A_619 : vector<16xi32>
        %jit3A_621 = arith.constant 1 : i32
        %jit3A_622 = arith.constant 0 : i32
        %broadcast_in_dim3A_623 = vector.broadcast %jit3A_621 : i32 to vector<16xi32>
        %broadcast_in_dim3A_624 = vector.broadcast %jit3A_622 : i32 to vector<16xi32>
        %select_n3A_625 = arith.select %ge3A_620, %broadcast_in_dim3A_623, %broadcast_in_dim3A_624 : vector<16xi1>, vector<16xi32>
        %add3A_626 = arith.addi %broadcast_in_dim3A_3, %select_n3A_625 : vector<16xi32>
        %ge3A_627 = arith.cmpi sge, %get3A_76, %add3A_619 : vector<16xi32>
        %jit3A_628 = arith.constant 1 : i32
        %jit3A_629 = arith.constant 0 : i32
        %broadcast_in_dim3A_630 = vector.broadcast %jit3A_628 : i32 to vector<16xi32>
        %broadcast_in_dim3A_631 = vector.broadcast %jit3A_629 : i32 to vector<16xi32>
        %select_n3A_632 = arith.select %ge3A_627, %broadcast_in_dim3A_630, %broadcast_in_dim3A_631 : vector<16xi1>, vector<16xi32>
        %add3A_633 = arith.addi %broadcast_in_dim3A_3, %select_n3A_632 : vector<16xi32>
        %ge3A_634 = arith.cmpi sge, %get3A_76, %add3A_619 : vector<16xi32>
        %jit3A_635 = arith.constant 1 : i32
        %jit3A_636 = arith.constant 0 : i32
        %broadcast_in_dim3A_637 = vector.broadcast %jit3A_635 : i32 to vector<16xi32>
        %broadcast_in_dim3A_638 = vector.broadcast %jit3A_636 : i32 to vector<16xi32>
        %select_n3A_639 = arith.select %ge3A_634, %broadcast_in_dim3A_637, %broadcast_in_dim3A_638 : vector<16xi1>, vector<16xi32>
        %add3A_640 = arith.addi %broadcast_in_dim3A_3, %select_n3A_639 : vector<16xi32>
        %ge3A_641 = arith.cmpi sge, %get3A_78, %add3A_619 : vector<16xi32>
        %jit3A_642 = arith.constant 1 : i32
        %jit3A_643 = arith.constant 0 : i32
        %broadcast_in_dim3A_644 = vector.broadcast %jit3A_642 : i32 to vector<16xi32>
        %broadcast_in_dim3A_645 = vector.broadcast %jit3A_643 : i32 to vector<16xi32>
        %select_n3A_646 = arith.select %ge3A_641, %broadcast_in_dim3A_644, %broadcast_in_dim3A_645 : vector<16xi1>, vector<16xi32>
        %add3A_647 = arith.addi %add3A_626, %select_n3A_646 : vector<16xi32>
        %ge3A_648 = arith.cmpi sge, %get3A_78, %add3A_619 : vector<16xi32>
        %jit3A_649 = arith.constant 1 : i32
        %jit3A_650 = arith.constant 0 : i32
        %broadcast_in_dim3A_651 = vector.broadcast %jit3A_649 : i32 to vector<16xi32>
        %broadcast_in_dim3A_652 = vector.broadcast %jit3A_650 : i32 to vector<16xi32>
        %select_n3A_653 = arith.select %ge3A_648, %broadcast_in_dim3A_651, %broadcast_in_dim3A_652 : vector<16xi1>, vector<16xi32>
        %add3A_654 = arith.addi %add3A_633, %select_n3A_653 : vector<16xi32>
        %ge3A_655 = arith.cmpi sge, %get3A_78, %add3A_619 : vector<16xi32>
        %jit3A_656 = arith.constant 1 : i32
        %jit3A_657 = arith.constant 0 : i32
        %broadcast_in_dim3A_658 = vector.broadcast %jit3A_656 : i32 to vector<16xi32>
        %broadcast_in_dim3A_659 = vector.broadcast %jit3A_657 : i32 to vector<16xi32>
        %select_n3A_660 = arith.select %ge3A_655, %broadcast_in_dim3A_658, %broadcast_in_dim3A_659 : vector<16xi1>, vector<16xi32>
        %add3A_661 = arith.addi %add3A_640, %select_n3A_660 : vector<16xi32>
        %ge3A_662 = arith.cmpi sge, %get3A_80, %add3A_619 : vector<16xi32>
        %jit3A_663 = arith.constant 1 : i32
        %jit3A_664 = arith.constant 0 : i32
        %broadcast_in_dim3A_665 = vector.broadcast %jit3A_663 : i32 to vector<16xi32>
        %broadcast_in_dim3A_666 = vector.broadcast %jit3A_664 : i32 to vector<16xi32>
        %select_n3A_667 = arith.select %ge3A_662, %broadcast_in_dim3A_665, %broadcast_in_dim3A_666 : vector<16xi1>, vector<16xi32>
        %add3A_668 = arith.addi %add3A_647, %select_n3A_667 : vector<16xi32>
        %ge3A_669 = arith.cmpi sge, %get3A_80, %add3A_619 : vector<16xi32>
        %jit3A_670 = arith.constant 1 : i32
        %jit3A_671 = arith.constant 0 : i32
        %broadcast_in_dim3A_672 = vector.broadcast %jit3A_670 : i32 to vector<16xi32>
        %broadcast_in_dim3A_673 = vector.broadcast %jit3A_671 : i32 to vector<16xi32>
        %select_n3A_674 = arith.select %ge3A_669, %broadcast_in_dim3A_672, %broadcast_in_dim3A_673 : vector<16xi1>, vector<16xi32>
        %add3A_675 = arith.addi %add3A_654, %select_n3A_674 : vector<16xi32>
        %ge3A_676 = arith.cmpi sge, %get3A_80, %add3A_619 : vector<16xi32>
        %jit3A_677 = arith.constant 1 : i32
        %jit3A_678 = arith.constant 0 : i32
        %broadcast_in_dim3A_679 = vector.broadcast %jit3A_677 : i32 to vector<16xi32>
        %broadcast_in_dim3A_680 = vector.broadcast %jit3A_678 : i32 to vector<16xi32>
        %select_n3A_681 = arith.select %ge3A_676, %broadcast_in_dim3A_679, %broadcast_in_dim3A_680 : vector<16xi1>, vector<16xi32>
        %add3A_682 = arith.addi %add3A_661, %select_n3A_681 : vector<16xi32>
        %ge3A_683 = arith.cmpi sge, %get3A_82, %add3A_619 : vector<16xi32>
        %jit3A_684 = arith.constant 1 : i32
        %jit3A_685 = arith.constant 0 : i32
        %broadcast_in_dim3A_686 = vector.broadcast %jit3A_684 : i32 to vector<16xi32>
        %broadcast_in_dim3A_687 = vector.broadcast %jit3A_685 : i32 to vector<16xi32>
        %select_n3A_688 = arith.select %ge3A_683, %broadcast_in_dim3A_686, %broadcast_in_dim3A_687 : vector<16xi1>, vector<16xi32>
        %add3A_689 = arith.addi %add3A_668, %select_n3A_688 : vector<16xi32>
        %ge3A_690 = arith.cmpi sge, %get3A_82, %add3A_619 : vector<16xi32>
        %jit3A_691 = arith.constant 1 : i32
        %jit3A_692 = arith.constant 0 : i32
        %broadcast_in_dim3A_693 = vector.broadcast %jit3A_691 : i32 to vector<16xi32>
        %broadcast_in_dim3A_694 = vector.broadcast %jit3A_692 : i32 to vector<16xi32>
        %select_n3A_695 = arith.select %ge3A_690, %broadcast_in_dim3A_693, %broadcast_in_dim3A_694 : vector<16xi1>, vector<16xi32>
        %add3A_696 = arith.addi %add3A_675, %select_n3A_695 : vector<16xi32>
        %ge3A_697 = arith.cmpi sge, %get3A_82, %add3A_619 : vector<16xi32>
        %jit3A_698 = arith.constant 1 : i32
        %jit3A_699 = arith.constant 0 : i32
        %broadcast_in_dim3A_700 = vector.broadcast %jit3A_698 : i32 to vector<16xi32>
        %broadcast_in_dim3A_701 = vector.broadcast %jit3A_699 : i32 to vector<16xi32>
        %select_n3A_702 = arith.select %ge3A_697, %broadcast_in_dim3A_700, %broadcast_in_dim3A_701 : vector<16xi1>, vector<16xi32>
        %add3A_703 = arith.addi %add3A_682, %select_n3A_702 : vector<16xi32>
        %ge3A_704 = arith.cmpi sge, %get3A_84, %add3A_619 : vector<16xi32>
        %jit3A_705 = arith.constant 1 : i32
        %jit3A_706 = arith.constant 0 : i32
        %broadcast_in_dim3A_707 = vector.broadcast %jit3A_705 : i32 to vector<16xi32>
        %broadcast_in_dim3A_708 = vector.broadcast %jit3A_706 : i32 to vector<16xi32>
        %select_n3A_709 = arith.select %ge3A_704, %broadcast_in_dim3A_707, %broadcast_in_dim3A_708 : vector<16xi1>, vector<16xi32>
        %add3A_710 = arith.addi %add3A_689, %select_n3A_709 : vector<16xi32>
        %ge3A_711 = arith.cmpi sge, %get3A_84, %add3A_619 : vector<16xi32>
        %jit3A_712 = arith.constant 1 : i32
        %jit3A_713 = arith.constant 0 : i32
        %broadcast_in_dim3A_714 = vector.broadcast %jit3A_712 : i32 to vector<16xi32>
        %broadcast_in_dim3A_715 = vector.broadcast %jit3A_713 : i32 to vector<16xi32>
        %select_n3A_716 = arith.select %ge3A_711, %broadcast_in_dim3A_714, %broadcast_in_dim3A_715 : vector<16xi1>, vector<16xi32>
        %add3A_717 = arith.addi %add3A_696, %select_n3A_716 : vector<16xi32>
        %ge3A_718 = arith.cmpi sge, %get3A_84, %add3A_619 : vector<16xi32>
        %jit3A_719 = arith.constant 1 : i32
        %jit3A_720 = arith.constant 0 : i32
        %broadcast_in_dim3A_721 = vector.broadcast %jit3A_719 : i32 to vector<16xi32>
        %broadcast_in_dim3A_722 = vector.broadcast %jit3A_720 : i32 to vector<16xi32>
        %select_n3A_723 = arith.select %ge3A_718, %broadcast_in_dim3A_721, %broadcast_in_dim3A_722 : vector<16xi1>, vector<16xi32>
        %add3A_724 = arith.addi %add3A_703, %select_n3A_723 : vector<16xi32>
        %ge3A_725 = arith.cmpi sge, %get3A_86, %add3A_619 : vector<16xi32>
        %jit3A_726 = arith.constant 1 : i32
        %jit3A_727 = arith.constant 0 : i32
        %broadcast_in_dim3A_728 = vector.broadcast %jit3A_726 : i32 to vector<16xi32>
        %broadcast_in_dim3A_729 = vector.broadcast %jit3A_727 : i32 to vector<16xi32>
        %select_n3A_730 = arith.select %ge3A_725, %broadcast_in_dim3A_728, %broadcast_in_dim3A_729 : vector<16xi1>, vector<16xi32>
        %add3A_731 = arith.addi %add3A_710, %select_n3A_730 : vector<16xi32>
        %ge3A_732 = arith.cmpi sge, %get3A_86, %add3A_619 : vector<16xi32>
        %jit3A_733 = arith.constant 1 : i32
        %jit3A_734 = arith.constant 0 : i32
        %broadcast_in_dim3A_735 = vector.broadcast %jit3A_733 : i32 to vector<16xi32>
        %broadcast_in_dim3A_736 = vector.broadcast %jit3A_734 : i32 to vector<16xi32>
        %select_n3A_737 = arith.select %ge3A_732, %broadcast_in_dim3A_735, %broadcast_in_dim3A_736 : vector<16xi1>, vector<16xi32>
        %add3A_738 = arith.addi %add3A_717, %select_n3A_737 : vector<16xi32>
        %ge3A_739 = arith.cmpi sge, %get3A_86, %add3A_619 : vector<16xi32>
        %jit3A_740 = arith.constant 1 : i32
        %jit3A_741 = arith.constant 0 : i32
        %broadcast_in_dim3A_742 = vector.broadcast %jit3A_740 : i32 to vector<16xi32>
        %broadcast_in_dim3A_743 = vector.broadcast %jit3A_741 : i32 to vector<16xi32>
        %select_n3A_744 = arith.select %ge3A_739, %broadcast_in_dim3A_742, %broadcast_in_dim3A_743 : vector<16xi1>, vector<16xi32>
        %add3A_745 = arith.addi %add3A_724, %select_n3A_744 : vector<16xi32>
        %ge3A_746 = arith.cmpi sge, %get3A_88, %add3A_619 : vector<16xi32>
        %jit3A_747 = arith.constant 1 : i32
        %jit3A_748 = arith.constant 0 : i32
        %broadcast_in_dim3A_749 = vector.broadcast %jit3A_747 : i32 to vector<16xi32>
        %broadcast_in_dim3A_750 = vector.broadcast %jit3A_748 : i32 to vector<16xi32>
        %select_n3A_751 = arith.select %ge3A_746, %broadcast_in_dim3A_749, %broadcast_in_dim3A_750 : vector<16xi1>, vector<16xi32>
        %add3A_752 = arith.addi %add3A_731, %select_n3A_751 : vector<16xi32>
        %ge3A_753 = arith.cmpi sge, %get3A_88, %add3A_619 : vector<16xi32>
        %jit3A_754 = arith.constant 1 : i32
        %jit3A_755 = arith.constant 0 : i32
        %broadcast_in_dim3A_756 = vector.broadcast %jit3A_754 : i32 to vector<16xi32>
        %broadcast_in_dim3A_757 = vector.broadcast %jit3A_755 : i32 to vector<16xi32>
        %select_n3A_758 = arith.select %ge3A_753, %broadcast_in_dim3A_756, %broadcast_in_dim3A_757 : vector<16xi1>, vector<16xi32>
        %add3A_759 = arith.addi %add3A_738, %select_n3A_758 : vector<16xi32>
        %ge3A_760 = arith.cmpi sge, %get3A_88, %add3A_619 : vector<16xi32>
        %jit3A_761 = arith.constant 1 : i32
        %jit3A_762 = arith.constant 0 : i32
        %broadcast_in_dim3A_763 = vector.broadcast %jit3A_761 : i32 to vector<16xi32>
        %broadcast_in_dim3A_764 = vector.broadcast %jit3A_762 : i32 to vector<16xi32>
        %select_n3A_765 = arith.select %ge3A_760, %broadcast_in_dim3A_763, %broadcast_in_dim3A_764 : vector<16xi1>, vector<16xi32>
        %add3A_766 = arith.addi %add3A_745, %select_n3A_765 : vector<16xi32>
        %ge3A_767 = arith.cmpi sge, %get3A_90, %add3A_619 : vector<16xi32>
        %jit3A_768 = arith.constant 1 : i32
        %jit3A_769 = arith.constant 0 : i32
        %broadcast_in_dim3A_770 = vector.broadcast %jit3A_768 : i32 to vector<16xi32>
        %broadcast_in_dim3A_771 = vector.broadcast %jit3A_769 : i32 to vector<16xi32>
        %select_n3A_772 = arith.select %ge3A_767, %broadcast_in_dim3A_770, %broadcast_in_dim3A_771 : vector<16xi1>, vector<16xi32>
        %add3A_773 = arith.addi %add3A_752, %select_n3A_772 : vector<16xi32>
        %ge3A_774 = arith.cmpi sge, %get3A_90, %add3A_619 : vector<16xi32>
        %jit3A_775 = arith.constant 1 : i32
        %jit3A_776 = arith.constant 0 : i32
        %broadcast_in_dim3A_777 = vector.broadcast %jit3A_775 : i32 to vector<16xi32>
        %broadcast_in_dim3A_778 = vector.broadcast %jit3A_776 : i32 to vector<16xi32>
        %select_n3A_779 = arith.select %ge3A_774, %broadcast_in_dim3A_777, %broadcast_in_dim3A_778 : vector<16xi1>, vector<16xi32>
        %add3A_780 = arith.addi %add3A_759, %select_n3A_779 : vector<16xi32>
        %ge3A_781 = arith.cmpi sge, %get3A_90, %add3A_619 : vector<16xi32>
        %jit3A_782 = arith.constant 1 : i32
        %jit3A_783 = arith.constant 0 : i32
        %broadcast_in_dim3A_784 = vector.broadcast %jit3A_782 : i32 to vector<16xi32>
        %broadcast_in_dim3A_785 = vector.broadcast %jit3A_783 : i32 to vector<16xi32>
        %select_n3A_786 = arith.select %ge3A_781, %broadcast_in_dim3A_784, %broadcast_in_dim3A_785 : vector<16xi1>, vector<16xi32>
        %add3A_787 = arith.addi %add3A_766, %select_n3A_786 : vector<16xi32>
        %while3A_788:4 = scf.while (%while3A_1140 = %broadcast_in_dim3A_15, %while3A_1141 = %add3A_773, %while3A_1142 = %add3A_780, %while3A_1143 = %add3A_787) : (vector<16xi32>, vector<16xi32>, vector<16xi32>, vector<16xi32>) -> (vector<16xi32>, vector<16xi32>, vector<16xi32>, vector<16xi32>) {
          %lt3A_1144 = arith.cmpi slt, %while3A_1140, %shift_left3A_70 : vector<16xi32>
          %reduce_or3A_1145 = arith.constant 1.000000e+00 : f32
          %reduce_or3A_1146 = arith.constant 0.000000e+00 : f32
          %reduce_or3A_1147 = vector.broadcast %reduce_or3A_1145 : f32 to vector<16xf32>
          %reduce_or3A_1148 = vector.broadcast %reduce_or3A_1146 : f32 to vector<16xf32>
          %reduce_or3A_1149 = arith.select %lt3A_1144, %reduce_or3A_1147, %reduce_or3A_1148 : vector<16xi1>, vector<16xf32>
          %reduce_or3A_1150 = arith.constant true
          %reduce_or3A_1151 = vector.broadcast %reduce_or3A_1150 : i1 to vector<16xi1>
          %reduce_or3A_1152 = tpu.scan <max>, %reduce_or3A_1149 masked %reduce_or3A_1151 : vector<16xf32>, vector<16xi1> -> vector<16xf32>
          %reduce_or3A_1153 = vector.extract %reduce_or3A_1152[15] : f32 from vector<16xf32>
          %reduce_or3A_1154 = arith.constant 0.000000e+00 : f32
          %reduce_or3A_1155 = arith.cmpf ogt, %reduce_or3A_1153, %reduce_or3A_1154 : f32
          scf.condition(%reduce_or3A_1155) %while3A_1140, %while3A_1141, %while3A_1142, %while3A_1143 : vector<16xi32>, vector<16xi32>, vector<16xi32>, vector<16xi32>
        } do {
        ^bb0(%while3A_1140: vector<16xi32>, %while3A_1141: vector<16xi32>, %while3A_1142: vector<16xi32>, %while3A_1143: vector<16xi32>):
          %add3A_1144 = arith.addi %iota3A, %while3A_1140 : vector<16xi32>
          %gather3A_1145 = tpu.vector_load_idx %arg7[%add3A_1144] : memref<4096xi32, #tpu.memory_space<vmem>>[vector<16xi32>], vector<16xi32>,
          %add3A_1146 = arith.constant 16 : i32
          %add3A_1147 = vector.broadcast %add3A_1146 : i32 to vector<16xi32>
          %add3A_1148 = arith.addi %while3A_1140, %add3A_1147 : vector<16xi32>
          %ge3A_1149 = arith.cmpi sge, %gather3A_1145, %add3A_619 : vector<16xi32>
          %jit3A_1150 = arith.constant 1 : i32
          %jit3A_1151 = arith.constant 0 : i32
          %broadcast_in_dim3A_1152 = vector.broadcast %jit3A_1150 : i32 to vector<16xi32>
          %broadcast_in_dim3A_1153 = vector.broadcast %jit3A_1151 : i32 to vector<16xi32>
          %select_n3A_1154 = arith.select %ge3A_1149, %broadcast_in_dim3A_1152, %broadcast_in_dim3A_1153 : vector<16xi1>, vector<16xi32>
          %add3A_1155 = arith.addi %while3A_1141, %select_n3A_1154 : vector<16xi32>
          %ge3A_1156 = arith.cmpi sge, %gather3A_1145, %add3A_619 : vector<16xi32>
          %jit3A_1157 = arith.constant 1 : i32
          %jit3A_1158 = arith.constant 0 : i32
          %broadcast_in_dim3A_1159 = vector.broadcast %jit3A_1157 : i32 to vector<16xi32>
          %broadcast_in_dim3A_1160 = vector.broadcast %jit3A_1158 : i32 to vector<16xi32>
          %select_n3A_1161 = arith.select %ge3A_1156, %broadcast_in_dim3A_1159, %broadcast_in_dim3A_1160 : vector<16xi1>, vector<16xi32>
          %add3A_1162 = arith.addi %while3A_1142, %select_n3A_1161 : vector<16xi32>
          %ge3A_1163 = arith.cmpi sge, %gather3A_1145, %add3A_619 : vector<16xi32>
          %jit3A_1164 = arith.constant 1 : i32
          %jit3A_1165 = arith.constant 0 : i32
          %broadcast_in_dim3A_1166 = vector.broadcast %jit3A_1164 : i32 to vector<16xi32>
          %broadcast_in_dim3A_1167 = vector.broadcast %jit3A_1165 : i32 to vector<16xi32>
          %select_n3A_1168 = arith.select %ge3A_1163, %broadcast_in_dim3A_1166, %broadcast_in_dim3A_1167 : vector<16xi1>, vector<16xi32>
          %add3A_1169 = arith.addi %while3A_1143, %select_n3A_1168 : vector<16xi32>
          scf.yield %add3A_1148, %add3A_1155, %add3A_1162, %add3A_1169 : vector<16xi32>, vector<16xi32>, vector<16xi32>, vector<16xi32>
        }
        %broadcast_in_dim3A_789 = arith.constant true
        %broadcast_in_dim3A_790 = vector.broadcast %broadcast_in_dim3A_789 : i1 to vector<16xi1>
        %masked_cumsum3A_791 = tpu.scan <sum>, %while3A_788#1 masked %broadcast_in_dim3A_790 : vector<16xi32>, vector<16xi1> -> vector<16xi32>
        %broadcast_in_dim3A_792 = vector.shape_cast %broadcast_in_dim3A_9 : vector<16xi32> to vector<16x1xi32>
        %gather3A_793 = vector.shape_cast %broadcast_in_dim3A_792 : vector<16x1xi32> to vector<16xi32>
        %gather3A_794 = tpu.dynamic_gather %masked_cumsum3A_791[%gather3A_793] in [0] : vector<16xi32>, vector<16xi32> -> vector<16xi32>
        %broadcast_in_dim3A_795 = arith.constant true
        %broadcast_in_dim3A_796 = vector.broadcast %broadcast_in_dim3A_795 : i1 to vector<16xi1>
        %masked_cumsum3A_797 = tpu.scan <sum>, %while3A_788#2 masked %broadcast_in_dim3A_796 : vector<16xi32>, vector<16xi1> -> vector<16xi32>
        %broadcast_in_dim3A_798 = vector.shape_cast %broadcast_in_dim3A_9 : vector<16xi32> to vector<16x1xi32>
        %gather3A_799 = vector.shape_cast %broadcast_in_dim3A_798 : vector<16x1xi32> to vector<16xi32>
        %gather3A_800 = tpu.dynamic_gather %masked_cumsum3A_797[%gather3A_799] in [0] : vector<16xi32>, vector<16xi32> -> vector<16xi32>
        %broadcast_in_dim3A_801 = arith.constant true
        %broadcast_in_dim3A_802 = vector.broadcast %broadcast_in_dim3A_801 : i1 to vector<16xi1>
        %masked_cumsum3A_803 = tpu.scan <sum>, %while3A_788#3 masked %broadcast_in_dim3A_802 : vector<16xi32>, vector<16xi1> -> vector<16xi32>
        %broadcast_in_dim3A_804 = vector.shape_cast %broadcast_in_dim3A_9 : vector<16xi32> to vector<16x1xi32>
        %gather3A_805 = vector.shape_cast %broadcast_in_dim3A_804 : vector<16x1xi32> to vector<16xi32>
        %gather3A_806 = tpu.dynamic_gather %masked_cumsum3A_803[%gather3A_805] in [0] : vector<16xi32>, vector<16xi32> -> vector<16xi32>
        %sub3A_807 = arith.subi %broadcast_in_dim3A_7, %gather3A_794 : vector<16xi32>
        %gt3A = arith.cmpi sgt, %get3A_76, %scan3A_95#0 : vector<16xi32>
        %eq3A_808 = arith.cmpi eq, %get3A_76, %scan3A_95#0 : vector<16xi32>
        %jit3A_809 = arith.constant 1 : i32
        %jit3A_810 = arith.constant 0 : i32
        %broadcast_in_dim3A_811 = vector.broadcast %jit3A_809 : i32 to vector<16xi32>
        %broadcast_in_dim3A_812 = vector.broadcast %jit3A_810 : i32 to vector<16xi32>
        %select_n3A_813 = arith.select %eq3A_808, %broadcast_in_dim3A_811, %broadcast_in_dim3A_812 : vector<16xi1>, vector<16xi32>
        %broadcast_in_dim3A_814 = arith.constant true
        %broadcast_in_dim3A_815 = vector.broadcast %broadcast_in_dim3A_814 : i1 to vector<16xi1>
        %masked_cumsum3A_816 = tpu.scan <sum>, %select_n3A_813 masked %broadcast_in_dim3A_815 : vector<16xi32>, vector<16xi1> -> vector<16xi32>
        %add3A_817 = arith.addi %masked_cumsum3A_816, %broadcast_in_dim3A_3 : vector<16xi32>
        %le3A = arith.cmpi sle, %add3A_817, %sub3A_807 : vector<16xi32>
        %and3A_818 = arith.andi %eq3A_808, %le3A : vector<16xi1>
        %or3A = arith.ori %gt3A, %and3A_818 : vector<16xi1>
        %jit3A_819 = arith.constant 1 : i32
        %jit3A_820 = arith.constant 0 : i32
        %broadcast_in_dim3A_821 = vector.broadcast %jit3A_819 : i32 to vector<16xi32>
        %broadcast_in_dim3A_822 = vector.broadcast %jit3A_820 : i32 to vector<16xi32>
        %select_n3A_823 = arith.select %or3A, %broadcast_in_dim3A_821, %broadcast_in_dim3A_822 : vector<16xi1>, vector<16xi32>
        %broadcast_in_dim3A_824 = arith.constant true
        %broadcast_in_dim3A_825 = vector.broadcast %broadcast_in_dim3A_824 : i1 to vector<16xi1>
        %masked_cumsum3A_826 = tpu.scan <sum>, %select_n3A_823 masked %broadcast_in_dim3A_825 : vector<16xi32>, vector<16xi1> -> vector<16xi32>
        %add3A_827 = arith.addi %broadcast_in_dim3A_3, %masked_cumsum3A_826 : vector<16xi32>
        %sub3A_828 = arith.constant 1 : i32
        %sub3A_829 = vector.broadcast %sub3A_828 : i32 to vector<16xi32>
        %sub3A_830 = arith.subi %add3A_827, %sub3A_829 : vector<16xi32>
        %add3A_831 = arith.addi %sub3A_830, %scan3A_27 : vector<16xi32>
        %lt3A_832 = arith.constant 0 : i32
        %lt3A_833 = vector.broadcast %lt3A_832 : i32 to vector<16xi32>
        %lt3A_834 = arith.cmpi slt, %get3A_76, %lt3A_833 : vector<16xi32>
        %xor3A = arith.constant 2147483647 : i32
        %xor3A_835 = vector.broadcast %xor3A : i32 to vector<16xi32>
        %xor3A_836 = arith.xori %get3A_76, %xor3A_835 : vector<16xi32>
        %select_n3A_837 = arith.select %lt3A_834, %xor3A_836, %get3A_76 : vector<16xi1>, vector<16xi32>
        %bitcast_convert_type3A = tpu.bitcast %select_n3A_837 : vector<16xi32> -> vector<16xf32>
        tpu.vector_store_idx %arg9[%add3A_831], %bitcast_convert_type3A masked %or3A : memref<4096xf32, #tpu.memory_space<vmem>>[vector<16xi32>], vector<16xf32>, vector<16xi1>
        %broadcast_in_dim3A_838 = vector.shape_cast %broadcast_in_dim3A_9 : vector<16xi32> to vector<16x1xi32>
        %gather3A_839 = vector.shape_cast %broadcast_in_dim3A_838 : vector<16x1xi32> to vector<16xi32>
        %gather3A_840 = tpu.dynamic_gather %add3A_817[%gather3A_839] in [0] : vector<16xi32>, vector<16xi32> -> vector<16xi32>
        %broadcast_in_dim3A_841 = vector.shape_cast %broadcast_in_dim3A_9 : vector<16xi32> to vector<16x1xi32>
        %gather3A_842 = vector.shape_cast %broadcast_in_dim3A_841 : vector<16x1xi32> to vector<16xi32>
        %gather3A_843 = tpu.dynamic_gather %masked_cumsum3A_826[%gather3A_842] in [0] : vector<16xi32>, vector<16xi32> -> vector<16xi32>
        %add3A_844 = arith.addi %broadcast_in_dim3A_3, %gather3A_843 : vector<16xi32>
        %gt3A_845 = arith.cmpi sgt, %get3A_78, %scan3A_95#0 : vector<16xi32>
        %eq3A_846 = arith.cmpi eq, %get3A_78, %scan3A_95#0 : vector<16xi32>
        %jit3A_847 = arith.constant 1 : i32
        %jit3A_848 = arith.constant 0 : i32
        %broadcast_in_dim3A_849 = vector.broadcast %jit3A_847 : i32 to vector<16xi32>
        %broadcast_in_dim3A_850 = vector.broadcast %jit3A_848 : i32 to vector<16xi32>
        %select_n3A_851 = arith.select %eq3A_846, %broadcast_in_dim3A_849, %broadcast_in_dim3A_850 : vector<16xi1>, vector<16xi32>
        %broadcast_in_dim3A_852 = arith.constant true
        %broadcast_in_dim3A_853 = vector.broadcast %broadcast_in_dim3A_852 : i1 to vector<16xi1>
        %masked_cumsum3A_854 = tpu.scan <sum>, %select_n3A_851 masked %broadcast_in_dim3A_853 : vector<16xi32>, vector<16xi1> -> vector<16xi32>
        %add3A_855 = arith.addi %masked_cumsum3A_854, %gather3A_840 : vector<16xi32>
        %le3A_856 = arith.cmpi sle, %add3A_855, %sub3A_807 : vector<16xi32>
        %and3A_857 = arith.andi %eq3A_846, %le3A_856 : vector<16xi1>
        %or3A_858 = arith.ori %gt3A_845, %and3A_857 : vector<16xi1>
        %jit3A_859 = arith.constant 1 : i32
        %jit3A_860 = arith.constant 0 : i32
        %broadcast_in_dim3A_861 = vector.broadcast %jit3A_859 : i32 to vector<16xi32>
        %broadcast_in_dim3A_862 = vector.broadcast %jit3A_860 : i32 to vector<16xi32>
        %select_n3A_863 = arith.select %or3A_858, %broadcast_in_dim3A_861, %broadcast_in_dim3A_862 : vector<16xi1>, vector<16xi32>
        %broadcast_in_dim3A_864 = arith.constant true
        %broadcast_in_dim3A_865 = vector.broadcast %broadcast_in_dim3A_864 : i1 to vector<16xi1>
        %masked_cumsum3A_866 = tpu.scan <sum>, %select_n3A_863 masked %broadcast_in_dim3A_865 : vector<16xi32>, vector<16xi1> -> vector<16xi32>
        %add3A_867 = arith.addi %add3A_844, %masked_cumsum3A_866 : vector<16xi32>
        %sub3A_868 = arith.constant 1 : i32
        %sub3A_869 = vector.broadcast %sub3A_868 : i32 to vector<16xi32>
        %sub3A_870 = arith.subi %add3A_867, %sub3A_869 : vector<16xi32>
        %add3A_871 = arith.addi %sub3A_870, %scan3A_27 : vector<16xi32>
        %lt3A_872 = arith.constant 0 : i32
        %lt3A_873 = vector.broadcast %lt3A_872 : i32 to vector<16xi32>
        %lt3A_874 = arith.cmpi slt, %get3A_78, %lt3A_873 : vector<16xi32>
        %xor3A_875 = arith.constant 2147483647 : i32
        %xor3A_876 = vector.broadcast %xor3A_875 : i32 to vector<16xi32>
        %xor3A_877 = arith.xori %get3A_78, %xor3A_876 : vector<16xi32>
        %select_n3A_878 = arith.select %lt3A_874, %xor3A_877, %get3A_78 : vector<16xi1>, vector<16xi32>
        %bitcast_convert_type3A_879 = tpu.bitcast %select_n3A_878 : vector<16xi32> -> vector<16xf32>
        tpu.vector_store_idx %arg9[%add3A_871], %bitcast_convert_type3A_879 masked %or3A_858 : memref<4096xf32, #tpu.memory_space<vmem>>[vector<16xi32>], vector<16xf32>, vector<16xi1>
        %broadcast_in_dim3A_880 = vector.shape_cast %broadcast_in_dim3A_9 : vector<16xi32> to vector<16x1xi32>
        %gather3A_881 = vector.shape_cast %broadcast_in_dim3A_880 : vector<16x1xi32> to vector<16xi32>
        %gather3A_882 = tpu.dynamic_gather %add3A_855[%gather3A_881] in [0] : vector<16xi32>, vector<16xi32> -> vector<16xi32>
        %broadcast_in_dim3A_883 = vector.shape_cast %broadcast_in_dim3A_9 : vector<16xi32> to vector<16x1xi32>
        %gather3A_884 = vector.shape_cast %broadcast_in_dim3A_883 : vector<16x1xi32> to vector<16xi32>
        %gather3A_885 = tpu.dynamic_gather %masked_cumsum3A_866[%gather3A_884] in [0] : vector<16xi32>, vector<16xi32> -> vector<16xi32>
        %add3A_886 = arith.addi %add3A_844, %gather3A_885 : vector<16xi32>
        %gt3A_887 = arith.cmpi sgt, %get3A_80, %scan3A_95#0 : vector<16xi32>
        %eq3A_888 = arith.cmpi eq, %get3A_80, %scan3A_95#0 : vector<16xi32>
        %jit3A_889 = arith.constant 1 : i32
        %jit3A_890 = arith.constant 0 : i32
        %broadcast_in_dim3A_891 = vector.broadcast %jit3A_889 : i32 to vector<16xi32>
        %broadcast_in_dim3A_892 = vector.broadcast %jit3A_890 : i32 to vector<16xi32>
        %select_n3A_893 = arith.select %eq3A_888, %broadcast_in_dim3A_891, %broadcast_in_dim3A_892 : vector<16xi1>, vector<16xi32>
        %broadcast_in_dim3A_894 = arith.constant true
        %broadcast_in_dim3A_895 = vector.broadcast %broadcast_in_dim3A_894 : i1 to vector<16xi1>
        %masked_cumsum3A_896 = tpu.scan <sum>, %select_n3A_893 masked %broadcast_in_dim3A_895 : vector<16xi32>, vector<16xi1> -> vector<16xi32>
        %add3A_897 = arith.addi %masked_cumsum3A_896, %gather3A_882 : vector<16xi32>
        %le3A_898 = arith.cmpi sle, %add3A_897, %sub3A_807 : vector<16xi32>
        %and3A_899 = arith.andi %eq3A_888, %le3A_898 : vector<16xi1>
        %or3A_900 = arith.ori %gt3A_887, %and3A_899 : vector<16xi1>
        %jit3A_901 = arith.constant 1 : i32
        %jit3A_902 = arith.constant 0 : i32
        %broadcast_in_dim3A_903 = vector.broadcast %jit3A_901 : i32 to vector<16xi32>
        %broadcast_in_dim3A_904 = vector.broadcast %jit3A_902 : i32 to vector<16xi32>
        %select_n3A_905 = arith.select %or3A_900, %broadcast_in_dim3A_903, %broadcast_in_dim3A_904 : vector<16xi1>, vector<16xi32>
        %broadcast_in_dim3A_906 = arith.constant true
        %broadcast_in_dim3A_907 = vector.broadcast %broadcast_in_dim3A_906 : i1 to vector<16xi1>
        %masked_cumsum3A_908 = tpu.scan <sum>, %select_n3A_905 masked %broadcast_in_dim3A_907 : vector<16xi32>, vector<16xi1> -> vector<16xi32>
        %add3A_909 = arith.addi %add3A_886, %masked_cumsum3A_908 : vector<16xi32>
        %sub3A_910 = arith.constant 1 : i32
        %sub3A_911 = vector.broadcast %sub3A_910 : i32 to vector<16xi32>
        %sub3A_912 = arith.subi %add3A_909, %sub3A_911 : vector<16xi32>
        %add3A_913 = arith.addi %sub3A_912, %scan3A_27 : vector<16xi32>
        %lt3A_914 = arith.constant 0 : i32
        %lt3A_915 = vector.broadcast %lt3A_914 : i32 to vector<16xi32>
        %lt3A_916 = arith.cmpi slt, %get3A_80, %lt3A_915 : vector<16xi32>
        %xor3A_917 = arith.constant 2147483647 : i32
        %xor3A_918 = vector.broadcast %xor3A_917 : i32 to vector<16xi32>
        %xor3A_919 = arith.xori %get3A_80, %xor3A_918 : vector<16xi32>
        %select_n3A_920 = arith.select %lt3A_916, %xor3A_919, %get3A_80 : vector<16xi1>, vector<16xi32>
        %bitcast_convert_type3A_921 = tpu.bitcast %select_n3A_920 : vector<16xi32> -> vector<16xf32>
        tpu.vector_store_idx %arg9[%add3A_913], %bitcast_convert_type3A_921 masked %or3A_900 : memref<4096xf32, #tpu.memory_space<vmem>>[vector<16xi32>], vector<16xf32>, vector<16xi1>
        %broadcast_in_dim3A_922 = vector.shape_cast %broadcast_in_dim3A_9 : vector<16xi32> to vector<16x1xi32>
        %gather3A_923 = vector.shape_cast %broadcast_in_dim3A_922 : vector<16x1xi32> to vector<16xi32>
        %gather3A_924 = tpu.dynamic_gather %add3A_897[%gather3A_923] in [0] : vector<16xi32>, vector<16xi32> -> vector<16xi32>
        %broadcast_in_dim3A_925 = vector.shape_cast %broadcast_in_dim3A_9 : vector<16xi32> to vector<16x1xi32>
        %gather3A_926 = vector.shape_cast %broadcast_in_dim3A_925 : vector<16x1xi32> to vector<16xi32>
        %gather3A_927 = tpu.dynamic_gather %masked_cumsum3A_908[%gather3A_926] in [0] : vector<16xi32>, vector<16xi32> -> vector<16xi32>
        %add3A_928 = arith.addi %add3A_886, %gather3A_927 : vector<16xi32>
        %gt3A_929 = arith.cmpi sgt, %get3A_82, %scan3A_95#0 : vector<16xi32>
        %eq3A_930 = arith.cmpi eq, %get3A_82, %scan3A_95#0 : vector<16xi32>
        %jit3A_931 = arith.constant 1 : i32
        %jit3A_932 = arith.constant 0 : i32
        %broadcast_in_dim3A_933 = vector.broadcast %jit3A_931 : i32 to vector<16xi32>
        %broadcast_in_dim3A_934 = vector.broadcast %jit3A_932 : i32 to vector<16xi32>
        %select_n3A_935 = arith.select %eq3A_930, %broadcast_in_dim3A_933, %broadcast_in_dim3A_934 : vector<16xi1>, vector<16xi32>
        %broadcast_in_dim3A_936 = arith.constant true
        %broadcast_in_dim3A_937 = vector.broadcast %broadcast_in_dim3A_936 : i1 to vector<16xi1>
        %masked_cumsum3A_938 = tpu.scan <sum>, %select_n3A_935 masked %broadcast_in_dim3A_937 : vector<16xi32>, vector<16xi1> -> vector<16xi32>
        %add3A_939 = arith.addi %masked_cumsum3A_938, %gather3A_924 : vector<16xi32>
        %le3A_940 = arith.cmpi sle, %add3A_939, %sub3A_807 : vector<16xi32>
        %and3A_941 = arith.andi %eq3A_930, %le3A_940 : vector<16xi1>
        %or3A_942 = arith.ori %gt3A_929, %and3A_941 : vector<16xi1>
        %jit3A_943 = arith.constant 1 : i32
        %jit3A_944 = arith.constant 0 : i32
        %broadcast_in_dim3A_945 = vector.broadcast %jit3A_943 : i32 to vector<16xi32>
        %broadcast_in_dim3A_946 = vector.broadcast %jit3A_944 : i32 to vector<16xi32>
        %select_n3A_947 = arith.select %or3A_942, %broadcast_in_dim3A_945, %broadcast_in_dim3A_946 : vector<16xi1>, vector<16xi32>
        %broadcast_in_dim3A_948 = arith.constant true
        %broadcast_in_dim3A_949 = vector.broadcast %broadcast_in_dim3A_948 : i1 to vector<16xi1>
        %masked_cumsum3A_950 = tpu.scan <sum>, %select_n3A_947 masked %broadcast_in_dim3A_949 : vector<16xi32>, vector<16xi1> -> vector<16xi32>
        %add3A_951 = arith.addi %add3A_928, %masked_cumsum3A_950 : vector<16xi32>
        %sub3A_952 = arith.constant 1 : i32
        %sub3A_953 = vector.broadcast %sub3A_952 : i32 to vector<16xi32>
        %sub3A_954 = arith.subi %add3A_951, %sub3A_953 : vector<16xi32>
        %add3A_955 = arith.addi %sub3A_954, %scan3A_27 : vector<16xi32>
        %lt3A_956 = arith.constant 0 : i32
        %lt3A_957 = vector.broadcast %lt3A_956 : i32 to vector<16xi32>
        %lt3A_958 = arith.cmpi slt, %get3A_82, %lt3A_957 : vector<16xi32>
        %xor3A_959 = arith.constant 2147483647 : i32
        %xor3A_960 = vector.broadcast %xor3A_959 : i32 to vector<16xi32>
        %xor3A_961 = arith.xori %get3A_82, %xor3A_960 : vector<16xi32>
        %select_n3A_962 = arith.select %lt3A_958, %xor3A_961, %get3A_82 : vector<16xi1>, vector<16xi32>
        %bitcast_convert_type3A_963 = tpu.bitcast %select_n3A_962 : vector<16xi32> -> vector<16xf32>
        tpu.vector_store_idx %arg9[%add3A_955], %bitcast_convert_type3A_963 masked %or3A_942 : memref<4096xf32, #tpu.memory_space<vmem>>[vector<16xi32>], vector<16xf32>, vector<16xi1>
        %broadcast_in_dim3A_964 = vector.shape_cast %broadcast_in_dim3A_9 : vector<16xi32> to vector<16x1xi32>
        %gather3A_965 = vector.shape_cast %broadcast_in_dim3A_964 : vector<16x1xi32> to vector<16xi32>
        %gather3A_966 = tpu.dynamic_gather %add3A_939[%gather3A_965] in [0] : vector<16xi32>, vector<16xi32> -> vector<16xi32>
        %broadcast_in_dim3A_967 = vector.shape_cast %broadcast_in_dim3A_9 : vector<16xi32> to vector<16x1xi32>
        %gather3A_968 = vector.shape_cast %broadcast_in_dim3A_967 : vector<16x1xi32> to vector<16xi32>
        %gather3A_969 = tpu.dynamic_gather %masked_cumsum3A_950[%gather3A_968] in [0] : vector<16xi32>, vector<16xi32> -> vector<16xi32>
        %add3A_970 = arith.addi %add3A_928, %gather3A_969 : vector<16xi32>
        %gt3A_971 = arith.cmpi sgt, %get3A_84, %scan3A_95#0 : vector<16xi32>
        %eq3A_972 = arith.cmpi eq, %get3A_84, %scan3A_95#0 : vector<16xi32>
        %jit3A_973 = arith.constant 1 : i32
        %jit3A_974 = arith.constant 0 : i32
        %broadcast_in_dim3A_975 = vector.broadcast %jit3A_973 : i32 to vector<16xi32>
        %broadcast_in_dim3A_976 = vector.broadcast %jit3A_974 : i32 to vector<16xi32>
        %select_n3A_977 = arith.select %eq3A_972, %broadcast_in_dim3A_975, %broadcast_in_dim3A_976 : vector<16xi1>, vector<16xi32>
        %broadcast_in_dim3A_978 = arith.constant true
        %broadcast_in_dim3A_979 = vector.broadcast %broadcast_in_dim3A_978 : i1 to vector<16xi1>
        %masked_cumsum3A_980 = tpu.scan <sum>, %select_n3A_977 masked %broadcast_in_dim3A_979 : vector<16xi32>, vector<16xi1> -> vector<16xi32>
        %add3A_981 = arith.addi %masked_cumsum3A_980, %gather3A_966 : vector<16xi32>
        %le3A_982 = arith.cmpi sle, %add3A_981, %sub3A_807 : vector<16xi32>
        %and3A_983 = arith.andi %eq3A_972, %le3A_982 : vector<16xi1>
        %or3A_984 = arith.ori %gt3A_971, %and3A_983 : vector<16xi1>
        %jit3A_985 = arith.constant 1 : i32
        %jit3A_986 = arith.constant 0 : i32
        %broadcast_in_dim3A_987 = vector.broadcast %jit3A_985 : i32 to vector<16xi32>
        %broadcast_in_dim3A_988 = vector.broadcast %jit3A_986 : i32 to vector<16xi32>
        %select_n3A_989 = arith.select %or3A_984, %broadcast_in_dim3A_987, %broadcast_in_dim3A_988 : vector<16xi1>, vector<16xi32>
        %broadcast_in_dim3A_990 = arith.constant true
        %broadcast_in_dim3A_991 = vector.broadcast %broadcast_in_dim3A_990 : i1 to vector<16xi1>
        %masked_cumsum3A_992 = tpu.scan <sum>, %select_n3A_989 masked %broadcast_in_dim3A_991 : vector<16xi32>, vector<16xi1> -> vector<16xi32>
        %add3A_993 = arith.addi %add3A_970, %masked_cumsum3A_992 : vector<16xi32>
        %sub3A_994 = arith.constant 1 : i32
        %sub3A_995 = vector.broadcast %sub3A_994 : i32 to vector<16xi32>
        %sub3A_996 = arith.subi %add3A_993, %sub3A_995 : vector<16xi32>
        %add3A_997 = arith.addi %sub3A_996, %scan3A_27 : vector<16xi32>
        %lt3A_998 = arith.constant 0 : i32
        %lt3A_999 = vector.broadcast %lt3A_998 : i32 to vector<16xi32>
        %lt3A_1000 = arith.cmpi slt, %get3A_84, %lt3A_999 : vector<16xi32>
        %xor3A_1001 = arith.constant 2147483647 : i32
        %xor3A_1002 = vector.broadcast %xor3A_1001 : i32 to vector<16xi32>
        %xor3A_1003 = arith.xori %get3A_84, %xor3A_1002 : vector<16xi32>
        %select_n3A_1004 = arith.select %lt3A_1000, %xor3A_1003, %get3A_84 : vector<16xi1>, vector<16xi32>
        %bitcast_convert_type3A_1005 = tpu.bitcast %select_n3A_1004 : vector<16xi32> -> vector<16xf32>
        tpu.vector_store_idx %arg9[%add3A_997], %bitcast_convert_type3A_1005 masked %or3A_984 : memref<4096xf32, #tpu.memory_space<vmem>>[vector<16xi32>], vector<16xf32>, vector<16xi1>
        %broadcast_in_dim3A_1006 = vector.shape_cast %broadcast_in_dim3A_9 : vector<16xi32> to vector<16x1xi32>
        %gather3A_1007 = vector.shape_cast %broadcast_in_dim3A_1006 : vector<16x1xi32> to vector<16xi32>
        %gather3A_1008 = tpu.dynamic_gather %add3A_981[%gather3A_1007] in [0] : vector<16xi32>, vector<16xi32> -> vector<16xi32>
        %broadcast_in_dim3A_1009 = vector.shape_cast %broadcast_in_dim3A_9 : vector<16xi32> to vector<16x1xi32>
        %gather3A_1010 = vector.shape_cast %broadcast_in_dim3A_1009 : vector<16x1xi32> to vector<16xi32>
        %gather3A_1011 = tpu.dynamic_gather %masked_cumsum3A_992[%gather3A_1010] in [0] : vector<16xi32>, vector<16xi32> -> vector<16xi32>
        %add3A_1012 = arith.addi %add3A_970, %gather3A_1011 : vector<16xi32>
        %gt3A_1013 = arith.cmpi sgt, %get3A_86, %scan3A_95#0 : vector<16xi32>
        %eq3A_1014 = arith.cmpi eq, %get3A_86, %scan3A_95#0 : vector<16xi32>
        %jit3A_1015 = arith.constant 1 : i32
        %jit3A_1016 = arith.constant 0 : i32
        %broadcast_in_dim3A_1017 = vector.broadcast %jit3A_1015 : i32 to vector<16xi32>
        %broadcast_in_dim3A_1018 = vector.broadcast %jit3A_1016 : i32 to vector<16xi32>
        %select_n3A_1019 = arith.select %eq3A_1014, %broadcast_in_dim3A_1017, %broadcast_in_dim3A_1018 : vector<16xi1>, vector<16xi32>
        %broadcast_in_dim3A_1020 = arith.constant true
        %broadcast_in_dim3A_1021 = vector.broadcast %broadcast_in_dim3A_1020 : i1 to vector<16xi1>
        %masked_cumsum3A_1022 = tpu.scan <sum>, %select_n3A_1019 masked %broadcast_in_dim3A_1021 : vector<16xi32>, vector<16xi1> -> vector<16xi32>
        %add3A_1023 = arith.addi %masked_cumsum3A_1022, %gather3A_1008 : vector<16xi32>
        %le3A_1024 = arith.cmpi sle, %add3A_1023, %sub3A_807 : vector<16xi32>
        %and3A_1025 = arith.andi %eq3A_1014, %le3A_1024 : vector<16xi1>
        %or3A_1026 = arith.ori %gt3A_1013, %and3A_1025 : vector<16xi1>
        %jit3A_1027 = arith.constant 1 : i32
        %jit3A_1028 = arith.constant 0 : i32
        %broadcast_in_dim3A_1029 = vector.broadcast %jit3A_1027 : i32 to vector<16xi32>
        %broadcast_in_dim3A_1030 = vector.broadcast %jit3A_1028 : i32 to vector<16xi32>
        %select_n3A_1031 = arith.select %or3A_1026, %broadcast_in_dim3A_1029, %broadcast_in_dim3A_1030 : vector<16xi1>, vector<16xi32>
        %broadcast_in_dim3A_1032 = arith.constant true
        %broadcast_in_dim3A_1033 = vector.broadcast %broadcast_in_dim3A_1032 : i1 to vector<16xi1>
        %masked_cumsum3A_1034 = tpu.scan <sum>, %select_n3A_1031 masked %broadcast_in_dim3A_1033 : vector<16xi32>, vector<16xi1> -> vector<16xi32>
        %add3A_1035 = arith.addi %add3A_1012, %masked_cumsum3A_1034 : vector<16xi32>
        %sub3A_1036 = arith.constant 1 : i32
        %sub3A_1037 = vector.broadcast %sub3A_1036 : i32 to vector<16xi32>
        %sub3A_1038 = arith.subi %add3A_1035, %sub3A_1037 : vector<16xi32>
        %add3A_1039 = arith.addi %sub3A_1038, %scan3A_27 : vector<16xi32>
        %lt3A_1040 = arith.constant 0 : i32
        %lt3A_1041 = vector.broadcast %lt3A_1040 : i32 to vector<16xi32>
        %lt3A_1042 = arith.cmpi slt, %get3A_86, %lt3A_1041 : vector<16xi32>
        %xor3A_1043 = arith.constant 2147483647 : i32
        %xor3A_1044 = vector.broadcast %xor3A_1043 : i32 to vector<16xi32>
        %xor3A_1045 = arith.xori %get3A_86, %xor3A_1044 : vector<16xi32>
        %select_n3A_1046 = arith.select %lt3A_1042, %xor3A_1045, %get3A_86 : vector<16xi1>, vector<16xi32>
        %bitcast_convert_type3A_1047 = tpu.bitcast %select_n3A_1046 : vector<16xi32> -> vector<16xf32>
        tpu.vector_store_idx %arg9[%add3A_1039], %bitcast_convert_type3A_1047 masked %or3A_1026 : memref<4096xf32, #tpu.memory_space<vmem>>[vector<16xi32>], vector<16xf32>, vector<16xi1>
        %broadcast_in_dim3A_1048 = vector.shape_cast %broadcast_in_dim3A_9 : vector<16xi32> to vector<16x1xi32>
        %gather3A_1049 = vector.shape_cast %broadcast_in_dim3A_1048 : vector<16x1xi32> to vector<16xi32>
        %gather3A_1050 = tpu.dynamic_gather %add3A_1023[%gather3A_1049] in [0] : vector<16xi32>, vector<16xi32> -> vector<16xi32>
        %broadcast_in_dim3A_1051 = vector.shape_cast %broadcast_in_dim3A_9 : vector<16xi32> to vector<16x1xi32>
        %gather3A_1052 = vector.shape_cast %broadcast_in_dim3A_1051 : vector<16x1xi32> to vector<16xi32>
        %gather3A_1053 = tpu.dynamic_gather %masked_cumsum3A_1034[%gather3A_1052] in [0] : vector<16xi32>, vector<16xi32> -> vector<16xi32>
        %add3A_1054 = arith.addi %add3A_1012, %gather3A_1053 : vector<16xi32>
        %gt3A_1055 = arith.cmpi sgt, %get3A_88, %scan3A_95#0 : vector<16xi32>
        %eq3A_1056 = arith.cmpi eq, %get3A_88, %scan3A_95#0 : vector<16xi32>
        %jit3A_1057 = arith.constant 1 : i32
        %jit3A_1058 = arith.constant 0 : i32
        %broadcast_in_dim3A_1059 = vector.broadcast %jit3A_1057 : i32 to vector<16xi32>
        %broadcast_in_dim3A_1060 = vector.broadcast %jit3A_1058 : i32 to vector<16xi32>
        %select_n3A_1061 = arith.select %eq3A_1056, %broadcast_in_dim3A_1059, %broadcast_in_dim3A_1060 : vector<16xi1>, vector<16xi32>
        %broadcast_in_dim3A_1062 = arith.constant true
        %broadcast_in_dim3A_1063 = vector.broadcast %broadcast_in_dim3A_1062 : i1 to vector<16xi1>
        %masked_cumsum3A_1064 = tpu.scan <sum>, %select_n3A_1061 masked %broadcast_in_dim3A_1063 : vector<16xi32>, vector<16xi1> -> vector<16xi32>
        %add3A_1065 = arith.addi %masked_cumsum3A_1064, %gather3A_1050 : vector<16xi32>
        %le3A_1066 = arith.cmpi sle, %add3A_1065, %sub3A_807 : vector<16xi32>
        %and3A_1067 = arith.andi %eq3A_1056, %le3A_1066 : vector<16xi1>
        %or3A_1068 = arith.ori %gt3A_1055, %and3A_1067 : vector<16xi1>
        %jit3A_1069 = arith.constant 1 : i32
        %jit3A_1070 = arith.constant 0 : i32
        %broadcast_in_dim3A_1071 = vector.broadcast %jit3A_1069 : i32 to vector<16xi32>
        %broadcast_in_dim3A_1072 = vector.broadcast %jit3A_1070 : i32 to vector<16xi32>
        %select_n3A_1073 = arith.select %or3A_1068, %broadcast_in_dim3A_1071, %broadcast_in_dim3A_1072 : vector<16xi1>, vector<16xi32>
        %broadcast_in_dim3A_1074 = arith.constant true
        %broadcast_in_dim3A_1075 = vector.broadcast %broadcast_in_dim3A_1074 : i1 to vector<16xi1>
        %masked_cumsum3A_1076 = tpu.scan <sum>, %select_n3A_1073 masked %broadcast_in_dim3A_1075 : vector<16xi32>, vector<16xi1> -> vector<16xi32>
        %add3A_1077 = arith.addi %add3A_1054, %masked_cumsum3A_1076 : vector<16xi32>
        %sub3A_1078 = arith.constant 1 : i32
        %sub3A_1079 = vector.broadcast %sub3A_1078 : i32 to vector<16xi32>
        %sub3A_1080 = arith.subi %add3A_1077, %sub3A_1079 : vector<16xi32>
        %add3A_1081 = arith.addi %sub3A_1080, %scan3A_27 : vector<16xi32>
        %lt3A_1082 = arith.constant 0 : i32
        %lt3A_1083 = vector.broadcast %lt3A_1082 : i32 to vector<16xi32>
        %lt3A_1084 = arith.cmpi slt, %get3A_88, %lt3A_1083 : vector<16xi32>
        %xor3A_1085 = arith.constant 2147483647 : i32
        %xor3A_1086 = vector.broadcast %xor3A_1085 : i32 to vector<16xi32>
        %xor3A_1087 = arith.xori %get3A_88, %xor3A_1086 : vector<16xi32>
        %select_n3A_1088 = arith.select %lt3A_1084, %xor3A_1087, %get3A_88 : vector<16xi1>, vector<16xi32>
        %bitcast_convert_type3A_1089 = tpu.bitcast %select_n3A_1088 : vector<16xi32> -> vector<16xf32>
        tpu.vector_store_idx %arg9[%add3A_1081], %bitcast_convert_type3A_1089 masked %or3A_1068 : memref<4096xf32, #tpu.memory_space<vmem>>[vector<16xi32>], vector<16xf32>, vector<16xi1>
        %broadcast_in_dim3A_1090 = vector.shape_cast %broadcast_in_dim3A_9 : vector<16xi32> to vector<16x1xi32>
        %gather3A_1091 = vector.shape_cast %broadcast_in_dim3A_1090 : vector<16x1xi32> to vector<16xi32>
        %gather3A_1092 = tpu.dynamic_gather %add3A_1065[%gather3A_1091] in [0] : vector<16xi32>, vector<16xi32> -> vector<16xi32>
        %broadcast_in_dim3A_1093 = vector.shape_cast %broadcast_in_dim3A_9 : vector<16xi32> to vector<16x1xi32>
        %gather3A_1094 = vector.shape_cast %broadcast_in_dim3A_1093 : vector<16x1xi32> to vector<16xi32>
        %gather3A_1095 = tpu.dynamic_gather %masked_cumsum3A_1076[%gather3A_1094] in [0] : vector<16xi32>, vector<16xi32> -> vector<16xi32>
        %add3A_1096 = arith.addi %add3A_1054, %gather3A_1095 : vector<16xi32>
        %gt3A_1097 = arith.cmpi sgt, %get3A_90, %scan3A_95#0 : vector<16xi32>
        %eq3A_1098 = arith.cmpi eq, %get3A_90, %scan3A_95#0 : vector<16xi32>
        %jit3A_1099 = arith.constant 1 : i32
        %jit3A_1100 = arith.constant 0 : i32
        %broadcast_in_dim3A_1101 = vector.broadcast %jit3A_1099 : i32 to vector<16xi32>
        %broadcast_in_dim3A_1102 = vector.broadcast %jit3A_1100 : i32 to vector<16xi32>
        %select_n3A_1103 = arith.select %eq3A_1098, %broadcast_in_dim3A_1101, %broadcast_in_dim3A_1102 : vector<16xi1>, vector<16xi32>
        %broadcast_in_dim3A_1104 = arith.constant true
        %broadcast_in_dim3A_1105 = vector.broadcast %broadcast_in_dim3A_1104 : i1 to vector<16xi1>
        %masked_cumsum3A_1106 = tpu.scan <sum>, %select_n3A_1103 masked %broadcast_in_dim3A_1105 : vector<16xi32>, vector<16xi1> -> vector<16xi32>
        %add3A_1107 = arith.addi %masked_cumsum3A_1106, %gather3A_1092 : vector<16xi32>
        %le3A_1108 = arith.cmpi sle, %add3A_1107, %sub3A_807 : vector<16xi32>
        %and3A_1109 = arith.andi %eq3A_1098, %le3A_1108 : vector<16xi1>
        %or3A_1110 = arith.ori %gt3A_1097, %and3A_1109 : vector<16xi1>
        %jit3A_1111 = arith.constant 1 : i32
        %jit3A_1112 = arith.constant 0 : i32
        %broadcast_in_dim3A_1113 = vector.broadcast %jit3A_1111 : i32 to vector<16xi32>
        %broadcast_in_dim3A_1114 = vector.broadcast %jit3A_1112 : i32 to vector<16xi32>
        %select_n3A_1115 = arith.select %or3A_1110, %broadcast_in_dim3A_1113, %broadcast_in_dim3A_1114 : vector<16xi1>, vector<16xi32>
        %broadcast_in_dim3A_1116 = arith.constant true
        %broadcast_in_dim3A_1117 = vector.broadcast %broadcast_in_dim3A_1116 : i1 to vector<16xi1>
        %masked_cumsum3A_1118 = tpu.scan <sum>, %select_n3A_1115 masked %broadcast_in_dim3A_1117 : vector<16xi32>, vector<16xi1> -> vector<16xi32>
        %add3A_1119 = arith.addi %add3A_1096, %masked_cumsum3A_1118 : vector<16xi32>
        %sub3A_1120 = arith.constant 1 : i32
        %sub3A_1121 = vector.broadcast %sub3A_1120 : i32 to vector<16xi32>
        %sub3A_1122 = arith.subi %add3A_1119, %sub3A_1121 : vector<16xi32>
        %add3A_1123 = arith.addi %sub3A_1122, %scan3A_27 : vector<16xi32>
        %lt3A_1124 = arith.constant 0 : i32
        %lt3A_1125 = vector.broadcast %lt3A_1124 : i32 to vector<16xi32>
        %lt3A_1126 = arith.cmpi slt, %get3A_90, %lt3A_1125 : vector<16xi32>
        %xor3A_1127 = arith.constant 2147483647 : i32
        %xor3A_1128 = vector.broadcast %xor3A_1127 : i32 to vector<16xi32>
        %xor3A_1129 = arith.xori %get3A_90, %xor3A_1128 : vector<16xi32>
        %select_n3A_1130 = arith.select %lt3A_1126, %xor3A_1129, %get3A_90 : vector<16xi1>, vector<16xi32>
        %bitcast_convert_type3A_1131 = tpu.bitcast %select_n3A_1130 : vector<16xi32> -> vector<16xf32>
        tpu.vector_store_idx %arg9[%add3A_1123], %bitcast_convert_type3A_1131 masked %or3A_1110 : memref<4096xf32, #tpu.memory_space<vmem>>[vector<16xi32>], vector<16xf32>, vector<16xi1>
        %broadcast_in_dim3A_1132 = vector.shape_cast %broadcast_in_dim3A_9 : vector<16xi32> to vector<16x1xi32>
        %gather3A_1133 = vector.shape_cast %broadcast_in_dim3A_1132 : vector<16x1xi32> to vector<16xi32>
        %gather3A_1134 = tpu.dynamic_gather %add3A_1107[%gather3A_1133] in [0] : vector<16xi32>, vector<16xi32> -> vector<16xi32>
        %broadcast_in_dim3A_1135 = vector.shape_cast %broadcast_in_dim3A_9 : vector<16xi32> to vector<16x1xi32>
        %gather3A_1136 = vector.shape_cast %broadcast_in_dim3A_1135 : vector<16x1xi32> to vector<16xi32>
        %gather3A_1137 = tpu.dynamic_gather %masked_cumsum3A_1118[%gather3A_1136] in [0] : vector<16xi32>, vector<16xi32> -> vector<16xi32>
        %add3A_1138 = arith.addi %add3A_1096, %gather3A_1137 : vector<16xi32>
        %while3A_1139:3 = scf.while (%while3A_1140 = %broadcast_in_dim3A_15, %while3A_1141 = %gather3A_1134, %while3A_1142 = %add3A_1138) : (vector<16xi32>, vector<16xi32>, vector<16xi32>) -> (vector<16xi32>, vector<16xi32>, vector<16xi32>) {
          %lt3A_1143 = arith.cmpi slt, %while3A_1140, %shift_left3A_70 : vector<16xi32>
          %reduce_or3A_1144 = arith.constant 1.000000e+00 : f32
          %reduce_or3A_1145 = arith.constant 0.000000e+00 : f32
          %reduce_or3A_1146 = vector.broadcast %reduce_or3A_1144 : f32 to vector<16xf32>
          %reduce_or3A_1147 = vector.broadcast %reduce_or3A_1145 : f32 to vector<16xf32>
          %reduce_or3A_1148 = arith.select %lt3A_1143, %reduce_or3A_1146, %reduce_or3A_1147 : vector<16xi1>, vector<16xf32>
          %reduce_or3A_1149 = arith.constant true
          %reduce_or3A_1150 = vector.broadcast %reduce_or3A_1149 : i1 to vector<16xi1>
          %reduce_or3A_1151 = tpu.scan <max>, %reduce_or3A_1148 masked %reduce_or3A_1150 : vector<16xf32>, vector<16xi1> -> vector<16xf32>
          %reduce_or3A_1152 = vector.extract %reduce_or3A_1151[15] : f32 from vector<16xf32>
          %reduce_or3A_1153 = arith.constant 0.000000e+00 : f32
          %reduce_or3A_1154 = arith.cmpf ogt, %reduce_or3A_1152, %reduce_or3A_1153 : f32
          scf.condition(%reduce_or3A_1154) %while3A_1140, %while3A_1141, %while3A_1142 : vector<16xi32>, vector<16xi32>, vector<16xi32>
        } do {
        ^bb0(%while3A_1140: vector<16xi32>, %while3A_1141: vector<16xi32>, %while3A_1142: vector<16xi32>):
          %add3A_1143 = arith.addi %iota3A, %while3A_1140 : vector<16xi32>
          %gather3A_1144 = tpu.vector_load_idx %arg7[%add3A_1143] : memref<4096xi32, #tpu.memory_space<vmem>>[vector<16xi32>], vector<16xi32>,
          %gt3A_1145 = arith.cmpi sgt, %gather3A_1144, %scan3A_95#0 : vector<16xi32>
          %eq3A_1146 = arith.cmpi eq, %gather3A_1144, %scan3A_95#0 : vector<16xi32>
          %jit3A_1147 = arith.constant 1 : i32
          %jit3A_1148 = arith.constant 0 : i32
          %broadcast_in_dim3A_1149 = vector.broadcast %jit3A_1147 : i32 to vector<16xi32>
          %broadcast_in_dim3A_1150 = vector.broadcast %jit3A_1148 : i32 to vector<16xi32>
          %select_n3A_1151 = arith.select %eq3A_1146, %broadcast_in_dim3A_1149, %broadcast_in_dim3A_1150 : vector<16xi1>, vector<16xi32>
          %broadcast_in_dim3A_1152 = arith.constant true
          %broadcast_in_dim3A_1153 = vector.broadcast %broadcast_in_dim3A_1152 : i1 to vector<16xi1>
          %masked_cumsum3A_1154 = tpu.scan <sum>, %select_n3A_1151 masked %broadcast_in_dim3A_1153 : vector<16xi32>, vector<16xi1> -> vector<16xi32>
          %add3A_1155 = arith.addi %masked_cumsum3A_1154, %while3A_1141 : vector<16xi32>
          %le3A_1156 = arith.cmpi sle, %add3A_1155, %sub3A_807 : vector<16xi32>
          %and3A_1157 = arith.andi %eq3A_1146, %le3A_1156 : vector<16xi1>
          %or3A_1158 = arith.ori %gt3A_1145, %and3A_1157 : vector<16xi1>
          %jit3A_1159 = arith.constant 1 : i32
          %jit3A_1160 = arith.constant 0 : i32
          %broadcast_in_dim3A_1161 = vector.broadcast %jit3A_1159 : i32 to vector<16xi32>
          %broadcast_in_dim3A_1162 = vector.broadcast %jit3A_1160 : i32 to vector<16xi32>
          %select_n3A_1163 = arith.select %or3A_1158, %broadcast_in_dim3A_1161, %broadcast_in_dim3A_1162 : vector<16xi1>, vector<16xi32>
          %broadcast_in_dim3A_1164 = arith.constant true
          %broadcast_in_dim3A_1165 = vector.broadcast %broadcast_in_dim3A_1164 : i1 to vector<16xi1>
          %masked_cumsum3A_1166 = tpu.scan <sum>, %select_n3A_1163 masked %broadcast_in_dim3A_1165 : vector<16xi32>, vector<16xi1> -> vector<16xi32>
          %add3A_1167 = arith.addi %while3A_1142, %masked_cumsum3A_1166 : vector<16xi32>
          %sub3A_1168 = arith.constant 1 : i32
          %sub3A_1169 = vector.broadcast %sub3A_1168 : i32 to vector<16xi32>
          %sub3A_1170 = arith.subi %add3A_1167, %sub3A_1169 : vector<16xi32>
          %add3A_1171 = arith.addi %sub3A_1170, %scan3A_27 : vector<16xi32>
          %lt3A_1172 = arith.constant 0 : i32
          %lt3A_1173 = vector.broadcast %lt3A_1172 : i32 to vector<16xi32>
          %lt3A_1174 = arith.cmpi slt, %gather3A_1144, %lt3A_1173 : vector<16xi32>
          %xor3A_1175 = arith.constant 2147483647 : i32
          %xor3A_1176 = vector.broadcast %xor3A_1175 : i32 to vector<16xi32>
          %xor3A_1177 = arith.xori %gather3A_1144, %xor3A_1176 : vector<16xi32>
          %select_n3A_1178 = arith.select %lt3A_1174, %xor3A_1177, %gather3A_1144 : vector<16xi1>, vector<16xi32>
          %bitcast_convert_type3A_1179 = tpu.bitcast %select_n3A_1178 : vector<16xi32> -> vector<16xf32>
          tpu.vector_store_idx %arg9[%add3A_1171], %bitcast_convert_type3A_1179 masked %or3A_1158 : memref<4096xf32, #tpu.memory_space<vmem>>[vector<16xi32>], vector<16xf32>, vector<16xi1>
          %broadcast_in_dim3A_1180 = vector.shape_cast %broadcast_in_dim3A_9 : vector<16xi32> to vector<16x1xi32>
          %gather3A_1181 = vector.shape_cast %broadcast_in_dim3A_1180 : vector<16x1xi32> to vector<16xi32>
          %gather3A_1182 = tpu.dynamic_gather %add3A_1155[%gather3A_1181] in [0] : vector<16xi32>, vector<16xi32> -> vector<16xi32>
          %broadcast_in_dim3A_1183 = vector.shape_cast %broadcast_in_dim3A_9 : vector<16xi32> to vector<16x1xi32>
          %gather3A_1184 = vector.shape_cast %broadcast_in_dim3A_1183 : vector<16x1xi32> to vector<16xi32>
          %gather3A_1185 = tpu.dynamic_gather %masked_cumsum3A_1166[%gather3A_1184] in [0] : vector<16xi32>, vector<16xi32> -> vector<16xi32>
          %add3A_1186 = arith.addi %while3A_1142, %gather3A_1185 : vector<16xi32>
          %add3A_1187 = arith.constant 16 : i32
          %add3A_1188 = vector.broadcast %add3A_1187 : i32 to vector<16xi32>
          %add3A_1189 = arith.addi %while3A_1140, %add3A_1188 : vector<16xi32>
          scf.yield %add3A_1189, %gather3A_1182, %add3A_1186 : vector<16xi32>, vector<16xi32>, vector<16xi32>
        }
      } else {
      }
      %and3A = arith.constant 63 : i32
      %and3A_303 = arith.andi %add3A_30, %and3A : i32
      %eq3A_304 = arith.constant 63 : i32
      %eq3A_305 = arith.cmpi eq, %and3A_303, %eq3A_304 : i32
      %convert_element_type3A_306 = arith.extui %eq3A_305 : i1 to i32
      %cond3A_307 = arith.constant 0 : i32
      %cond3A_308 = arith.cmpi ne, %convert_element_type3A_306, %cond3A_307 : i32
      scf.if %cond3A_308 {
        %sub3A_617 = arith.constant 63 : i32
        %sub3A_618 = arith.subi %add3A_30, %sub3A_617 : i32
        %mul3A_619 = arith.constant 64 : i32
        %mul3A_620 = arith.muli %sub3A_618, %mul3A_619 : i32
        "tpu.region"() ({
          %run_scoped3A = tpu.sem_alloc : memref<!tpu.dma_semaphore, #tpu.memory_space<semaphore_mem>>
          %dma_start3A_621 = tpu.memref_slice %arg4[%mul3A_620] : memref<786432xf32, #tpu.memory_space<hbm>> -> memref<4096xf32, #tpu.memory_space<hbm>>
          %dma_start3A_622 = tpu.memref_slice %arg4[%mul3A_620] : memref<786432xf32, #tpu.memory_space<hbm>> -> memref<4096xf32, #tpu.memory_space<hbm>>
          tpu.enqueue_dma source(%arg9 : memref<4096xf32, #tpu.memory_space<vmem>>) target(%dma_start3A_622 : memref<4096xf32, #tpu.memory_space<hbm>>) target_semaphore(%run_scoped3A : memref<!tpu.dma_semaphore, #tpu.memory_space<semaphore_mem>>)
          %dma_wait3A_623 = tpu.memref_slice %arg4[%mul3A_620] : memref<786432xf32, #tpu.memory_space<hbm>> -> memref<4096xf32, #tpu.memory_space<hbm>>
          %dma_wait3A_624 = tpu.memref_slice %arg4[%mul3A_620] : memref<786432xf32, #tpu.memory_space<hbm>> -> memref<4096xf32, #tpu.memory_space<hbm>>
          tpu.wait_dma2 semaphore(%run_scoped3A : memref<!tpu.dma_semaphore, #tpu.memory_space<semaphore_mem>>) src(%arg9 : memref<4096xf32, #tpu.memory_space<vmem>>) dst(%dma_wait3A_624 : memref<4096xf32, #tpu.memory_space<hbm>>)
          tpu.yield
        }) : () -> ()
      } else {
      }
      %add3A_309 = arith.constant 1 : i32
      %add3A_310 = arith.addi %add3A_30, %add3A_309 : i32
      %mul3A_311 = arith.constant 4096 : i32
      %mul3A_312 = arith.muli %add3A_310, %mul3A_311 : i32
      %dma_wait3A_313 = tpu.memref_slice %arg2[%mul3A_312] : memref<50331648xf32, #tpu.memory_space<hbm>> -> memref<4096xf32, #tpu.memory_space<hbm>>
      %dma_wait3A_314 = tpu.memref_slice %arg2[%mul3A_312] : memref<50331648xf32, #tpu.memory_space<hbm>> -> memref<4096xf32, #tpu.memory_space<hbm>>
      tpu.wait_dma2 semaphore(%arg12 : memref<!tpu.dma_semaphore, #tpu.memory_space<semaphore_mem>>) src(%dma_wait3A_314 : memref<4096xf32, #tpu.memory_space<hbm>>) dst(%arg6 : memref<4096xf32, #tpu.memory_space<vmem>>)
      %lt3A = arith.constant 191 : i32
      %lt3A_315 = arith.cmpi slt, %scan3A_26, %lt3A : i32
      %convert_element_type3A_316 = arith.extui %lt3A_315 : i1 to i32
      %cond3A_317 = arith.constant 0 : i32
      %cond3A_318 = arith.cmpi ne, %convert_element_type3A_316, %cond3A_317 : i32
      scf.if %cond3A_318 {
        %add3A_617 = arith.constant 2 : i32
        %add3A_618 = arith.addi %add3A_30, %add3A_617 : i32
        %mul3A_619 = arith.constant 4096 : i32
        %mul3A_620 = arith.muli %add3A_618, %mul3A_619 : i32
        %dma_start3A_621 = tpu.memref_slice %arg2[%mul3A_620] : memref<50331648xf32, #tpu.memory_space<hbm>> -> memref<4096xf32, #tpu.memory_space<hbm>>
        %dma_start3A_622 = tpu.memref_slice %arg2[%mul3A_620] : memref<50331648xf32, #tpu.memory_space<hbm>> -> memref<4096xf32, #tpu.memory_space<hbm>>
        tpu.enqueue_dma source(%dma_start3A_622 : memref<4096xf32, #tpu.memory_space<hbm>>) target(%arg5 : memref<4096xf32, #tpu.memory_space<vmem>>) target_semaphore(%arg11 : memref<!tpu.dma_semaphore, #tpu.memory_space<semaphore_mem>>)
      } else {
      }
      %add3A_319 = arith.constant 1 : i32
      %add3A_320 = arith.addi %add3A_30, %add3A_319 : i32
      %add3A_321 = arith.constant 64 : i32
      %add3A_322 = vector.broadcast %add3A_321 : i32 to vector<16xi32>
      %add3A_323 = arith.addi %scan3A_27, %add3A_322 : vector<16xi32>
      %sub3A_324 = arith.subi %add3A_320, %mul3A_2 : i32
      %mul3A_325 = arith.constant 16 : i32
      %mul3A_326 = arith.muli %sub3A_324, %mul3A_325 : i32
      %get3A_327 = arith.index_cast %mul3A_326 : i32 to index
      %get3A_328 = tpu.vector_load %arg8[%get3A_327] {strides = array<i32>} : memref<6144xi32, #tpu.memory_space<vmem>>, vector<16xi32>,
      %swap3A_329 = arith.constant 0 : index
      %swap3A_330 = tpu.vector_load %arg7[%swap3A_329] {strides = array<i32>} : memref<4096xi32, #tpu.memory_space<vmem>>, vector<16xi32>,
      tpu.vector_store %arg7[%swap3A_329], %broadcast_in_dim3A_11 {strides = array<i32>} : memref<4096xi32, #tpu.memory_space<vmem>>, vector<16xi32>,
      %swap3A_331 = arith.constant 16 : index
      %swap3A_332 = tpu.vector_load %arg7[%swap3A_331] {strides = array<i32>} : memref<4096xi32, #tpu.memory_space<vmem>>, vector<16xi32>,
      tpu.vector_store %arg7[%swap3A_331], %broadcast_in_dim3A_11 {strides = array<i32>} : memref<4096xi32, #tpu.memory_space<vmem>>, vector<16xi32>,
      %swap3A_333 = arith.constant 32 : index
      %swap3A_334 = tpu.vector_load %arg7[%swap3A_333] {strides = array<i32>} : memref<4096xi32, #tpu.memory_space<vmem>>, vector<16xi32>,
      tpu.vector_store %arg7[%swap3A_333], %broadcast_in_dim3A_11 {strides = array<i32>} : memref<4096xi32, #tpu.memory_space<vmem>>, vector<16xi32>,
      %swap3A_335 = arith.constant 48 : index
      %swap3A_336 = tpu.vector_load %arg7[%swap3A_335] {strides = array<i32>} : memref<4096xi32, #tpu.memory_space<vmem>>, vector<16xi32>,
      tpu.vector_store %arg7[%swap3A_335], %broadcast_in_dim3A_11 {strides = array<i32>} : memref<4096xi32, #tpu.memory_space<vmem>>, vector<16xi32>,
      %swap3A_337 = arith.constant 64 : index
      %swap3A_338 = tpu.vector_load %arg7[%swap3A_337] {strides = array<i32>} : memref<4096xi32, #tpu.memory_space<vmem>>, vector<16xi32>,
      tpu.vector_store %arg7[%swap3A_337], %broadcast_in_dim3A_11 {strides = array<i32>} : memref<4096xi32, #tpu.memory_space<vmem>>, vector<16xi32>,
      %swap3A_339 = arith.constant 80 : index
      %swap3A_340 = tpu.vector_load %arg7[%swap3A_339] {strides = array<i32>} : memref<4096xi32, #tpu.memory_space<vmem>>, vector<16xi32>,
      tpu.vector_store %arg7[%swap3A_339], %broadcast_in_dim3A_11 {strides = array<i32>} : memref<4096xi32, #tpu.memory_space<vmem>>, vector<16xi32>,
      %swap3A_341 = arith.constant 96 : index
      %swap3A_342 = tpu.vector_load %arg7[%swap3A_341] {strides = array<i32>} : memref<4096xi32, #tpu.memory_space<vmem>>, vector<16xi32>,
      tpu.vector_store %arg7[%swap3A_341], %broadcast_in_dim3A_11 {strides = array<i32>} : memref<4096xi32, #tpu.memory_space<vmem>>, vector<16xi32>,
      %swap3A_343 = arith.constant 112 : index
      %swap3A_344 = tpu.vector_load %arg7[%swap3A_343] {strides = array<i32>} : memref<4096xi32, #tpu.memory_space<vmem>>, vector<16xi32>,
      tpu.vector_store %arg7[%swap3A_343], %broadcast_in_dim3A_11 {strides = array<i32>} : memref<4096xi32, #tpu.memory_space<vmem>>, vector<16xi32>,
      %scan3A_345 = arith.constant 0 : i32
      %scan3A_346 = arith.constant 32 : i32
      %scan3A_347 = arith.addi %scan3A_345, %scan3A_346 : i32
      %scan3A_348 = arith.constant 1 : i32
      %scan3A_349 = scf.for %scan3A_617 = %scan3A_345 to %scan3A_347 step %scan3A_348 iter_args(%scan3A_618 = %broadcast_in_dim3A_3) -> (vector<16xi32>)  : i32 {
        %mul3A_619 = arith.constant 128 : i32
        %mul3A_620 = arith.muli %scan3A_617, %mul3A_619 : i32
        %add3A_621 = arith.constant 0 : i32
        %add3A_622 = arith.addi %mul3A_620, %add3A_621 : i32
        %get3A_623 = arith.index_cast %add3A_622 : i32 to index
        %get3A_624 = tpu.vector_load %arg6[%get3A_623] {strides = array<i32>} : memref<4096xf32, #tpu.memory_space<vmem>>, vector<16xf32>,
        %bitcast_convert_type3A = tpu.bitcast %get3A_624 : vector<16xf32> -> vector<16xi32>
        %lt3A_625 = arith.constant 0 : i32
        %lt3A_626 = vector.broadcast %lt3A_625 : i32 to vector<16xi32>
        %lt3A_627 = arith.cmpi slt, %bitcast_convert_type3A, %lt3A_626 : vector<16xi32>
        %xor3A = arith.constant 2147483647 : i32
        %xor3A_628 = vector.broadcast %xor3A : i32 to vector<16xi32>
        %xor3A_629 = arith.xori %bitcast_convert_type3A, %xor3A_628 : vector<16xi32>
        %select_n3A_630 = arith.select %lt3A_627, %xor3A_629, %bitcast_convert_type3A : vector<16xi1>, vector<16xi32>
        %ge3A_631 = arith.cmpi sge, %select_n3A_630, %get3A_328 : vector<16xi32>
        %jit3A_632 = arith.constant 1 : i32
        %jit3A_633 = arith.constant 0 : i32
        %broadcast_in_dim3A_634 = vector.broadcast %jit3A_632 : i32 to vector<16xi32>
        %broadcast_in_dim3A_635 = vector.broadcast %jit3A_633 : i32 to vector<16xi32>
        %select_n3A_636 = arith.select %ge3A_631, %broadcast_in_dim3A_634, %broadcast_in_dim3A_635 : vector<16xi1>, vector<16xi32>
        %broadcast_in_dim3A_637 = arith.constant true
        %broadcast_in_dim3A_638 = vector.broadcast %broadcast_in_dim3A_637 : i1 to vector<16xi1>
        %masked_cumsum3A_639 = tpu.scan <sum>, %select_n3A_636 masked %broadcast_in_dim3A_638 : vector<16xi32>, vector<16xi1> -> vector<16xi32>
        %add3A_640 = arith.addi %scan3A_618, %masked_cumsum3A_639 : vector<16xi32>
        %sub3A_641 = arith.constant 1 : i32
        %sub3A_642 = vector.broadcast %sub3A_641 : i32 to vector<16xi32>
        %sub3A_643 = arith.subi %add3A_640, %sub3A_642 : vector<16xi32>
        tpu.vector_store_idx %arg7[%sub3A_643], %select_n3A_630 masked %ge3A_631 : memref<4096xi32, #tpu.memory_space<vmem>>[vector<16xi32>], vector<16xi32>, vector<16xi1>
        %broadcast_in_dim3A_644 = vector.shape_cast %broadcast_in_dim3A_9 : vector<16xi32> to vector<16x1xi32>
        %gather3A_645 = vector.shape_cast %broadcast_in_dim3A_644 : vector<16x1xi32> to vector<16xi32>
        %gather3A_646 = tpu.dynamic_gather %masked_cumsum3A_639[%gather3A_645] in [0] : vector<16xi32>, vector<16xi32> -> vector<16xi32>
        %add3A_647 = arith.addi %scan3A_618, %gather3A_646 : vector<16xi32>
        %mul3A_648 = arith.constant 128 : i32
        %mul3A_649 = arith.muli %scan3A_617, %mul3A_648 : i32
        %add3A_650 = arith.constant 16 : i32
        %add3A_651 = arith.addi %mul3A_649, %add3A_650 : i32
        %get3A_652 = arith.index_cast %add3A_651 : i32 to index
        %get3A_653 = tpu.vector_load %arg6[%get3A_652] {strides = array<i32>} : memref<4096xf32, #tpu.memory_space<vmem>>, vector<16xf32>,
        %bitcast_convert_type3A_654 = tpu.bitcast %get3A_653 : vector<16xf32> -> vector<16xi32>
        %lt3A_655 = arith.constant 0 : i32
        %lt3A_656 = vector.broadcast %lt3A_655 : i32 to vector<16xi32>
        %lt3A_657 = arith.cmpi slt, %bitcast_convert_type3A_654, %lt3A_656 : vector<16xi32>
        %xor3A_658 = arith.constant 2147483647 : i32
        %xor3A_659 = vector.broadcast %xor3A_658 : i32 to vector<16xi32>
        %xor3A_660 = arith.xori %bitcast_convert_type3A_654, %xor3A_659 : vector<16xi32>
        %select_n3A_661 = arith.select %lt3A_657, %xor3A_660, %bitcast_convert_type3A_654 : vector<16xi1>, vector<16xi32>
        %ge3A_662 = arith.cmpi sge, %select_n3A_661, %get3A_328 : vector<16xi32>
        %jit3A_663 = arith.constant 1 : i32
        %jit3A_664 = arith.constant 0 : i32
        %broadcast_in_dim3A_665 = vector.broadcast %jit3A_663 : i32 to vector<16xi32>
        %broadcast_in_dim3A_666 = vector.broadcast %jit3A_664 : i32 to vector<16xi32>
        %select_n3A_667 = arith.select %ge3A_662, %broadcast_in_dim3A_665, %broadcast_in_dim3A_666 : vector<16xi1>, vector<16xi32>
        %broadcast_in_dim3A_668 = arith.constant true
        %broadcast_in_dim3A_669 = vector.broadcast %broadcast_in_dim3A_668 : i1 to vector<16xi1>
        %masked_cumsum3A_670 = tpu.scan <sum>, %select_n3A_667 masked %broadcast_in_dim3A_669 : vector<16xi32>, vector<16xi1> -> vector<16xi32>
        %add3A_671 = arith.addi %add3A_647, %masked_cumsum3A_670 : vector<16xi32>
        %sub3A_672 = arith.constant 1 : i32
        %sub3A_673 = vector.broadcast %sub3A_672 : i32 to vector<16xi32>
        %sub3A_674 = arith.subi %add3A_671, %sub3A_673 : vector<16xi32>
        tpu.vector_store_idx %arg7[%sub3A_674], %select_n3A_661 masked %ge3A_662 : memref<4096xi32, #tpu.memory_space<vmem>>[vector<16xi32>], vector<16xi32>, vector<16xi1>
        %broadcast_in_dim3A_675 = vector.shape_cast %broadcast_in_dim3A_9 : vector<16xi32> to vector<16x1xi32>
        %gather3A_676 = vector.shape_cast %broadcast_in_dim3A_675 : vector<16x1xi32> to vector<16xi32>
        %gather3A_677 = tpu.dynamic_gather %masked_cumsum3A_670[%gather3A_676] in [0] : vector<16xi32>, vector<16xi32> -> vector<16xi32>
        %add3A_678 = arith.addi %add3A_647, %gather3A_677 : vector<16xi32>
        %mul3A_679 = arith.constant 128 : i32
        %mul3A_680 = arith.muli %scan3A_617, %mul3A_679 : i32
        %add3A_681 = arith.constant 32 : i32
        %add3A_682 = arith.addi %mul3A_680, %add3A_681 : i32
        %get3A_683 = arith.index_cast %add3A_682 : i32 to index
        %get3A_684 = tpu.vector_load %arg6[%get3A_683] {strides = array<i32>} : memref<4096xf32, #tpu.memory_space<vmem>>, vector<16xf32>,
        %bitcast_convert_type3A_685 = tpu.bitcast %get3A_684 : vector<16xf32> -> vector<16xi32>
        %lt3A_686 = arith.constant 0 : i32
        %lt3A_687 = vector.broadcast %lt3A_686 : i32 to vector<16xi32>
        %lt3A_688 = arith.cmpi slt, %bitcast_convert_type3A_685, %lt3A_687 : vector<16xi32>
        %xor3A_689 = arith.constant 2147483647 : i32
        %xor3A_690 = vector.broadcast %xor3A_689 : i32 to vector<16xi32>
        %xor3A_691 = arith.xori %bitcast_convert_type3A_685, %xor3A_690 : vector<16xi32>
        %select_n3A_692 = arith.select %lt3A_688, %xor3A_691, %bitcast_convert_type3A_685 : vector<16xi1>, vector<16xi32>
        %ge3A_693 = arith.cmpi sge, %select_n3A_692, %get3A_328 : vector<16xi32>
        %jit3A_694 = arith.constant 1 : i32
        %jit3A_695 = arith.constant 0 : i32
        %broadcast_in_dim3A_696 = vector.broadcast %jit3A_694 : i32 to vector<16xi32>
        %broadcast_in_dim3A_697 = vector.broadcast %jit3A_695 : i32 to vector<16xi32>
        %select_n3A_698 = arith.select %ge3A_693, %broadcast_in_dim3A_696, %broadcast_in_dim3A_697 : vector<16xi1>, vector<16xi32>
        %broadcast_in_dim3A_699 = arith.constant true
        %broadcast_in_dim3A_700 = vector.broadcast %broadcast_in_dim3A_699 : i1 to vector<16xi1>
        %masked_cumsum3A_701 = tpu.scan <sum>, %select_n3A_698 masked %broadcast_in_dim3A_700 : vector<16xi32>, vector<16xi1> -> vector<16xi32>
        %add3A_702 = arith.addi %add3A_678, %masked_cumsum3A_701 : vector<16xi32>
        %sub3A_703 = arith.constant 1 : i32
        %sub3A_704 = vector.broadcast %sub3A_703 : i32 to vector<16xi32>
        %sub3A_705 = arith.subi %add3A_702, %sub3A_704 : vector<16xi32>
        tpu.vector_store_idx %arg7[%sub3A_705], %select_n3A_692 masked %ge3A_693 : memref<4096xi32, #tpu.memory_space<vmem>>[vector<16xi32>], vector<16xi32>, vector<16xi1>
        %broadcast_in_dim3A_706 = vector.shape_cast %broadcast_in_dim3A_9 : vector<16xi32> to vector<16x1xi32>
        %gather3A_707 = vector.shape_cast %broadcast_in_dim3A_706 : vector<16x1xi32> to vector<16xi32>
        %gather3A_708 = tpu.dynamic_gather %masked_cumsum3A_701[%gather3A_707] in [0] : vector<16xi32>, vector<16xi32> -> vector<16xi32>
        %add3A_709 = arith.addi %add3A_678, %gather3A_708 : vector<16xi32>
        %mul3A_710 = arith.constant 128 : i32
        %mul3A_711 = arith.muli %scan3A_617, %mul3A_710 : i32
        %add3A_712 = arith.constant 48 : i32
        %add3A_713 = arith.addi %mul3A_711, %add3A_712 : i32
        %get3A_714 = arith.index_cast %add3A_713 : i32 to index
        %get3A_715 = tpu.vector_load %arg6[%get3A_714] {strides = array<i32>} : memref<4096xf32, #tpu.memory_space<vmem>>, vector<16xf32>,
        %bitcast_convert_type3A_716 = tpu.bitcast %get3A_715 : vector<16xf32> -> vector<16xi32>
        %lt3A_717 = arith.constant 0 : i32
        %lt3A_718 = vector.broadcast %lt3A_717 : i32 to vector<16xi32>
        %lt3A_719 = arith.cmpi slt, %bitcast_convert_type3A_716, %lt3A_718 : vector<16xi32>
        %xor3A_720 = arith.constant 2147483647 : i32
        %xor3A_721 = vector.broadcast %xor3A_720 : i32 to vector<16xi32>
        %xor3A_722 = arith.xori %bitcast_convert_type3A_716, %xor3A_721 : vector<16xi32>
        %select_n3A_723 = arith.select %lt3A_719, %xor3A_722, %bitcast_convert_type3A_716 : vector<16xi1>, vector<16xi32>
        %ge3A_724 = arith.cmpi sge, %select_n3A_723, %get3A_328 : vector<16xi32>
        %jit3A_725 = arith.constant 1 : i32
        %jit3A_726 = arith.constant 0 : i32
        %broadcast_in_dim3A_727 = vector.broadcast %jit3A_725 : i32 to vector<16xi32>
        %broadcast_in_dim3A_728 = vector.broadcast %jit3A_726 : i32 to vector<16xi32>
        %select_n3A_729 = arith.select %ge3A_724, %broadcast_in_dim3A_727, %broadcast_in_dim3A_728 : vector<16xi1>, vector<16xi32>
        %broadcast_in_dim3A_730 = arith.constant true
        %broadcast_in_dim3A_731 = vector.broadcast %broadcast_in_dim3A_730 : i1 to vector<16xi1>
        %masked_cumsum3A_732 = tpu.scan <sum>, %select_n3A_729 masked %broadcast_in_dim3A_731 : vector<16xi32>, vector<16xi1> -> vector<16xi32>
        %add3A_733 = arith.addi %add3A_709, %masked_cumsum3A_732 : vector<16xi32>
        %sub3A_734 = arith.constant 1 : i32
        %sub3A_735 = vector.broadcast %sub3A_734 : i32 to vector<16xi32>
        %sub3A_736 = arith.subi %add3A_733, %sub3A_735 : vector<16xi32>
        tpu.vector_store_idx %arg7[%sub3A_736], %select_n3A_723 masked %ge3A_724 : memref<4096xi32, #tpu.memory_space<vmem>>[vector<16xi32>], vector<16xi32>, vector<16xi1>
        %broadcast_in_dim3A_737 = vector.shape_cast %broadcast_in_dim3A_9 : vector<16xi32> to vector<16x1xi32>
        %gather3A_738 = vector.shape_cast %broadcast_in_dim3A_737 : vector<16x1xi32> to vector<16xi32>
        %gather3A_739 = tpu.dynamic_gather %masked_cumsum3A_732[%gather3A_738] in [0] : vector<16xi32>, vector<16xi32> -> vector<16xi32>
        %add3A_740 = arith.addi %add3A_709, %gather3A_739 : vector<16xi32>
        %mul3A_741 = arith.constant 128 : i32
        %mul3A_742 = arith.muli %scan3A_617, %mul3A_741 : i32
        %add3A_743 = arith.constant 64 : i32
        %add3A_744 = arith.addi %mul3A_742, %add3A_743 : i32
        %get3A_745 = arith.index_cast %add3A_744 : i32 to index
        %get3A_746 = tpu.vector_load %arg6[%get3A_745] {strides = array<i32>} : memref<4096xf32, #tpu.memory_space<vmem>>, vector<16xf32>,
        %bitcast_convert_type3A_747 = tpu.bitcast %get3A_746 : vector<16xf32> -> vector<16xi32>
        %lt3A_748 = arith.constant 0 : i32
        %lt3A_749 = vector.broadcast %lt3A_748 : i32 to vector<16xi32>
        %lt3A_750 = arith.cmpi slt, %bitcast_convert_type3A_747, %lt3A_749 : vector<16xi32>
        %xor3A_751 = arith.constant 2147483647 : i32
        %xor3A_752 = vector.broadcast %xor3A_751 : i32 to vector<16xi32>
        %xor3A_753 = arith.xori %bitcast_convert_type3A_747, %xor3A_752 : vector<16xi32>
        %select_n3A_754 = arith.select %lt3A_750, %xor3A_753, %bitcast_convert_type3A_747 : vector<16xi1>, vector<16xi32>
        %ge3A_755 = arith.cmpi sge, %select_n3A_754, %get3A_328 : vector<16xi32>
        %jit3A_756 = arith.constant 1 : i32
        %jit3A_757 = arith.constant 0 : i32
        %broadcast_in_dim3A_758 = vector.broadcast %jit3A_756 : i32 to vector<16xi32>
        %broadcast_in_dim3A_759 = vector.broadcast %jit3A_757 : i32 to vector<16xi32>
        %select_n3A_760 = arith.select %ge3A_755, %broadcast_in_dim3A_758, %broadcast_in_dim3A_759 : vector<16xi1>, vector<16xi32>
        %broadcast_in_dim3A_761 = arith.constant true
        %broadcast_in_dim3A_762 = vector.broadcast %broadcast_in_dim3A_761 : i1 to vector<16xi1>
        %masked_cumsum3A_763 = tpu.scan <sum>, %select_n3A_760 masked %broadcast_in_dim3A_762 : vector<16xi32>, vector<16xi1> -> vector<16xi32>
        %add3A_764 = arith.addi %add3A_740, %masked_cumsum3A_763 : vector<16xi32>
        %sub3A_765 = arith.constant 1 : i32
        %sub3A_766 = vector.broadcast %sub3A_765 : i32 to vector<16xi32>
        %sub3A_767 = arith.subi %add3A_764, %sub3A_766 : vector<16xi32>
        tpu.vector_store_idx %arg7[%sub3A_767], %select_n3A_754 masked %ge3A_755 : memref<4096xi32, #tpu.memory_space<vmem>>[vector<16xi32>], vector<16xi32>, vector<16xi1>
        %broadcast_in_dim3A_768 = vector.shape_cast %broadcast_in_dim3A_9 : vector<16xi32> to vector<16x1xi32>
        %gather3A_769 = vector.shape_cast %broadcast_in_dim3A_768 : vector<16x1xi32> to vector<16xi32>
        %gather3A_770 = tpu.dynamic_gather %masked_cumsum3A_763[%gather3A_769] in [0] : vector<16xi32>, vector<16xi32> -> vector<16xi32>
        %add3A_771 = arith.addi %add3A_740, %gather3A_770 : vector<16xi32>
        %mul3A_772 = arith.constant 128 : i32
        %mul3A_773 = arith.muli %scan3A_617, %mul3A_772 : i32
        %add3A_774 = arith.constant 80 : i32
        %add3A_775 = arith.addi %mul3A_773, %add3A_774 : i32
        %get3A_776 = arith.index_cast %add3A_775 : i32 to index
        %get3A_777 = tpu.vector_load %arg6[%get3A_776] {strides = array<i32>} : memref<4096xf32, #tpu.memory_space<vmem>>, vector<16xf32>,
        %bitcast_convert_type3A_778 = tpu.bitcast %get3A_777 : vector<16xf32> -> vector<16xi32>
        %lt3A_779 = arith.constant 0 : i32
        %lt3A_780 = vector.broadcast %lt3A_779 : i32 to vector<16xi32>
        %lt3A_781 = arith.cmpi slt, %bitcast_convert_type3A_778, %lt3A_780 : vector<16xi32>
        %xor3A_782 = arith.constant 2147483647 : i32
        %xor3A_783 = vector.broadcast %xor3A_782 : i32 to vector<16xi32>
        %xor3A_784 = arith.xori %bitcast_convert_type3A_778, %xor3A_783 : vector<16xi32>
        %select_n3A_785 = arith.select %lt3A_781, %xor3A_784, %bitcast_convert_type3A_778 : vector<16xi1>, vector<16xi32>
        %ge3A_786 = arith.cmpi sge, %select_n3A_785, %get3A_328 : vector<16xi32>
        %jit3A_787 = arith.constant 1 : i32
        %jit3A_788 = arith.constant 0 : i32
        %broadcast_in_dim3A_789 = vector.broadcast %jit3A_787 : i32 to vector<16xi32>
        %broadcast_in_dim3A_790 = vector.broadcast %jit3A_788 : i32 to vector<16xi32>
        %select_n3A_791 = arith.select %ge3A_786, %broadcast_in_dim3A_789, %broadcast_in_dim3A_790 : vector<16xi1>, vector<16xi32>
        %broadcast_in_dim3A_792 = arith.constant true
        %broadcast_in_dim3A_793 = vector.broadcast %broadcast_in_dim3A_792 : i1 to vector<16xi1>
        %masked_cumsum3A_794 = tpu.scan <sum>, %select_n3A_791 masked %broadcast_in_dim3A_793 : vector<16xi32>, vector<16xi1> -> vector<16xi32>
        %add3A_795 = arith.addi %add3A_771, %masked_cumsum3A_794 : vector<16xi32>
        %sub3A_796 = arith.constant 1 : i32
        %sub3A_797 = vector.broadcast %sub3A_796 : i32 to vector<16xi32>
        %sub3A_798 = arith.subi %add3A_795, %sub3A_797 : vector<16xi32>
        tpu.vector_store_idx %arg7[%sub3A_798], %select_n3A_785 masked %ge3A_786 : memref<4096xi32, #tpu.memory_space<vmem>>[vector<16xi32>], vector<16xi32>, vector<16xi1>
        %broadcast_in_dim3A_799 = vector.shape_cast %broadcast_in_dim3A_9 : vector<16xi32> to vector<16x1xi32>
        %gather3A_800 = vector.shape_cast %broadcast_in_dim3A_799 : vector<16x1xi32> to vector<16xi32>
        %gather3A_801 = tpu.dynamic_gather %masked_cumsum3A_794[%gather3A_800] in [0] : vector<16xi32>, vector<16xi32> -> vector<16xi32>
        %add3A_802 = arith.addi %add3A_771, %gather3A_801 : vector<16xi32>
        %mul3A_803 = arith.constant 128 : i32
        %mul3A_804 = arith.muli %scan3A_617, %mul3A_803 : i32
        %add3A_805 = arith.constant 96 : i32
        %add3A_806 = arith.addi %mul3A_804, %add3A_805 : i32
        %get3A_807 = arith.index_cast %add3A_806 : i32 to index
        %get3A_808 = tpu.vector_load %arg6[%get3A_807] {strides = array<i32>} : memref<4096xf32, #tpu.memory_space<vmem>>, vector<16xf32>,
        %bitcast_convert_type3A_809 = tpu.bitcast %get3A_808 : vector<16xf32> -> vector<16xi32>
        %lt3A_810 = arith.constant 0 : i32
        %lt3A_811 = vector.broadcast %lt3A_810 : i32 to vector<16xi32>
        %lt3A_812 = arith.cmpi slt, %bitcast_convert_type3A_809, %lt3A_811 : vector<16xi32>
        %xor3A_813 = arith.constant 2147483647 : i32
        %xor3A_814 = vector.broadcast %xor3A_813 : i32 to vector<16xi32>
        %xor3A_815 = arith.xori %bitcast_convert_type3A_809, %xor3A_814 : vector<16xi32>
        %select_n3A_816 = arith.select %lt3A_812, %xor3A_815, %bitcast_convert_type3A_809 : vector<16xi1>, vector<16xi32>
        %ge3A_817 = arith.cmpi sge, %select_n3A_816, %get3A_328 : vector<16xi32>
        %jit3A_818 = arith.constant 1 : i32
        %jit3A_819 = arith.constant 0 : i32
        %broadcast_in_dim3A_820 = vector.broadcast %jit3A_818 : i32 to vector<16xi32>
        %broadcast_in_dim3A_821 = vector.broadcast %jit3A_819 : i32 to vector<16xi32>
        %select_n3A_822 = arith.select %ge3A_817, %broadcast_in_dim3A_820, %broadcast_in_dim3A_821 : vector<16xi1>, vector<16xi32>
        %broadcast_in_dim3A_823 = arith.constant true
        %broadcast_in_dim3A_824 = vector.broadcast %broadcast_in_dim3A_823 : i1 to vector<16xi1>
        %masked_cumsum3A_825 = tpu.scan <sum>, %select_n3A_822 masked %broadcast_in_dim3A_824 : vector<16xi32>, vector<16xi1> -> vector<16xi32>
        %add3A_826 = arith.addi %add3A_802, %masked_cumsum3A_825 : vector<16xi32>
        %sub3A_827 = arith.constant 1 : i32
        %sub3A_828 = vector.broadcast %sub3A_827 : i32 to vector<16xi32>
        %sub3A_829 = arith.subi %add3A_826, %sub3A_828 : vector<16xi32>
        tpu.vector_store_idx %arg7[%sub3A_829], %select_n3A_816 masked %ge3A_817 : memref<4096xi32, #tpu.memory_space<vmem>>[vector<16xi32>], vector<16xi32>, vector<16xi1>
        %broadcast_in_dim3A_830 = vector.shape_cast %broadcast_in_dim3A_9 : vector<16xi32> to vector<16x1xi32>
        %gather3A_831 = vector.shape_cast %broadcast_in_dim3A_830 : vector<16x1xi32> to vector<16xi32>
        %gather3A_832 = tpu.dynamic_gather %masked_cumsum3A_825[%gather3A_831] in [0] : vector<16xi32>, vector<16xi32> -> vector<16xi32>
        %add3A_833 = arith.addi %add3A_802, %gather3A_832 : vector<16xi32>
        %mul3A_834 = arith.constant 128 : i32
        %mul3A_835 = arith.muli %scan3A_617, %mul3A_834 : i32
        %add3A_836 = arith.constant 112 : i32
        %add3A_837 = arith.addi %mul3A_835, %add3A_836 : i32
        %get3A_838 = arith.index_cast %add3A_837 : i32 to index
        %get3A_839 = tpu.vector_load %arg6[%get3A_838] {strides = array<i32>} : memref<4096xf32, #tpu.memory_space<vmem>>, vector<16xf32>,
        %bitcast_convert_type3A_840 = tpu.bitcast %get3A_839 : vector<16xf32> -> vector<16xi32>
        %lt3A_841 = arith.constant 0 : i32
        %lt3A_842 = vector.broadcast %lt3A_841 : i32 to vector<16xi32>
        %lt3A_843 = arith.cmpi slt, %bitcast_convert_type3A_840, %lt3A_842 : vector<16xi32>
        %xor3A_844 = arith.constant 2147483647 : i32
        %xor3A_845 = vector.broadcast %xor3A_844 : i32 to vector<16xi32>
        %xor3A_846 = arith.xori %bitcast_convert_type3A_840, %xor3A_845 : vector<16xi32>
        %select_n3A_847 = arith.select %lt3A_843, %xor3A_846, %bitcast_convert_type3A_840 : vector<16xi1>, vector<16xi32>
        %ge3A_848 = arith.cmpi sge, %select_n3A_847, %get3A_328 : vector<16xi32>
        %jit3A_849 = arith.constant 1 : i32
        %jit3A_850 = arith.constant 0 : i32
        %broadcast_in_dim3A_851 = vector.broadcast %jit3A_849 : i32 to vector<16xi32>
        %broadcast_in_dim3A_852 = vector.broadcast %jit3A_850 : i32 to vector<16xi32>
        %select_n3A_853 = arith.select %ge3A_848, %broadcast_in_dim3A_851, %broadcast_in_dim3A_852 : vector<16xi1>, vector<16xi32>
        %broadcast_in_dim3A_854 = arith.constant true
        %broadcast_in_dim3A_855 = vector.broadcast %broadcast_in_dim3A_854 : i1 to vector<16xi1>
        %masked_cumsum3A_856 = tpu.scan <sum>, %select_n3A_853 masked %broadcast_in_dim3A_855 : vector<16xi32>, vector<16xi1> -> vector<16xi32>
        %add3A_857 = arith.addi %add3A_833, %masked_cumsum3A_856 : vector<16xi32>
        %sub3A_858 = arith.constant 1 : i32
        %sub3A_859 = vector.broadcast %sub3A_858 : i32 to vector<16xi32>
        %sub3A_860 = arith.subi %add3A_857, %sub3A_859 : vector<16xi32>
        tpu.vector_store_idx %arg7[%sub3A_860], %select_n3A_847 masked %ge3A_848 : memref<4096xi32, #tpu.memory_space<vmem>>[vector<16xi32>], vector<16xi32>, vector<16xi1>
        %broadcast_in_dim3A_861 = vector.shape_cast %broadcast_in_dim3A_9 : vector<16xi32> to vector<16x1xi32>
        %gather3A_862 = vector.shape_cast %broadcast_in_dim3A_861 : vector<16x1xi32> to vector<16xi32>
        %gather3A_863 = tpu.dynamic_gather %masked_cumsum3A_856[%gather3A_862] in [0] : vector<16xi32>, vector<16xi32> -> vector<16xi32>
        %add3A_864 = arith.addi %add3A_833, %gather3A_863 : vector<16xi32>
        scf.yield %add3A_864 : vector<16xi32>
      }
      %scan3A_350 = arith.constant 32 : i32
      %add3A_351 = arith.constant 15 : i32
      %add3A_352 = vector.broadcast %add3A_351 : i32 to vector<16xi32>
      %add3A_353 = arith.addi %scan3A_349, %add3A_352 : vector<16xi32>
      %shift_right_arithmetic3A_354 = arith.constant 4 : i32
      %shift_right_arithmetic3A_355 = vector.broadcast %shift_right_arithmetic3A_354 : i32 to vector<16xi32>
      %shift_right_arithmetic3A_356 = arith.shrsi %add3A_353, %shift_right_arithmetic3A_355 : vector<16xi32>
      %shift_left3A_357 = arith.constant 4 : i32
      %shift_left3A_358 = vector.broadcast %shift_left3A_357 : i32 to vector<16xi32>
      %shift_left3A_359 = arith.shli %shift_right_arithmetic3A_356, %shift_left3A_358 : vector<16xi32>
      %add3A_360 = arith.addi %iota3A, %shift_left3A_359 : vector<16xi32>
      %sub3A_361 = arith.constant 16 : i32
      %sub3A_362 = vector.broadcast %sub3A_361 : i32 to vector<16xi32>
      %sub3A_363 = arith.subi %add3A_360, %sub3A_362 : vector<16xi32>
      %ge3A_364 = arith.cmpi sge, %sub3A_363, %scan3A_349 : vector<16xi32>
      tpu.vector_store_idx %arg7[%sub3A_363], %broadcast_in_dim3A_11 masked %ge3A_364 : memref<4096xi32, #tpu.memory_space<vmem>>[vector<16xi32>], vector<16xi32>, vector<16xi1>
      %get3A_365 = arith.constant 0 : index
      %get3A_366 = tpu.vector_load %arg7[%get3A_365] {strides = array<i32>} : memref<4096xi32, #tpu.memory_space<vmem>>, vector<16xi32>,
      %get3A_367 = arith.constant 16 : index
      %get3A_368 = tpu.vector_load %arg7[%get3A_367] {strides = array<i32>} : memref<4096xi32, #tpu.memory_space<vmem>>, vector<16xi32>,
      %get3A_369 = arith.constant 32 : index
      %get3A_370 = tpu.vector_load %arg7[%get3A_369] {strides = array<i32>} : memref<4096xi32, #tpu.memory_space<vmem>>, vector<16xi32>,
      %get3A_371 = arith.constant 48 : index
      %get3A_372 = tpu.vector_load %arg7[%get3A_371] {strides = array<i32>} : memref<4096xi32, #tpu.memory_space<vmem>>, vector<16xi32>,
      %get3A_373 = arith.constant 64 : index
      %get3A_374 = tpu.vector_load %arg7[%get3A_373] {strides = array<i32>} : memref<4096xi32, #tpu.memory_space<vmem>>, vector<16xi32>,
      %get3A_375 = arith.constant 80 : index
      %get3A_376 = tpu.vector_load %arg7[%get3A_375] {strides = array<i32>} : memref<4096xi32, #tpu.memory_space<vmem>>, vector<16xi32>,
      %get3A_377 = arith.constant 96 : index
      %get3A_378 = tpu.vector_load %arg7[%get3A_377] {strides = array<i32>} : memref<4096xi32, #tpu.memory_space<vmem>>, vector<16xi32>,
      %get3A_379 = arith.constant 112 : index
      %get3A_380 = tpu.vector_load %arg7[%get3A_379] {strides = array<i32>} : memref<4096xi32, #tpu.memory_space<vmem>>, vector<16xi32>,
      %scan3A_381 = arith.constant 0 : i32
      %scan3A_382 = arith.constant 16 : i32
      %scan3A_383 = arith.addi %scan3A_381, %scan3A_382 : i32
      %scan3A_384 = arith.constant 1 : i32
      %scan3A_385:2 = scf.for %scan3A_617 = %scan3A_381 to %scan3A_383 step %scan3A_384 iter_args(%scan3A_618 = %broadcast_in_dim3A_11, %scan3A_619 = %broadcast_in_dim3A_13) -> (vector<16xi32>, vector<16xi32>)  : i32 {
        %shift_right_arithmetic3A_620 = arith.constant 1 : i32
        %shift_right_arithmetic3A_621 = vector.broadcast %shift_right_arithmetic3A_620 : i32 to vector<16xi32>
        %shift_right_arithmetic3A_622 = arith.shrsi %scan3A_618, %shift_right_arithmetic3A_621 : vector<16xi32>
        %shift_right_arithmetic3A_623 = arith.constant 1 : i32
        %shift_right_arithmetic3A_624 = vector.broadcast %shift_right_arithmetic3A_623 : i32 to vector<16xi32>
        %shift_right_arithmetic3A_625 = arith.shrsi %scan3A_619, %shift_right_arithmetic3A_624 : vector<16xi32>
        %add3A_626 = arith.addi %shift_right_arithmetic3A_622, %shift_right_arithmetic3A_625 : vector<16xi32>
        %or3A = arith.ori %scan3A_618, %scan3A_619 : vector<16xi32>
        %and3A_627 = arith.constant 1 : i32
        %and3A_628 = vector.broadcast %and3A_627 : i32 to vector<16xi32>
        %and3A_629 = arith.andi %or3A, %and3A_628 : vector<16xi32>
        %add3A_630 = arith.addi %add3A_626, %and3A_629 : vector<16xi32>
        %sub3A_631 = arith.constant 1 : i32
        %sub3A_632 = vector.broadcast %sub3A_631 : i32 to vector<16xi32>
        %sub3A_633 = arith.subi %add3A_630, %sub3A_632 : vector<16xi32>
        %shift_right_arithmetic3A_634 = arith.constant 1 : i32
        %shift_right_arithmetic3A_635 = vector.broadcast %shift_right_arithmetic3A_634 : i32 to vector<16xi32>
        %shift_right_arithmetic3A_636 = arith.shrsi %scan3A_618, %shift_right_arithmetic3A_635 : vector<16xi32>
        %shift_right_arithmetic3A_637 = arith.constant 1 : i32
        %shift_right_arithmetic3A_638 = vector.broadcast %shift_right_arithmetic3A_637 : i32 to vector<16xi32>
        %shift_right_arithmetic3A_639 = arith.shrsi %sub3A_633, %shift_right_arithmetic3A_638 : vector<16xi32>
        %add3A_640 = arith.addi %shift_right_arithmetic3A_636, %shift_right_arithmetic3A_639 : vector<16xi32>
        %or3A_641 = arith.ori %scan3A_618, %sub3A_633 : vector<16xi32>
        %and3A_642 = arith.constant 1 : i32
        %and3A_643 = vector.broadcast %and3A_642 : i32 to vector<16xi32>
        %and3A_644 = arith.andi %or3A_641, %and3A_643 : vector<16xi32>
        %add3A_645 = arith.addi %add3A_640, %and3A_644 : vector<16xi32>
        %shift_right_arithmetic3A_646 = arith.constant 1 : i32
        %shift_right_arithmetic3A_647 = vector.broadcast %shift_right_arithmetic3A_646 : i32 to vector<16xi32>
        %shift_right_arithmetic3A_648 = arith.shrsi %add3A_630, %shift_right_arithmetic3A_647 : vector<16xi32>
        %shift_right_arithmetic3A_649 = arith.constant 1 : i32
        %shift_right_arithmetic3A_650 = vector.broadcast %shift_right_arithmetic3A_649 : i32 to vector<16xi32>
        %shift_right_arithmetic3A_651 = arith.shrsi %scan3A_619, %shift_right_arithmetic3A_650 : vector<16xi32>
        %add3A_652 = arith.addi %shift_right_arithmetic3A_648, %shift_right_arithmetic3A_651 : vector<16xi32>
        %or3A_653 = arith.ori %add3A_630, %scan3A_619 : vector<16xi32>
        %and3A_654 = arith.constant 1 : i32
        %and3A_655 = vector.broadcast %and3A_654 : i32 to vector<16xi32>
        %and3A_656 = arith.andi %or3A_653, %and3A_655 : vector<16xi32>
        %add3A_657 = arith.addi %add3A_652, %and3A_656 : vector<16xi32>
        %ge3A_658 = arith.cmpi sge, %get3A_366, %add3A_645 : vector<16xi32>
        %jit3A_659 = arith.constant 1 : i32
        %jit3A_660 = arith.constant 0 : i32
        %broadcast_in_dim3A_661 = vector.broadcast %jit3A_659 : i32 to vector<16xi32>
        %broadcast_in_dim3A_662 = vector.broadcast %jit3A_660 : i32 to vector<16xi32>
        %select_n3A_663 = arith.select %ge3A_658, %broadcast_in_dim3A_661, %broadcast_in_dim3A_662 : vector<16xi1>, vector<16xi32>
        %add3A_664 = arith.addi %broadcast_in_dim3A_3, %select_n3A_663 : vector<16xi32>
        %ge3A_665 = arith.cmpi sge, %get3A_366, %add3A_630 : vector<16xi32>
        %jit3A_666 = arith.constant 1 : i32
        %jit3A_667 = arith.constant 0 : i32
        %broadcast_in_dim3A_668 = vector.broadcast %jit3A_666 : i32 to vector<16xi32>
        %broadcast_in_dim3A_669 = vector.broadcast %jit3A_667 : i32 to vector<16xi32>
        %select_n3A_670 = arith.select %ge3A_665, %broadcast_in_dim3A_668, %broadcast_in_dim3A_669 : vector<16xi1>, vector<16xi32>
        %add3A_671 = arith.addi %broadcast_in_dim3A_3, %select_n3A_670 : vector<16xi32>
        %ge3A_672 = arith.cmpi sge, %get3A_366, %add3A_657 : vector<16xi32>
        %jit3A_673 = arith.constant 1 : i32
        %jit3A_674 = arith.constant 0 : i32
        %broadcast_in_dim3A_675 = vector.broadcast %jit3A_673 : i32 to vector<16xi32>
        %broadcast_in_dim3A_676 = vector.broadcast %jit3A_674 : i32 to vector<16xi32>
        %select_n3A_677 = arith.select %ge3A_672, %broadcast_in_dim3A_675, %broadcast_in_dim3A_676 : vector<16xi1>, vector<16xi32>
        %add3A_678 = arith.addi %broadcast_in_dim3A_3, %select_n3A_677 : vector<16xi32>
        %ge3A_679 = arith.cmpi sge, %get3A_368, %add3A_645 : vector<16xi32>
        %jit3A_680 = arith.constant 1 : i32
        %jit3A_681 = arith.constant 0 : i32
        %broadcast_in_dim3A_682 = vector.broadcast %jit3A_680 : i32 to vector<16xi32>
        %broadcast_in_dim3A_683 = vector.broadcast %jit3A_681 : i32 to vector<16xi32>
        %select_n3A_684 = arith.select %ge3A_679, %broadcast_in_dim3A_682, %broadcast_in_dim3A_683 : vector<16xi1>, vector<16xi32>
        %add3A_685 = arith.addi %add3A_664, %select_n3A_684 : vector<16xi32>
        %ge3A_686 = arith.cmpi sge, %get3A_368, %add3A_630 : vector<16xi32>
        %jit3A_687 = arith.constant 1 : i32
        %jit3A_688 = arith.constant 0 : i32
        %broadcast_in_dim3A_689 = vector.broadcast %jit3A_687 : i32 to vector<16xi32>
        %broadcast_in_dim3A_690 = vector.broadcast %jit3A_688 : i32 to vector<16xi32>
        %select_n3A_691 = arith.select %ge3A_686, %broadcast_in_dim3A_689, %broadcast_in_dim3A_690 : vector<16xi1>, vector<16xi32>
        %add3A_692 = arith.addi %add3A_671, %select_n3A_691 : vector<16xi32>
        %ge3A_693 = arith.cmpi sge, %get3A_368, %add3A_657 : vector<16xi32>
        %jit3A_694 = arith.constant 1 : i32
        %jit3A_695 = arith.constant 0 : i32
        %broadcast_in_dim3A_696 = vector.broadcast %jit3A_694 : i32 to vector<16xi32>
        %broadcast_in_dim3A_697 = vector.broadcast %jit3A_695 : i32 to vector<16xi32>
        %select_n3A_698 = arith.select %ge3A_693, %broadcast_in_dim3A_696, %broadcast_in_dim3A_697 : vector<16xi1>, vector<16xi32>
        %add3A_699 = arith.addi %add3A_678, %select_n3A_698 : vector<16xi32>
        %ge3A_700 = arith.cmpi sge, %get3A_370, %add3A_645 : vector<16xi32>
        %jit3A_701 = arith.constant 1 : i32
        %jit3A_702 = arith.constant 0 : i32
        %broadcast_in_dim3A_703 = vector.broadcast %jit3A_701 : i32 to vector<16xi32>
        %broadcast_in_dim3A_704 = vector.broadcast %jit3A_702 : i32 to vector<16xi32>
        %select_n3A_705 = arith.select %ge3A_700, %broadcast_in_dim3A_703, %broadcast_in_dim3A_704 : vector<16xi1>, vector<16xi32>
        %add3A_706 = arith.addi %add3A_685, %select_n3A_705 : vector<16xi32>
        %ge3A_707 = arith.cmpi sge, %get3A_370, %add3A_630 : vector<16xi32>
        %jit3A_708 = arith.constant 1 : i32
        %jit3A_709 = arith.constant 0 : i32
        %broadcast_in_dim3A_710 = vector.broadcast %jit3A_708 : i32 to vector<16xi32>
        %broadcast_in_dim3A_711 = vector.broadcast %jit3A_709 : i32 to vector<16xi32>
        %select_n3A_712 = arith.select %ge3A_707, %broadcast_in_dim3A_710, %broadcast_in_dim3A_711 : vector<16xi1>, vector<16xi32>
        %add3A_713 = arith.addi %add3A_692, %select_n3A_712 : vector<16xi32>
        %ge3A_714 = arith.cmpi sge, %get3A_370, %add3A_657 : vector<16xi32>
        %jit3A_715 = arith.constant 1 : i32
        %jit3A_716 = arith.constant 0 : i32
        %broadcast_in_dim3A_717 = vector.broadcast %jit3A_715 : i32 to vector<16xi32>
        %broadcast_in_dim3A_718 = vector.broadcast %jit3A_716 : i32 to vector<16xi32>
        %select_n3A_719 = arith.select %ge3A_714, %broadcast_in_dim3A_717, %broadcast_in_dim3A_718 : vector<16xi1>, vector<16xi32>
        %add3A_720 = arith.addi %add3A_699, %select_n3A_719 : vector<16xi32>
        %ge3A_721 = arith.cmpi sge, %get3A_372, %add3A_645 : vector<16xi32>
        %jit3A_722 = arith.constant 1 : i32
        %jit3A_723 = arith.constant 0 : i32
        %broadcast_in_dim3A_724 = vector.broadcast %jit3A_722 : i32 to vector<16xi32>
        %broadcast_in_dim3A_725 = vector.broadcast %jit3A_723 : i32 to vector<16xi32>
        %select_n3A_726 = arith.select %ge3A_721, %broadcast_in_dim3A_724, %broadcast_in_dim3A_725 : vector<16xi1>, vector<16xi32>
        %add3A_727 = arith.addi %add3A_706, %select_n3A_726 : vector<16xi32>
        %ge3A_728 = arith.cmpi sge, %get3A_372, %add3A_630 : vector<16xi32>
        %jit3A_729 = arith.constant 1 : i32
        %jit3A_730 = arith.constant 0 : i32
        %broadcast_in_dim3A_731 = vector.broadcast %jit3A_729 : i32 to vector<16xi32>
        %broadcast_in_dim3A_732 = vector.broadcast %jit3A_730 : i32 to vector<16xi32>
        %select_n3A_733 = arith.select %ge3A_728, %broadcast_in_dim3A_731, %broadcast_in_dim3A_732 : vector<16xi1>, vector<16xi32>
        %add3A_734 = arith.addi %add3A_713, %select_n3A_733 : vector<16xi32>
        %ge3A_735 = arith.cmpi sge, %get3A_372, %add3A_657 : vector<16xi32>
        %jit3A_736 = arith.constant 1 : i32
        %jit3A_737 = arith.constant 0 : i32
        %broadcast_in_dim3A_738 = vector.broadcast %jit3A_736 : i32 to vector<16xi32>
        %broadcast_in_dim3A_739 = vector.broadcast %jit3A_737 : i32 to vector<16xi32>
        %select_n3A_740 = arith.select %ge3A_735, %broadcast_in_dim3A_738, %broadcast_in_dim3A_739 : vector<16xi1>, vector<16xi32>
        %add3A_741 = arith.addi %add3A_720, %select_n3A_740 : vector<16xi32>
        %ge3A_742 = arith.cmpi sge, %get3A_374, %add3A_645 : vector<16xi32>
        %jit3A_743 = arith.constant 1 : i32
        %jit3A_744 = arith.constant 0 : i32
        %broadcast_in_dim3A_745 = vector.broadcast %jit3A_743 : i32 to vector<16xi32>
        %broadcast_in_dim3A_746 = vector.broadcast %jit3A_744 : i32 to vector<16xi32>
        %select_n3A_747 = arith.select %ge3A_742, %broadcast_in_dim3A_745, %broadcast_in_dim3A_746 : vector<16xi1>, vector<16xi32>
        %add3A_748 = arith.addi %add3A_727, %select_n3A_747 : vector<16xi32>
        %ge3A_749 = arith.cmpi sge, %get3A_374, %add3A_630 : vector<16xi32>
        %jit3A_750 = arith.constant 1 : i32
        %jit3A_751 = arith.constant 0 : i32
        %broadcast_in_dim3A_752 = vector.broadcast %jit3A_750 : i32 to vector<16xi32>
        %broadcast_in_dim3A_753 = vector.broadcast %jit3A_751 : i32 to vector<16xi32>
        %select_n3A_754 = arith.select %ge3A_749, %broadcast_in_dim3A_752, %broadcast_in_dim3A_753 : vector<16xi1>, vector<16xi32>
        %add3A_755 = arith.addi %add3A_734, %select_n3A_754 : vector<16xi32>
        %ge3A_756 = arith.cmpi sge, %get3A_374, %add3A_657 : vector<16xi32>
        %jit3A_757 = arith.constant 1 : i32
        %jit3A_758 = arith.constant 0 : i32
        %broadcast_in_dim3A_759 = vector.broadcast %jit3A_757 : i32 to vector<16xi32>
        %broadcast_in_dim3A_760 = vector.broadcast %jit3A_758 : i32 to vector<16xi32>
        %select_n3A_761 = arith.select %ge3A_756, %broadcast_in_dim3A_759, %broadcast_in_dim3A_760 : vector<16xi1>, vector<16xi32>
        %add3A_762 = arith.addi %add3A_741, %select_n3A_761 : vector<16xi32>
        %ge3A_763 = arith.cmpi sge, %get3A_376, %add3A_645 : vector<16xi32>
        %jit3A_764 = arith.constant 1 : i32
        %jit3A_765 = arith.constant 0 : i32
        %broadcast_in_dim3A_766 = vector.broadcast %jit3A_764 : i32 to vector<16xi32>
        %broadcast_in_dim3A_767 = vector.broadcast %jit3A_765 : i32 to vector<16xi32>
        %select_n3A_768 = arith.select %ge3A_763, %broadcast_in_dim3A_766, %broadcast_in_dim3A_767 : vector<16xi1>, vector<16xi32>
        %add3A_769 = arith.addi %add3A_748, %select_n3A_768 : vector<16xi32>
        %ge3A_770 = arith.cmpi sge, %get3A_376, %add3A_630 : vector<16xi32>
        %jit3A_771 = arith.constant 1 : i32
        %jit3A_772 = arith.constant 0 : i32
        %broadcast_in_dim3A_773 = vector.broadcast %jit3A_771 : i32 to vector<16xi32>
        %broadcast_in_dim3A_774 = vector.broadcast %jit3A_772 : i32 to vector<16xi32>
        %select_n3A_775 = arith.select %ge3A_770, %broadcast_in_dim3A_773, %broadcast_in_dim3A_774 : vector<16xi1>, vector<16xi32>
        %add3A_776 = arith.addi %add3A_755, %select_n3A_775 : vector<16xi32>
        %ge3A_777 = arith.cmpi sge, %get3A_376, %add3A_657 : vector<16xi32>
        %jit3A_778 = arith.constant 1 : i32
        %jit3A_779 = arith.constant 0 : i32
        %broadcast_in_dim3A_780 = vector.broadcast %jit3A_778 : i32 to vector<16xi32>
        %broadcast_in_dim3A_781 = vector.broadcast %jit3A_779 : i32 to vector<16xi32>
        %select_n3A_782 = arith.select %ge3A_777, %broadcast_in_dim3A_780, %broadcast_in_dim3A_781 : vector<16xi1>, vector<16xi32>
        %add3A_783 = arith.addi %add3A_762, %select_n3A_782 : vector<16xi32>
        %ge3A_784 = arith.cmpi sge, %get3A_378, %add3A_645 : vector<16xi32>
        %jit3A_785 = arith.constant 1 : i32
        %jit3A_786 = arith.constant 0 : i32
        %broadcast_in_dim3A_787 = vector.broadcast %jit3A_785 : i32 to vector<16xi32>
        %broadcast_in_dim3A_788 = vector.broadcast %jit3A_786 : i32 to vector<16xi32>
        %select_n3A_789 = arith.select %ge3A_784, %broadcast_in_dim3A_787, %broadcast_in_dim3A_788 : vector<16xi1>, vector<16xi32>
        %add3A_790 = arith.addi %add3A_769, %select_n3A_789 : vector<16xi32>
        %ge3A_791 = arith.cmpi sge, %get3A_378, %add3A_630 : vector<16xi32>
        %jit3A_792 = arith.constant 1 : i32
        %jit3A_793 = arith.constant 0 : i32
        %broadcast_in_dim3A_794 = vector.broadcast %jit3A_792 : i32 to vector<16xi32>
        %broadcast_in_dim3A_795 = vector.broadcast %jit3A_793 : i32 to vector<16xi32>
        %select_n3A_796 = arith.select %ge3A_791, %broadcast_in_dim3A_794, %broadcast_in_dim3A_795 : vector<16xi1>, vector<16xi32>
        %add3A_797 = arith.addi %add3A_776, %select_n3A_796 : vector<16xi32>
        %ge3A_798 = arith.cmpi sge, %get3A_378, %add3A_657 : vector<16xi32>
        %jit3A_799 = arith.constant 1 : i32
        %jit3A_800 = arith.constant 0 : i32
        %broadcast_in_dim3A_801 = vector.broadcast %jit3A_799 : i32 to vector<16xi32>
        %broadcast_in_dim3A_802 = vector.broadcast %jit3A_800 : i32 to vector<16xi32>
        %select_n3A_803 = arith.select %ge3A_798, %broadcast_in_dim3A_801, %broadcast_in_dim3A_802 : vector<16xi1>, vector<16xi32>
        %add3A_804 = arith.addi %add3A_783, %select_n3A_803 : vector<16xi32>
        %ge3A_805 = arith.cmpi sge, %get3A_380, %add3A_645 : vector<16xi32>
        %jit3A_806 = arith.constant 1 : i32
        %jit3A_807 = arith.constant 0 : i32
        %broadcast_in_dim3A_808 = vector.broadcast %jit3A_806 : i32 to vector<16xi32>
        %broadcast_in_dim3A_809 = vector.broadcast %jit3A_807 : i32 to vector<16xi32>
        %select_n3A_810 = arith.select %ge3A_805, %broadcast_in_dim3A_808, %broadcast_in_dim3A_809 : vector<16xi1>, vector<16xi32>
        %add3A_811 = arith.addi %add3A_790, %select_n3A_810 : vector<16xi32>
        %ge3A_812 = arith.cmpi sge, %get3A_380, %add3A_630 : vector<16xi32>
        %jit3A_813 = arith.constant 1 : i32
        %jit3A_814 = arith.constant 0 : i32
        %broadcast_in_dim3A_815 = vector.broadcast %jit3A_813 : i32 to vector<16xi32>
        %broadcast_in_dim3A_816 = vector.broadcast %jit3A_814 : i32 to vector<16xi32>
        %select_n3A_817 = arith.select %ge3A_812, %broadcast_in_dim3A_815, %broadcast_in_dim3A_816 : vector<16xi1>, vector<16xi32>
        %add3A_818 = arith.addi %add3A_797, %select_n3A_817 : vector<16xi32>
        %ge3A_819 = arith.cmpi sge, %get3A_380, %add3A_657 : vector<16xi32>
        %jit3A_820 = arith.constant 1 : i32
        %jit3A_821 = arith.constant 0 : i32
        %broadcast_in_dim3A_822 = vector.broadcast %jit3A_820 : i32 to vector<16xi32>
        %broadcast_in_dim3A_823 = vector.broadcast %jit3A_821 : i32 to vector<16xi32>
        %select_n3A_824 = arith.select %ge3A_819, %broadcast_in_dim3A_822, %broadcast_in_dim3A_823 : vector<16xi1>, vector<16xi32>
        %add3A_825 = arith.addi %add3A_804, %select_n3A_824 : vector<16xi32>
        %while3A_826:4 = scf.while (%while3A_863 = %broadcast_in_dim3A_15, %while3A_864 = %add3A_811, %while3A_865 = %add3A_818, %while3A_866 = %add3A_825) : (vector<16xi32>, vector<16xi32>, vector<16xi32>, vector<16xi32>) -> (vector<16xi32>, vector<16xi32>, vector<16xi32>, vector<16xi32>) {
          %lt3A_867 = arith.cmpi slt, %while3A_863, %shift_left3A_359 : vector<16xi32>
          %reduce_or3A_868 = arith.constant 1.000000e+00 : f32
          %reduce_or3A_869 = arith.constant 0.000000e+00 : f32
          %reduce_or3A_870 = vector.broadcast %reduce_or3A_868 : f32 to vector<16xf32>
          %reduce_or3A_871 = vector.broadcast %reduce_or3A_869 : f32 to vector<16xf32>
          %reduce_or3A_872 = arith.select %lt3A_867, %reduce_or3A_870, %reduce_or3A_871 : vector<16xi1>, vector<16xf32>
          %reduce_or3A_873 = arith.constant true
          %reduce_or3A_874 = vector.broadcast %reduce_or3A_873 : i1 to vector<16xi1>
          %reduce_or3A_875 = tpu.scan <max>, %reduce_or3A_872 masked %reduce_or3A_874 : vector<16xf32>, vector<16xi1> -> vector<16xf32>
          %reduce_or3A_876 = vector.extract %reduce_or3A_875[15] : f32 from vector<16xf32>
          %reduce_or3A_877 = arith.constant 0.000000e+00 : f32
          %reduce_or3A_878 = arith.cmpf ogt, %reduce_or3A_876, %reduce_or3A_877 : f32
          scf.condition(%reduce_or3A_878) %while3A_863, %while3A_864, %while3A_865, %while3A_866 : vector<16xi32>, vector<16xi32>, vector<16xi32>, vector<16xi32>
        } do {
        ^bb0(%while3A_863: vector<16xi32>, %while3A_864: vector<16xi32>, %while3A_865: vector<16xi32>, %while3A_866: vector<16xi32>):
          %add3A_867 = arith.addi %iota3A, %while3A_863 : vector<16xi32>
          %gather3A_868 = tpu.vector_load_idx %arg7[%add3A_867] : memref<4096xi32, #tpu.memory_space<vmem>>[vector<16xi32>], vector<16xi32>,
          %add3A_869 = arith.constant 16 : i32
          %add3A_870 = vector.broadcast %add3A_869 : i32 to vector<16xi32>
          %add3A_871 = arith.addi %while3A_863, %add3A_870 : vector<16xi32>
          %ge3A_872 = arith.cmpi sge, %gather3A_868, %add3A_645 : vector<16xi32>
          %jit3A_873 = arith.constant 1 : i32
          %jit3A_874 = arith.constant 0 : i32
          %broadcast_in_dim3A_875 = vector.broadcast %jit3A_873 : i32 to vector<16xi32>
          %broadcast_in_dim3A_876 = vector.broadcast %jit3A_874 : i32 to vector<16xi32>
          %select_n3A_877 = arith.select %ge3A_872, %broadcast_in_dim3A_875, %broadcast_in_dim3A_876 : vector<16xi1>, vector<16xi32>
          %add3A_878 = arith.addi %while3A_864, %select_n3A_877 : vector<16xi32>
          %ge3A_879 = arith.cmpi sge, %gather3A_868, %add3A_630 : vector<16xi32>
          %jit3A_880 = arith.constant 1 : i32
          %jit3A_881 = arith.constant 0 : i32
          %broadcast_in_dim3A_882 = vector.broadcast %jit3A_880 : i32 to vector<16xi32>
          %broadcast_in_dim3A_883 = vector.broadcast %jit3A_881 : i32 to vector<16xi32>
          %select_n3A_884 = arith.select %ge3A_879, %broadcast_in_dim3A_882, %broadcast_in_dim3A_883 : vector<16xi1>, vector<16xi32>
          %add3A_885 = arith.addi %while3A_865, %select_n3A_884 : vector<16xi32>
          %ge3A_886 = arith.cmpi sge, %gather3A_868, %add3A_657 : vector<16xi32>
          %jit3A_887 = arith.constant 1 : i32
          %jit3A_888 = arith.constant 0 : i32
          %broadcast_in_dim3A_889 = vector.broadcast %jit3A_887 : i32 to vector<16xi32>
          %broadcast_in_dim3A_890 = vector.broadcast %jit3A_888 : i32 to vector<16xi32>
          %select_n3A_891 = arith.select %ge3A_886, %broadcast_in_dim3A_889, %broadcast_in_dim3A_890 : vector<16xi1>, vector<16xi32>
          %add3A_892 = arith.addi %while3A_866, %select_n3A_891 : vector<16xi32>
          scf.yield %add3A_871, %add3A_878, %add3A_885, %add3A_892 : vector<16xi32>, vector<16xi32>, vector<16xi32>, vector<16xi32>
        }
        %broadcast_in_dim3A_827 = arith.constant true
        %broadcast_in_dim3A_828 = vector.broadcast %broadcast_in_dim3A_827 : i1 to vector<16xi1>
        %masked_cumsum3A_829 = tpu.scan <sum>, %while3A_826#1 masked %broadcast_in_dim3A_828 : vector<16xi32>, vector<16xi1> -> vector<16xi32>
        %broadcast_in_dim3A_830 = vector.shape_cast %broadcast_in_dim3A_9 : vector<16xi32> to vector<16x1xi32>
        %gather3A_831 = vector.shape_cast %broadcast_in_dim3A_830 : vector<16x1xi32> to vector<16xi32>
        %gather3A_832 = tpu.dynamic_gather %masked_cumsum3A_829[%gather3A_831] in [0] : vector<16xi32>, vector<16xi32> -> vector<16xi32>
        %broadcast_in_dim3A_833 = arith.constant true
        %broadcast_in_dim3A_834 = vector.broadcast %broadcast_in_dim3A_833 : i1 to vector<16xi1>
        %masked_cumsum3A_835 = tpu.scan <sum>, %while3A_826#2 masked %broadcast_in_dim3A_834 : vector<16xi32>, vector<16xi1> -> vector<16xi32>
        %broadcast_in_dim3A_836 = vector.shape_cast %broadcast_in_dim3A_9 : vector<16xi32> to vector<16x1xi32>
        %gather3A_837 = vector.shape_cast %broadcast_in_dim3A_836 : vector<16x1xi32> to vector<16xi32>
        %gather3A_838 = tpu.dynamic_gather %masked_cumsum3A_835[%gather3A_837] in [0] : vector<16xi32>, vector<16xi32> -> vector<16xi32>
        %broadcast_in_dim3A_839 = arith.constant true
        %broadcast_in_dim3A_840 = vector.broadcast %broadcast_in_dim3A_839 : i1 to vector<16xi1>
        %masked_cumsum3A_841 = tpu.scan <sum>, %while3A_826#3 masked %broadcast_in_dim3A_840 : vector<16xi32>, vector<16xi1> -> vector<16xi32>
        %broadcast_in_dim3A_842 = vector.shape_cast %broadcast_in_dim3A_9 : vector<16xi32> to vector<16x1xi32>
        %gather3A_843 = vector.shape_cast %broadcast_in_dim3A_842 : vector<16x1xi32> to vector<16xi32>
        %gather3A_844 = tpu.dynamic_gather %masked_cumsum3A_841[%gather3A_843] in [0] : vector<16xi32>, vector<16xi32> -> vector<16xi32>
        %ge3A_845 = arith.cmpi sge, %gather3A_832, %broadcast_in_dim3A_7 : vector<16xi32>
        %ge3A_846 = arith.cmpi sge, %gather3A_838, %broadcast_in_dim3A_7 : vector<16xi32>
        %ge3A_847 = arith.cmpi sge, %gather3A_844, %broadcast_in_dim3A_7 : vector<16xi32>
        %select_n3A_848 = arith.select %ge3A_845, %add3A_645, %scan3A_618 : vector<16xi1>, vector<16xi32>
        %select_n3A_849 = arith.select %ge3A_846, %add3A_630, %select_n3A_848 : vector<16xi1>, vector<16xi32>
        %select_n3A_850 = arith.select %ge3A_847, %add3A_657, %select_n3A_849 : vector<16xi1>, vector<16xi32>
        %sub3A_851 = arith.constant 1 : i32
        %sub3A_852 = vector.broadcast %sub3A_851 : i32 to vector<16xi32>
        %sub3A_853 = arith.subi %add3A_657, %sub3A_852 : vector<16xi32>
        %sub3A_854 = arith.constant 1 : i32
        %sub3A_855 = vector.broadcast %sub3A_854 : i32 to vector<16xi32>
        %sub3A_856 = arith.subi %add3A_630, %sub3A_855 : vector<16xi32>
        %sub3A_857 = arith.constant 1 : i32
        %sub3A_858 = vector.broadcast %sub3A_857 : i32 to vector<16xi32>
        %sub3A_859 = arith.subi %add3A_645, %sub3A_858 : vector<16xi32>
        %select_n3A_860 = arith.select %ge3A_845, %sub3A_856, %sub3A_859 : vector<16xi1>, vector<16xi32>
        %select_n3A_861 = arith.select %ge3A_846, %sub3A_853, %select_n3A_860 : vector<16xi1>, vector<16xi32>
        %select_n3A_862 = arith.select %ge3A_847, %scan3A_619, %select_n3A_861 : vector<16xi1>, vector<16xi32>
        scf.yield %select_n3A_850, %select_n3A_862 : vector<16xi32>, vector<16xi32>
      }
      %scan3A_386 = arith.constant 16 : i32
      %ge3A_387 = arith.cmpi sge, %get3A_366, %scan3A_385#0 : vector<16xi32>
      %jit3A_388 = arith.constant 1 : i32
      %jit3A_389 = arith.constant 0 : i32
      %broadcast_in_dim3A_390 = vector.broadcast %jit3A_388 : i32 to vector<16xi32>
      %broadcast_in_dim3A_391 = vector.broadcast %jit3A_389 : i32 to vector<16xi32>
      %select_n3A_392 = arith.select %ge3A_387, %broadcast_in_dim3A_390, %broadcast_in_dim3A_391 : vector<16xi1>, vector<16xi32>
      %add3A_393 = arith.addi %broadcast_in_dim3A_3, %select_n3A_392 : vector<16xi32>
      %ge3A_394 = arith.cmpi sge, %get3A_366, %scan3A_385#0 : vector<16xi32>
      %jit3A_395 = arith.constant 1 : i32
      %jit3A_396 = arith.constant 0 : i32
      %broadcast_in_dim3A_397 = vector.broadcast %jit3A_395 : i32 to vector<16xi32>
      %broadcast_in_dim3A_398 = vector.broadcast %jit3A_396 : i32 to vector<16xi32>
      %select_n3A_399 = arith.select %ge3A_394, %broadcast_in_dim3A_397, %broadcast_in_dim3A_398 : vector<16xi1>, vector<16xi32>
      %add3A_400 = arith.addi %broadcast_in_dim3A_3, %select_n3A_399 : vector<16xi32>
      %ge3A_401 = arith.cmpi sge, %get3A_366, %scan3A_385#0 : vector<16xi32>
      %jit3A_402 = arith.constant 1 : i32
      %jit3A_403 = arith.constant 0 : i32
      %broadcast_in_dim3A_404 = vector.broadcast %jit3A_402 : i32 to vector<16xi32>
      %broadcast_in_dim3A_405 = vector.broadcast %jit3A_403 : i32 to vector<16xi32>
      %select_n3A_406 = arith.select %ge3A_401, %broadcast_in_dim3A_404, %broadcast_in_dim3A_405 : vector<16xi1>, vector<16xi32>
      %add3A_407 = arith.addi %broadcast_in_dim3A_3, %select_n3A_406 : vector<16xi32>
      %ge3A_408 = arith.cmpi sge, %get3A_368, %scan3A_385#0 : vector<16xi32>
      %jit3A_409 = arith.constant 1 : i32
      %jit3A_410 = arith.constant 0 : i32
      %broadcast_in_dim3A_411 = vector.broadcast %jit3A_409 : i32 to vector<16xi32>
      %broadcast_in_dim3A_412 = vector.broadcast %jit3A_410 : i32 to vector<16xi32>
      %select_n3A_413 = arith.select %ge3A_408, %broadcast_in_dim3A_411, %broadcast_in_dim3A_412 : vector<16xi1>, vector<16xi32>
      %add3A_414 = arith.addi %add3A_393, %select_n3A_413 : vector<16xi32>
      %ge3A_415 = arith.cmpi sge, %get3A_368, %scan3A_385#0 : vector<16xi32>
      %jit3A_416 = arith.constant 1 : i32
      %jit3A_417 = arith.constant 0 : i32
      %broadcast_in_dim3A_418 = vector.broadcast %jit3A_416 : i32 to vector<16xi32>
      %broadcast_in_dim3A_419 = vector.broadcast %jit3A_417 : i32 to vector<16xi32>
      %select_n3A_420 = arith.select %ge3A_415, %broadcast_in_dim3A_418, %broadcast_in_dim3A_419 : vector<16xi1>, vector<16xi32>
      %add3A_421 = arith.addi %add3A_400, %select_n3A_420 : vector<16xi32>
      %ge3A_422 = arith.cmpi sge, %get3A_368, %scan3A_385#0 : vector<16xi32>
      %jit3A_423 = arith.constant 1 : i32
      %jit3A_424 = arith.constant 0 : i32
      %broadcast_in_dim3A_425 = vector.broadcast %jit3A_423 : i32 to vector<16xi32>
      %broadcast_in_dim3A_426 = vector.broadcast %jit3A_424 : i32 to vector<16xi32>
      %select_n3A_427 = arith.select %ge3A_422, %broadcast_in_dim3A_425, %broadcast_in_dim3A_426 : vector<16xi1>, vector<16xi32>
      %add3A_428 = arith.addi %add3A_407, %select_n3A_427 : vector<16xi32>
      %ge3A_429 = arith.cmpi sge, %get3A_370, %scan3A_385#0 : vector<16xi32>
      %jit3A_430 = arith.constant 1 : i32
      %jit3A_431 = arith.constant 0 : i32
      %broadcast_in_dim3A_432 = vector.broadcast %jit3A_430 : i32 to vector<16xi32>
      %broadcast_in_dim3A_433 = vector.broadcast %jit3A_431 : i32 to vector<16xi32>
      %select_n3A_434 = arith.select %ge3A_429, %broadcast_in_dim3A_432, %broadcast_in_dim3A_433 : vector<16xi1>, vector<16xi32>
      %add3A_435 = arith.addi %add3A_414, %select_n3A_434 : vector<16xi32>
      %ge3A_436 = arith.cmpi sge, %get3A_370, %scan3A_385#0 : vector<16xi32>
      %jit3A_437 = arith.constant 1 : i32
      %jit3A_438 = arith.constant 0 : i32
      %broadcast_in_dim3A_439 = vector.broadcast %jit3A_437 : i32 to vector<16xi32>
      %broadcast_in_dim3A_440 = vector.broadcast %jit3A_438 : i32 to vector<16xi32>
      %select_n3A_441 = arith.select %ge3A_436, %broadcast_in_dim3A_439, %broadcast_in_dim3A_440 : vector<16xi1>, vector<16xi32>
      %add3A_442 = arith.addi %add3A_421, %select_n3A_441 : vector<16xi32>
      %ge3A_443 = arith.cmpi sge, %get3A_370, %scan3A_385#0 : vector<16xi32>
      %jit3A_444 = arith.constant 1 : i32
      %jit3A_445 = arith.constant 0 : i32
      %broadcast_in_dim3A_446 = vector.broadcast %jit3A_444 : i32 to vector<16xi32>
      %broadcast_in_dim3A_447 = vector.broadcast %jit3A_445 : i32 to vector<16xi32>
      %select_n3A_448 = arith.select %ge3A_443, %broadcast_in_dim3A_446, %broadcast_in_dim3A_447 : vector<16xi1>, vector<16xi32>
      %add3A_449 = arith.addi %add3A_428, %select_n3A_448 : vector<16xi32>
      %ge3A_450 = arith.cmpi sge, %get3A_372, %scan3A_385#0 : vector<16xi32>
      %jit3A_451 = arith.constant 1 : i32
      %jit3A_452 = arith.constant 0 : i32
      %broadcast_in_dim3A_453 = vector.broadcast %jit3A_451 : i32 to vector<16xi32>
      %broadcast_in_dim3A_454 = vector.broadcast %jit3A_452 : i32 to vector<16xi32>
      %select_n3A_455 = arith.select %ge3A_450, %broadcast_in_dim3A_453, %broadcast_in_dim3A_454 : vector<16xi1>, vector<16xi32>
      %add3A_456 = arith.addi %add3A_435, %select_n3A_455 : vector<16xi32>
      %ge3A_457 = arith.cmpi sge, %get3A_372, %scan3A_385#0 : vector<16xi32>
      %jit3A_458 = arith.constant 1 : i32
      %jit3A_459 = arith.constant 0 : i32
      %broadcast_in_dim3A_460 = vector.broadcast %jit3A_458 : i32 to vector<16xi32>
      %broadcast_in_dim3A_461 = vector.broadcast %jit3A_459 : i32 to vector<16xi32>
      %select_n3A_462 = arith.select %ge3A_457, %broadcast_in_dim3A_460, %broadcast_in_dim3A_461 : vector<16xi1>, vector<16xi32>
      %add3A_463 = arith.addi %add3A_442, %select_n3A_462 : vector<16xi32>
      %ge3A_464 = arith.cmpi sge, %get3A_372, %scan3A_385#0 : vector<16xi32>
      %jit3A_465 = arith.constant 1 : i32
      %jit3A_466 = arith.constant 0 : i32
      %broadcast_in_dim3A_467 = vector.broadcast %jit3A_465 : i32 to vector<16xi32>
      %broadcast_in_dim3A_468 = vector.broadcast %jit3A_466 : i32 to vector<16xi32>
      %select_n3A_469 = arith.select %ge3A_464, %broadcast_in_dim3A_467, %broadcast_in_dim3A_468 : vector<16xi1>, vector<16xi32>
      %add3A_470 = arith.addi %add3A_449, %select_n3A_469 : vector<16xi32>
      %ge3A_471 = arith.cmpi sge, %get3A_374, %scan3A_385#0 : vector<16xi32>
      %jit3A_472 = arith.constant 1 : i32
      %jit3A_473 = arith.constant 0 : i32
      %broadcast_in_dim3A_474 = vector.broadcast %jit3A_472 : i32 to vector<16xi32>
      %broadcast_in_dim3A_475 = vector.broadcast %jit3A_473 : i32 to vector<16xi32>
      %select_n3A_476 = arith.select %ge3A_471, %broadcast_in_dim3A_474, %broadcast_in_dim3A_475 : vector<16xi1>, vector<16xi32>
      %add3A_477 = arith.addi %add3A_456, %select_n3A_476 : vector<16xi32>
      %ge3A_478 = arith.cmpi sge, %get3A_374, %scan3A_385#0 : vector<16xi32>
      %jit3A_479 = arith.constant 1 : i32
      %jit3A_480 = arith.constant 0 : i32
      %broadcast_in_dim3A_481 = vector.broadcast %jit3A_479 : i32 to vector<16xi32>
      %broadcast_in_dim3A_482 = vector.broadcast %jit3A_480 : i32 to vector<16xi32>
      %select_n3A_483 = arith.select %ge3A_478, %broadcast_in_dim3A_481, %broadcast_in_dim3A_482 : vector<16xi1>, vector<16xi32>
      %add3A_484 = arith.addi %add3A_463, %select_n3A_483 : vector<16xi32>
      %ge3A_485 = arith.cmpi sge, %get3A_374, %scan3A_385#0 : vector<16xi32>
      %jit3A_486 = arith.constant 1 : i32
      %jit3A_487 = arith.constant 0 : i32
      %broadcast_in_dim3A_488 = vector.broadcast %jit3A_486 : i32 to vector<16xi32>
      %broadcast_in_dim3A_489 = vector.broadcast %jit3A_487 : i32 to vector<16xi32>
      %select_n3A_490 = arith.select %ge3A_485, %broadcast_in_dim3A_488, %broadcast_in_dim3A_489 : vector<16xi1>, vector<16xi32>
      %add3A_491 = arith.addi %add3A_470, %select_n3A_490 : vector<16xi32>
      %ge3A_492 = arith.cmpi sge, %get3A_376, %scan3A_385#0 : vector<16xi32>
      %jit3A_493 = arith.constant 1 : i32
      %jit3A_494 = arith.constant 0 : i32
      %broadcast_in_dim3A_495 = vector.broadcast %jit3A_493 : i32 to vector<16xi32>
      %broadcast_in_dim3A_496 = vector.broadcast %jit3A_494 : i32 to vector<16xi32>
      %select_n3A_497 = arith.select %ge3A_492, %broadcast_in_dim3A_495, %broadcast_in_dim3A_496 : vector<16xi1>, vector<16xi32>
      %add3A_498 = arith.addi %add3A_477, %select_n3A_497 : vector<16xi32>
      %ge3A_499 = arith.cmpi sge, %get3A_376, %scan3A_385#0 : vector<16xi32>
      %jit3A_500 = arith.constant 1 : i32
      %jit3A_501 = arith.constant 0 : i32
      %broadcast_in_dim3A_502 = vector.broadcast %jit3A_500 : i32 to vector<16xi32>
      %broadcast_in_dim3A_503 = vector.broadcast %jit3A_501 : i32 to vector<16xi32>
      %select_n3A_504 = arith.select %ge3A_499, %broadcast_in_dim3A_502, %broadcast_in_dim3A_503 : vector<16xi1>, vector<16xi32>
      %add3A_505 = arith.addi %add3A_484, %select_n3A_504 : vector<16xi32>
      %ge3A_506 = arith.cmpi sge, %get3A_376, %scan3A_385#0 : vector<16xi32>
      %jit3A_507 = arith.constant 1 : i32
      %jit3A_508 = arith.constant 0 : i32
      %broadcast_in_dim3A_509 = vector.broadcast %jit3A_507 : i32 to vector<16xi32>
      %broadcast_in_dim3A_510 = vector.broadcast %jit3A_508 : i32 to vector<16xi32>
      %select_n3A_511 = arith.select %ge3A_506, %broadcast_in_dim3A_509, %broadcast_in_dim3A_510 : vector<16xi1>, vector<16xi32>
      %add3A_512 = arith.addi %add3A_491, %select_n3A_511 : vector<16xi32>
      %ge3A_513 = arith.cmpi sge, %get3A_378, %scan3A_385#0 : vector<16xi32>
      %jit3A_514 = arith.constant 1 : i32
      %jit3A_515 = arith.constant 0 : i32
      %broadcast_in_dim3A_516 = vector.broadcast %jit3A_514 : i32 to vector<16xi32>
      %broadcast_in_dim3A_517 = vector.broadcast %jit3A_515 : i32 to vector<16xi32>
      %select_n3A_518 = arith.select %ge3A_513, %broadcast_in_dim3A_516, %broadcast_in_dim3A_517 : vector<16xi1>, vector<16xi32>
      %add3A_519 = arith.addi %add3A_498, %select_n3A_518 : vector<16xi32>
      %ge3A_520 = arith.cmpi sge, %get3A_378, %scan3A_385#0 : vector<16xi32>
      %jit3A_521 = arith.constant 1 : i32
      %jit3A_522 = arith.constant 0 : i32
      %broadcast_in_dim3A_523 = vector.broadcast %jit3A_521 : i32 to vector<16xi32>
      %broadcast_in_dim3A_524 = vector.broadcast %jit3A_522 : i32 to vector<16xi32>
      %select_n3A_525 = arith.select %ge3A_520, %broadcast_in_dim3A_523, %broadcast_in_dim3A_524 : vector<16xi1>, vector<16xi32>
      %add3A_526 = arith.addi %add3A_505, %select_n3A_525 : vector<16xi32>
      %ge3A_527 = arith.cmpi sge, %get3A_378, %scan3A_385#0 : vector<16xi32>
      %jit3A_528 = arith.constant 1 : i32
      %jit3A_529 = arith.constant 0 : i32
      %broadcast_in_dim3A_530 = vector.broadcast %jit3A_528 : i32 to vector<16xi32>
      %broadcast_in_dim3A_531 = vector.broadcast %jit3A_529 : i32 to vector<16xi32>
      %select_n3A_532 = arith.select %ge3A_527, %broadcast_in_dim3A_530, %broadcast_in_dim3A_531 : vector<16xi1>, vector<16xi32>
      %add3A_533 = arith.addi %add3A_512, %select_n3A_532 : vector<16xi32>
      %ge3A_534 = arith.cmpi sge, %get3A_380, %scan3A_385#0 : vector<16xi32>
      %jit3A_535 = arith.constant 1 : i32
      %jit3A_536 = arith.constant 0 : i32
      %broadcast_in_dim3A_537 = vector.broadcast %jit3A_535 : i32 to vector<16xi32>
      %broadcast_in_dim3A_538 = vector.broadcast %jit3A_536 : i32 to vector<16xi32>
      %select_n3A_539 = arith.select %ge3A_534, %broadcast_in_dim3A_537, %broadcast_in_dim3A_538 : vector<16xi1>, vector<16xi32>
      %add3A_540 = arith.addi %add3A_519, %select_n3A_539 : vector<16xi32>
      %ge3A_541 = arith.cmpi sge, %get3A_380, %scan3A_385#0 : vector<16xi32>
      %jit3A_542 = arith.constant 1 : i32
      %jit3A_543 = arith.constant 0 : i32
      %broadcast_in_dim3A_544 = vector.broadcast %jit3A_542 : i32 to vector<16xi32>
      %broadcast_in_dim3A_545 = vector.broadcast %jit3A_543 : i32 to vector<16xi32>
      %select_n3A_546 = arith.select %ge3A_541, %broadcast_in_dim3A_544, %broadcast_in_dim3A_545 : vector<16xi1>, vector<16xi32>
      %add3A_547 = arith.addi %add3A_526, %select_n3A_546 : vector<16xi32>
      %ge3A_548 = arith.cmpi sge, %get3A_380, %scan3A_385#0 : vector<16xi32>
      %jit3A_549 = arith.constant 1 : i32
      %jit3A_550 = arith.constant 0 : i32
      %broadcast_in_dim3A_551 = vector.broadcast %jit3A_549 : i32 to vector<16xi32>
      %broadcast_in_dim3A_552 = vector.broadcast %jit3A_550 : i32 to vector<16xi32>
      %select_n3A_553 = arith.select %ge3A_548, %broadcast_in_dim3A_551, %broadcast_in_dim3A_552 : vector<16xi1>, vector<16xi32>
      %add3A_554 = arith.addi %add3A_533, %select_n3A_553 : vector<16xi32>
      %while3A_555:4 = scf.while (%while3A_617 = %broadcast_in_dim3A_15, %while3A_618 = %add3A_540, %while3A_619 = %add3A_547, %while3A_620 = %add3A_554) : (vector<16xi32>, vector<16xi32>, vector<16xi32>, vector<16xi32>) -> (vector<16xi32>, vector<16xi32>, vector<16xi32>, vector<16xi32>) {
        %lt3A_621 = arith.cmpi slt, %while3A_617, %shift_left3A_359 : vector<16xi32>
        %reduce_or3A_622 = arith.constant 1.000000e+00 : f32
        %reduce_or3A_623 = arith.constant 0.000000e+00 : f32
        %reduce_or3A_624 = vector.broadcast %reduce_or3A_622 : f32 to vector<16xf32>
        %reduce_or3A_625 = vector.broadcast %reduce_or3A_623 : f32 to vector<16xf32>
        %reduce_or3A_626 = arith.select %lt3A_621, %reduce_or3A_624, %reduce_or3A_625 : vector<16xi1>, vector<16xf32>
        %reduce_or3A_627 = arith.constant true
        %reduce_or3A_628 = vector.broadcast %reduce_or3A_627 : i1 to vector<16xi1>
        %reduce_or3A_629 = tpu.scan <max>, %reduce_or3A_626 masked %reduce_or3A_628 : vector<16xf32>, vector<16xi1> -> vector<16xf32>
        %reduce_or3A_630 = vector.extract %reduce_or3A_629[15] : f32 from vector<16xf32>
        %reduce_or3A_631 = arith.constant 0.000000e+00 : f32
        %reduce_or3A_632 = arith.cmpf ogt, %reduce_or3A_630, %reduce_or3A_631 : f32
        scf.condition(%reduce_or3A_632) %while3A_617, %while3A_618, %while3A_619, %while3A_620 : vector<16xi32>, vector<16xi32>, vector<16xi32>, vector<16xi32>
      } do {
      ^bb0(%while3A_617: vector<16xi32>, %while3A_618: vector<16xi32>, %while3A_619: vector<16xi32>, %while3A_620: vector<16xi32>):
        %add3A_621 = arith.addi %iota3A, %while3A_617 : vector<16xi32>
        %gather3A_622 = tpu.vector_load_idx %arg7[%add3A_621] : memref<4096xi32, #tpu.memory_space<vmem>>[vector<16xi32>], vector<16xi32>,
        %add3A_623 = arith.constant 16 : i32
        %add3A_624 = vector.broadcast %add3A_623 : i32 to vector<16xi32>
        %add3A_625 = arith.addi %while3A_617, %add3A_624 : vector<16xi32>
        %ge3A_626 = arith.cmpi sge, %gather3A_622, %scan3A_385#0 : vector<16xi32>
        %jit3A_627 = arith.constant 1 : i32
        %jit3A_628 = arith.constant 0 : i32
        %broadcast_in_dim3A_629 = vector.broadcast %jit3A_627 : i32 to vector<16xi32>
        %broadcast_in_dim3A_630 = vector.broadcast %jit3A_628 : i32 to vector<16xi32>
        %select_n3A_631 = arith.select %ge3A_626, %broadcast_in_dim3A_629, %broadcast_in_dim3A_630 : vector<16xi1>, vector<16xi32>
        %add3A_632 = arith.addi %while3A_618, %select_n3A_631 : vector<16xi32>
        %ge3A_633 = arith.cmpi sge, %gather3A_622, %scan3A_385#0 : vector<16xi32>
        %jit3A_634 = arith.constant 1 : i32
        %jit3A_635 = arith.constant 0 : i32
        %broadcast_in_dim3A_636 = vector.broadcast %jit3A_634 : i32 to vector<16xi32>
        %broadcast_in_dim3A_637 = vector.broadcast %jit3A_635 : i32 to vector<16xi32>
        %select_n3A_638 = arith.select %ge3A_633, %broadcast_in_dim3A_636, %broadcast_in_dim3A_637 : vector<16xi1>, vector<16xi32>
        %add3A_639 = arith.addi %while3A_619, %select_n3A_638 : vector<16xi32>
        %ge3A_640 = arith.cmpi sge, %gather3A_622, %scan3A_385#0 : vector<16xi32>
        %jit3A_641 = arith.constant 1 : i32
        %jit3A_642 = arith.constant 0 : i32
        %broadcast_in_dim3A_643 = vector.broadcast %jit3A_641 : i32 to vector<16xi32>
        %broadcast_in_dim3A_644 = vector.broadcast %jit3A_642 : i32 to vector<16xi32>
        %select_n3A_645 = arith.select %ge3A_640, %broadcast_in_dim3A_643, %broadcast_in_dim3A_644 : vector<16xi1>, vector<16xi32>
        %add3A_646 = arith.addi %while3A_620, %select_n3A_645 : vector<16xi32>
        scf.yield %add3A_625, %add3A_632, %add3A_639, %add3A_646 : vector<16xi32>, vector<16xi32>, vector<16xi32>, vector<16xi32>
      }
      %broadcast_in_dim3A_556 = arith.constant true
      %broadcast_in_dim3A_557 = vector.broadcast %broadcast_in_dim3A_556 : i1 to vector<16xi1>
      %masked_cumsum3A_558 = tpu.scan <sum>, %while3A_555#1 masked %broadcast_in_dim3A_557 : vector<16xi32>, vector<16xi1> -> vector<16xi32>
      %broadcast_in_dim3A_559 = vector.shape_cast %broadcast_in_dim3A_9 : vector<16xi32> to vector<16x1xi32>
      %gather3A_560 = vector.shape_cast %broadcast_in_dim3A_559 : vector<16x1xi32> to vector<16xi32>
      %gather3A_561 = tpu.dynamic_gather %masked_cumsum3A_558[%gather3A_560] in [0] : vector<16xi32>, vector<16xi32> -> vector<16xi32>
      %broadcast_in_dim3A_562 = arith.constant true
      %broadcast_in_dim3A_563 = vector.broadcast %broadcast_in_dim3A_562 : i1 to vector<16xi1>
      %masked_cumsum3A_564 = tpu.scan <sum>, %while3A_555#2 masked %broadcast_in_dim3A_563 : vector<16xi32>, vector<16xi1> -> vector<16xi32>
      %broadcast_in_dim3A_565 = vector.shape_cast %broadcast_in_dim3A_9 : vector<16xi32> to vector<16x1xi32>
      %gather3A_566 = vector.shape_cast %broadcast_in_dim3A_565 : vector<16x1xi32> to vector<16xi32>
      %gather3A_567 = tpu.dynamic_gather %masked_cumsum3A_564[%gather3A_566] in [0] : vector<16xi32>, vector<16xi32> -> vector<16xi32>
      %broadcast_in_dim3A_568 = arith.constant true
      %broadcast_in_dim3A_569 = vector.broadcast %broadcast_in_dim3A_568 : i1 to vector<16xi1>
      %masked_cumsum3A_570 = tpu.scan <sum>, %while3A_555#3 masked %broadcast_in_dim3A_569 : vector<16xi32>, vector<16xi1> -> vector<16xi32>
      %broadcast_in_dim3A_571 = vector.shape_cast %broadcast_in_dim3A_9 : vector<16xi32> to vector<16x1xi32>
      %gather3A_572 = vector.shape_cast %broadcast_in_dim3A_571 : vector<16x1xi32> to vector<16xi32>
      %gather3A_573 = tpu.dynamic_gather %masked_cumsum3A_570[%gather3A_572] in [0] : vector<16xi32>, vector<16xi32> -> vector<16xi32>
      %eq3A_574 = arith.cmpi eq, %gather3A_561, %broadcast_in_dim3A_7 : vector<16xi32>
      %reduce_and3A_575 = arith.constant 1.000000e+00 : f32
      %reduce_and3A_576 = arith.constant 0.000000e+00 : f32
      %reduce_and3A_577 = vector.broadcast %reduce_and3A_575 : f32 to vector<16xf32>
      %reduce_and3A_578 = vector.broadcast %reduce_and3A_576 : f32 to vector<16xf32>
      %reduce_and3A_579 = arith.select %eq3A_574, %reduce_and3A_577, %reduce_and3A_578 : vector<16xi1>, vector<16xf32>
      %reduce_and3A_580 = arith.constant true
      %reduce_and3A_581 = vector.broadcast %reduce_and3A_580 : i1 to vector<16xi1>
      %reduce_and3A_582 = tpu.scan <min>, %reduce_and3A_579 masked %reduce_and3A_581 : vector<16xf32>, vector<16xi1> -> vector<16xf32>
      %reduce_and3A_583 = vector.extract %reduce_and3A_582[15] : f32 from vector<16xf32>
      %reduce_and3A_584 = arith.constant 0.000000e+00 : f32
      %reduce_and3A_585 = arith.cmpf ogt, %reduce_and3A_583, %reduce_and3A_584 : f32
      %convert_element_type3A_586 = arith.extui %reduce_and3A_585 : i1 to i32
      %cond3A_587 = arith.constant 0 : i32
      %cond3A_588 = arith.cmpi ne, %convert_element_type3A_586, %cond3A_587 : i32
      scf.if %cond3A_588 {
        %ge3A_617 = arith.cmpi sge, %get3A_366, %scan3A_385#0 : vector<16xi32>
        %jit3A_618 = arith.constant 1 : i32
        %jit3A_619 = arith.constant 0 : i32
        %broadcast_in_dim3A_620 = vector.broadcast %jit3A_618 : i32 to vector<16xi32>
        %broadcast_in_dim3A_621 = vector.broadcast %jit3A_619 : i32 to vector<16xi32>
        %select_n3A_622 = arith.select %ge3A_617, %broadcast_in_dim3A_620, %broadcast_in_dim3A_621 : vector<16xi1>, vector<16xi32>
        %broadcast_in_dim3A_623 = arith.constant true
        %broadcast_in_dim3A_624 = vector.broadcast %broadcast_in_dim3A_623 : i1 to vector<16xi1>
        %masked_cumsum3A_625 = tpu.scan <sum>, %select_n3A_622 masked %broadcast_in_dim3A_624 : vector<16xi32>, vector<16xi1> -> vector<16xi32>
        %add3A_626 = arith.addi %broadcast_in_dim3A_3, %masked_cumsum3A_625 : vector<16xi32>
        %sub3A_627 = arith.constant 1 : i32
        %sub3A_628 = vector.broadcast %sub3A_627 : i32 to vector<16xi32>
        %sub3A_629 = arith.subi %add3A_626, %sub3A_628 : vector<16xi32>
        %add3A_630 = arith.addi %sub3A_629, %add3A_323 : vector<16xi32>
        %lt3A_631 = arith.constant 0 : i32
        %lt3A_632 = vector.broadcast %lt3A_631 : i32 to vector<16xi32>
        %lt3A_633 = arith.cmpi slt, %get3A_366, %lt3A_632 : vector<16xi32>
        %xor3A = arith.constant 2147483647 : i32
        %xor3A_634 = vector.broadcast %xor3A : i32 to vector<16xi32>
        %xor3A_635 = arith.xori %get3A_366, %xor3A_634 : vector<16xi32>
        %select_n3A_636 = arith.select %lt3A_633, %xor3A_635, %get3A_366 : vector<16xi1>, vector<16xi32>
        %bitcast_convert_type3A = tpu.bitcast %select_n3A_636 : vector<16xi32> -> vector<16xf32>
        tpu.vector_store_idx %arg9[%add3A_630], %bitcast_convert_type3A masked %ge3A_617 : memref<4096xf32, #tpu.memory_space<vmem>>[vector<16xi32>], vector<16xf32>, vector<16xi1>
        %broadcast_in_dim3A_637 = vector.shape_cast %broadcast_in_dim3A_9 : vector<16xi32> to vector<16x1xi32>
        %gather3A_638 = vector.shape_cast %broadcast_in_dim3A_637 : vector<16x1xi32> to vector<16xi32>
        %gather3A_639 = tpu.dynamic_gather %masked_cumsum3A_625[%gather3A_638] in [0] : vector<16xi32>, vector<16xi32> -> vector<16xi32>
        %add3A_640 = arith.addi %broadcast_in_dim3A_3, %gather3A_639 : vector<16xi32>
        %ge3A_641 = arith.cmpi sge, %get3A_368, %scan3A_385#0 : vector<16xi32>
        %jit3A_642 = arith.constant 1 : i32
        %jit3A_643 = arith.constant 0 : i32
        %broadcast_in_dim3A_644 = vector.broadcast %jit3A_642 : i32 to vector<16xi32>
        %broadcast_in_dim3A_645 = vector.broadcast %jit3A_643 : i32 to vector<16xi32>
        %select_n3A_646 = arith.select %ge3A_641, %broadcast_in_dim3A_644, %broadcast_in_dim3A_645 : vector<16xi1>, vector<16xi32>
        %broadcast_in_dim3A_647 = arith.constant true
        %broadcast_in_dim3A_648 = vector.broadcast %broadcast_in_dim3A_647 : i1 to vector<16xi1>
        %masked_cumsum3A_649 = tpu.scan <sum>, %select_n3A_646 masked %broadcast_in_dim3A_648 : vector<16xi32>, vector<16xi1> -> vector<16xi32>
        %add3A_650 = arith.addi %add3A_640, %masked_cumsum3A_649 : vector<16xi32>
        %sub3A_651 = arith.constant 1 : i32
        %sub3A_652 = vector.broadcast %sub3A_651 : i32 to vector<16xi32>
        %sub3A_653 = arith.subi %add3A_650, %sub3A_652 : vector<16xi32>
        %add3A_654 = arith.addi %sub3A_653, %add3A_323 : vector<16xi32>
        %lt3A_655 = arith.constant 0 : i32
        %lt3A_656 = vector.broadcast %lt3A_655 : i32 to vector<16xi32>
        %lt3A_657 = arith.cmpi slt, %get3A_368, %lt3A_656 : vector<16xi32>
        %xor3A_658 = arith.constant 2147483647 : i32
        %xor3A_659 = vector.broadcast %xor3A_658 : i32 to vector<16xi32>
        %xor3A_660 = arith.xori %get3A_368, %xor3A_659 : vector<16xi32>
        %select_n3A_661 = arith.select %lt3A_657, %xor3A_660, %get3A_368 : vector<16xi1>, vector<16xi32>
        %bitcast_convert_type3A_662 = tpu.bitcast %select_n3A_661 : vector<16xi32> -> vector<16xf32>
        tpu.vector_store_idx %arg9[%add3A_654], %bitcast_convert_type3A_662 masked %ge3A_641 : memref<4096xf32, #tpu.memory_space<vmem>>[vector<16xi32>], vector<16xf32>, vector<16xi1>
        %broadcast_in_dim3A_663 = vector.shape_cast %broadcast_in_dim3A_9 : vector<16xi32> to vector<16x1xi32>
        %gather3A_664 = vector.shape_cast %broadcast_in_dim3A_663 : vector<16x1xi32> to vector<16xi32>
        %gather3A_665 = tpu.dynamic_gather %masked_cumsum3A_649[%gather3A_664] in [0] : vector<16xi32>, vector<16xi32> -> vector<16xi32>
        %add3A_666 = arith.addi %add3A_640, %gather3A_665 : vector<16xi32>
        %ge3A_667 = arith.cmpi sge, %get3A_370, %scan3A_385#0 : vector<16xi32>
        %jit3A_668 = arith.constant 1 : i32
        %jit3A_669 = arith.constant 0 : i32
        %broadcast_in_dim3A_670 = vector.broadcast %jit3A_668 : i32 to vector<16xi32>
        %broadcast_in_dim3A_671 = vector.broadcast %jit3A_669 : i32 to vector<16xi32>
        %select_n3A_672 = arith.select %ge3A_667, %broadcast_in_dim3A_670, %broadcast_in_dim3A_671 : vector<16xi1>, vector<16xi32>
        %broadcast_in_dim3A_673 = arith.constant true
        %broadcast_in_dim3A_674 = vector.broadcast %broadcast_in_dim3A_673 : i1 to vector<16xi1>
        %masked_cumsum3A_675 = tpu.scan <sum>, %select_n3A_672 masked %broadcast_in_dim3A_674 : vector<16xi32>, vector<16xi1> -> vector<16xi32>
        %add3A_676 = arith.addi %add3A_666, %masked_cumsum3A_675 : vector<16xi32>
        %sub3A_677 = arith.constant 1 : i32
        %sub3A_678 = vector.broadcast %sub3A_677 : i32 to vector<16xi32>
        %sub3A_679 = arith.subi %add3A_676, %sub3A_678 : vector<16xi32>
        %add3A_680 = arith.addi %sub3A_679, %add3A_323 : vector<16xi32>
        %lt3A_681 = arith.constant 0 : i32
        %lt3A_682 = vector.broadcast %lt3A_681 : i32 to vector<16xi32>
        %lt3A_683 = arith.cmpi slt, %get3A_370, %lt3A_682 : vector<16xi32>
        %xor3A_684 = arith.constant 2147483647 : i32
        %xor3A_685 = vector.broadcast %xor3A_684 : i32 to vector<16xi32>
        %xor3A_686 = arith.xori %get3A_370, %xor3A_685 : vector<16xi32>
        %select_n3A_687 = arith.select %lt3A_683, %xor3A_686, %get3A_370 : vector<16xi1>, vector<16xi32>
        %bitcast_convert_type3A_688 = tpu.bitcast %select_n3A_687 : vector<16xi32> -> vector<16xf32>
        tpu.vector_store_idx %arg9[%add3A_680], %bitcast_convert_type3A_688 masked %ge3A_667 : memref<4096xf32, #tpu.memory_space<vmem>>[vector<16xi32>], vector<16xf32>, vector<16xi1>
        %broadcast_in_dim3A_689 = vector.shape_cast %broadcast_in_dim3A_9 : vector<16xi32> to vector<16x1xi32>
        %gather3A_690 = vector.shape_cast %broadcast_in_dim3A_689 : vector<16x1xi32> to vector<16xi32>
        %gather3A_691 = tpu.dynamic_gather %masked_cumsum3A_675[%gather3A_690] in [0] : vector<16xi32>, vector<16xi32> -> vector<16xi32>
        %add3A_692 = arith.addi %add3A_666, %gather3A_691 : vector<16xi32>
        %ge3A_693 = arith.cmpi sge, %get3A_372, %scan3A_385#0 : vector<16xi32>
        %jit3A_694 = arith.constant 1 : i32
        %jit3A_695 = arith.constant 0 : i32
        %broadcast_in_dim3A_696 = vector.broadcast %jit3A_694 : i32 to vector<16xi32>
        %broadcast_in_dim3A_697 = vector.broadcast %jit3A_695 : i32 to vector<16xi32>
        %select_n3A_698 = arith.select %ge3A_693, %broadcast_in_dim3A_696, %broadcast_in_dim3A_697 : vector<16xi1>, vector<16xi32>
        %broadcast_in_dim3A_699 = arith.constant true
        %broadcast_in_dim3A_700 = vector.broadcast %broadcast_in_dim3A_699 : i1 to vector<16xi1>
        %masked_cumsum3A_701 = tpu.scan <sum>, %select_n3A_698 masked %broadcast_in_dim3A_700 : vector<16xi32>, vector<16xi1> -> vector<16xi32>
        %add3A_702 = arith.addi %add3A_692, %masked_cumsum3A_701 : vector<16xi32>
        %sub3A_703 = arith.constant 1 : i32
        %sub3A_704 = vector.broadcast %sub3A_703 : i32 to vector<16xi32>
        %sub3A_705 = arith.subi %add3A_702, %sub3A_704 : vector<16xi32>
        %add3A_706 = arith.addi %sub3A_705, %add3A_323 : vector<16xi32>
        %lt3A_707 = arith.constant 0 : i32
        %lt3A_708 = vector.broadcast %lt3A_707 : i32 to vector<16xi32>
        %lt3A_709 = arith.cmpi slt, %get3A_372, %lt3A_708 : vector<16xi32>
        %xor3A_710 = arith.constant 2147483647 : i32
        %xor3A_711 = vector.broadcast %xor3A_710 : i32 to vector<16xi32>
        %xor3A_712 = arith.xori %get3A_372, %xor3A_711 : vector<16xi32>
        %select_n3A_713 = arith.select %lt3A_709, %xor3A_712, %get3A_372 : vector<16xi1>, vector<16xi32>
        %bitcast_convert_type3A_714 = tpu.bitcast %select_n3A_713 : vector<16xi32> -> vector<16xf32>
        tpu.vector_store_idx %arg9[%add3A_706], %bitcast_convert_type3A_714 masked %ge3A_693 : memref<4096xf32, #tpu.memory_space<vmem>>[vector<16xi32>], vector<16xf32>, vector<16xi1>
        %broadcast_in_dim3A_715 = vector.shape_cast %broadcast_in_dim3A_9 : vector<16xi32> to vector<16x1xi32>
        %gather3A_716 = vector.shape_cast %broadcast_in_dim3A_715 : vector<16x1xi32> to vector<16xi32>
        %gather3A_717 = tpu.dynamic_gather %masked_cumsum3A_701[%gather3A_716] in [0] : vector<16xi32>, vector<16xi32> -> vector<16xi32>
        %add3A_718 = arith.addi %add3A_692, %gather3A_717 : vector<16xi32>
        %ge3A_719 = arith.cmpi sge, %get3A_374, %scan3A_385#0 : vector<16xi32>
        %jit3A_720 = arith.constant 1 : i32
        %jit3A_721 = arith.constant 0 : i32
        %broadcast_in_dim3A_722 = vector.broadcast %jit3A_720 : i32 to vector<16xi32>
        %broadcast_in_dim3A_723 = vector.broadcast %jit3A_721 : i32 to vector<16xi32>
        %select_n3A_724 = arith.select %ge3A_719, %broadcast_in_dim3A_722, %broadcast_in_dim3A_723 : vector<16xi1>, vector<16xi32>
        %broadcast_in_dim3A_725 = arith.constant true
        %broadcast_in_dim3A_726 = vector.broadcast %broadcast_in_dim3A_725 : i1 to vector<16xi1>
        %masked_cumsum3A_727 = tpu.scan <sum>, %select_n3A_724 masked %broadcast_in_dim3A_726 : vector<16xi32>, vector<16xi1> -> vector<16xi32>
        %add3A_728 = arith.addi %add3A_718, %masked_cumsum3A_727 : vector<16xi32>
        %sub3A_729 = arith.constant 1 : i32
        %sub3A_730 = vector.broadcast %sub3A_729 : i32 to vector<16xi32>
        %sub3A_731 = arith.subi %add3A_728, %sub3A_730 : vector<16xi32>
        %add3A_732 = arith.addi %sub3A_731, %add3A_323 : vector<16xi32>
        %lt3A_733 = arith.constant 0 : i32
        %lt3A_734 = vector.broadcast %lt3A_733 : i32 to vector<16xi32>
        %lt3A_735 = arith.cmpi slt, %get3A_374, %lt3A_734 : vector<16xi32>
        %xor3A_736 = arith.constant 2147483647 : i32
        %xor3A_737 = vector.broadcast %xor3A_736 : i32 to vector<16xi32>
        %xor3A_738 = arith.xori %get3A_374, %xor3A_737 : vector<16xi32>
        %select_n3A_739 = arith.select %lt3A_735, %xor3A_738, %get3A_374 : vector<16xi1>, vector<16xi32>
        %bitcast_convert_type3A_740 = tpu.bitcast %select_n3A_739 : vector<16xi32> -> vector<16xf32>
        tpu.vector_store_idx %arg9[%add3A_732], %bitcast_convert_type3A_740 masked %ge3A_719 : memref<4096xf32, #tpu.memory_space<vmem>>[vector<16xi32>], vector<16xf32>, vector<16xi1>
        %broadcast_in_dim3A_741 = vector.shape_cast %broadcast_in_dim3A_9 : vector<16xi32> to vector<16x1xi32>
        %gather3A_742 = vector.shape_cast %broadcast_in_dim3A_741 : vector<16x1xi32> to vector<16xi32>
        %gather3A_743 = tpu.dynamic_gather %masked_cumsum3A_727[%gather3A_742] in [0] : vector<16xi32>, vector<16xi32> -> vector<16xi32>
        %add3A_744 = arith.addi %add3A_718, %gather3A_743 : vector<16xi32>
        %ge3A_745 = arith.cmpi sge, %get3A_376, %scan3A_385#0 : vector<16xi32>
        %jit3A_746 = arith.constant 1 : i32
        %jit3A_747 = arith.constant 0 : i32
        %broadcast_in_dim3A_748 = vector.broadcast %jit3A_746 : i32 to vector<16xi32>
        %broadcast_in_dim3A_749 = vector.broadcast %jit3A_747 : i32 to vector<16xi32>
        %select_n3A_750 = arith.select %ge3A_745, %broadcast_in_dim3A_748, %broadcast_in_dim3A_749 : vector<16xi1>, vector<16xi32>
        %broadcast_in_dim3A_751 = arith.constant true
        %broadcast_in_dim3A_752 = vector.broadcast %broadcast_in_dim3A_751 : i1 to vector<16xi1>
        %masked_cumsum3A_753 = tpu.scan <sum>, %select_n3A_750 masked %broadcast_in_dim3A_752 : vector<16xi32>, vector<16xi1> -> vector<16xi32>
        %add3A_754 = arith.addi %add3A_744, %masked_cumsum3A_753 : vector<16xi32>
        %sub3A_755 = arith.constant 1 : i32
        %sub3A_756 = vector.broadcast %sub3A_755 : i32 to vector<16xi32>
        %sub3A_757 = arith.subi %add3A_754, %sub3A_756 : vector<16xi32>
        %add3A_758 = arith.addi %sub3A_757, %add3A_323 : vector<16xi32>
        %lt3A_759 = arith.constant 0 : i32
        %lt3A_760 = vector.broadcast %lt3A_759 : i32 to vector<16xi32>
        %lt3A_761 = arith.cmpi slt, %get3A_376, %lt3A_760 : vector<16xi32>
        %xor3A_762 = arith.constant 2147483647 : i32
        %xor3A_763 = vector.broadcast %xor3A_762 : i32 to vector<16xi32>
        %xor3A_764 = arith.xori %get3A_376, %xor3A_763 : vector<16xi32>
        %select_n3A_765 = arith.select %lt3A_761, %xor3A_764, %get3A_376 : vector<16xi1>, vector<16xi32>
        %bitcast_convert_type3A_766 = tpu.bitcast %select_n3A_765 : vector<16xi32> -> vector<16xf32>
        tpu.vector_store_idx %arg9[%add3A_758], %bitcast_convert_type3A_766 masked %ge3A_745 : memref<4096xf32, #tpu.memory_space<vmem>>[vector<16xi32>], vector<16xf32>, vector<16xi1>
        %broadcast_in_dim3A_767 = vector.shape_cast %broadcast_in_dim3A_9 : vector<16xi32> to vector<16x1xi32>
        %gather3A_768 = vector.shape_cast %broadcast_in_dim3A_767 : vector<16x1xi32> to vector<16xi32>
        %gather3A_769 = tpu.dynamic_gather %masked_cumsum3A_753[%gather3A_768] in [0] : vector<16xi32>, vector<16xi32> -> vector<16xi32>
        %add3A_770 = arith.addi %add3A_744, %gather3A_769 : vector<16xi32>
        %ge3A_771 = arith.cmpi sge, %get3A_378, %scan3A_385#0 : vector<16xi32>
        %jit3A_772 = arith.constant 1 : i32
        %jit3A_773 = arith.constant 0 : i32
        %broadcast_in_dim3A_774 = vector.broadcast %jit3A_772 : i32 to vector<16xi32>
        %broadcast_in_dim3A_775 = vector.broadcast %jit3A_773 : i32 to vector<16xi32>
        %select_n3A_776 = arith.select %ge3A_771, %broadcast_in_dim3A_774, %broadcast_in_dim3A_775 : vector<16xi1>, vector<16xi32>
        %broadcast_in_dim3A_777 = arith.constant true
        %broadcast_in_dim3A_778 = vector.broadcast %broadcast_in_dim3A_777 : i1 to vector<16xi1>
        %masked_cumsum3A_779 = tpu.scan <sum>, %select_n3A_776 masked %broadcast_in_dim3A_778 : vector<16xi32>, vector<16xi1> -> vector<16xi32>
        %add3A_780 = arith.addi %add3A_770, %masked_cumsum3A_779 : vector<16xi32>
        %sub3A_781 = arith.constant 1 : i32
        %sub3A_782 = vector.broadcast %sub3A_781 : i32 to vector<16xi32>
        %sub3A_783 = arith.subi %add3A_780, %sub3A_782 : vector<16xi32>
        %add3A_784 = arith.addi %sub3A_783, %add3A_323 : vector<16xi32>
        %lt3A_785 = arith.constant 0 : i32
        %lt3A_786 = vector.broadcast %lt3A_785 : i32 to vector<16xi32>
        %lt3A_787 = arith.cmpi slt, %get3A_378, %lt3A_786 : vector<16xi32>
        %xor3A_788 = arith.constant 2147483647 : i32
        %xor3A_789 = vector.broadcast %xor3A_788 : i32 to vector<16xi32>
        %xor3A_790 = arith.xori %get3A_378, %xor3A_789 : vector<16xi32>
        %select_n3A_791 = arith.select %lt3A_787, %xor3A_790, %get3A_378 : vector<16xi1>, vector<16xi32>
        %bitcast_convert_type3A_792 = tpu.bitcast %select_n3A_791 : vector<16xi32> -> vector<16xf32>
        tpu.vector_store_idx %arg9[%add3A_784], %bitcast_convert_type3A_792 masked %ge3A_771 : memref<4096xf32, #tpu.memory_space<vmem>>[vector<16xi32>], vector<16xf32>, vector<16xi1>
        %broadcast_in_dim3A_793 = vector.shape_cast %broadcast_in_dim3A_9 : vector<16xi32> to vector<16x1xi32>
        %gather3A_794 = vector.shape_cast %broadcast_in_dim3A_793 : vector<16x1xi32> to vector<16xi32>
        %gather3A_795 = tpu.dynamic_gather %masked_cumsum3A_779[%gather3A_794] in [0] : vector<16xi32>, vector<16xi32> -> vector<16xi32>
        %add3A_796 = arith.addi %add3A_770, %gather3A_795 : vector<16xi32>
        %ge3A_797 = arith.cmpi sge, %get3A_380, %scan3A_385#0 : vector<16xi32>
        %jit3A_798 = arith.constant 1 : i32
        %jit3A_799 = arith.constant 0 : i32
        %broadcast_in_dim3A_800 = vector.broadcast %jit3A_798 : i32 to vector<16xi32>
        %broadcast_in_dim3A_801 = vector.broadcast %jit3A_799 : i32 to vector<16xi32>
        %select_n3A_802 = arith.select %ge3A_797, %broadcast_in_dim3A_800, %broadcast_in_dim3A_801 : vector<16xi1>, vector<16xi32>
        %broadcast_in_dim3A_803 = arith.constant true
        %broadcast_in_dim3A_804 = vector.broadcast %broadcast_in_dim3A_803 : i1 to vector<16xi1>
        %masked_cumsum3A_805 = tpu.scan <sum>, %select_n3A_802 masked %broadcast_in_dim3A_804 : vector<16xi32>, vector<16xi1> -> vector<16xi32>
        %add3A_806 = arith.addi %add3A_796, %masked_cumsum3A_805 : vector<16xi32>
        %sub3A_807 = arith.constant 1 : i32
        %sub3A_808 = vector.broadcast %sub3A_807 : i32 to vector<16xi32>
        %sub3A_809 = arith.subi %add3A_806, %sub3A_808 : vector<16xi32>
        %add3A_810 = arith.addi %sub3A_809, %add3A_323 : vector<16xi32>
        %lt3A_811 = arith.constant 0 : i32
        %lt3A_812 = vector.broadcast %lt3A_811 : i32 to vector<16xi32>
        %lt3A_813 = arith.cmpi slt, %get3A_380, %lt3A_812 : vector<16xi32>
        %xor3A_814 = arith.constant 2147483647 : i32
        %xor3A_815 = vector.broadcast %xor3A_814 : i32 to vector<16xi32>
        %xor3A_816 = arith.xori %get3A_380, %xor3A_815 : vector<16xi32>
        %select_n3A_817 = arith.select %lt3A_813, %xor3A_816, %get3A_380 : vector<16xi1>, vector<16xi32>
        %bitcast_convert_type3A_818 = tpu.bitcast %select_n3A_817 : vector<16xi32> -> vector<16xf32>
        tpu.vector_store_idx %arg9[%add3A_810], %bitcast_convert_type3A_818 masked %ge3A_797 : memref<4096xf32, #tpu.memory_space<vmem>>[vector<16xi32>], vector<16xf32>, vector<16xi1>
        %broadcast_in_dim3A_819 = vector.shape_cast %broadcast_in_dim3A_9 : vector<16xi32> to vector<16x1xi32>
        %gather3A_820 = vector.shape_cast %broadcast_in_dim3A_819 : vector<16x1xi32> to vector<16xi32>
        %gather3A_821 = tpu.dynamic_gather %masked_cumsum3A_805[%gather3A_820] in [0] : vector<16xi32>, vector<16xi32> -> vector<16xi32>
        %add3A_822 = arith.addi %add3A_796, %gather3A_821 : vector<16xi32>
        %while3A_823:2 = scf.while (%while3A_824 = %broadcast_in_dim3A_15, %while3A_825 = %add3A_822) : (vector<16xi32>, vector<16xi32>) -> (vector<16xi32>, vector<16xi32>) {
          %lt3A_826 = arith.cmpi slt, %while3A_824, %shift_left3A_359 : vector<16xi32>
          %reduce_or3A_827 = arith.constant 1.000000e+00 : f32
          %reduce_or3A_828 = arith.constant 0.000000e+00 : f32
          %reduce_or3A_829 = vector.broadcast %reduce_or3A_827 : f32 to vector<16xf32>
          %reduce_or3A_830 = vector.broadcast %reduce_or3A_828 : f32 to vector<16xf32>
          %reduce_or3A_831 = arith.select %lt3A_826, %reduce_or3A_829, %reduce_or3A_830 : vector<16xi1>, vector<16xf32>
          %reduce_or3A_832 = arith.constant true
          %reduce_or3A_833 = vector.broadcast %reduce_or3A_832 : i1 to vector<16xi1>
          %reduce_or3A_834 = tpu.scan <max>, %reduce_or3A_831 masked %reduce_or3A_833 : vector<16xf32>, vector<16xi1> -> vector<16xf32>
          %reduce_or3A_835 = vector.extract %reduce_or3A_834[15] : f32 from vector<16xf32>
          %reduce_or3A_836 = arith.constant 0.000000e+00 : f32
          %reduce_or3A_837 = arith.cmpf ogt, %reduce_or3A_835, %reduce_or3A_836 : f32
          scf.condition(%reduce_or3A_837) %while3A_824, %while3A_825 : vector<16xi32>, vector<16xi32>
        } do {
        ^bb0(%while3A_824: vector<16xi32>, %while3A_825: vector<16xi32>):
          %add3A_826 = arith.addi %iota3A, %while3A_824 : vector<16xi32>
          %gather3A_827 = tpu.vector_load_idx %arg7[%add3A_826] : memref<4096xi32, #tpu.memory_space<vmem>>[vector<16xi32>], vector<16xi32>,
          %add3A_828 = arith.constant 16 : i32
          %add3A_829 = vector.broadcast %add3A_828 : i32 to vector<16xi32>
          %add3A_830 = arith.addi %while3A_824, %add3A_829 : vector<16xi32>
          %ge3A_831 = arith.cmpi sge, %gather3A_827, %scan3A_385#0 : vector<16xi32>
          %jit3A_832 = arith.constant 1 : i32
          %jit3A_833 = arith.constant 0 : i32
          %broadcast_in_dim3A_834 = vector.broadcast %jit3A_832 : i32 to vector<16xi32>
          %broadcast_in_dim3A_835 = vector.broadcast %jit3A_833 : i32 to vector<16xi32>
          %select_n3A_836 = arith.select %ge3A_831, %broadcast_in_dim3A_834, %broadcast_in_dim3A_835 : vector<16xi1>, vector<16xi32>
          %broadcast_in_dim3A_837 = arith.constant true
          %broadcast_in_dim3A_838 = vector.broadcast %broadcast_in_dim3A_837 : i1 to vector<16xi1>
          %masked_cumsum3A_839 = tpu.scan <sum>, %select_n3A_836 masked %broadcast_in_dim3A_838 : vector<16xi32>, vector<16xi1> -> vector<16xi32>
          %add3A_840 = arith.addi %while3A_825, %masked_cumsum3A_839 : vector<16xi32>
          %sub3A_841 = arith.constant 1 : i32
          %sub3A_842 = vector.broadcast %sub3A_841 : i32 to vector<16xi32>
          %sub3A_843 = arith.subi %add3A_840, %sub3A_842 : vector<16xi32>
          %add3A_844 = arith.addi %sub3A_843, %add3A_323 : vector<16xi32>
          %lt3A_845 = arith.constant 0 : i32
          %lt3A_846 = vector.broadcast %lt3A_845 : i32 to vector<16xi32>
          %lt3A_847 = arith.cmpi slt, %gather3A_827, %lt3A_846 : vector<16xi32>
          %xor3A_848 = arith.constant 2147483647 : i32
          %xor3A_849 = vector.broadcast %xor3A_848 : i32 to vector<16xi32>
          %xor3A_850 = arith.xori %gather3A_827, %xor3A_849 : vector<16xi32>
          %select_n3A_851 = arith.select %lt3A_847, %xor3A_850, %gather3A_827 : vector<16xi1>, vector<16xi32>
          %bitcast_convert_type3A_852 = tpu.bitcast %select_n3A_851 : vector<16xi32> -> vector<16xf32>
          tpu.vector_store_idx %arg9[%add3A_844], %bitcast_convert_type3A_852 masked %ge3A_831 : memref<4096xf32, #tpu.memory_space<vmem>>[vector<16xi32>], vector<16xf32>, vector<16xi1>
          %broadcast_in_dim3A_853 = vector.shape_cast %broadcast_in_dim3A_9 : vector<16xi32> to vector<16x1xi32>
          %gather3A_854 = vector.shape_cast %broadcast_in_dim3A_853 : vector<16x1xi32> to vector<16xi32>
          %gather3A_855 = tpu.dynamic_gather %masked_cumsum3A_839[%gather3A_854] in [0] : vector<16xi32>, vector<16xi32> -> vector<16xi32>
          %add3A_856 = arith.addi %while3A_825, %gather3A_855 : vector<16xi32>
          scf.yield %add3A_830, %add3A_856 : vector<16xi32>, vector<16xi32>
        }
      } else {
      }
      %ne3A_589 = arith.cmpi ne, %gather3A_561, %broadcast_in_dim3A_7 : vector<16xi32>
      %reduce_or3A_590 = arith.constant 1.000000e+00 : f32
      %reduce_or3A_591 = arith.constant 0.000000e+00 : f32
      %reduce_or3A_592 = vector.broadcast %reduce_or3A_590 : f32 to vector<16xf32>
      %reduce_or3A_593 = vector.broadcast %reduce_or3A_591 : f32 to vector<16xf32>
      %reduce_or3A_594 = arith.select %ne3A_589, %reduce_or3A_592, %reduce_or3A_593 : vector<16xi1>, vector<16xf32>
      %reduce_or3A_595 = arith.constant true
      %reduce_or3A_596 = vector.broadcast %reduce_or3A_595 : i1 to vector<16xi1>
      %reduce_or3A_597 = tpu.scan <max>, %reduce_or3A_594 masked %reduce_or3A_596 : vector<16xf32>, vector<16xi1> -> vector<16xf32>
      %reduce_or3A_598 = vector.extract %reduce_or3A_597[15] : f32 from vector<16xf32>
      %reduce_or3A_599 = arith.constant 0.000000e+00 : f32
      %reduce_or3A_600 = arith.cmpf ogt, %reduce_or3A_598, %reduce_or3A_599 : f32
      %convert_element_type3A_601 = arith.extui %reduce_or3A_600 : i1 to i32
      %cond3A_602 = arith.constant 0 : i32
      %cond3A_603 = arith.cmpi ne, %convert_element_type3A_601, %cond3A_602 : i32
      scf.if %cond3A_603 {
        %add3A_617 = arith.constant 1 : i32
        %add3A_618 = vector.broadcast %add3A_617 : i32 to vector<16xi32>
        %add3A_619 = arith.addi %scan3A_385#0, %add3A_618 : vector<16xi32>
        %ge3A_620 = arith.cmpi sge, %get3A_366, %add3A_619 : vector<16xi32>
        %jit3A_621 = arith.constant 1 : i32
        %jit3A_622 = arith.constant 0 : i32
        %broadcast_in_dim3A_623 = vector.broadcast %jit3A_621 : i32 to vector<16xi32>
        %broadcast_in_dim3A_624 = vector.broadcast %jit3A_622 : i32 to vector<16xi32>
        %select_n3A_625 = arith.select %ge3A_620, %broadcast_in_dim3A_623, %broadcast_in_dim3A_624 : vector<16xi1>, vector<16xi32>
        %add3A_626 = arith.addi %broadcast_in_dim3A_3, %select_n3A_625 : vector<16xi32>
        %ge3A_627 = arith.cmpi sge, %get3A_366, %add3A_619 : vector<16xi32>
        %jit3A_628 = arith.constant 1 : i32
        %jit3A_629 = arith.constant 0 : i32
        %broadcast_in_dim3A_630 = vector.broadcast %jit3A_628 : i32 to vector<16xi32>
        %broadcast_in_dim3A_631 = vector.broadcast %jit3A_629 : i32 to vector<16xi32>
        %select_n3A_632 = arith.select %ge3A_627, %broadcast_in_dim3A_630, %broadcast_in_dim3A_631 : vector<16xi1>, vector<16xi32>
        %add3A_633 = arith.addi %broadcast_in_dim3A_3, %select_n3A_632 : vector<16xi32>
        %ge3A_634 = arith.cmpi sge, %get3A_366, %add3A_619 : vector<16xi32>
        %jit3A_635 = arith.constant 1 : i32
        %jit3A_636 = arith.constant 0 : i32
        %broadcast_in_dim3A_637 = vector.broadcast %jit3A_635 : i32 to vector<16xi32>
        %broadcast_in_dim3A_638 = vector.broadcast %jit3A_636 : i32 to vector<16xi32>
        %select_n3A_639 = arith.select %ge3A_634, %broadcast_in_dim3A_637, %broadcast_in_dim3A_638 : vector<16xi1>, vector<16xi32>
        %add3A_640 = arith.addi %broadcast_in_dim3A_3, %select_n3A_639 : vector<16xi32>
        %ge3A_641 = arith.cmpi sge, %get3A_368, %add3A_619 : vector<16xi32>
        %jit3A_642 = arith.constant 1 : i32
        %jit3A_643 = arith.constant 0 : i32
        %broadcast_in_dim3A_644 = vector.broadcast %jit3A_642 : i32 to vector<16xi32>
        %broadcast_in_dim3A_645 = vector.broadcast %jit3A_643 : i32 to vector<16xi32>
        %select_n3A_646 = arith.select %ge3A_641, %broadcast_in_dim3A_644, %broadcast_in_dim3A_645 : vector<16xi1>, vector<16xi32>
        %add3A_647 = arith.addi %add3A_626, %select_n3A_646 : vector<16xi32>
        %ge3A_648 = arith.cmpi sge, %get3A_368, %add3A_619 : vector<16xi32>
        %jit3A_649 = arith.constant 1 : i32
        %jit3A_650 = arith.constant 0 : i32
        %broadcast_in_dim3A_651 = vector.broadcast %jit3A_649 : i32 to vector<16xi32>
        %broadcast_in_dim3A_652 = vector.broadcast %jit3A_650 : i32 to vector<16xi32>
        %select_n3A_653 = arith.select %ge3A_648, %broadcast_in_dim3A_651, %broadcast_in_dim3A_652 : vector<16xi1>, vector<16xi32>
        %add3A_654 = arith.addi %add3A_633, %select_n3A_653 : vector<16xi32>
        %ge3A_655 = arith.cmpi sge, %get3A_368, %add3A_619 : vector<16xi32>
        %jit3A_656 = arith.constant 1 : i32
        %jit3A_657 = arith.constant 0 : i32
        %broadcast_in_dim3A_658 = vector.broadcast %jit3A_656 : i32 to vector<16xi32>
        %broadcast_in_dim3A_659 = vector.broadcast %jit3A_657 : i32 to vector<16xi32>
        %select_n3A_660 = arith.select %ge3A_655, %broadcast_in_dim3A_658, %broadcast_in_dim3A_659 : vector<16xi1>, vector<16xi32>
        %add3A_661 = arith.addi %add3A_640, %select_n3A_660 : vector<16xi32>
        %ge3A_662 = arith.cmpi sge, %get3A_370, %add3A_619 : vector<16xi32>
        %jit3A_663 = arith.constant 1 : i32
        %jit3A_664 = arith.constant 0 : i32
        %broadcast_in_dim3A_665 = vector.broadcast %jit3A_663 : i32 to vector<16xi32>
        %broadcast_in_dim3A_666 = vector.broadcast %jit3A_664 : i32 to vector<16xi32>
        %select_n3A_667 = arith.select %ge3A_662, %broadcast_in_dim3A_665, %broadcast_in_dim3A_666 : vector<16xi1>, vector<16xi32>
        %add3A_668 = arith.addi %add3A_647, %select_n3A_667 : vector<16xi32>
        %ge3A_669 = arith.cmpi sge, %get3A_370, %add3A_619 : vector<16xi32>
        %jit3A_670 = arith.constant 1 : i32
        %jit3A_671 = arith.constant 0 : i32
        %broadcast_in_dim3A_672 = vector.broadcast %jit3A_670 : i32 to vector<16xi32>
        %broadcast_in_dim3A_673 = vector.broadcast %jit3A_671 : i32 to vector<16xi32>
        %select_n3A_674 = arith.select %ge3A_669, %broadcast_in_dim3A_672, %broadcast_in_dim3A_673 : vector<16xi1>, vector<16xi32>
        %add3A_675 = arith.addi %add3A_654, %select_n3A_674 : vector<16xi32>
        %ge3A_676 = arith.cmpi sge, %get3A_370, %add3A_619 : vector<16xi32>
        %jit3A_677 = arith.constant 1 : i32
        %jit3A_678 = arith.constant 0 : i32
        %broadcast_in_dim3A_679 = vector.broadcast %jit3A_677 : i32 to vector<16xi32>
        %broadcast_in_dim3A_680 = vector.broadcast %jit3A_678 : i32 to vector<16xi32>
        %select_n3A_681 = arith.select %ge3A_676, %broadcast_in_dim3A_679, %broadcast_in_dim3A_680 : vector<16xi1>, vector<16xi32>
        %add3A_682 = arith.addi %add3A_661, %select_n3A_681 : vector<16xi32>
        %ge3A_683 = arith.cmpi sge, %get3A_372, %add3A_619 : vector<16xi32>
        %jit3A_684 = arith.constant 1 : i32
        %jit3A_685 = arith.constant 0 : i32
        %broadcast_in_dim3A_686 = vector.broadcast %jit3A_684 : i32 to vector<16xi32>
        %broadcast_in_dim3A_687 = vector.broadcast %jit3A_685 : i32 to vector<16xi32>
        %select_n3A_688 = arith.select %ge3A_683, %broadcast_in_dim3A_686, %broadcast_in_dim3A_687 : vector<16xi1>, vector<16xi32>
        %add3A_689 = arith.addi %add3A_668, %select_n3A_688 : vector<16xi32>
        %ge3A_690 = arith.cmpi sge, %get3A_372, %add3A_619 : vector<16xi32>
        %jit3A_691 = arith.constant 1 : i32
        %jit3A_692 = arith.constant 0 : i32
        %broadcast_in_dim3A_693 = vector.broadcast %jit3A_691 : i32 to vector<16xi32>
        %broadcast_in_dim3A_694 = vector.broadcast %jit3A_692 : i32 to vector<16xi32>
        %select_n3A_695 = arith.select %ge3A_690, %broadcast_in_dim3A_693, %broadcast_in_dim3A_694 : vector<16xi1>, vector<16xi32>
        %add3A_696 = arith.addi %add3A_675, %select_n3A_695 : vector<16xi32>
        %ge3A_697 = arith.cmpi sge, %get3A_372, %add3A_619 : vector<16xi32>
        %jit3A_698 = arith.constant 1 : i32
        %jit3A_699 = arith.constant 0 : i32
        %broadcast_in_dim3A_700 = vector.broadcast %jit3A_698 : i32 to vector<16xi32>
        %broadcast_in_dim3A_701 = vector.broadcast %jit3A_699 : i32 to vector<16xi32>
        %select_n3A_702 = arith.select %ge3A_697, %broadcast_in_dim3A_700, %broadcast_in_dim3A_701 : vector<16xi1>, vector<16xi32>
        %add3A_703 = arith.addi %add3A_682, %select_n3A_702 : vector<16xi32>
        %ge3A_704 = arith.cmpi sge, %get3A_374, %add3A_619 : vector<16xi32>
        %jit3A_705 = arith.constant 1 : i32
        %jit3A_706 = arith.constant 0 : i32
        %broadcast_in_dim3A_707 = vector.broadcast %jit3A_705 : i32 to vector<16xi32>
        %broadcast_in_dim3A_708 = vector.broadcast %jit3A_706 : i32 to vector<16xi32>
        %select_n3A_709 = arith.select %ge3A_704, %broadcast_in_dim3A_707, %broadcast_in_dim3A_708 : vector<16xi1>, vector<16xi32>
        %add3A_710 = arith.addi %add3A_689, %select_n3A_709 : vector<16xi32>
        %ge3A_711 = arith.cmpi sge, %get3A_374, %add3A_619 : vector<16xi32>
        %jit3A_712 = arith.constant 1 : i32
        %jit3A_713 = arith.constant 0 : i32
        %broadcast_in_dim3A_714 = vector.broadcast %jit3A_712 : i32 to vector<16xi32>
        %broadcast_in_dim3A_715 = vector.broadcast %jit3A_713 : i32 to vector<16xi32>
        %select_n3A_716 = arith.select %ge3A_711, %broadcast_in_dim3A_714, %broadcast_in_dim3A_715 : vector<16xi1>, vector<16xi32>
        %add3A_717 = arith.addi %add3A_696, %select_n3A_716 : vector<16xi32>
        %ge3A_718 = arith.cmpi sge, %get3A_374, %add3A_619 : vector<16xi32>
        %jit3A_719 = arith.constant 1 : i32
        %jit3A_720 = arith.constant 0 : i32
        %broadcast_in_dim3A_721 = vector.broadcast %jit3A_719 : i32 to vector<16xi32>
        %broadcast_in_dim3A_722 = vector.broadcast %jit3A_720 : i32 to vector<16xi32>
        %select_n3A_723 = arith.select %ge3A_718, %broadcast_in_dim3A_721, %broadcast_in_dim3A_722 : vector<16xi1>, vector<16xi32>
        %add3A_724 = arith.addi %add3A_703, %select_n3A_723 : vector<16xi32>
        %ge3A_725 = arith.cmpi sge, %get3A_376, %add3A_619 : vector<16xi32>
        %jit3A_726 = arith.constant 1 : i32
        %jit3A_727 = arith.constant 0 : i32
        %broadcast_in_dim3A_728 = vector.broadcast %jit3A_726 : i32 to vector<16xi32>
        %broadcast_in_dim3A_729 = vector.broadcast %jit3A_727 : i32 to vector<16xi32>
        %select_n3A_730 = arith.select %ge3A_725, %broadcast_in_dim3A_728, %broadcast_in_dim3A_729 : vector<16xi1>, vector<16xi32>
        %add3A_731 = arith.addi %add3A_710, %select_n3A_730 : vector<16xi32>
        %ge3A_732 = arith.cmpi sge, %get3A_376, %add3A_619 : vector<16xi32>
        %jit3A_733 = arith.constant 1 : i32
        %jit3A_734 = arith.constant 0 : i32
        %broadcast_in_dim3A_735 = vector.broadcast %jit3A_733 : i32 to vector<16xi32>
        %broadcast_in_dim3A_736 = vector.broadcast %jit3A_734 : i32 to vector<16xi32>
        %select_n3A_737 = arith.select %ge3A_732, %broadcast_in_dim3A_735, %broadcast_in_dim3A_736 : vector<16xi1>, vector<16xi32>
        %add3A_738 = arith.addi %add3A_717, %select_n3A_737 : vector<16xi32>
        %ge3A_739 = arith.cmpi sge, %get3A_376, %add3A_619 : vector<16xi32>
        %jit3A_740 = arith.constant 1 : i32
        %jit3A_741 = arith.constant 0 : i32
        %broadcast_in_dim3A_742 = vector.broadcast %jit3A_740 : i32 to vector<16xi32>
        %broadcast_in_dim3A_743 = vector.broadcast %jit3A_741 : i32 to vector<16xi32>
        %select_n3A_744 = arith.select %ge3A_739, %broadcast_in_dim3A_742, %broadcast_in_dim3A_743 : vector<16xi1>, vector<16xi32>
        %add3A_745 = arith.addi %add3A_724, %select_n3A_744 : vector<16xi32>
        %ge3A_746 = arith.cmpi sge, %get3A_378, %add3A_619 : vector<16xi32>
        %jit3A_747 = arith.constant 1 : i32
        %jit3A_748 = arith.constant 0 : i32
        %broadcast_in_dim3A_749 = vector.broadcast %jit3A_747 : i32 to vector<16xi32>
        %broadcast_in_dim3A_750 = vector.broadcast %jit3A_748 : i32 to vector<16xi32>
        %select_n3A_751 = arith.select %ge3A_746, %broadcast_in_dim3A_749, %broadcast_in_dim3A_750 : vector<16xi1>, vector<16xi32>
        %add3A_752 = arith.addi %add3A_731, %select_n3A_751 : vector<16xi32>
        %ge3A_753 = arith.cmpi sge, %get3A_378, %add3A_619 : vector<16xi32>
        %jit3A_754 = arith.constant 1 : i32
        %jit3A_755 = arith.constant 0 : i32
        %broadcast_in_dim3A_756 = vector.broadcast %jit3A_754 : i32 to vector<16xi32>
        %broadcast_in_dim3A_757 = vector.broadcast %jit3A_755 : i32 to vector<16xi32>
        %select_n3A_758 = arith.select %ge3A_753, %broadcast_in_dim3A_756, %broadcast_in_dim3A_757 : vector<16xi1>, vector<16xi32>
        %add3A_759 = arith.addi %add3A_738, %select_n3A_758 : vector<16xi32>
        %ge3A_760 = arith.cmpi sge, %get3A_378, %add3A_619 : vector<16xi32>
        %jit3A_761 = arith.constant 1 : i32
        %jit3A_762 = arith.constant 0 : i32
        %broadcast_in_dim3A_763 = vector.broadcast %jit3A_761 : i32 to vector<16xi32>
        %broadcast_in_dim3A_764 = vector.broadcast %jit3A_762 : i32 to vector<16xi32>
        %select_n3A_765 = arith.select %ge3A_760, %broadcast_in_dim3A_763, %broadcast_in_dim3A_764 : vector<16xi1>, vector<16xi32>
        %add3A_766 = arith.addi %add3A_745, %select_n3A_765 : vector<16xi32>
        %ge3A_767 = arith.cmpi sge, %get3A_380, %add3A_619 : vector<16xi32>
        %jit3A_768 = arith.constant 1 : i32
        %jit3A_769 = arith.constant 0 : i32
        %broadcast_in_dim3A_770 = vector.broadcast %jit3A_768 : i32 to vector<16xi32>
        %broadcast_in_dim3A_771 = vector.broadcast %jit3A_769 : i32 to vector<16xi32>
        %select_n3A_772 = arith.select %ge3A_767, %broadcast_in_dim3A_770, %broadcast_in_dim3A_771 : vector<16xi1>, vector<16xi32>
        %add3A_773 = arith.addi %add3A_752, %select_n3A_772 : vector<16xi32>
        %ge3A_774 = arith.cmpi sge, %get3A_380, %add3A_619 : vector<16xi32>
        %jit3A_775 = arith.constant 1 : i32
        %jit3A_776 = arith.constant 0 : i32
        %broadcast_in_dim3A_777 = vector.broadcast %jit3A_775 : i32 to vector<16xi32>
        %broadcast_in_dim3A_778 = vector.broadcast %jit3A_776 : i32 to vector<16xi32>
        %select_n3A_779 = arith.select %ge3A_774, %broadcast_in_dim3A_777, %broadcast_in_dim3A_778 : vector<16xi1>, vector<16xi32>
        %add3A_780 = arith.addi %add3A_759, %select_n3A_779 : vector<16xi32>
        %ge3A_781 = arith.cmpi sge, %get3A_380, %add3A_619 : vector<16xi32>
        %jit3A_782 = arith.constant 1 : i32
        %jit3A_783 = arith.constant 0 : i32
        %broadcast_in_dim3A_784 = vector.broadcast %jit3A_782 : i32 to vector<16xi32>
        %broadcast_in_dim3A_785 = vector.broadcast %jit3A_783 : i32 to vector<16xi32>
        %select_n3A_786 = arith.select %ge3A_781, %broadcast_in_dim3A_784, %broadcast_in_dim3A_785 : vector<16xi1>, vector<16xi32>
        %add3A_787 = arith.addi %add3A_766, %select_n3A_786 : vector<16xi32>
        %while3A_788:4 = scf.while (%while3A_1140 = %broadcast_in_dim3A_15, %while3A_1141 = %add3A_773, %while3A_1142 = %add3A_780, %while3A_1143 = %add3A_787) : (vector<16xi32>, vector<16xi32>, vector<16xi32>, vector<16xi32>) -> (vector<16xi32>, vector<16xi32>, vector<16xi32>, vector<16xi32>) {
          %lt3A_1144 = arith.cmpi slt, %while3A_1140, %shift_left3A_359 : vector<16xi32>
          %reduce_or3A_1145 = arith.constant 1.000000e+00 : f32
          %reduce_or3A_1146 = arith.constant 0.000000e+00 : f32
          %reduce_or3A_1147 = vector.broadcast %reduce_or3A_1145 : f32 to vector<16xf32>
          %reduce_or3A_1148 = vector.broadcast %reduce_or3A_1146 : f32 to vector<16xf32>
          %reduce_or3A_1149 = arith.select %lt3A_1144, %reduce_or3A_1147, %reduce_or3A_1148 : vector<16xi1>, vector<16xf32>
          %reduce_or3A_1150 = arith.constant true
          %reduce_or3A_1151 = vector.broadcast %reduce_or3A_1150 : i1 to vector<16xi1>
          %reduce_or3A_1152 = tpu.scan <max>, %reduce_or3A_1149 masked %reduce_or3A_1151 : vector<16xf32>, vector<16xi1> -> vector<16xf32>
          %reduce_or3A_1153 = vector.extract %reduce_or3A_1152[15] : f32 from vector<16xf32>
          %reduce_or3A_1154 = arith.constant 0.000000e+00 : f32
          %reduce_or3A_1155 = arith.cmpf ogt, %reduce_or3A_1153, %reduce_or3A_1154 : f32
          scf.condition(%reduce_or3A_1155) %while3A_1140, %while3A_1141, %while3A_1142, %while3A_1143 : vector<16xi32>, vector<16xi32>, vector<16xi32>, vector<16xi32>
        } do {
        ^bb0(%while3A_1140: vector<16xi32>, %while3A_1141: vector<16xi32>, %while3A_1142: vector<16xi32>, %while3A_1143: vector<16xi32>):
          %add3A_1144 = arith.addi %iota3A, %while3A_1140 : vector<16xi32>
          %gather3A_1145 = tpu.vector_load_idx %arg7[%add3A_1144] : memref<4096xi32, #tpu.memory_space<vmem>>[vector<16xi32>], vector<16xi32>,
          %add3A_1146 = arith.constant 16 : i32
          %add3A_1147 = vector.broadcast %add3A_1146 : i32 to vector<16xi32>
          %add3A_1148 = arith.addi %while3A_1140, %add3A_1147 : vector<16xi32>
          %ge3A_1149 = arith.cmpi sge, %gather3A_1145, %add3A_619 : vector<16xi32>
          %jit3A_1150 = arith.constant 1 : i32
          %jit3A_1151 = arith.constant 0 : i32
          %broadcast_in_dim3A_1152 = vector.broadcast %jit3A_1150 : i32 to vector<16xi32>
          %broadcast_in_dim3A_1153 = vector.broadcast %jit3A_1151 : i32 to vector<16xi32>
          %select_n3A_1154 = arith.select %ge3A_1149, %broadcast_in_dim3A_1152, %broadcast_in_dim3A_1153 : vector<16xi1>, vector<16xi32>
          %add3A_1155 = arith.addi %while3A_1141, %select_n3A_1154 : vector<16xi32>
          %ge3A_1156 = arith.cmpi sge, %gather3A_1145, %add3A_619 : vector<16xi32>
          %jit3A_1157 = arith.constant 1 : i32
          %jit3A_1158 = arith.constant 0 : i32
          %broadcast_in_dim3A_1159 = vector.broadcast %jit3A_1157 : i32 to vector<16xi32>
          %broadcast_in_dim3A_1160 = vector.broadcast %jit3A_1158 : i32 to vector<16xi32>
          %select_n3A_1161 = arith.select %ge3A_1156, %broadcast_in_dim3A_1159, %broadcast_in_dim3A_1160 : vector<16xi1>, vector<16xi32>
          %add3A_1162 = arith.addi %while3A_1142, %select_n3A_1161 : vector<16xi32>
          %ge3A_1163 = arith.cmpi sge, %gather3A_1145, %add3A_619 : vector<16xi32>
          %jit3A_1164 = arith.constant 1 : i32
          %jit3A_1165 = arith.constant 0 : i32
          %broadcast_in_dim3A_1166 = vector.broadcast %jit3A_1164 : i32 to vector<16xi32>
          %broadcast_in_dim3A_1167 = vector.broadcast %jit3A_1165 : i32 to vector<16xi32>
          %select_n3A_1168 = arith.select %ge3A_1163, %broadcast_in_dim3A_1166, %broadcast_in_dim3A_1167 : vector<16xi1>, vector<16xi32>
          %add3A_1169 = arith.addi %while3A_1143, %select_n3A_1168 : vector<16xi32>
          scf.yield %add3A_1148, %add3A_1155, %add3A_1162, %add3A_1169 : vector<16xi32>, vector<16xi32>, vector<16xi32>, vector<16xi32>
        }
        %broadcast_in_dim3A_789 = arith.constant true
        %broadcast_in_dim3A_790 = vector.broadcast %broadcast_in_dim3A_789 : i1 to vector<16xi1>
        %masked_cumsum3A_791 = tpu.scan <sum>, %while3A_788#1 masked %broadcast_in_dim3A_790 : vector<16xi32>, vector<16xi1> -> vector<16xi32>
        %broadcast_in_dim3A_792 = vector.shape_cast %broadcast_in_dim3A_9 : vector<16xi32> to vector<16x1xi32>
        %gather3A_793 = vector.shape_cast %broadcast_in_dim3A_792 : vector<16x1xi32> to vector<16xi32>
        %gather3A_794 = tpu.dynamic_gather %masked_cumsum3A_791[%gather3A_793] in [0] : vector<16xi32>, vector<16xi32> -> vector<16xi32>
        %broadcast_in_dim3A_795 = arith.constant true
        %broadcast_in_dim3A_796 = vector.broadcast %broadcast_in_dim3A_795 : i1 to vector<16xi1>
        %masked_cumsum3A_797 = tpu.scan <sum>, %while3A_788#2 masked %broadcast_in_dim3A_796 : vector<16xi32>, vector<16xi1> -> vector<16xi32>
        %broadcast_in_dim3A_798 = vector.shape_cast %broadcast_in_dim3A_9 : vector<16xi32> to vector<16x1xi32>
        %gather3A_799 = vector.shape_cast %broadcast_in_dim3A_798 : vector<16x1xi32> to vector<16xi32>
        %gather3A_800 = tpu.dynamic_gather %masked_cumsum3A_797[%gather3A_799] in [0] : vector<16xi32>, vector<16xi32> -> vector<16xi32>
        %broadcast_in_dim3A_801 = arith.constant true
        %broadcast_in_dim3A_802 = vector.broadcast %broadcast_in_dim3A_801 : i1 to vector<16xi1>
        %masked_cumsum3A_803 = tpu.scan <sum>, %while3A_788#3 masked %broadcast_in_dim3A_802 : vector<16xi32>, vector<16xi1> -> vector<16xi32>
        %broadcast_in_dim3A_804 = vector.shape_cast %broadcast_in_dim3A_9 : vector<16xi32> to vector<16x1xi32>
        %gather3A_805 = vector.shape_cast %broadcast_in_dim3A_804 : vector<16x1xi32> to vector<16xi32>
        %gather3A_806 = tpu.dynamic_gather %masked_cumsum3A_803[%gather3A_805] in [0] : vector<16xi32>, vector<16xi32> -> vector<16xi32>
        %sub3A_807 = arith.subi %broadcast_in_dim3A_7, %gather3A_794 : vector<16xi32>
        %gt3A = arith.cmpi sgt, %get3A_366, %scan3A_385#0 : vector<16xi32>
        %eq3A_808 = arith.cmpi eq, %get3A_366, %scan3A_385#0 : vector<16xi32>
        %jit3A_809 = arith.constant 1 : i32
        %jit3A_810 = arith.constant 0 : i32
        %broadcast_in_dim3A_811 = vector.broadcast %jit3A_809 : i32 to vector<16xi32>
        %broadcast_in_dim3A_812 = vector.broadcast %jit3A_810 : i32 to vector<16xi32>
        %select_n3A_813 = arith.select %eq3A_808, %broadcast_in_dim3A_811, %broadcast_in_dim3A_812 : vector<16xi1>, vector<16xi32>
        %broadcast_in_dim3A_814 = arith.constant true
        %broadcast_in_dim3A_815 = vector.broadcast %broadcast_in_dim3A_814 : i1 to vector<16xi1>
        %masked_cumsum3A_816 = tpu.scan <sum>, %select_n3A_813 masked %broadcast_in_dim3A_815 : vector<16xi32>, vector<16xi1> -> vector<16xi32>
        %add3A_817 = arith.addi %masked_cumsum3A_816, %broadcast_in_dim3A_3 : vector<16xi32>
        %le3A = arith.cmpi sle, %add3A_817, %sub3A_807 : vector<16xi32>
        %and3A_818 = arith.andi %eq3A_808, %le3A : vector<16xi1>
        %or3A = arith.ori %gt3A, %and3A_818 : vector<16xi1>
        %jit3A_819 = arith.constant 1 : i32
        %jit3A_820 = arith.constant 0 : i32
        %broadcast_in_dim3A_821 = vector.broadcast %jit3A_819 : i32 to vector<16xi32>
        %broadcast_in_dim3A_822 = vector.broadcast %jit3A_820 : i32 to vector<16xi32>
        %select_n3A_823 = arith.select %or3A, %broadcast_in_dim3A_821, %broadcast_in_dim3A_822 : vector<16xi1>, vector<16xi32>
        %broadcast_in_dim3A_824 = arith.constant true
        %broadcast_in_dim3A_825 = vector.broadcast %broadcast_in_dim3A_824 : i1 to vector<16xi1>
        %masked_cumsum3A_826 = tpu.scan <sum>, %select_n3A_823 masked %broadcast_in_dim3A_825 : vector<16xi32>, vector<16xi1> -> vector<16xi32>
        %add3A_827 = arith.addi %broadcast_in_dim3A_3, %masked_cumsum3A_826 : vector<16xi32>
        %sub3A_828 = arith.constant 1 : i32
        %sub3A_829 = vector.broadcast %sub3A_828 : i32 to vector<16xi32>
        %sub3A_830 = arith.subi %add3A_827, %sub3A_829 : vector<16xi32>
        %add3A_831 = arith.addi %sub3A_830, %add3A_323 : vector<16xi32>
        %lt3A_832 = arith.constant 0 : i32
        %lt3A_833 = vector.broadcast %lt3A_832 : i32 to vector<16xi32>
        %lt3A_834 = arith.cmpi slt, %get3A_366, %lt3A_833 : vector<16xi32>
        %xor3A = arith.constant 2147483647 : i32
        %xor3A_835 = vector.broadcast %xor3A : i32 to vector<16xi32>
        %xor3A_836 = arith.xori %get3A_366, %xor3A_835 : vector<16xi32>
        %select_n3A_837 = arith.select %lt3A_834, %xor3A_836, %get3A_366 : vector<16xi1>, vector<16xi32>
        %bitcast_convert_type3A = tpu.bitcast %select_n3A_837 : vector<16xi32> -> vector<16xf32>
        tpu.vector_store_idx %arg9[%add3A_831], %bitcast_convert_type3A masked %or3A : memref<4096xf32, #tpu.memory_space<vmem>>[vector<16xi32>], vector<16xf32>, vector<16xi1>
        %broadcast_in_dim3A_838 = vector.shape_cast %broadcast_in_dim3A_9 : vector<16xi32> to vector<16x1xi32>
        %gather3A_839 = vector.shape_cast %broadcast_in_dim3A_838 : vector<16x1xi32> to vector<16xi32>
        %gather3A_840 = tpu.dynamic_gather %add3A_817[%gather3A_839] in [0] : vector<16xi32>, vector<16xi32> -> vector<16xi32>
        %broadcast_in_dim3A_841 = vector.shape_cast %broadcast_in_dim3A_9 : vector<16xi32> to vector<16x1xi32>
        %gather3A_842 = vector.shape_cast %broadcast_in_dim3A_841 : vector<16x1xi32> to vector<16xi32>
        %gather3A_843 = tpu.dynamic_gather %masked_cumsum3A_826[%gather3A_842] in [0] : vector<16xi32>, vector<16xi32> -> vector<16xi32>
        %add3A_844 = arith.addi %broadcast_in_dim3A_3, %gather3A_843 : vector<16xi32>
        %gt3A_845 = arith.cmpi sgt, %get3A_368, %scan3A_385#0 : vector<16xi32>
        %eq3A_846 = arith.cmpi eq, %get3A_368, %scan3A_385#0 : vector<16xi32>
        %jit3A_847 = arith.constant 1 : i32
        %jit3A_848 = arith.constant 0 : i32
        %broadcast_in_dim3A_849 = vector.broadcast %jit3A_847 : i32 to vector<16xi32>
        %broadcast_in_dim3A_850 = vector.broadcast %jit3A_848 : i32 to vector<16xi32>
        %select_n3A_851 = arith.select %eq3A_846, %broadcast_in_dim3A_849, %broadcast_in_dim3A_850 : vector<16xi1>, vector<16xi32>
        %broadcast_in_dim3A_852 = arith.constant true
        %broadcast_in_dim3A_853 = vector.broadcast %broadcast_in_dim3A_852 : i1 to vector<16xi1>
        %masked_cumsum3A_854 = tpu.scan <sum>, %select_n3A_851 masked %broadcast_in_dim3A_853 : vector<16xi32>, vector<16xi1> -> vector<16xi32>
        %add3A_855 = arith.addi %masked_cumsum3A_854, %gather3A_840 : vector<16xi32>
        %le3A_856 = arith.cmpi sle, %add3A_855, %sub3A_807 : vector<16xi32>
        %and3A_857 = arith.andi %eq3A_846, %le3A_856 : vector<16xi1>
        %or3A_858 = arith.ori %gt3A_845, %and3A_857 : vector<16xi1>
        %jit3A_859 = arith.constant 1 : i32
        %jit3A_860 = arith.constant 0 : i32
        %broadcast_in_dim3A_861 = vector.broadcast %jit3A_859 : i32 to vector<16xi32>
        %broadcast_in_dim3A_862 = vector.broadcast %jit3A_860 : i32 to vector<16xi32>
        %select_n3A_863 = arith.select %or3A_858, %broadcast_in_dim3A_861, %broadcast_in_dim3A_862 : vector<16xi1>, vector<16xi32>
        %broadcast_in_dim3A_864 = arith.constant true
        %broadcast_in_dim3A_865 = vector.broadcast %broadcast_in_dim3A_864 : i1 to vector<16xi1>
        %masked_cumsum3A_866 = tpu.scan <sum>, %select_n3A_863 masked %broadcast_in_dim3A_865 : vector<16xi32>, vector<16xi1> -> vector<16xi32>
        %add3A_867 = arith.addi %add3A_844, %masked_cumsum3A_866 : vector<16xi32>
        %sub3A_868 = arith.constant 1 : i32
        %sub3A_869 = vector.broadcast %sub3A_868 : i32 to vector<16xi32>
        %sub3A_870 = arith.subi %add3A_867, %sub3A_869 : vector<16xi32>
        %add3A_871 = arith.addi %sub3A_870, %add3A_323 : vector<16xi32>
        %lt3A_872 = arith.constant 0 : i32
        %lt3A_873 = vector.broadcast %lt3A_872 : i32 to vector<16xi32>
        %lt3A_874 = arith.cmpi slt, %get3A_368, %lt3A_873 : vector<16xi32>
        %xor3A_875 = arith.constant 2147483647 : i32
        %xor3A_876 = vector.broadcast %xor3A_875 : i32 to vector<16xi32>
        %xor3A_877 = arith.xori %get3A_368, %xor3A_876 : vector<16xi32>
        %select_n3A_878 = arith.select %lt3A_874, %xor3A_877, %get3A_368 : vector<16xi1>, vector<16xi32>
        %bitcast_convert_type3A_879 = tpu.bitcast %select_n3A_878 : vector<16xi32> -> vector<16xf32>
        tpu.vector_store_idx %arg9[%add3A_871], %bitcast_convert_type3A_879 masked %or3A_858 : memref<4096xf32, #tpu.memory_space<vmem>>[vector<16xi32>], vector<16xf32>, vector<16xi1>
        %broadcast_in_dim3A_880 = vector.shape_cast %broadcast_in_dim3A_9 : vector<16xi32> to vector<16x1xi32>
        %gather3A_881 = vector.shape_cast %broadcast_in_dim3A_880 : vector<16x1xi32> to vector<16xi32>
        %gather3A_882 = tpu.dynamic_gather %add3A_855[%gather3A_881] in [0] : vector<16xi32>, vector<16xi32> -> vector<16xi32>
        %broadcast_in_dim3A_883 = vector.shape_cast %broadcast_in_dim3A_9 : vector<16xi32> to vector<16x1xi32>
        %gather3A_884 = vector.shape_cast %broadcast_in_dim3A_883 : vector<16x1xi32> to vector<16xi32>
        %gather3A_885 = tpu.dynamic_gather %masked_cumsum3A_866[%gather3A_884] in [0] : vector<16xi32>, vector<16xi32> -> vector<16xi32>
        %add3A_886 = arith.addi %add3A_844, %gather3A_885 : vector<16xi32>
        %gt3A_887 = arith.cmpi sgt, %get3A_370, %scan3A_385#0 : vector<16xi32>
        %eq3A_888 = arith.cmpi eq, %get3A_370, %scan3A_385#0 : vector<16xi32>
        %jit3A_889 = arith.constant 1 : i32
        %jit3A_890 = arith.constant 0 : i32
        %broadcast_in_dim3A_891 = vector.broadcast %jit3A_889 : i32 to vector<16xi32>
        %broadcast_in_dim3A_892 = vector.broadcast %jit3A_890 : i32 to vector<16xi32>
        %select_n3A_893 = arith.select %eq3A_888, %broadcast_in_dim3A_891, %broadcast_in_dim3A_892 : vector<16xi1>, vector<16xi32>
        %broadcast_in_dim3A_894 = arith.constant true
        %broadcast_in_dim3A_895 = vector.broadcast %broadcast_in_dim3A_894 : i1 to vector<16xi1>
        %masked_cumsum3A_896 = tpu.scan <sum>, %select_n3A_893 masked %broadcast_in_dim3A_895 : vector<16xi32>, vector<16xi1> -> vector<16xi32>
        %add3A_897 = arith.addi %masked_cumsum3A_896, %gather3A_882 : vector<16xi32>
        %le3A_898 = arith.cmpi sle, %add3A_897, %sub3A_807 : vector<16xi32>
        %and3A_899 = arith.andi %eq3A_888, %le3A_898 : vector<16xi1>
        %or3A_900 = arith.ori %gt3A_887, %and3A_899 : vector<16xi1>
        %jit3A_901 = arith.constant 1 : i32
        %jit3A_902 = arith.constant 0 : i32
        %broadcast_in_dim3A_903 = vector.broadcast %jit3A_901 : i32 to vector<16xi32>
        %broadcast_in_dim3A_904 = vector.broadcast %jit3A_902 : i32 to vector<16xi32>
        %select_n3A_905 = arith.select %or3A_900, %broadcast_in_dim3A_903, %broadcast_in_dim3A_904 : vector<16xi1>, vector<16xi32>
        %broadcast_in_dim3A_906 = arith.constant true
        %broadcast_in_dim3A_907 = vector.broadcast %broadcast_in_dim3A_906 : i1 to vector<16xi1>
        %masked_cumsum3A_908 = tpu.scan <sum>, %select_n3A_905 masked %broadcast_in_dim3A_907 : vector<16xi32>, vector<16xi1> -> vector<16xi32>
        %add3A_909 = arith.addi %add3A_886, %masked_cumsum3A_908 : vector<16xi32>
        %sub3A_910 = arith.constant 1 : i32
        %sub3A_911 = vector.broadcast %sub3A_910 : i32 to vector<16xi32>
        %sub3A_912 = arith.subi %add3A_909, %sub3A_911 : vector<16xi32>
        %add3A_913 = arith.addi %sub3A_912, %add3A_323 : vector<16xi32>
        %lt3A_914 = arith.constant 0 : i32
        %lt3A_915 = vector.broadcast %lt3A_914 : i32 to vector<16xi32>
        %lt3A_916 = arith.cmpi slt, %get3A_370, %lt3A_915 : vector<16xi32>
        %xor3A_917 = arith.constant 2147483647 : i32
        %xor3A_918 = vector.broadcast %xor3A_917 : i32 to vector<16xi32>
        %xor3A_919 = arith.xori %get3A_370, %xor3A_918 : vector<16xi32>
        %select_n3A_920 = arith.select %lt3A_916, %xor3A_919, %get3A_370 : vector<16xi1>, vector<16xi32>
        %bitcast_convert_type3A_921 = tpu.bitcast %select_n3A_920 : vector<16xi32> -> vector<16xf32>
        tpu.vector_store_idx %arg9[%add3A_913], %bitcast_convert_type3A_921 masked %or3A_900 : memref<4096xf32, #tpu.memory_space<vmem>>[vector<16xi32>], vector<16xf32>, vector<16xi1>
        %broadcast_in_dim3A_922 = vector.shape_cast %broadcast_in_dim3A_9 : vector<16xi32> to vector<16x1xi32>
        %gather3A_923 = vector.shape_cast %broadcast_in_dim3A_922 : vector<16x1xi32> to vector<16xi32>
        %gather3A_924 = tpu.dynamic_gather %add3A_897[%gather3A_923] in [0] : vector<16xi32>, vector<16xi32> -> vector<16xi32>
        %broadcast_in_dim3A_925 = vector.shape_cast %broadcast_in_dim3A_9 : vector<16xi32> to vector<16x1xi32>
        %gather3A_926 = vector.shape_cast %broadcast_in_dim3A_925 : vector<16x1xi32> to vector<16xi32>
        %gather3A_927 = tpu.dynamic_gather %masked_cumsum3A_908[%gather3A_926] in [0] : vector<16xi32>, vector<16xi32> -> vector<16xi32>
        %add3A_928 = arith.addi %add3A_886, %gather3A_927 : vector<16xi32>
        %gt3A_929 = arith.cmpi sgt, %get3A_372, %scan3A_385#0 : vector<16xi32>
        %eq3A_930 = arith.cmpi eq, %get3A_372, %scan3A_385#0 : vector<16xi32>
        %jit3A_931 = arith.constant 1 : i32
        %jit3A_932 = arith.constant 0 : i32
        %broadcast_in_dim3A_933 = vector.broadcast %jit3A_931 : i32 to vector<16xi32>
        %broadcast_in_dim3A_934 = vector.broadcast %jit3A_932 : i32 to vector<16xi32>
        %select_n3A_935 = arith.select %eq3A_930, %broadcast_in_dim3A_933, %broadcast_in_dim3A_934 : vector<16xi1>, vector<16xi32>
        %broadcast_in_dim3A_936 = arith.constant true
        %broadcast_in_dim3A_937 = vector.broadcast %broadcast_in_dim3A_936 : i1 to vector<16xi1>
        %masked_cumsum3A_938 = tpu.scan <sum>, %select_n3A_935 masked %broadcast_in_dim3A_937 : vector<16xi32>, vector<16xi1> -> vector<16xi32>
        %add3A_939 = arith.addi %masked_cumsum3A_938, %gather3A_924 : vector<16xi32>
        %le3A_940 = arith.cmpi sle, %add3A_939, %sub3A_807 : vector<16xi32>
        %and3A_941 = arith.andi %eq3A_930, %le3A_940 : vector<16xi1>
        %or3A_942 = arith.ori %gt3A_929, %and3A_941 : vector<16xi1>
        %jit3A_943 = arith.constant 1 : i32
        %jit3A_944 = arith.constant 0 : i32
        %broadcast_in_dim3A_945 = vector.broadcast %jit3A_943 : i32 to vector<16xi32>
        %broadcast_in_dim3A_946 = vector.broadcast %jit3A_944 : i32 to vector<16xi32>
        %select_n3A_947 = arith.select %or3A_942, %broadcast_in_dim3A_945, %broadcast_in_dim3A_946 : vector<16xi1>, vector<16xi32>
        %broadcast_in_dim3A_948 = arith.constant true
        %broadcast_in_dim3A_949 = vector.broadcast %broadcast_in_dim3A_948 : i1 to vector<16xi1>
        %masked_cumsum3A_950 = tpu.scan <sum>, %select_n3A_947 masked %broadcast_in_dim3A_949 : vector<16xi32>, vector<16xi1> -> vector<16xi32>
        %add3A_951 = arith.addi %add3A_928, %masked_cumsum3A_950 : vector<16xi32>
        %sub3A_952 = arith.constant 1 : i32
        %sub3A_953 = vector.broadcast %sub3A_952 : i32 to vector<16xi32>
        %sub3A_954 = arith.subi %add3A_951, %sub3A_953 : vector<16xi32>
        %add3A_955 = arith.addi %sub3A_954, %add3A_323 : vector<16xi32>
        %lt3A_956 = arith.constant 0 : i32
        %lt3A_957 = vector.broadcast %lt3A_956 : i32 to vector<16xi32>
        %lt3A_958 = arith.cmpi slt, %get3A_372, %lt3A_957 : vector<16xi32>
        %xor3A_959 = arith.constant 2147483647 : i32
        %xor3A_960 = vector.broadcast %xor3A_959 : i32 to vector<16xi32>
        %xor3A_961 = arith.xori %get3A_372, %xor3A_960 : vector<16xi32>
        %select_n3A_962 = arith.select %lt3A_958, %xor3A_961, %get3A_372 : vector<16xi1>, vector<16xi32>
        %bitcast_convert_type3A_963 = tpu.bitcast %select_n3A_962 : vector<16xi32> -> vector<16xf32>
        tpu.vector_store_idx %arg9[%add3A_955], %bitcast_convert_type3A_963 masked %or3A_942 : memref<4096xf32, #tpu.memory_space<vmem>>[vector<16xi32>], vector<16xf32>, vector<16xi1>
        %broadcast_in_dim3A_964 = vector.shape_cast %broadcast_in_dim3A_9 : vector<16xi32> to vector<16x1xi32>
        %gather3A_965 = vector.shape_cast %broadcast_in_dim3A_964 : vector<16x1xi32> to vector<16xi32>
        %gather3A_966 = tpu.dynamic_gather %add3A_939[%gather3A_965] in [0] : vector<16xi32>, vector<16xi32> -> vector<16xi32>
        %broadcast_in_dim3A_967 = vector.shape_cast %broadcast_in_dim3A_9 : vector<16xi32> to vector<16x1xi32>
        %gather3A_968 = vector.shape_cast %broadcast_in_dim3A_967 : vector<16x1xi32> to vector<16xi32>
        %gather3A_969 = tpu.dynamic_gather %masked_cumsum3A_950[%gather3A_968] in [0] : vector<16xi32>, vector<16xi32> -> vector<16xi32>
        %add3A_970 = arith.addi %add3A_928, %gather3A_969 : vector<16xi32>
        %gt3A_971 = arith.cmpi sgt, %get3A_374, %scan3A_385#0 : vector<16xi32>
        %eq3A_972 = arith.cmpi eq, %get3A_374, %scan3A_385#0 : vector<16xi32>
        %jit3A_973 = arith.constant 1 : i32
        %jit3A_974 = arith.constant 0 : i32
        %broadcast_in_dim3A_975 = vector.broadcast %jit3A_973 : i32 to vector<16xi32>
        %broadcast_in_dim3A_976 = vector.broadcast %jit3A_974 : i32 to vector<16xi32>
        %select_n3A_977 = arith.select %eq3A_972, %broadcast_in_dim3A_975, %broadcast_in_dim3A_976 : vector<16xi1>, vector<16xi32>
        %broadcast_in_dim3A_978 = arith.constant true
        %broadcast_in_dim3A_979 = vector.broadcast %broadcast_in_dim3A_978 : i1 to vector<16xi1>
        %masked_cumsum3A_980 = tpu.scan <sum>, %select_n3A_977 masked %broadcast_in_dim3A_979 : vector<16xi32>, vector<16xi1> -> vector<16xi32>
        %add3A_981 = arith.addi %masked_cumsum3A_980, %gather3A_966 : vector<16xi32>
        %le3A_982 = arith.cmpi sle, %add3A_981, %sub3A_807 : vector<16xi32>
        %and3A_983 = arith.andi %eq3A_972, %le3A_982 : vector<16xi1>
        %or3A_984 = arith.ori %gt3A_971, %and3A_983 : vector<16xi1>
        %jit3A_985 = arith.constant 1 : i32
        %jit3A_986 = arith.constant 0 : i32
        %broadcast_in_dim3A_987 = vector.broadcast %jit3A_985 : i32 to vector<16xi32>
        %broadcast_in_dim3A_988 = vector.broadcast %jit3A_986 : i32 to vector<16xi32>
        %select_n3A_989 = arith.select %or3A_984, %broadcast_in_dim3A_987, %broadcast_in_dim3A_988 : vector<16xi1>, vector<16xi32>
        %broadcast_in_dim3A_990 = arith.constant true
        %broadcast_in_dim3A_991 = vector.broadcast %broadcast_in_dim3A_990 : i1 to vector<16xi1>
        %masked_cumsum3A_992 = tpu.scan <sum>, %select_n3A_989 masked %broadcast_in_dim3A_991 : vector<16xi32>, vector<16xi1> -> vector<16xi32>
        %add3A_993 = arith.addi %add3A_970, %masked_cumsum3A_992 : vector<16xi32>
        %sub3A_994 = arith.constant 1 : i32
        %sub3A_995 = vector.broadcast %sub3A_994 : i32 to vector<16xi32>
        %sub3A_996 = arith.subi %add3A_993, %sub3A_995 : vector<16xi32>
        %add3A_997 = arith.addi %sub3A_996, %add3A_323 : vector<16xi32>
        %lt3A_998 = arith.constant 0 : i32
        %lt3A_999 = vector.broadcast %lt3A_998 : i32 to vector<16xi32>
        %lt3A_1000 = arith.cmpi slt, %get3A_374, %lt3A_999 : vector<16xi32>
        %xor3A_1001 = arith.constant 2147483647 : i32
        %xor3A_1002 = vector.broadcast %xor3A_1001 : i32 to vector<16xi32>
        %xor3A_1003 = arith.xori %get3A_374, %xor3A_1002 : vector<16xi32>
        %select_n3A_1004 = arith.select %lt3A_1000, %xor3A_1003, %get3A_374 : vector<16xi1>, vector<16xi32>
        %bitcast_convert_type3A_1005 = tpu.bitcast %select_n3A_1004 : vector<16xi32> -> vector<16xf32>
        tpu.vector_store_idx %arg9[%add3A_997], %bitcast_convert_type3A_1005 masked %or3A_984 : memref<4096xf32, #tpu.memory_space<vmem>>[vector<16xi32>], vector<16xf32>, vector<16xi1>
        %broadcast_in_dim3A_1006 = vector.shape_cast %broadcast_in_dim3A_9 : vector<16xi32> to vector<16x1xi32>
        %gather3A_1007 = vector.shape_cast %broadcast_in_dim3A_1006 : vector<16x1xi32> to vector<16xi32>
        %gather3A_1008 = tpu.dynamic_gather %add3A_981[%gather3A_1007] in [0] : vector<16xi32>, vector<16xi32> -> vector<16xi32>
        %broadcast_in_dim3A_1009 = vector.shape_cast %broadcast_in_dim3A_9 : vector<16xi32> to vector<16x1xi32>
        %gather3A_1010 = vector.shape_cast %broadcast_in_dim3A_1009 : vector<16x1xi32> to vector<16xi32>
        %gather3A_1011 = tpu.dynamic_gather %masked_cumsum3A_992[%gather3A_1010] in [0] : vector<16xi32>, vector<16xi32> -> vector<16xi32>
        %add3A_1012 = arith.addi %add3A_970, %gather3A_1011 : vector<16xi32>
        %gt3A_1013 = arith.cmpi sgt, %get3A_376, %scan3A_385#0 : vector<16xi32>
        %eq3A_1014 = arith.cmpi eq, %get3A_376, %scan3A_385#0 : vector<16xi32>
        %jit3A_1015 = arith.constant 1 : i32
        %jit3A_1016 = arith.constant 0 : i32
        %broadcast_in_dim3A_1017 = vector.broadcast %jit3A_1015 : i32 to vector<16xi32>
        %broadcast_in_dim3A_1018 = vector.broadcast %jit3A_1016 : i32 to vector<16xi32>
        %select_n3A_1019 = arith.select %eq3A_1014, %broadcast_in_dim3A_1017, %broadcast_in_dim3A_1018 : vector<16xi1>, vector<16xi32>
        %broadcast_in_dim3A_1020 = arith.constant true
        %broadcast_in_dim3A_1021 = vector.broadcast %broadcast_in_dim3A_1020 : i1 to vector<16xi1>
        %masked_cumsum3A_1022 = tpu.scan <sum>, %select_n3A_1019 masked %broadcast_in_dim3A_1021 : vector<16xi32>, vector<16xi1> -> vector<16xi32>
        %add3A_1023 = arith.addi %masked_cumsum3A_1022, %gather3A_1008 : vector<16xi32>
        %le3A_1024 = arith.cmpi sle, %add3A_1023, %sub3A_807 : vector<16xi32>
        %and3A_1025 = arith.andi %eq3A_1014, %le3A_1024 : vector<16xi1>
        %or3A_1026 = arith.ori %gt3A_1013, %and3A_1025 : vector<16xi1>
        %jit3A_1027 = arith.constant 1 : i32
        %jit3A_1028 = arith.constant 0 : i32
        %broadcast_in_dim3A_1029 = vector.broadcast %jit3A_1027 : i32 to vector<16xi32>
        %broadcast_in_dim3A_1030 = vector.broadcast %jit3A_1028 : i32 to vector<16xi32>
        %select_n3A_1031 = arith.select %or3A_1026, %broadcast_in_dim3A_1029, %broadcast_in_dim3A_1030 : vector<16xi1>, vector<16xi32>
        %broadcast_in_dim3A_1032 = arith.constant true
        %broadcast_in_dim3A_1033 = vector.broadcast %broadcast_in_dim3A_1032 : i1 to vector<16xi1>
        %masked_cumsum3A_1034 = tpu.scan <sum>, %select_n3A_1031 masked %broadcast_in_dim3A_1033 : vector<16xi32>, vector<16xi1> -> vector<16xi32>
        %add3A_1035 = arith.addi %add3A_1012, %masked_cumsum3A_1034 : vector<16xi32>
        %sub3A_1036 = arith.constant 1 : i32
        %sub3A_1037 = vector.broadcast %sub3A_1036 : i32 to vector<16xi32>
        %sub3A_1038 = arith.subi %add3A_1035, %sub3A_1037 : vector<16xi32>
        %add3A_1039 = arith.addi %sub3A_1038, %add3A_323 : vector<16xi32>
        %lt3A_1040 = arith.constant 0 : i32
        %lt3A_1041 = vector.broadcast %lt3A_1040 : i32 to vector<16xi32>
        %lt3A_1042 = arith.cmpi slt, %get3A_376, %lt3A_1041 : vector<16xi32>
        %xor3A_1043 = arith.constant 2147483647 : i32
        %xor3A_1044 = vector.broadcast %xor3A_1043 : i32 to vector<16xi32>
        %xor3A_1045 = arith.xori %get3A_376, %xor3A_1044 : vector<16xi32>
        %select_n3A_1046 = arith.select %lt3A_1042, %xor3A_1045, %get3A_376 : vector<16xi1>, vector<16xi32>
        %bitcast_convert_type3A_1047 = tpu.bitcast %select_n3A_1046 : vector<16xi32> -> vector<16xf32>
        tpu.vector_store_idx %arg9[%add3A_1039], %bitcast_convert_type3A_1047 masked %or3A_1026 : memref<4096xf32, #tpu.memory_space<vmem>>[vector<16xi32>], vector<16xf32>, vector<16xi1>
        %broadcast_in_dim3A_1048 = vector.shape_cast %broadcast_in_dim3A_9 : vector<16xi32> to vector<16x1xi32>
        %gather3A_1049 = vector.shape_cast %broadcast_in_dim3A_1048 : vector<16x1xi32> to vector<16xi32>
        %gather3A_1050 = tpu.dynamic_gather %add3A_1023[%gather3A_1049] in [0] : vector<16xi32>, vector<16xi32> -> vector<16xi32>
        %broadcast_in_dim3A_1051 = vector.shape_cast %broadcast_in_dim3A_9 : vector<16xi32> to vector<16x1xi32>
        %gather3A_1052 = vector.shape_cast %broadcast_in_dim3A_1051 : vector<16x1xi32> to vector<16xi32>
        %gather3A_1053 = tpu.dynamic_gather %masked_cumsum3A_1034[%gather3A_1052] in [0] : vector<16xi32>, vector<16xi32> -> vector<16xi32>
        %add3A_1054 = arith.addi %add3A_1012, %gather3A_1053 : vector<16xi32>
        %gt3A_1055 = arith.cmpi sgt, %get3A_378, %scan3A_385#0 : vector<16xi32>
        %eq3A_1056 = arith.cmpi eq, %get3A_378, %scan3A_385#0 : vector<16xi32>
        %jit3A_1057 = arith.constant 1 : i32
        %jit3A_1058 = arith.constant 0 : i32
        %broadcast_in_dim3A_1059 = vector.broadcast %jit3A_1057 : i32 to vector<16xi32>
        %broadcast_in_dim3A_1060 = vector.broadcast %jit3A_1058 : i32 to vector<16xi32>
        %select_n3A_1061 = arith.select %eq3A_1056, %broadcast_in_dim3A_1059, %broadcast_in_dim3A_1060 : vector<16xi1>, vector<16xi32>
        %broadcast_in_dim3A_1062 = arith.constant true
        %broadcast_in_dim3A_1063 = vector.broadcast %broadcast_in_dim3A_1062 : i1 to vector<16xi1>
        %masked_cumsum3A_1064 = tpu.scan <sum>, %select_n3A_1061 masked %broadcast_in_dim3A_1063 : vector<16xi32>, vector<16xi1> -> vector<16xi32>
        %add3A_1065 = arith.addi %masked_cumsum3A_1064, %gather3A_1050 : vector<16xi32>
        %le3A_1066 = arith.cmpi sle, %add3A_1065, %sub3A_807 : vector<16xi32>
        %and3A_1067 = arith.andi %eq3A_1056, %le3A_1066 : vector<16xi1>
        %or3A_1068 = arith.ori %gt3A_1055, %and3A_1067 : vector<16xi1>
        %jit3A_1069 = arith.constant 1 : i32
        %jit3A_1070 = arith.constant 0 : i32
        %broadcast_in_dim3A_1071 = vector.broadcast %jit3A_1069 : i32 to vector<16xi32>
        %broadcast_in_dim3A_1072 = vector.broadcast %jit3A_1070 : i32 to vector<16xi32>
        %select_n3A_1073 = arith.select %or3A_1068, %broadcast_in_dim3A_1071, %broadcast_in_dim3A_1072 : vector<16xi1>, vector<16xi32>
        %broadcast_in_dim3A_1074 = arith.constant true
        %broadcast_in_dim3A_1075 = vector.broadcast %broadcast_in_dim3A_1074 : i1 to vector<16xi1>
        %masked_cumsum3A_1076 = tpu.scan <sum>, %select_n3A_1073 masked %broadcast_in_dim3A_1075 : vector<16xi32>, vector<16xi1> -> vector<16xi32>
        %add3A_1077 = arith.addi %add3A_1054, %masked_cumsum3A_1076 : vector<16xi32>
        %sub3A_1078 = arith.constant 1 : i32
        %sub3A_1079 = vector.broadcast %sub3A_1078 : i32 to vector<16xi32>
        %sub3A_1080 = arith.subi %add3A_1077, %sub3A_1079 : vector<16xi32>
        %add3A_1081 = arith.addi %sub3A_1080, %add3A_323 : vector<16xi32>
        %lt3A_1082 = arith.constant 0 : i32
        %lt3A_1083 = vector.broadcast %lt3A_1082 : i32 to vector<16xi32>
        %lt3A_1084 = arith.cmpi slt, %get3A_378, %lt3A_1083 : vector<16xi32>
        %xor3A_1085 = arith.constant 2147483647 : i32
        %xor3A_1086 = vector.broadcast %xor3A_1085 : i32 to vector<16xi32>
        %xor3A_1087 = arith.xori %get3A_378, %xor3A_1086 : vector<16xi32>
        %select_n3A_1088 = arith.select %lt3A_1084, %xor3A_1087, %get3A_378 : vector<16xi1>, vector<16xi32>
        %bitcast_convert_type3A_1089 = tpu.bitcast %select_n3A_1088 : vector<16xi32> -> vector<16xf32>
        tpu.vector_store_idx %arg9[%add3A_1081], %bitcast_convert_type3A_1089 masked %or3A_1068 : memref<4096xf32, #tpu.memory_space<vmem>>[vector<16xi32>], vector<16xf32>, vector<16xi1>
        %broadcast_in_dim3A_1090 = vector.shape_cast %broadcast_in_dim3A_9 : vector<16xi32> to vector<16x1xi32>
        %gather3A_1091 = vector.shape_cast %broadcast_in_dim3A_1090 : vector<16x1xi32> to vector<16xi32>
        %gather3A_1092 = tpu.dynamic_gather %add3A_1065[%gather3A_1091] in [0] : vector<16xi32>, vector<16xi32> -> vector<16xi32>
        %broadcast_in_dim3A_1093 = vector.shape_cast %broadcast_in_dim3A_9 : vector<16xi32> to vector<16x1xi32>
        %gather3A_1094 = vector.shape_cast %broadcast_in_dim3A_1093 : vector<16x1xi32> to vector<16xi32>
        %gather3A_1095 = tpu.dynamic_gather %masked_cumsum3A_1076[%gather3A_1094] in [0] : vector<16xi32>, vector<16xi32> -> vector<16xi32>
        %add3A_1096 = arith.addi %add3A_1054, %gather3A_1095 : vector<16xi32>
        %gt3A_1097 = arith.cmpi sgt, %get3A_380, %scan3A_385#0 : vector<16xi32>
        %eq3A_1098 = arith.cmpi eq, %get3A_380, %scan3A_385#0 : vector<16xi32>
        %jit3A_1099 = arith.constant 1 : i32
        %jit3A_1100 = arith.constant 0 : i32
        %broadcast_in_dim3A_1101 = vector.broadcast %jit3A_1099 : i32 to vector<16xi32>
        %broadcast_in_dim3A_1102 = vector.broadcast %jit3A_1100 : i32 to vector<16xi32>
        %select_n3A_1103 = arith.select %eq3A_1098, %broadcast_in_dim3A_1101, %broadcast_in_dim3A_1102 : vector<16xi1>, vector<16xi32>
        %broadcast_in_dim3A_1104 = arith.constant true
        %broadcast_in_dim3A_1105 = vector.broadcast %broadcast_in_dim3A_1104 : i1 to vector<16xi1>
        %masked_cumsum3A_1106 = tpu.scan <sum>, %select_n3A_1103 masked %broadcast_in_dim3A_1105 : vector<16xi32>, vector<16xi1> -> vector<16xi32>
        %add3A_1107 = arith.addi %masked_cumsum3A_1106, %gather3A_1092 : vector<16xi32>
        %le3A_1108 = arith.cmpi sle, %add3A_1107, %sub3A_807 : vector<16xi32>
        %and3A_1109 = arith.andi %eq3A_1098, %le3A_1108 : vector<16xi1>
        %or3A_1110 = arith.ori %gt3A_1097, %and3A_1109 : vector<16xi1>
        %jit3A_1111 = arith.constant 1 : i32
        %jit3A_1112 = arith.constant 0 : i32
        %broadcast_in_dim3A_1113 = vector.broadcast %jit3A_1111 : i32 to vector<16xi32>
        %broadcast_in_dim3A_1114 = vector.broadcast %jit3A_1112 : i32 to vector<16xi32>
        %select_n3A_1115 = arith.select %or3A_1110, %broadcast_in_dim3A_1113, %broadcast_in_dim3A_1114 : vector<16xi1>, vector<16xi32>
        %broadcast_in_dim3A_1116 = arith.constant true
        %broadcast_in_dim3A_1117 = vector.broadcast %broadcast_in_dim3A_1116 : i1 to vector<16xi1>
        %masked_cumsum3A_1118 = tpu.scan <sum>, %select_n3A_1115 masked %broadcast_in_dim3A_1117 : vector<16xi32>, vector<16xi1> -> vector<16xi32>
        %add3A_1119 = arith.addi %add3A_1096, %masked_cumsum3A_1118 : vector<16xi32>
        %sub3A_1120 = arith.constant 1 : i32
        %sub3A_1121 = vector.broadcast %sub3A_1120 : i32 to vector<16xi32>
        %sub3A_1122 = arith.subi %add3A_1119, %sub3A_1121 : vector<16xi32>
        %add3A_1123 = arith.addi %sub3A_1122, %add3A_323 : vector<16xi32>
        %lt3A_1124 = arith.constant 0 : i32
        %lt3A_1125 = vector.broadcast %lt3A_1124 : i32 to vector<16xi32>
        %lt3A_1126 = arith.cmpi slt, %get3A_380, %lt3A_1125 : vector<16xi32>
        %xor3A_1127 = arith.constant 2147483647 : i32
        %xor3A_1128 = vector.broadcast %xor3A_1127 : i32 to vector<16xi32>
        %xor3A_1129 = arith.xori %get3A_380, %xor3A_1128 : vector<16xi32>
        %select_n3A_1130 = arith.select %lt3A_1126, %xor3A_1129, %get3A_380 : vector<16xi1>, vector<16xi32>
        %bitcast_convert_type3A_1131 = tpu.bitcast %select_n3A_1130 : vector<16xi32> -> vector<16xf32>
        tpu.vector_store_idx %arg9[%add3A_1123], %bitcast_convert_type3A_1131 masked %or3A_1110 : memref<4096xf32, #tpu.memory_space<vmem>>[vector<16xi32>], vector<16xf32>, vector<16xi1>
        %broadcast_in_dim3A_1132 = vector.shape_cast %broadcast_in_dim3A_9 : vector<16xi32> to vector<16x1xi32>
        %gather3A_1133 = vector.shape_cast %broadcast_in_dim3A_1132 : vector<16x1xi32> to vector<16xi32>
        %gather3A_1134 = tpu.dynamic_gather %add3A_1107[%gather3A_1133] in [0] : vector<16xi32>, vector<16xi32> -> vector<16xi32>
        %broadcast_in_dim3A_1135 = vector.shape_cast %broadcast_in_dim3A_9 : vector<16xi32> to vector<16x1xi32>
        %gather3A_1136 = vector.shape_cast %broadcast_in_dim3A_1135 : vector<16x1xi32> to vector<16xi32>
        %gather3A_1137 = tpu.dynamic_gather %masked_cumsum3A_1118[%gather3A_1136] in [0] : vector<16xi32>, vector<16xi32> -> vector<16xi32>
        %add3A_1138 = arith.addi %add3A_1096, %gather3A_1137 : vector<16xi32>
        %while3A_1139:3 = scf.while (%while3A_1140 = %broadcast_in_dim3A_15, %while3A_1141 = %gather3A_1134, %while3A_1142 = %add3A_1138) : (vector<16xi32>, vector<16xi32>, vector<16xi32>) -> (vector<16xi32>, vector<16xi32>, vector<16xi32>) {
          %lt3A_1143 = arith.cmpi slt, %while3A_1140, %shift_left3A_359 : vector<16xi32>
          %reduce_or3A_1144 = arith.constant 1.000000e+00 : f32
          %reduce_or3A_1145 = arith.constant 0.000000e+00 : f32
          %reduce_or3A_1146 = vector.broadcast %reduce_or3A_1144 : f32 to vector<16xf32>
          %reduce_or3A_1147 = vector.broadcast %reduce_or3A_1145 : f32 to vector<16xf32>
          %reduce_or3A_1148 = arith.select %lt3A_1143, %reduce_or3A_1146, %reduce_or3A_1147 : vector<16xi1>, vector<16xf32>
          %reduce_or3A_1149 = arith.constant true
          %reduce_or3A_1150 = vector.broadcast %reduce_or3A_1149 : i1 to vector<16xi1>
          %reduce_or3A_1151 = tpu.scan <max>, %reduce_or3A_1148 masked %reduce_or3A_1150 : vector<16xf32>, vector<16xi1> -> vector<16xf32>
          %reduce_or3A_1152 = vector.extract %reduce_or3A_1151[15] : f32 from vector<16xf32>
          %reduce_or3A_1153 = arith.constant 0.000000e+00 : f32
          %reduce_or3A_1154 = arith.cmpf ogt, %reduce_or3A_1152, %reduce_or3A_1153 : f32
          scf.condition(%reduce_or3A_1154) %while3A_1140, %while3A_1141, %while3A_1142 : vector<16xi32>, vector<16xi32>, vector<16xi32>
        } do {
        ^bb0(%while3A_1140: vector<16xi32>, %while3A_1141: vector<16xi32>, %while3A_1142: vector<16xi32>):
          %add3A_1143 = arith.addi %iota3A, %while3A_1140 : vector<16xi32>
          %gather3A_1144 = tpu.vector_load_idx %arg7[%add3A_1143] : memref<4096xi32, #tpu.memory_space<vmem>>[vector<16xi32>], vector<16xi32>,
          %gt3A_1145 = arith.cmpi sgt, %gather3A_1144, %scan3A_385#0 : vector<16xi32>
          %eq3A_1146 = arith.cmpi eq, %gather3A_1144, %scan3A_385#0 : vector<16xi32>
          %jit3A_1147 = arith.constant 1 : i32
          %jit3A_1148 = arith.constant 0 : i32
          %broadcast_in_dim3A_1149 = vector.broadcast %jit3A_1147 : i32 to vector<16xi32>
          %broadcast_in_dim3A_1150 = vector.broadcast %jit3A_1148 : i32 to vector<16xi32>
          %select_n3A_1151 = arith.select %eq3A_1146, %broadcast_in_dim3A_1149, %broadcast_in_dim3A_1150 : vector<16xi1>, vector<16xi32>
          %broadcast_in_dim3A_1152 = arith.constant true
          %broadcast_in_dim3A_1153 = vector.broadcast %broadcast_in_dim3A_1152 : i1 to vector<16xi1>
          %masked_cumsum3A_1154 = tpu.scan <sum>, %select_n3A_1151 masked %broadcast_in_dim3A_1153 : vector<16xi32>, vector<16xi1> -> vector<16xi32>
          %add3A_1155 = arith.addi %masked_cumsum3A_1154, %while3A_1141 : vector<16xi32>
          %le3A_1156 = arith.cmpi sle, %add3A_1155, %sub3A_807 : vector<16xi32>
          %and3A_1157 = arith.andi %eq3A_1146, %le3A_1156 : vector<16xi1>
          %or3A_1158 = arith.ori %gt3A_1145, %and3A_1157 : vector<16xi1>
          %jit3A_1159 = arith.constant 1 : i32
          %jit3A_1160 = arith.constant 0 : i32
          %broadcast_in_dim3A_1161 = vector.broadcast %jit3A_1159 : i32 to vector<16xi32>
          %broadcast_in_dim3A_1162 = vector.broadcast %jit3A_1160 : i32 to vector<16xi32>
          %select_n3A_1163 = arith.select %or3A_1158, %broadcast_in_dim3A_1161, %broadcast_in_dim3A_1162 : vector<16xi1>, vector<16xi32>
          %broadcast_in_dim3A_1164 = arith.constant true
          %broadcast_in_dim3A_1165 = vector.broadcast %broadcast_in_dim3A_1164 : i1 to vector<16xi1>
          %masked_cumsum3A_1166 = tpu.scan <sum>, %select_n3A_1163 masked %broadcast_in_dim3A_1165 : vector<16xi32>, vector<16xi1> -> vector<16xi32>
          %add3A_1167 = arith.addi %while3A_1142, %masked_cumsum3A_1166 : vector<16xi32>
          %sub3A_1168 = arith.constant 1 : i32
          %sub3A_1169 = vector.broadcast %sub3A_1168 : i32 to vector<16xi32>
          %sub3A_1170 = arith.subi %add3A_1167, %sub3A_1169 : vector<16xi32>
          %add3A_1171 = arith.addi %sub3A_1170, %add3A_323 : vector<16xi32>
          %lt3A_1172 = arith.constant 0 : i32
          %lt3A_1173 = vector.broadcast %lt3A_1172 : i32 to vector<16xi32>
          %lt3A_1174 = arith.cmpi slt, %gather3A_1144, %lt3A_1173 : vector<16xi32>
          %xor3A_1175 = arith.constant 2147483647 : i32
          %xor3A_1176 = vector.broadcast %xor3A_1175 : i32 to vector<16xi32>
          %xor3A_1177 = arith.xori %gather3A_1144, %xor3A_1176 : vector<16xi32>
          %select_n3A_1178 = arith.select %lt3A_1174, %xor3A_1177, %gather3A_1144 : vector<16xi1>, vector<16xi32>
          %bitcast_convert_type3A_1179 = tpu.bitcast %select_n3A_1178 : vector<16xi32> -> vector<16xf32>
          tpu.vector_store_idx %arg9[%add3A_1171], %bitcast_convert_type3A_1179 masked %or3A_1158 : memref<4096xf32, #tpu.memory_space<vmem>>[vector<16xi32>], vector<16xf32>, vector<16xi1>
          %broadcast_in_dim3A_1180 = vector.shape_cast %broadcast_in_dim3A_9 : vector<16xi32> to vector<16x1xi32>
          %gather3A_1181 = vector.shape_cast %broadcast_in_dim3A_1180 : vector<16x1xi32> to vector<16xi32>
          %gather3A_1182 = tpu.dynamic_gather %add3A_1155[%gather3A_1181] in [0] : vector<16xi32>, vector<16xi32> -> vector<16xi32>
          %broadcast_in_dim3A_1183 = vector.shape_cast %broadcast_in_dim3A_9 : vector<16xi32> to vector<16x1xi32>
          %gather3A_1184 = vector.shape_cast %broadcast_in_dim3A_1183 : vector<16x1xi32> to vector<16xi32>
          %gather3A_1185 = tpu.dynamic_gather %masked_cumsum3A_1166[%gather3A_1184] in [0] : vector<16xi32>, vector<16xi32> -> vector<16xi32>
          %add3A_1186 = arith.addi %while3A_1142, %gather3A_1185 : vector<16xi32>
          %add3A_1187 = arith.constant 16 : i32
          %add3A_1188 = vector.broadcast %add3A_1187 : i32 to vector<16xi32>
          %add3A_1189 = arith.addi %while3A_1140, %add3A_1188 : vector<16xi32>
          scf.yield %add3A_1189, %gather3A_1182, %add3A_1186 : vector<16xi32>, vector<16xi32>, vector<16xi32>
        }
      } else {
      }
      %and3A_604 = arith.constant 63 : i32
      %and3A_605 = arith.andi %add3A_320, %and3A_604 : i32
      %eq3A_606 = arith.constant 63 : i32
      %eq3A_607 = arith.cmpi eq, %and3A_605, %eq3A_606 : i32
      %convert_element_type3A_608 = arith.extui %eq3A_607 : i1 to i32
      %cond3A_609 = arith.constant 0 : i32
      %cond3A_610 = arith.cmpi ne, %convert_element_type3A_608, %cond3A_609 : i32
      scf.if %cond3A_610 {
        %sub3A_617 = arith.constant 63 : i32
        %sub3A_618 = arith.subi %add3A_320, %sub3A_617 : i32
        %mul3A_619 = arith.constant 64 : i32
        %mul3A_620 = arith.muli %sub3A_618, %mul3A_619 : i32
        "tpu.region"() ({
          %run_scoped3A = tpu.sem_alloc : memref<!tpu.dma_semaphore, #tpu.memory_space<semaphore_mem>>
          %dma_start3A_621 = tpu.memref_slice %arg4[%mul3A_620] : memref<786432xf32, #tpu.memory_space<hbm>> -> memref<4096xf32, #tpu.memory_space<hbm>>
          %dma_start3A_622 = tpu.memref_slice %arg4[%mul3A_620] : memref<786432xf32, #tpu.memory_space<hbm>> -> memref<4096xf32, #tpu.memory_space<hbm>>
          tpu.enqueue_dma source(%arg9 : memref<4096xf32, #tpu.memory_space<vmem>>) target(%dma_start3A_622 : memref<4096xf32, #tpu.memory_space<hbm>>) target_semaphore(%run_scoped3A : memref<!tpu.dma_semaphore, #tpu.memory_space<semaphore_mem>>)
          %dma_wait3A_623 = tpu.memref_slice %arg4[%mul3A_620] : memref<786432xf32, #tpu.memory_space<hbm>> -> memref<4096xf32, #tpu.memory_space<hbm>>
          %dma_wait3A_624 = tpu.memref_slice %arg4[%mul3A_620] : memref<786432xf32, #tpu.memory_space<hbm>> -> memref<4096xf32, #tpu.memory_space<hbm>>
          tpu.wait_dma2 semaphore(%run_scoped3A : memref<!tpu.dma_semaphore, #tpu.memory_space<semaphore_mem>>) src(%arg9 : memref<4096xf32, #tpu.memory_space<vmem>>) dst(%dma_wait3A_624 : memref<4096xf32, #tpu.memory_space<hbm>>)
          tpu.yield
        }) : () -> ()
      } else {
      }
      %add3A_611 = arith.constant 128 : i32
      %add3A_612 = vector.broadcast %add3A_611 : i32 to vector<16xi32>
      %add3A_613 = arith.addi %scan3A_27, %add3A_612 : vector<16xi32>
      %and3A_614 = arith.constant 4095 : i32
      %and3A_615 = vector.broadcast %and3A_614 : i32 to vector<16xi32>
      %and3A_616 = arith.andi %add3A_613, %and3A_615 : vector<16xi32>
      scf.yield %and3A_616 : vector<16xi32>
    }
    %scan3A_25 = arith.constant 192 : i32
    return
  }
}

module attributes {stable_mosaic.version = 14 : i64} {
  func.func @_prescreen_body(%arg0: i32, %arg1: memref<256x4096xf32, #tpu.memory_space<vmem>>, %arg2: memref<256x16xi32, #tpu.memory_space<vmem>>) attributes {dimension_semantics = [#tpu.dimension_semantics<arbitrary>], iteration_bounds = array<i64: 48>, scalar_prefetch = 0 : i64, scratch_operands = 0 : i64, tpu.core_type = #tpu.core_type<tc>, window_params = [{transform_indices = @transform_0, window_bounds = array<i64: 256, 4096>}, {transform_indices = @transform_1, window_bounds = array<i64: 256, 16>}]} {
    %get3A = arith.constant 0 : index
    %get3A_0 = arith.constant 0 : index
    %get3A_1 = vector.load %arg1[%get3A, %get3A_0] : memref<256x4096xf32, #tpu.memory_space<vmem>>, vector<256x4096xf32>
    %slice3A = vector.extract_strided_slice %get3A_1 {offsets = [0, 0], sizes = [256, 256], strides = [1, 1]} : vector<256x4096xf32> to vector<256x256xf32>
    %slice3A_2 = vector.extract_strided_slice %get3A_1 {offsets = [0, 256], sizes = [256, 256], strides = [1, 1]} : vector<256x4096xf32> to vector<256x256xf32>
    %max3A = arith.maximumf %slice3A, %slice3A_2 : vector<256x256xf32>
    %slice3A_3 = vector.extract_strided_slice %get3A_1 {offsets = [0, 512], sizes = [256, 256], strides = [1, 1]} : vector<256x4096xf32> to vector<256x256xf32>
    %max3A_4 = arith.maximumf %max3A, %slice3A_3 : vector<256x256xf32>
    %slice3A_5 = vector.extract_strided_slice %get3A_1 {offsets = [0, 768], sizes = [256, 256], strides = [1, 1]} : vector<256x4096xf32> to vector<256x256xf32>
    %max3A_6 = arith.maximumf %max3A_4, %slice3A_5 : vector<256x256xf32>
    %slice3A_7 = vector.extract_strided_slice %get3A_1 {offsets = [0, 1024], sizes = [256, 256], strides = [1, 1]} : vector<256x4096xf32> to vector<256x256xf32>
    %max3A_8 = arith.maximumf %max3A_6, %slice3A_7 : vector<256x256xf32>
    %slice3A_9 = vector.extract_strided_slice %get3A_1 {offsets = [0, 1280], sizes = [256, 256], strides = [1, 1]} : vector<256x4096xf32> to vector<256x256xf32>
    %max3A_10 = arith.maximumf %max3A_8, %slice3A_9 : vector<256x256xf32>
    %slice3A_11 = vector.extract_strided_slice %get3A_1 {offsets = [0, 1536], sizes = [256, 256], strides = [1, 1]} : vector<256x4096xf32> to vector<256x256xf32>
    %max3A_12 = arith.maximumf %max3A_10, %slice3A_11 : vector<256x256xf32>
    %slice3A_13 = vector.extract_strided_slice %get3A_1 {offsets = [0, 1792], sizes = [256, 256], strides = [1, 1]} : vector<256x4096xf32> to vector<256x256xf32>
    %max3A_14 = arith.maximumf %max3A_12, %slice3A_13 : vector<256x256xf32>
    %slice3A_15 = vector.extract_strided_slice %get3A_1 {offsets = [0, 2048], sizes = [256, 256], strides = [1, 1]} : vector<256x4096xf32> to vector<256x256xf32>
    %max3A_16 = arith.maximumf %max3A_14, %slice3A_15 : vector<256x256xf32>
    %slice3A_17 = vector.extract_strided_slice %get3A_1 {offsets = [0, 2304], sizes = [256, 256], strides = [1, 1]} : vector<256x4096xf32> to vector<256x256xf32>
    %max3A_18 = arith.maximumf %max3A_16, %slice3A_17 : vector<256x256xf32>
    %slice3A_19 = vector.extract_strided_slice %get3A_1 {offsets = [0, 2560], sizes = [256, 256], strides = [1, 1]} : vector<256x4096xf32> to vector<256x256xf32>
    %max3A_20 = arith.maximumf %max3A_18, %slice3A_19 : vector<256x256xf32>
    %slice3A_21 = vector.extract_strided_slice %get3A_1 {offsets = [0, 2816], sizes = [256, 256], strides = [1, 1]} : vector<256x4096xf32> to vector<256x256xf32>
    %max3A_22 = arith.maximumf %max3A_20, %slice3A_21 : vector<256x256xf32>
    %slice3A_23 = vector.extract_strided_slice %get3A_1 {offsets = [0, 3072], sizes = [256, 256], strides = [1, 1]} : vector<256x4096xf32> to vector<256x256xf32>
    %max3A_24 = arith.maximumf %max3A_22, %slice3A_23 : vector<256x256xf32>
    %slice3A_25 = vector.extract_strided_slice %get3A_1 {offsets = [0, 3328], sizes = [256, 256], strides = [1, 1]} : vector<256x4096xf32> to vector<256x256xf32>
    %max3A_26 = arith.maximumf %max3A_24, %slice3A_25 : vector<256x256xf32>
    %slice3A_27 = vector.extract_strided_slice %get3A_1 {offsets = [0, 3584], sizes = [256, 256], strides = [1, 1]} : vector<256x4096xf32> to vector<256x256xf32>
    %max3A_28 = arith.maximumf %max3A_26, %slice3A_27 : vector<256x256xf32>
    %slice3A_29 = vector.extract_strided_slice %get3A_1 {offsets = [0, 3840], sizes = [256, 256], strides = [1, 1]} : vector<256x4096xf32> to vector<256x256xf32>
    %max3A_30 = arith.maximumf %max3A_28, %slice3A_29 : vector<256x256xf32>
    %bitcast_convert_type3A = tpu.bitcast %max3A_30 : vector<256x256xf32> -> vector<256x256xi32>
    %lt3A = arith.constant 0 : i32
    %lt3A_31 = vector.broadcast %lt3A : i32 to vector<256x256xi32>
    %lt3A_32 = arith.cmpi slt, %bitcast_convert_type3A, %lt3A_31 : vector<256x256xi32>
    %xor3A = arith.constant 2147483647 : i32
    %xor3A_33 = vector.broadcast %xor3A : i32 to vector<256x256xi32>
    %xor3A_34 = arith.xori %bitcast_convert_type3A, %xor3A_33 : vector<256x256xi32>
    %select_n3A = arith.select %lt3A_32, %xor3A_34, %bitcast_convert_type3A : vector<256x256xi1>, vector<256x256xi32>
    %broadcast_in_dim3A = arith.constant -2147483648 : i32
    %broadcast_in_dim3A_35 = vector.broadcast %broadcast_in_dim3A : i32 to vector<256x1xi32>
    %broadcast_in_dim3A_36 = arith.constant 2147483647 : i32
    %broadcast_in_dim3A_37 = vector.broadcast %broadcast_in_dim3A_36 : i32 to vector<256x1xi32>
    %scan3A = arith.constant 0 : i32
    %scan3A_38 = arith.constant 16 : i32
    %scan3A_39 = arith.addi %scan3A, %scan3A_38 : i32
    %scan3A_40 = arith.constant 1 : i32
    %scan3A_41:2 = scf.for %scan3A_46 = %scan3A to %scan3A_39 step %scan3A_40 iter_args(%scan3A_47 = %broadcast_in_dim3A_35, %scan3A_48 = %broadcast_in_dim3A_37) -> (vector<256x1xi32>, vector<256x1xi32>)  : i32 {
      %shift_right_arithmetic3A = arith.constant 1 : i32
      %shift_right_arithmetic3A_49 = vector.broadcast %shift_right_arithmetic3A : i32 to vector<256x1xi32>
      %shift_right_arithmetic3A_50 = arith.shrsi %scan3A_47, %shift_right_arithmetic3A_49 : vector<256x1xi32>
      %shift_right_arithmetic3A_51 = arith.constant 1 : i32
      %shift_right_arithmetic3A_52 = vector.broadcast %shift_right_arithmetic3A_51 : i32 to vector<256x1xi32>
      %shift_right_arithmetic3A_53 = arith.shrsi %scan3A_48, %shift_right_arithmetic3A_52 : vector<256x1xi32>
      %add3A = arith.addi %shift_right_arithmetic3A_50, %shift_right_arithmetic3A_53 : vector<256x1xi32>
      %or3A = arith.ori %scan3A_47, %scan3A_48 : vector<256x1xi32>
      %and3A = arith.constant 1 : i32
      %and3A_54 = vector.broadcast %and3A : i32 to vector<256x1xi32>
      %and3A_55 = arith.andi %or3A, %and3A_54 : vector<256x1xi32>
      %add3A_56 = arith.addi %add3A, %and3A_55 : vector<256x1xi32>
      %ge3A = vector.broadcast %add3A_56 : vector<256x1xi32> to vector<256x256xi32>
      %ge3A_57 = arith.cmpi sge, %select_n3A, %ge3A : vector<256x256xi32>
      %convert_element_type3A = arith.extui %ge3A_57 : vector<256x256xi1> to vector<256x256xi32>
      %convert_element_type3A_58 = arith.sitofp %convert_element_type3A : vector<256x256xi32> to vector<256x256xf32>
      %reduce_sum3A = arith.constant dense<0.000000e+00> : vector<256xf32>
      %reduce_sum3A_59 = vector.multi_reduction <add>, %convert_element_type3A_58, %reduce_sum3A [1] : vector<256x256xf32> to vector<256xf32>
      %broadcast_in_dim3A_60 = vector.shape_cast %reduce_sum3A_59 : vector<256xf32> to vector<256x1xf32>
      %ge3A_61 = arith.constant 6.400000e+01 : f32
      %ge3A_62 = vector.broadcast %ge3A_61 : f32 to vector<256x1xf32>
      %ge3A_63 = arith.cmpf oge, %broadcast_in_dim3A_60, %ge3A_62 : vector<256x1xf32>
      %select_n3A_64 = arith.select %ge3A_63, %add3A_56, %scan3A_47 : vector<256x1xi1>, vector<256x1xi32>
      %sub3A = arith.constant 1 : i32
      %sub3A_65 = vector.broadcast %sub3A : i32 to vector<256x1xi32>
      %sub3A_66 = arith.subi %add3A_56, %sub3A_65 : vector<256x1xi32>
      %select_n3A_67 = arith.select %ge3A_63, %scan3A_48, %sub3A_66 : vector<256x1xi1>, vector<256x1xi32>
      scf.yield %select_n3A_64, %select_n3A_67 : vector<256x1xi32>, vector<256x1xi32>
    }
    %broadcast_in_dim3A_42 = vector.shape_cast %scan3A_41#0 : vector<256x1xi32> to vector<256x1xi32>
    %broadcast_in_dim3A_43 = vector.broadcast %broadcast_in_dim3A_42 : vector<256x1xi32> to vector<256x16xi32>
    %swap3A = arith.constant 0 : index
    %swap3A_44 = arith.constant 0 : index
    %swap3A_45 = vector.load %arg2[%swap3A, %swap3A_44] : memref<256x16xi32, #tpu.memory_space<vmem>>, vector<256x16xi32>
    tpu.vector_store %arg2[%swap3A, %swap3A_44], %broadcast_in_dim3A_43 {strides = array<i32>} : memref<256x16xi32, #tpu.memory_space<vmem>>, vector<256x16xi32>,
    return
  }
  func.func @transform_0(%arg0: i32) -> (i32, i32) {
    %c0_i32 = arith.constant 0 : i32
    %c0_i32_0 = arith.constant 0 : i32
    return %arg0, %c0_i32 : i32, i32
  }
  func.func @transform_1(%arg0: i32) -> (i32, i32) {
    %c0_i32 = arith.constant 0 : i32
    %c0_i32_0 = arith.constant 0 : i32
    return %arg0, %c0_i32 : i32, i32
  }
}

</mosaic_0001>

<sc_bundles>
// kernel: kernel.4.cloned.1.call-start
scs
__scs_entry_jumppad:
0x0: {  	(pc) =	sbr.rel $0x88, $3  }
0x1: {  	(tag) =	ssettag $0x0;
	lr =	simm.s32 $0x1  }
0x2: {  	[smem:$0x3FA0] =	sst lr;
	_ =	strace $0xD0000000  }
0x3: {  	_ = 	snop  }
0x4: {  	_ = 	snop  }
0x5: {  	_ = 	snop  }
0x6: {  	_ = 	snop  }
0x7: {  	_ = 	snop  }
__scs_overlays_trampoline_lowered:
0x8: {  	[smem:$0x3FAF] =	sst s0  }
0x9: {  	[smem:$0x3FB0] =	sst s1  }
0xa: {  	[smem:$0x3FB1] =	sst s2  }
0xb: {  	[smem:$0x3FB2] =	sst s3  }
0xc: {  	[smem:$0x3FB3] =	sst s4  }
0xd: {  	[smem:$0x3FB4] =	sst s5  }
0xe: {  	[smem:$0x3FB5] =	sst s6  }
0xf: {  	[smem:$0x3FB6] =	sst s7  }
0x10: {  	[smem:$0x3FB7] =	sst s8  }
0x11: {  	[smem:$0x3FB8] =	sst s9;
	s0 =	simm.s32 @!p0 $0x0  }
0x12: {  	s1 =	sld [smem:$0x3F9E];
	s0 =	simm.s32 @p0 $0x1  }
0x13: {  	[smem:$0x3FB9] =	sst s0;
	s0 =	simm.s32 @!p1 $0x0  }
0x14: {  	s2 =	sld [smem:$0x3F9D];
	s0 =	simm.s32 @p1 $0x1  }
0x15: {  	[smem:$0x3FBA] =	sst s0;
	s0 =	simm.s32 @!p2 $0x0  }
0x16: {  	s3 =	sld [smem:$0x3FDB];
	s0 =	simm.s32 @p2 $0x1  }
0x17: {  	s4 =	simm.s32 $0x1BF5;
	[smem:$0x3FBC] =	sst s0  }
0x18: {  	s0 =	sld [smem:$0x3F9F];
	_ =	swait.ge [sflag:s4], $0x0  }
0x19: {  	s7 =	sld [smem:$0x3FA0]  }
0x1a: {  	s8 =	sadd.s32 $0xFFFFE003, lr  }
0x1b: {  	s9 =	sadd.s32 $0xFFFFFEF7, lr;
	s5 =	simm.s32 $0xFFFFFFFF;
	p2 =	slt.u32 s8, $0xFFFFF086  }
0x1c: {  	p1 =	slt.u32 s9, $0xF7A;
	s5 =	simm.s32 @!p2 $0x0  }
0x1d: {  	s5 =	simm.s32 @p1 $0x1;
	p0 =	seq.s32 s7, s2  }
0x1e: {  	s7 =	smul.u32 @!p0 $0xF7A, s2;
	p2 =	seq.s32 @!p0 s5, $0x0  }
0x1f: {  	s9 =	smul.u32 $0xF7A, s1;
	s8 =	simm.s32 @!p0 $0x1BF5;
	p2 =	por !p2, p0  }
0x20: {  	[sflag:s8] =	ssyncset.s32 @!p0 $0xFFFFF086;
	s6 =	sadd.s32 @!p0 s3, s7;
	s7 =	simm.s32 @!p0 $0x108  }
0x21: {  	s3 =	sadd.s32 s3, s9;
	s6 =	sadd.s32 @!p0 $0x88, s6;
	s7 =	simm.s32 @p2 $0x1082  }
0x22: {  	[simem:s7], [sflag:s8] =	dma.local @!p0 [hbm:s6], $0xF7A  }
0x23: {  	s9 =	sor.u32 $0xD0000000, s2;
	s6 =	simm.s32 $0x108;
	_ =	swait.ge @!p0 [sflag:s8], $0x0  }
0x24: {  	s3 =	sadd.s32 $0x88, s3;
	s6 =	simm.s32 @!p1 $0x1082;
	[sflag:s4] =	ssyncset.s32 $0xFFFFF086  }
0x25: {  	[simem:s6], [sflag:s4] =	dma.local [hbm:s3], $0xF7A  }
0x26: {  	[smem:$0x3FA0] =	sst s1;
	(tag) =	ssettag s2;
	_ =	strace s9  }
0x27: {  	s1 =	sld [smem:$0x3FB0]  }
0x28: {  	s2 =	sld [smem:$0x3FB1]  }
0x29: {  	s4 =	sld [smem:$0x3FB3]  }
0x2a: {  	p0 =	seq.s32 s5, $0x0;
	s5 =	sld [smem:$0x3FB4]  }
0x2b: {  	s6 =	sld [smem:$0x3FB5]  }
0x2c: {  	s7 =	sld [smem:$0x3FB6]  }
0x2d: {  	s3 =	simm.s32 $0x108;
	s8 =	sld [smem:$0x3FB7]  }
0x2e: {  	s3 =	simm.s32 @!p0 $0x1082;
	s9 =	sld [smem:$0x3FB8]  }
0x2f: {  	lr =	sadd.s32 s0, s3;
	s0 =	sld [smem:$0x3FAF]  }
0x30: {  	s3 =	sld [smem:$0x3FB2]  }
0x31: {  	[smem:$0x3FBB] =	sst s10  }
0x32: {  	s10 =	sld [smem:$0x3FB9];
	_ =	sdelay $0x3  }
0x33: {  	p0 =	seq.s32 s10, $0x1;
	s10 =	sld [smem:$0x3FBB];
	_ =	sdelay $0x3  }
0x34: {  	[smem:$0x3FBB] =	sst s10  }
0x35: {  	s10 =	sld [smem:$0x3FBA];
	_ =	sdelay $0x3  }
0x36: {  	p1 =	seq.s32 s10, $0x1;
	s10 =	sld [smem:$0x3FBB];
	_ =	sdelay $0x3  }
0x37: {  	[smem:$0x3FBB] =	sst s10  }
0x38: {  	s10 =	sld [smem:$0x3FBC]  }
0x39: {  	_ = 	snop;
	(pc) =	sbr.ind lr, $3  }
0x3a: {  	_ = 	snop  }
0x3b: {  	_ = 	snop  }
0x3c: {  	p2 =	seq.s32 s10, $0x1;
	s10 =	sld [smem:$0x3FBB]  }
0x3d: {  	_ =	shalt  }
0x3e: {  	_ =	shalt  }
0x3f: {  	_ =	shalt  }
0x40: {  	_ =	shalt  }
0x41: {  	_ =	shalt  }
0x42: {  	_ =	shalt  }
0x43: {  	_ =	shalt  }
0x44: {  	_ =	shalt  }
0x45: {  	_ =	shalt  }
0x46: {  	_ =	shalt  }
0x47: {  	_ =	shalt  }
0x48: {  	_ =	shalt  }
0x49: {  	_ =	shalt  }
0x4a: {  	_ =	shalt  }
0x4b: {  	_ =	shalt  }
0x4c: {  	_ =	shalt  }
0x4d: {  	_ =	shalt  }
0x4e: {  	_ =	shalt  }
0x4f: {  	_ =	shalt  }
0x50: {  	_ =	shalt  }
0x51: {  	_ =	shalt  }
0x52: {  	_ =	shalt  }
0x53: {  	_ =	shalt  }
0x54: {  	_ =	shalt  }
0x55: {  	_ =	shalt  }
0x56: {  	_ =	shalt  }
0x57: {  	_ =	shalt  }
0x58: {  	_ =	shalt  }
0x59: {  	_ =	shalt  }
0x5a: {  	_ =	shalt  }
0x5b: {  	_ =	shalt  }
0x5c: {  	_ =	shalt  }
0x5d: {  	_ =	shalt  }
0x5e: {  	_ =	shalt  }
0x5f: {  	_ =	shalt  }
0x60: {  	_ =	shalt  }
0x61: {  	_ =	shalt  }
0x62: {  	_ =	shalt  }
0x63: {  	_ =	shalt  }
0x64: {  	_ =	shalt  }
0x65: {  	_ =	shalt  }
0x66: {  	_ =	shalt  }
0x67: {  	_ =	shalt  }
0x68: {  	_ =	shalt  }
0x69: {  	_ =	shalt  }
0x6a: {  	_ =	shalt  }
0x6b: {  	_ =	shalt  }
0x6c: {  	_ =	shalt  }
0x6d: {  	_ =	shalt  }
0x6e: {  	_ =	shalt  }
0x6f: {  	_ =	shalt  }
0x70: {  	_ =	shalt  }
0x71: {  	_ =	shalt  }
0x72: {  	_ =	shalt  }
0x73: {  	_ =	shalt  }
0x74: {  	_ =	shalt  }
0x75: {  	_ =	shalt  }
0x76: {  	_ =	shalt  }
0x77: {  	_ =	shalt  }
0x78: {  	_ =	shalt  }
0x79: {  	_ =	shalt  }
0x7a: {  	_ =	shalt  }
0x7b: {  	_ =	shalt  }
0x7c: {  	_ =	shalt  }
0x7d: {  	_ =	shalt  }
0x7e: {  	_ =	shalt  }
0x7f: {  	_ =	shalt  }
0x80: {  	_ =	shalt  }
0x81: {  	_ =	shalt  }
0x82: {  	_ =	shalt  }
0x83: {  	_ =	shalt  }
0x84: {  	_ =	shalt  }
0x85: {  	_ =	shalt  }
0x86: {  	_ =	shalt  }
0x87: {  	_ =	shalt  }
.Lfunc_end0:
.L_simem_size_0:
called_computation.1_lowered:
.L_overlay_start_0:
0x88: {  	s2 =	sld [smem:$0x3FD9]  }
0x89: {  	s3 =	sld [smem:$0x3FFE];
	_ =	sdelay $0x1  }
0x8a: {  	s1 =	srdreg.scid  }
0x8b: {  	s0 =	sand.u32 $0x1, s1  }
0x8c: {  	s17 =	sshll.u32 s0, $0xA;
	s2 =	sadd.s32 s3, s2  }
0x8d: {  	s2 =	sadd.s32 s2, s17  }
0x8e: {  	[smem:$0x3FC7] =	sst s2  }
0x8f: {  	_ = 	snop  }
0x90: {  	s2 =	sld [smem:$0x3FD0];
	(tm) =	ssettm $0x1  }
0x91: {  	s18 =	sld [smem:$0x3FFB];
	_ =	sdelay $0x3  }
0x92: {  	_ =	strace s18  }
0x93: {  	s3 =	sld [smem:$0x3FFC];
	_ =	sdelay $0x3  }
0x94: {  	_ =	strace s3  }
0x95: {  	s3 =	sld [smem:$0x3FFD];
	_ =	sdelay $0x3  }
0x96: {  	_ =	strace s3  }
0x97: {  	_ =	strace $0x8FFFFFFF  }
0x98: {  	s19 =	sld [smem:$0x3FDB];
	_ =	sdelay $0x1  }
0x99: {  	s4 =	simm.s32 $_scs_section_size  }
0x9a: {  	s5 =	simm.s32 $_size__tile_overlayer_lowered;
	s6 =	simm.s32 $_tile_overlayer_lowered  }
0x9b: {  	s22 =	simm.s32 $0x1BFF;
	s21 =	sshll.u32 s6, $0x1;
	s3 =	sadd.s32 s4, s19  }
0x9c: {  	s7 =	simm.s32 $0x0;
	s20 =	sshll.u32 s5, $0x1;
	s5 =	sadd.s32 s21, s3  }
0x9d: {  	[timem:s7], [sflag:s22] =	dma.local [hbm:s5], s20  }
0x9e: {  	_ =	swait.ge [sflag:s22], s20  }
0x9f: {  	s4 =	ssub.s32 $0x0, s20;
	[sflag:s22] =	ssyncset.done $0x0  }
0xa0: {  	[sflag:s22] =	ssyncadd.s32 s4;
	_ =	sdelay $0x1  }
0xa1: {  	s23 =	simm.s32 $0x1B8B  }
0xa2: {  	_ =	swait.ge [sflag:s23], $0x1  }
0xa3: {  	[sflag:s23] =	ssyncset.done $0x0  }
0xa4: {  	s25 =	simm.s32 $0x1B8E;
	s24 =	sld [smem:$0x3FFE];
	[sflag:s23] =	ssyncadd.s32 $0xFFFFFFFF  }
0xa5: {  	s26 =	simm.s32 $execute0_lowered;
	[smem:$0x3FD2] =	sst s25  }
0xa6: {  	s5 =	sshll.u32 s26, $0x1;
	_ =	strace $0x80000049;
	[dreg:$0x1] =	wrdreg $0xFFFFFFFF  }
0xa7: {  	s28 =	simm.s32 $_size_execute0_lowered;
	s3 =	sadd.s32 s3, s5;
	[dreg:$0x0] =	wrdreg $0x0  }
0xa8: {  	s5 =	sshll.u32 s28, $0x1;
	[dreg:$0x2] =	wrdreg s3  }
0xa9: {  	[dreg:$0x3] =	wrdreg s5  }
0xaa: {  	[dreg:$0x4] =	wrdreg $0xC0  }
0xab: {  	_ =	task [dreg:s7], $0x5FFFF  }
0xac: {  	[dreg:$0x1] =	wrdreg $0xFFFFFFFF  }
0xad: {  	[dreg:$0x0] =	wrdreg $0x60  }
0xae: {  	[dreg:$0x2] =	wrdreg s24  }
0xaf: {  	[dreg:$0x3] =	wrdreg s2  }
0xb0: {  	[dreg:$0x4] =	wrdreg $0x9  }
0xb1: {  	_ =	task.clear_ibuf [dreg:s7], $0x5FFFF;
	_ =	strace $0x90000049  }
0xb2: {  	s29 =	simm.s32 $0x9;
	_ =	strace $0x8000004B  }
0xb3: {  	_ =	swait.ge [sflag:s29], $0x1  }
0xb4: {  	[sflag:s29] =	ssyncadd.s32 $0xFFFFFFFF  }
0xb5: {  	_ =	strace $0x9000004B  }
0xb6: {  	_ =	sfence  }
0xb7: {  	s30 =	sld [smem:$0x0];
	_ =	sdelay $0x2  }
0xb8: {  	s31 =	sshll.u32 s1, $0xD;
	s1 =	sshrl.u32 s1, $0x2  }
0xb9: {  	s3 =	sand.u32 $0x4000, s31;
	s1 =	sadd.s32 s1, s30  }
0xba: {  	s0 =	sor.u32 s3, s0;
	s1 =	sshll.u32 s1, $0x11  }
0xbb: {  	s0 =	sor.u32 s1, s0  }
0xbc: {  	s0 =	sadd.s32 $0x8F2B, s0  }
0xbd: {  	[sflag:s0] =	ssyncadd.remote.s32 $0x1  }
0xbe: {  	_ =	sfence.sel $0xFFFF  }
0xbf: {  	[dreg:$0x0] =	wrdreg $0xFFFFFFFF;
	(pc) =	sbr.abs _section_cstart, $3  }
0xc0: {  	[dreg:$0x1] =	wrdreg $0xFFFFFFFF  }
0xc1: {  	_ =	task.clear_ibuf [dreg:s7], $0x2FFFF;
	_ =	strace $0x9FFFFFFF  }
0xc2: {  	(tm) =	ssettm $0x7FFFFFFF  }
0xc3: {  	_ =	shalt  }
tec
execute0_lowered:
.L_overlay_start_1:
0x0: {  	(tag) =	ssettag $0x1  }
0x1: {  	s8 =	rddreg [dreg:$0x0]  }
0x2: {  	s2 =	rddreg [dreg:$0x1]  }
0x3: {  	s0 =	rddreg [dreg:$0x2]  }
0x4: {  	s4 =	srdreg.scid;
	s1 =	stileid.u32  }
0x5: {  	s3 =	simm.s32 $0x0;
	s11 =	simm.s32 $0x3;
	s12 =	simm.s32 $0x1  }
0x6: {  	s13 =	simm.s32 $0x1000;
	s4 =	sand.u32 $0x1, s4;
	s5 =	sshll.u32 s1, $0x1  }
0x7: {  	s14 =	simm.s32 $0x2000;
	s15 =	simm.s32 $0x4800;
	s5 =	sor.u32 s4, s5  }
0x8: {  	s16 =	simm.s32 $0x2;
	s17 =	simm.s32 $0x0;
	s6 =	smul.u32 $0x300, s5  }
.Ltmp0:
0x9: {  	[smem:$0x7FF] =	sst s3;
	s7 =	ssub.s32 $0x2, s4;
	(pc) =	sbr.rel .LBB2_1-.Ltmp0, $4  }
0xa: {  	_ =	strace $0x8000004A;
	s9 =	sshrl.u32 s7, $0x1;
	s10 =	smul.u32 $0x30000, s5  }
0xb: {  	v0 =	vimm.s32 $0x80000000;
	v1 =	vlaneseq.u32;
	s4 =	sadd.s32 $0x800, s8;
	s5 =	smul.u32 $0x180, s5;
	s9 =	ssub.s32 s7, s9  }
0xc: {  	v2 =	vimm.s32 $0x0;
	v3 =	vimm.s32 $0xF;
	v5 =	vimm.f32 $0.0e+00;
	s6 =	sadd.s32 s6, s8;
	s7 =	sadd.s32 s4, s10;
	s8 =	sadd.s32 $0xC00, s8  }
0xd: {  	v6 =	vimm.s32 $0xFFFFFFFF;
	v7 =	vimm.f32 $1.000000000e+00;
	v4 =	vor.u32 $0xFFFFFFF0, v1;
	s9 =	smax.u32 s9, $0x1;
	s10 =	simm.s32 $0x3000;
	s6 =	sadd.s32 $0x600800, s6  }
.LBB2_37:
0xe: {  	s17 =	sadd.s32 $0x1, s17  }
0xf: {  	p0 =	sne.s32 s17, s9  }
.Ltmp1:
0x10: {  	_ = 	snop;
	(pc) =	sbr.rel @!p0 .LBB2_38-.Ltmp1, $1  }
0x11: {  	_ =	sdelay $0x3  }
.LBB2_1:
0x12: {  	[tilespmem:s10], [sflag:$0x3] =	stream.linear.gather [hbm4b:s6+s3], $0x1800, $0x38;
	[tilespmem:$0x5800] =	vst v63  }
.Ltmp2:
0x13: {  	_ = 	snop;
	(pc) =	sbr.rel .LBB2_2-.Ltmp2, $4  }
0x14: {  	_ =	swait.ge [sflag:s11], $0x1800  }
0x15: {  	[sflag:s11] =	ssyncset.done $0x0  }
0x16: {  	s18 =	simm.s32 $0x0;
	[sflag:s11] =	ssyncadd.s32 $0xFFFFE800  }
0x17: {  	v8 =	vimm.s32 $0x0;
	[tilespmem:s3], [sflag:$0x1] =	stream.linear.gather [hbm4b:s7+s3], $0x1000, $0x38;
	[tilespmem:$0x5800] =	vst v63  }
.LBB2_36:
0x18: {  	s20 =	sand.u32 $0x3F, s20  }
0x19: {  	p0 =	sne.s32 s20, $0x3F  }
0x1a: {  	s19 =	sshll.u32 @!p0 s19, $0x6  }
0x1b: {  	s18 =	sadd.s32 $0x1, s18;
	s19 =	sadd.s32 @!p0 $0xFFFFF080, s19  }
0x1c: {  	p1 =	sne.s32 s18, $0xC0;
	s19 =	sshrl.u32 @!p0 s19, $0x3  }
0x1d: {  	s20 =	simm.s32 @!p0 $0x0;
	s21 =	simm.s32 @!p0 $0x4800;
	s19 =	sadd.s32 @!p0 s2, s19  }
0x1e: {  	[hbm4b:s19+s20] =	stream.linear.scatter @!p0 [tilespmem:s21], [sflag:$0x3], $0x1000, $0x38;
	[tilespmem:$0x5800] =	vst v63  }
.Ltmp3:
0x1f: {  	_ = 	snop;
	(pc) =	sbr.rel @!p1 .LBB2_37-.Ltmp3, $4  }
0x20: {  	s19 =	simm.s32 @!p0 $0x3  }
0x21: {  	_ =	swait.ge @!p0 [sflag:s19], $0x1000  }
0x22: {  	v8 =	vadd.s32 $0x80, v8;
	[sflag:s19] =	ssyncset.done @!p0 $0x0  }
0x23: {  	v8 =	vand.u32 $0xFFF, v8;
	[sflag:s19] =	ssyncadd.s32 @!p0 $0xFFFFF000  }
.LBB2_2:
0x24: {  	s19 =	sshll.u32 s18, $0x1  }
0x25: {  	s19 =	sadd.s32 s5, s19  }
0x26: {  	s20 =	sor.u32 $0x1, s19  }
0x27: {  	_ =	swait.ge [sflag:s12], $0x1000;
	s21 =	sshll.u32 s20, $0x9  }
0x28: {  	s31 =	sshll.u32 s18, $0x5;
	[sflag:s12] =	ssyncset.done $0x0;
	s21 =	sand.u32 $0x1FFFFE00, s21  }
0x29: {  	[sflag:s12] =	ssyncadd.s32 $0xFFFFF000;
	s22 =	sadd.s32 s4, s21;
	s21 =	simm.s32 $0x0  }
0x2a: {  	[tilespmem:s13], [sflag:$0x2] =	stream.linear.gather [hbm4b:s22+s21], $0x1000, $0x38;
	[tilespmem:$0x5800] =	vst v63  }
0x2b: {  	s22 =	sand.u32 $0x3FFFFFE0, s31  }
0x2c: {  	v9 =	vld [tilespmem:s22+$0x3000];
	[tilespmem:$0x2000] =	vst v0  }
0x2d: {  	[tilespmem:$0x2010] =	vst v0  }
0x2e: {  	[tilespmem:$0x2020] =	vst v0  }
0x2f: {  	[tilespmem:$0x2030] =	vst v0  }
0x30: {  	[tilespmem:$0x2040] =	vst v0  }
0x31: {  	[tilespmem:$0x2050] =	vst v0  }
0x32: {  	[tilespmem:$0x2060] =	vst v0  }
0x33: {  	v10 =	vimm.s32 $0x0;
	[tilespmem:$0x2070] =	vst v0  }
.LBB2_3:
0x34: {  	s22 =	sshra.s32 s21, $0x2  }
0x35: {  	v11 =	vld [tilespmem:s22+$0x0];
	_ =	sdelay $0x4  }
0x36: {  	vm0 =	vlt.s32 v11, $0x0;
	v12 =	vxor.u32 $0x7FFFFFFF, v11  }
0x37: {  	v11 =	vsel vm0, v12, v11  }
0x38: {  	vm0 =	vge.s32 v11, v9  }
0x39: {  	v35 =	vsel vm0, $0x1, v2  }
0x3a: {  	(xrf0) =	vadd.scan.msk.s32 $0xffff, v35;
	_ =	sdelay $0x5  }
0x3b: {  	v12, _, _ =	vpop (xrf0)  }
0x3c: {  	v13 =	vadd.s32 v12, v10  }
0x3d: {  	v13 =	vadd.s32 $0xFFFFFFFF, v13;
	_ =	sdelay $0x4  }
0x3e: {  	[tilespmem:v13+s14+$0x0] =	vst.idx.msk vm0, v11  }
0x3f: {  	v11 =	vld [tilespmem:s22+$0x10];
	_ =	sdelay $0x4  }
0x40: {  	vm9 =	vlt.s32 v11, $0x0;
	v36 =	vxor.u32 $0x7FFFFFFF, v11  }
0x41: {  	v11 =	vsel vm9, v36, v11  }
0x42: {  	vm0 =	vge.s32 v11, v9  }
0x43: {  	v37 =	vsel vm0, $0x1, v2  }
0x44: {  	(xrf0) =	vadd.scan.msk.s32 $0xffff, v37;
	_ =	sdelay $0x3  }
0x45: {  	v12 =	vperm.xlane v12, v3;
	_ =	sdelay $0x1  }
0x46: {  	v10 =	vadd.s32 v10, v12;
	v38, _, _ =	vpop (xrf0)  }
0x47: {  	v39 =	vadd.s32 v38, v10  }
0x48: {  	v13 =	vadd.s32 $0xFFFFFFFF, v39;
	_ =	sdelay $0x4  }
0x49: {  	[tilespmem:v13+s14+$0x0] =	vst.idx.msk vm0, v11  }
0x4a: {  	v11 =	vld [tilespmem:s22+$0x20];
	_ =	sdelay $0x4  }
0x4b: {  	vm10 =	vlt.s32 v11, $0x0;
	v40 =	vxor.u32 $0x7FFFFFFF, v11  }
0x4c: {  	v11 =	vsel vm10, v40, v11  }
0x4d: {  	vm0 =	vge.s32 v11, v9  }
0x4e: {  	v41 =	vsel vm0, $0x1, v2  }
0x4f: {  	(xrf0) =	vadd.scan.msk.s32 $0xffff, v41;
	_ =	sdelay $0x3  }
0x50: {  	v12 =	vperm.xlane v38, v3;
	_ =	sdelay $0x1  }
0x51: {  	v10 =	vadd.s32 v10, v12;
	v42, _, _ =	vpop (xrf0)  }
0x52: {  	v43 =	vadd.s32 v42, v10  }
0x53: {  	v13 =	vadd.s32 $0xFFFFFFFF, v43;
	_ =	sdelay $0x4  }
0x54: {  	[tilespmem:v13+s14+$0x0] =	vst.idx.msk vm0, v11  }
0x55: {  	v11 =	vld [tilespmem:s22+$0x30];
	_ =	sdelay $0x4  }
0x56: {  	vm11 =	vlt.s32 v11, $0x0;
	v44 =	vxor.u32 $0x7FFFFFFF, v11  }
0x57: {  	v11 =	vsel vm11, v44, v11  }
0x58: {  	vm0 =	vge.s32 v11, v9  }
0x59: {  	v45 =	vsel vm0, $0x1, v2  }
0x5a: {  	(xrf0) =	vadd.scan.msk.s32 $0xffff, v45;
	_ =	sdelay $0x3  }
0x5b: {  	v12 =	vperm.xlane v42, v3;
	_ =	sdelay $0x1  }
0x5c: {  	v10 =	vadd.s32 v10, v12;
	v46, _, _ =	vpop (xrf0)  }
0x5d: {  	v47 =	vadd.s32 v46, v10  }
0x5e: {  	v13 =	vadd.s32 $0xFFFFFFFF, v47;
	_ =	sdelay $0x4  }
0x5f: {  	[tilespmem:v13+s14+$0x0] =	vst.idx.msk vm0, v11  }
0x60: {  	v11 =	vld [tilespmem:s22+$0x40];
	_ =	sdelay $0x4  }
0x61: {  	vm12 =	vlt.s32 v11, $0x0;
	v48 =	vxor.u32 $0x7FFFFFFF, v11  }
0x62: {  	v11 =	vsel vm12, v48, v11  }
0x63: {  	vm0 =	vge.s32 v11, v9  }
0x64: {  	v49 =	vsel vm0, $0x1, v2  }
0x65: {  	(xrf0) =	vadd.scan.msk.s32 $0xffff, v49;
	_ =	sdelay $0x3  }
0x66: {  	v12 =	vperm.xlane v46, v3;
	_ =	sdelay $0x1  }
0x67: {  	v10 =	vadd.s32 v10, v12;
	v50, _, _ =	vpop (xrf0)  }
0x68: {  	v51 =	vadd.s32 v50, v10  }
0x69: {  	v13 =	vadd.s32 $0xFFFFFFFF, v51;
	_ =	sdelay $0x4  }
0x6a: {  	[tilespmem:v13+s14+$0x0] =	vst.idx.msk vm0, v11  }
0x6b: {  	v11 =	vld [tilespmem:s22+$0x50];
	_ =	sdelay $0x4  }
0x6c: {  	vm13 =	vlt.s32 v11, $0x0;
	v52 =	vxor.u32 $0x7FFFFFFF, v11  }
0x6d: {  	v11 =	vsel vm13, v52, v11  }
0x6e: {  	vm0 =	vge.s32 v11, v9  }
0x6f: {  	v53 =	vsel vm0, $0x1, v2  }
0x70: {  	(xrf0) =	vadd.scan.msk.s32 $0xffff, v53;
	_ =	sdelay $0x3  }
0x71: {  	v12 =	vperm.xlane v50, v3;
	_ =	sdelay $0x1  }
0x72: {  	v10 =	vadd.s32 v10, v12;
	v54, _, _ =	vpop (xrf0)  }
0x73: {  	v55 =	vadd.s32 v54, v10  }
0x74: {  	v13 =	vadd.s32 $0xFFFFFFFF, v55;
	_ =	sdelay $0x4  }
0x75: {  	[tilespmem:v13+s14+$0x0] =	vst.idx.msk vm0, v11  }
0x76: {  	v11 =	vld [tilespmem:s22+$0x60];
	_ =	sdelay $0x4  }
0x77: {  	vm14 =	vlt.s32 v11, $0x0;
	v56 =	vxor.u32 $0x7FFFFFFF, v11  }
0x78: {  	v11 =	vsel vm14, v56, v11  }
0x79: {  	vm0 =	vge.s32 v11, v9  }
0x7a: {  	v57 =	vsel vm0, $0x1, v2  }
0x7b: {  	(xrf0) =	vadd.scan.msk.s32 $0xffff, v57;
	_ =	sdelay $0x3  }
0x7c: {  	v12 =	vperm.xlane v54, v3;
	_ =	sdelay $0x1  }
0x7d: {  	v10 =	vadd.s32 v10, v12;
	v58, _, _ =	vpop (xrf0)  }
0x7e: {  	v59 =	vadd.s32 v58, v10  }
0x7f: {  	v13 =	vadd.s32 $0xFFFFFFFF, v59;
	_ =	sdelay $0x4  }
0x80: {  	[tilespmem:v13+s14+$0x0] =	vst.idx.msk vm0, v11  }
0x81: {  	v11 =	vld [tilespmem:s22+$0x70];
	_ =	sdelay $0x4  }
0x82: {  	vm15 =	vlt.s32 v11, $0x0;
	v60 =	vxor.u32 $0x7FFFFFFF, v11  }
0x83: {  	v11 =	vsel vm15, v60, v11  }
0x84: {  	vm0 =	vge.s32 v11, v9  }
0x85: {  	v61 =	vsel vm0, $0x1, v2  }
0x86: {  	(xrf0) =	vadd.scan.msk.s32 $0xffff, v61;
	_ =	sdelay $0x3  }
0x87: {  	v12 =	vperm.xlane v58, v3;
	_ =	sdelay $0x1  }
0x88: {  	v10 =	vadd.s32 v10, v12;
	v62, _, _ =	vpop (xrf0)  }
0x89: {  	v63 =	vadd.s32 v62, v10  }
0x8a: {  	p0 =	sne.s32 s21, $0x3E00;
	v13 =	vadd.s32 $0xFFFFFFFF, v63  }
.Ltmp4:
0x8b: {  	_ = 	snop;
	(pc) =	sbr.rel @p0 .LBB2_3-.Ltmp4, $3  }
0x8c: {  	_ = 	snop  }
0x8d: {  	v12 =	vperm.xlane v62, v3;
	_ =	sdelay $0x1  }
0x8e: {  	s21 =	sadd.s32 $0x200, s21;
	v10 =	vadd.s32 v10, v12;
	[tilespmem:v13+s14+$0x0] =	vst.idx.msk vm0, v11  }
0x8f: {  	v9 =	vadd.s32 $0xF, v10  }
0x90: {  	v9 =	vand.u32 $0xFFFFFFF0, v9  }
0x91: {  	vm0 =	vgt.s32 v9, $0x80  }
0x92: {  	v11 =	vsel vm0, $0x3F800000, v5  }
0x93: {  	(xrf0) =	vmax.scan.msk.f32 $0xffff, v11;
	_ =	sdelay $0x5  }
0x94: {  	v11, _, _ =	vpop (xrf0)  }
0x95: {  	(v2sf) =	vpush v11, $0xF  }
0x96: {  	v11 =	vadd.s32 v4, v9  }
0x97: {  	vm15 =	vge.s32 v11, v10;
	_ =	sdelay $0x4  }
0x98: {  	v10 =	vimm.s32 $0x80000000  }
0x99: {  	[tilespmem:v11+s14+$0x0] =	vst.idx.msk vm15, v10  }
0x9a: {  	v18 =	vld [tilespmem:$0x2000]  }
0x9b: {  	v17 =	vld [tilespmem:$0x2010]  }
0x9c: {  	v16 =	vld [tilespmem:$0x2020]  }
.Ltmp5:
0x9d: {  	v15 =	vld [tilespmem:$0x2030];
	(pc) =	sbr.rel .LBB2_5-.Ltmp5, $4  }
0x9e: {  	v14 =	vld [tilespmem:$0x2040]  }
0x9f: {  	v13 =	vld [tilespmem:$0x2050]  }
0xa0: {  	v12 =	vld [tilespmem:$0x2060];
	s21 =	spop (v2sf)  }
0xa1: {  	s22 =	simm.s32 $0x0;
	v19 =	vimm.s32 $0x7FFFFFFF;
	v11 =	vld [tilespmem:$0x2070];
	p0 =	sgt.f32 s21, $0.0e+00  }
.LBB2_7:
0xa2: {  	(xrf0) =	vadd.scan.msk.s32 $0xffff, v24  }
0xa3: {  	(xrf0) =	vadd.scan.msk.s32 $0xffff, v26  }
0xa4: {  	(xrf0) =	vadd.scan.msk.s32 $0xffff, v25;
	_ =	sdelay $0x3  }
0xa5: {  	s22 =	sadd.s32 $0x1, s22;
	v24, _, _ =	vpop (xrf0)  }
0xa6: {  	p1 =	sne.s32 s22, $0x10;
	v24 =	vperm.xlane v24, v3;
	v59, _, _ =	vpop (xrf0)  }
.Ltmp6:
0xa7: {  	v62 =	vadd.s32 $0xFFFFFFFF, v23;
	v25 =	vperm.xlane v59, v3;
	v60, _, _ =	vpop (xrf0);
	(pc) =	sbr.rel @!p1 .LBB2_8-.Ltmp6, $4  }
0xa8: {  	v63 =	vadd.s32 $0xFFFFFFFF, v22;
	vm0 =	vgt.s32 v24, $0x3F;
	v61 =	vperm.xlane v60, v3  }
0xa9: {  	v10 =	vsel vm0, v23, v10;
	vm1 =	vgt.s32 v25, $0x3F;
	v21 =	vsel vm0, v21, v62  }
0xaa: {  	vm15 =	vgt.s32 v61, $0x3F;
	v10 =	vsel vm1, v20, v10;
	v20 =	vsel vm1, v63, v21  }
0xab: {  	v10 =	vsel vm15, v22, v10;
	v19 =	vsel vm15, v19, v20  }
.LBB2_5:
0xac: {  	v20 =	vxor.u32 v10, v19  }
0xad: {  	v21 =	vor.u32 v10, v19;
	v20 =	vshra.s32 v20, $0x1  }
0xae: {  	v20 =	vsub.s32 v21, v20  }
0xaf: {  	v21 =	vadd.s32 v6, v20  }
0xb0: {  	v24 =	vxor.u32 v19, v20;
	vm6 =	vge.s32 v18, v20;
	vm8 =	vge.s32 v17, v20  }
0xb1: {  	vm11 =	vge.s32 v16, v20;
	vm14 =	vge.s32 v15, v20;
	vm5 =	vge.s32 v14, v20  }
0xb2: {  	v22 =	vxor.u32 v10, v21;
	v23 =	vor.u32 v10, v21;
	v24 =	vshra.s32 v24, $0x1  }
0xb3: {  	v25 =	vsel vm6, $0x1, v2;
	v28 =	vsel vm8, $0x1, v2;
	vm8 =	vge.s32 v13, v20  }
0xb4: {  	v22 =	vshra.s32 v22, $0x1;
	v25 =	vadd.s32 v28, v25;
	v28 =	vsel vm11, $0x1, v2  }
0xb5: {  	vm11 =	vge.s32 v12, v20;
	v23 =	vsub.s32 v23, v22;
	v22 =	vor.u32 v19, v20  }
0xb6: {  	v25 =	vadd.s32 v28, v25;
	v28 =	vsel vm14, $0x1, v2;
	vm14 =	vge.s32 v11, v20  }
0xb7: {  	v22 =	vsub.s32 v22, v24;
	vm0 =	vge.s32 v18, v23;
	vm7 =	vge.s32 v17, v23  }
0xb8: {  	vm10 =	vge.s32 v16, v23;
	vm13 =	vge.s32 v15, v23;
	vm4 =	vge.s32 v14, v23  }
0xb9: {  	v25 =	vadd.s32 v28, v25;
	v28 =	vsel vm5, $0x1, v2;
	v24 =	vsel vm0, $0x1, v2  }
0xba: {  	vm1 =	vge.s32 v18, v22;
	v27 =	vsel vm7, $0x1, v2;
	vm9 =	vge.s32 v17, v22  }
0xbb: {  	vm12 =	vge.s32 v16, v22;
	vm15 =	vge.s32 v15, v22;
	vm6 =	vge.s32 v14, v22  }
0xbc: {  	vm7 =	vge.s32 v13, v23;
	v25 =	vadd.s32 v28, v25;
	v28 =	vsel vm8, $0x1, v2  }
0xbd: {  	v26 =	vsel vm1, $0x1, v2;
	v29 =	vsel vm9, $0x1, v2;
	v24 =	vadd.s32 v27, v24  }
0xbe: {  	v27 =	vsel vm10, $0x1, v2;
	vm9 =	vge.s32 v13, v22;
	vm10 =	vge.s32 v12, v23  }
0xbf: {  	v25 =	vadd.s32 v28, v25;
	v28 =	vsel vm11, $0x1, v2;
	v26 =	vadd.s32 v29, v26  }
0xc0: {  	v29 =	vsel vm12, $0x1, v2;
	v24 =	vadd.s32 v27, v24;
	v27 =	vsel vm13, $0x1, v2  }
0xc1: {  	vm12 =	vge.s32 v12, v22;
	vm13 =	vge.s32 v11, v23;
	v25 =	vadd.s32 v28, v25  }
0xc2: {  	v28 =	vsel vm14, $0x1, v2;
	v26 =	vadd.s32 v29, v26;
	v29 =	vsel vm15, $0x1, v2  }
0xc3: {  	v24 =	vadd.s32 v27, v24;
	v27 =	vsel vm4, $0x1, v2;
	vm15 =	vge.s32 v11, v22  }
0xc4: {  	v26 =	vadd.s32 v29, v26;
	v29 =	vsel vm6, $0x1, v2;
	v24 =	vadd.s32 v27, v24  }
.Ltmp7:
0xc5: {  	v27 =	vsel vm7, $0x1, v2;
	v26 =	vadd.s32 v29, v26;
	v29 =	vsel vm9, $0x1, v2;
	(pc) =	sbr.rel @!p0 .LBB2_7-.Ltmp7, $4  }
0xc6: {  	v24 =	vadd.s32 v27, v24;
	v27 =	vsel vm10, $0x1, v2;
	v26 =	vadd.s32 v29, v26  }
0xc7: {  	v29 =	vsel vm12, $0x1, v2;
	v24 =	vadd.s32 v27, v24;
	v27 =	vsel vm13, $0x1, v2  }
0xc8: {  	v29 =	vadd.s32 v29, v26;
	v24 =	vadd.s32 v27, v24;
	v27 =	vsel vm15, $0x1, v2  }
0xc9: {  	v26 =	vadd.s32 v28, v25;
	v25 =	vadd.s32 v27, v29;
	v27 =	vimm.s32 $0x80  }
.LBB2_6:
0xca: {  	v28 =	vor.u32 v1, v27;
	v27 =	vadd.s32 $0x10, v27  }
0xcb: {  	vm0 =	vlt.s32 v27, v9  }
0xcc: {  	v29 =	vsel vm0, $0x3F800000, v5  }
0xcd: {  	(xrf0) =	vmax.scan.msk.f32 $0xffff, v29;
	_ =	sdelay $0x5  }
0xce: {  	v29, _, _ =	vpop (xrf0)  }
0xcf: {  	(v2sf) =	vpush v29, $0xF;
	_ =	sdelay $0xd  }
0xd0: {  	v28 =	vld.idx.msk [tilespmem:v28+s14+$0x0], $0xffff  }
0xd1: {  	s23 =	spop (v2sf)  }
0xd2: {  	p1 =	sgt.f32 s23, $0.0e+00  }
.Ltmp8:
0xd3: {  	_ = 	snop;
	(pc) =	sbr.rel @p1 .LBB2_6-.Ltmp8, $4  }
0xd4: {  	_ = 	snop  }
0xd5: {  	vm15 =	vge.s32 v28, v23;
	vm1 =	vge.s32 v28, v20;
	vm2 =	vge.s32 v28, v22  }
0xd6: {  	v28 =	vsel vm15, $0x1, v2;
	v29 =	vsel vm1, $0x1, v2;
	v30 =	vsel vm2, $0x1, v2  }
0xd7: {  	v24 =	vadd.s32 v28, v24;
	v26 =	vadd.s32 v29, v26;
	v25 =	vadd.s32 v30, v25  }
.Ltmp9:
0xd8: {  	_ = 	snop;
	(pc) =	sbr.rel .LBB2_7-.Ltmp9, $1  }
0xd9: {  	_ =	sdelay $0x3  }
.LBB2_8:
0xda: {  	vm0 =	vge.s32 v18, v10;
	vm1 =	vge.s32 v17, v10  }
0xdb: {  	vm10 =	vge.s32 v16, v10;
	v19 =	vsel vm0, $0x1, v2;
	v20 =	vsel vm1, $0x1, v2  }
0xdc: {  	vm11 =	vge.s32 v15, v10;
	v26 =	vsel vm10, $0x1, v2;
	v21 =	vadd.s32 v20, v19  }
0xdd: {  	vm12 =	vge.s32 v14, v10;
	v25 =	vsel vm11, $0x1, v2;
	v21 =	vadd.s32 v26, v21  }
.Ltmp10:
0xde: {  	vm13 =	vge.s32 v13, v10;
	v24 =	vsel vm12, $0x1, v2;
	v21 =	vadd.s32 v25, v21;
	(pc) =	sbr.rel @!p0 .LBB2_10-.Ltmp10, $4  }
0xdf: {  	vm14 =	vge.s32 v12, v10;
	v23 =	vsel vm13, $0x1, v2;
	v21 =	vadd.s32 v24, v21  }
0xe0: {  	vm15 =	vge.s32 v11, v10;
	v22 =	vsel vm14, $0x1, v2;
	v21 =	vadd.s32 v23, v21  }
0xe1: {  	v27 =	vadd.s32 v22, v21;
	v21 =	vsel vm15, $0x1, v2  }
0xe2: {  	v28 =	vimm.s32 $0x80;
	v27 =	vadd.s32 v21, v27  }
.LBB2_9:
0xe3: {  	v29 =	vor.u32 v1, v28;
	v28 =	vadd.s32 $0x10, v28  }
0xe4: {  	vm0 =	vlt.s32 v28, v9  }
0xe5: {  	v30 =	vsel vm0, $0x3F800000, v5  }
0xe6: {  	(xrf0) =	vmax.scan.msk.f32 $0xffff, v30;
	_ =	sdelay $0x5  }
0xe7: {  	v30, _, _ =	vpop (xrf0)  }
0xe8: {  	(v2sf) =	vpush v30, $0xF;
	_ =	sdelay $0xd  }
0xe9: {  	v29 =	vld.idx.msk [tilespmem:v29+s14+$0x0], $0xffff  }
0xea: {  	s22 =	spop (v2sf)  }
0xeb: {  	p1 =	sgt.f32 s22, $0.0e+00  }
.Ltmp11:
0xec: {  	_ = 	snop;
	(pc) =	sbr.rel @p1 .LBB2_9-.Ltmp11, $4  }
0xed: {  	_ = 	snop  }
0xee: {  	vm15 =	vge.s32 v29, v10  }
0xef: {  	v29 =	vsel vm15, $0x1, v2  }
0xf0: {  	v27 =	vadd.s32 v29, v27  }
.LBB2_10:
0xf1: {  	(xrf0) =	vadd.scan.msk.s32 $0xffff, v27;
	_ =	sdelay $0x5  }
0xf2: {  	v27, _, _ =	vpop (xrf0)  }
0xf3: {  	v27 =	vperm.xlane v27, v3;
	_ =	sdelay $0x1  }
0xf4: {  	vm0 =	veq.s32 v27, $0x40  }
0xf5: {  	v27 =	vsel vm0, $0x3F800000, v5  }
0xf6: {  	(xrf0) =	vmin.scan.msk.f32 $0xffff, v27;
	_ =	sdelay $0x5  }
0xf7: {  	v27, _, _ =	vpop (xrf0)  }
0xf8: {  	(v2sf) =	vpush v27, $0xF;
	_ =	sdelay $0xe  }
0xf9: {  	s22 =	spop (v2sf)  }
0xfa: {  	p1 =	sgt.f32 s22, $0.0e+00;
	_ =	sdelay $0x1  }
0xfb: {  	(xrf0) =	vadd.scan.msk.s32 @p1 $0xffff, v19  }
0xfc: {  	(xrf0) =	vadd.scan.msk.s32 @p1 $0xffff, v20;
	_ =	sdelay $0x3  }
0xfd: {  	(xrf0) =	vadd.scan.msk.s32 @p1 $0xffff, v26  }
0xfe: {  	v19 =	vadd.s32 @p1 $0xFFFFFFFF, v8;
	v20 =	vimm.s32 @p1 $0xF;
	v26, _, _ =	vpop @p1 (xrf0)  }
0xff: {  	(xrf0) =	vadd.scan.msk.s32 @p1 $0xffff, v25;
	v27 =	vadd.s32 @p1 v26, v19;
	v25 =	vperm.xlane @p1 v26, v20;
	v26, _, _ =	vpop @p1 (xrf0)  }
0x100: {  	vm7 =	vge.s32 @p1 v18, v10;
	v29 =	vadd.s32 @p1 v26, v19;
	_ =	sdelay $0x1  }
0x101: {  	vm8 =	vge.s32 @p1 v17, v10;
	vm9 =	vlt.s32 @p1 v18, $0x0;
	v28 =	vxor.u32 @p1 $0x7FFFFFFF, v18;
	(xrf0) =	vadd.scan.msk.s32 @p1 $0xffff, v24  }
0x102: {  	v24 =	vsel @p1 vm9, v28, v18;
	v26 =	vperm.xlane @p1 v26, v20;
	v28 =	vadd.s32 @p1 v25, v29;
	v29, _, _ =	vpop @p1 (xrf0);
	(xrf0) =	vadd.scan.msk.s32 @p1 $0xffff, v23  }
0x103: {  	vm1 =	vge.s32 @p1 v11, v10;
	(xrf0) =	vadd.scan.msk.s32 @p1 $0xffff, v22;
	v22 =	vxor.u32 @p1 $0x7FFFFFFF, v16  }
0x104: {  	vm2 =	vge.s32 @p1 v12, v10;
	s22 =	simm.s32 @p1 $0x4800;
	vm9 =	vlt.s32 @p1 v17, $0x0;
	v25 =	vadd.s32 @p1 v25, v26  }
0x105: {  	v23 =	vxor.u32 @p1 $0x7FFFFFFF, v17;
	[tilespmem:v27+s22+$0x0] =	vst.idx.msk @p1 vm7, v24;
	vm7 =	vlt.s32 @p1 v16, $0x0;
	v24 =	vperm.xlane @p1 v29, v20  }
0x106: {  	v26 =	vadd.s32 @p1 v29, v19;
	v23 =	vsel @p1 vm9, v23, v17;
	v27 =	vsel @p1 vm7, v22, v16;
	v22, _, _ =	vpop @p1 (xrf0)  }
0x107: {  	(xrf0) =	vadd.scan.msk.s32 @p1 $0xffff, v21;
	v21 =	vadd.s32 @p1 v25, v24;
	v24 =	vadd.s32 @p1 v22, v19;
	v22 =	vperm.xlane @p1 v22, v20  }
0x108: {  	v26 =	vadd.s32 @p1 v25, v26;
	[tilespmem:v28+s22+$0x0] =	vst.idx.msk @p1 vm8, v23;
	v25, _, _ =	vpop @p1 (xrf0);
	v23 =	vadd.s32 @p1 v21, v24  }
0x109: {  	v21 =	vadd.s32 @p1 v21, v22;
	v22 =	vadd.s32 @p1 v25, v19;
	v25 =	vperm.xlane @p1 v25, v20  }
0x10a: {  	vm3 =	vge.s32 @p1 v13, v10;
	vm4 =	vge.s32 @p1 v14, v10;
	vm6 =	vge.s32 @p1 v16, v10  }
0x10b: {  	vm5 =	vge.s32 @p1 v15, v10;
	v28, _, _ =	vpop @p1 (xrf0);
	v30 =	vadd.s32 @p1 v21, v22;
	v21 =	vadd.s32 @p1 v21, v25  }
0x10c: {  	vm7 =	vlt.s32 @p1 v15, $0x0;
	v24 =	vxor.u32 @p1 $0x7FFFFFFF, v15;
	v29, _, _ =	vpop @p1 (xrf0);
	v22 =	vperm.xlane @p1 v28, v20  }
0x10d: {  	v24 =	vsel @p1 vm7, v24, v15;
	v25 =	vadd.s32 @p1 v28, v19;
	v28 =	vperm.xlane @p1 v29, v20  }
0x10e: {  	p2 =	sgt.f32 @p1 s21, $0.0e+00;
	v29 =	vadd.s32 @p1 v29, v19;
	v25 =	vadd.s32 @p1 v21, v25;
	v22 =	vadd.s32 @p1 v21, v22;
	v21, _, _ =	vpop @p1 (xrf0)  }
0x10f: {  	v29 =	vadd.s32 @p1 v22, v29;
	v22 =	vadd.s32 @p1 v22, v28;
	v28 =	vadd.s32 @p1 v21, v19  }
0x110: {  	p2 =	por !p1, !p2;
	[tilespmem:v26+s22+$0x0] =	vst.idx.msk @p1 vm6, v27;
	vm6 =	vlt.s32 @p1 v14, $0x0;
	v26 =	vxor.u32 @p1 $0x7FFFFFFF, v14;
	v27 =	vadd.s32 @p1 v22, v28  }
.Ltmp12:
0x111: {  	[tilespmem:v23+s22+$0x0] =	vst.idx.msk @p1 vm5, v24;
	v23 =	vsel @p1 vm6, v26, v14;
	vm5 =	vlt.s32 @p1 v13, $0x0;
	v24 =	vxor.u32 @p1 $0x7FFFFFFF, v13;
	(pc) =	sbr.rel @p2 .LBB2_13-.Ltmp12, $4  }
0x112: {  	[tilespmem:v30+s22+$0x0] =	vst.idx.msk @p1 vm4, v23;
	v23 =	vsel @p1 vm5, v24, v13;
	vm4 =	vlt.s32 @p1 v12, $0x0;
	v24 =	vxor.u32 @p1 $0x7FFFFFFF, v12  }
0x113: {  	[tilespmem:v25+s22+$0x0] =	vst.idx.msk @p1 vm3, v23;
	v23 =	vsel @p1 vm4, v24, v12;
	vm3 =	vlt.s32 @p1 v11, $0x0;
	v24 =	vxor.u32 @p1 $0x7FFFFFFF, v11  }
0x114: {  	[tilespmem:v29+s22+$0x0] =	vst.idx.msk @p1 vm2, v23;
	v23 =	vsel @p1 vm3, v24, v11  }
0x115: {  	[tilespmem:v27+s22+$0x0] =	vst.idx.msk @p1 vm1, v23  }
0x116: {  	v20 =	vperm.xlane @p1 v21, v20;
	_ =	sdelay $0x1  }
0x117: {  	v21 =	vimm.s32 $0x80;
	v20 =	vadd.s32 v22, v20  }
.LBB2_12:
0x118: {  	v22 =	vor.u32 v1, v21;
	_ =	sdelay $0x4  }
0x119: {  	v22 =	vld.idx.msk [tilespmem:v22+s14+$0x0], $0xffff;
	_ =	sdelay $0x4  }
0x11a: {  	v21 =	vadd.s32 $0x10, v21;
	vm1 =	vge.s32 v22, v10  }
0x11b: {  	vm2 =	vlt.s32 v21, v9;
	v23 =	vsel vm1, $0x1, v2  }
0x11c: {  	(xrf0) =	vadd.scan.msk.s32 $0xffff, v23;
	v23 =	vsel vm2, $0x3F800000, v5  }
0x11d: {  	(xrf0) =	vmax.scan.msk.f32 $0xffff, v23;
	_ =	sdelay $0x4  }
0x11e: {  	v23, _, _ =	vpop (xrf0)  }
0x11f: {  	v24, _, _ =	vpop (xrf0)  }
0x120: {  	(v2sf) =	vpush v24, $0xF;
	_ =	sdelay $0xe  }
0x121: {  	v63 =	vadd.s32 v20, v19;
	s21 =	spop (v2sf)  }
0x122: {  	v24 =	vadd.s32 v23, v63;
	p1 =	sgt.f32 s21, $0.0e+00  }
.Ltmp13:
0x123: {  	_ = 	snop;
	(pc) =	sbr.rel @p1 .LBB2_12-.Ltmp13, $4  }
0x124: {  	_ = 	snop  }
0x125: {  	v25 =	vxor.u32 $0x7FFFFFFF, v22;
	vm2 =	vlt.s32 v22, $0x0;
	v23 =	vperm.xlane v23, v3  }
0x126: {  	v22 =	vsel vm2, v25, v22  }
0x127: {  	v20 =	vadd.s32 v20, v23;
	[tilespmem:v24+s15+$0x0] =	vst.idx.msk vm1, v22  }
.LBB2_13:
0x128: {  	v19 =	vsel vm0, $0x0, v7  }
0x129: {  	(xrf0) =	vmax.scan.msk.f32 $0xffff, v19;
	_ =	sdelay $0x5  }
0x12a: {  	v19, _, _ =	vpop (xrf0)  }
0x12b: {  	(v2sf) =	vpush v19, $0xF;
	_ =	sdelay $0xe  }
0x12c: {  	s21 =	spop (v2sf)  }
0x12d: {  	p1 =	sgt.f32 s21, $0.0e+00  }
.Ltmp14:
0x12e: {  	_ = 	snop;
	(pc) =	sbr.rel @!p1 .LBB2_19-.Ltmp14, $1  }
0x12f: {  	_ =	sdelay $0x3  }
0x130: {  	v19 =	vadd.s32 $0x1, v10  }
0x131: {  	vm0 =	vge.s32 v18, v19;
	vm1 =	vge.s32 v17, v19  }
0x132: {  	vm10 =	vge.s32 v16, v19;
	v20 =	vsel vm0, $0x1, v2;
	v21 =	vsel vm1, $0x1, v2  }
0x133: {  	vm11 =	vge.s32 v15, v19;
	v20 =	vadd.s32 v21, v20;
	v21 =	vsel vm10, $0x1, v2  }
0x134: {  	vm12 =	vge.s32 v14, v19;
	v20 =	vadd.s32 v21, v20;
	v21 =	vsel vm11, $0x1, v2  }
.Ltmp15:
0x135: {  	vm13 =	vge.s32 v13, v19;
	v20 =	vadd.s32 v21, v20;
	v21 =	vsel vm12, $0x1, v2;
	(pc) =	sbr.rel @!p0 .LBB2_16-.Ltmp15, $4  }
0x136: {  	vm14 =	vge.s32 v12, v19;
	v20 =	vadd.s32 v21, v20;
	v21 =	vsel vm13, $0x1, v2  }
0x137: {  	vm15 =	vge.s32 v11, v19;
	v20 =	vadd.s32 v21, v20;
	v21 =	vsel vm14, $0x1, v2  }
0x138: {  	v20 =	vadd.s32 v21, v20;
	v21 =	vsel vm15, $0x1, v2  }
0x139: {  	v20 =	vadd.s32 v21, v20;
	v21 =	vimm.s32 $0x80  }
.LBB2_15:
0x13a: {  	v22 =	vor.u32 v1, v21;
	v21 =	vadd.s32 $0x10, v21  }
0x13b: {  	vm0 =	vlt.s32 v21, v9  }
0x13c: {  	v23 =	vsel vm0, $0x3F800000, v5  }
0x13d: {  	(xrf0) =	vmax.scan.msk.f32 $0xffff, v23;
	_ =	sdelay $0x5  }
0x13e: {  	v23, _, _ =	vpop (xrf0)  }
0x13f: {  	(v2sf) =	vpush v23, $0xF;
	_ =	sdelay $0xd  }
0x140: {  	v22 =	vld.idx.msk [tilespmem:v22+s14+$0x0], $0xffff  }
0x141: {  	s21 =	spop (v2sf)  }
0x142: {  	p1 =	sgt.f32 s21, $0.0e+00  }
.Ltmp16:
0x143: {  	_ = 	snop;
	(pc) =	sbr.rel @p1 .LBB2_15-.Ltmp16, $4  }
0x144: {  	_ = 	snop  }
0x145: {  	vm15 =	vge.s32 v22, v19  }
0x146: {  	v22 =	vsel vm15, $0x1, v2  }
0x147: {  	v20 =	vadd.s32 v22, v20  }
.LBB2_16:
0x148: {  	(xrf0) =	vadd.scan.msk.s32 $0xffff, v20  }
0x149: {  	vm0 =	veq.s32 v18, v10  }
0x14a: {  	v19 =	vsel vm0, $0x1, v2  }
0x14b: {  	(xrf0) =	vadd.scan.msk.s32 $0xffff, v19;
	_ =	sdelay $0x2  }
0x14c: {  	v19, _, _ =	vpop (xrf0)  }
0x14d: {  	v19 =	vperm.xlane v19, v3;
	_ =	sdelay $0x1  }
0x14e: {  	v20, _, _ =	vpop (xrf0);
	v19 =	vsub.s32 $0x40, v19  }
0x14f: {  	vm1 =	vle.s32 v20, v19  }
0x150: {  	vm2 =	vgt.s32 v18, v10;
	vm0 =	vmand vm0, vm1  }
0x151: {  	vm0 =	vmor vm2, vm0  }
0x152: {  	vm11 =	veq.s32 v17, v10;
	v21 =	vsel vm0, $0x1, v2  }
0x153: {  	v62 =	vsel vm11, $0x1, v2;
	(xrf0) =	vadd.scan.msk.s32 $0xffff, v21  }
0x154: {  	(xrf0) =	vadd.scan.msk.s32 $0xffff, v62;
	_ =	sdelay $0x4  }
0x155: {  	v20 =	vperm.xlane v20, v3;
	v63, _, _ =	vpop (xrf0)  }
0x156: {  	v22, _, _ =	vpop (xrf0)  }
0x157: {  	v20 =	vadd.s32 v22, v20  }
0x158: {  	vm12 =	vle.s32 v20, v19  }
0x159: {  	vm3 =	vgt.s32 v17, v10;
	vm1 =	vmand vm11, vm12  }
0x15a: {  	vm1 =	vmor vm3, vm1  }
0x15b: {  	vm13 =	veq.s32 v16, v10;
	v34 =	vsel vm1, $0x1, v2  }
0x15c: {  	v35 =	vsel vm13, $0x1, v2;
	(xrf0) =	vadd.scan.msk.s32 $0xffff, v34  }
0x15d: {  	(xrf0) =	vadd.scan.msk.s32 $0xffff, v35;
	_ =	sdelay $0x4  }
0x15e: {  	v20 =	vperm.xlane v20, v3;
	v36, _, _ =	vpop (xrf0)  }
0x15f: {  	v23, _, _ =	vpop (xrf0)  }
0x160: {  	v20 =	vadd.s32 v23, v20  }
0x161: {  	vm14 =	vle.s32 v20, v19  }
0x162: {  	vm4 =	vgt.s32 v16, v10;
	vm2 =	vmand vm13, vm14  }
0x163: {  	vm2 =	vmor vm4, vm2  }
0x164: {  	vm15 =	veq.s32 v15, v10;
	v37 =	vsel vm2, $0x1, v2  }
0x165: {  	v38 =	vsel vm15, $0x1, v2;
	(xrf0) =	vadd.scan.msk.s32 $0xffff, v37  }
0x166: {  	(xrf0) =	vadd.scan.msk.s32 $0xffff, v38;
	_ =	sdelay $0x4  }
0x167: {  	v20 =	vperm.xlane v20, v3;
	v39, _, _ =	vpop (xrf0)  }
0x168: {  	v24, _, _ =	vpop (xrf0)  }
0x169: {  	v20 =	vadd.s32 v24, v20  }
0x16a: {  	vm8 =	vle.s32 v20, v19  }
0x16b: {  	vm5 =	vgt.s32 v15, v10;
	vm3 =	vmand vm15, vm8  }
0x16c: {  	vm3 =	vmor vm5, vm3  }
0x16d: {  	vm9 =	veq.s32 v14, v10;
	v40 =	vsel vm3, $0x1, v2  }
0x16e: {  	v41 =	vsel vm9, $0x1, v2;
	(xrf0) =	vadd.scan.msk.s32 $0xffff, v40  }
0x16f: {  	(xrf0) =	vadd.scan.msk.s32 $0xffff, v41;
	_ =	sdelay $0x4  }
0x170: {  	v20 =	vperm.xlane v20, v3;
	v42, _, _ =	vpop (xrf0)  }
0x171: {  	v25, _, _ =	vpop (xrf0)  }
0x172: {  	v20 =	vadd.s32 v25, v20  }
0x173: {  	vm10 =	vle.s32 v20, v19  }
0x174: {  	vm6 =	vgt.s32 v14, v10;
	vm4 =	vmand vm9, vm10  }
0x175: {  	vm4 =	vmor vm6, vm4  }
0x176: {  	vm11 =	veq.s32 v13, v10;
	v43 =	vsel vm4, $0x1, v2  }
0x177: {  	v44 =	vsel vm11, $0x1, v2;
	(xrf0) =	vadd.scan.msk.s32 $0xffff, v43  }
0x178: {  	(xrf0) =	vadd.scan.msk.s32 $0xffff, v44;
	_ =	sdelay $0x4  }
0x179: {  	v20 =	vperm.xlane v20, v3;
	v45, _, _ =	vpop (xrf0)  }
0x17a: {  	v26, _, _ =	vpop (xrf0)  }
0x17b: {  	v20 =	vadd.s32 v26, v20  }
0x17c: {  	vm12 =	vle.s32 v20, v19  }
0x17d: {  	vm7 =	vgt.s32 v13, v10;
	vm5 =	vmand vm11, vm12  }
0x17e: {  	vm5 =	vmor vm7, vm5  }
0x17f: {  	vm13 =	veq.s32 v12, v10;
	v46 =	vsel vm5, $0x1, v2  }
0x180: {  	v47 =	vsel vm13, $0x1, v2;
	(xrf0) =	vadd.scan.msk.s32 $0xffff, v46  }
0x181: {  	(xrf0) =	vadd.scan.msk.s32 $0xffff, v47;
	_ =	sdelay $0x4  }
0x182: {  	v20 =	vperm.xlane v20, v3;
	v48, _, _ =	vpop (xrf0)  }
0x183: {  	v27, _, _ =	vpop (xrf0)  }
0x184: {  	v20 =	vadd.s32 v27, v20  }
0x185: {  	vm14 =	vle.s32 v20, v19  }
0x186: {  	vm8 =	vgt.s32 v12, v10;
	vm6 =	vmand vm13, vm14  }
0x187: {  	vm6 =	vmor vm8, vm6  }
0x188: {  	vm15 =	veq.s32 v11, v10;
	v49 =	vsel vm6, $0x1, v2  }
0x189: {  	v50 =	vsel vm15, $0x1, v2;
	(xrf0) =	vadd.scan.msk.s32 $0xffff, v49  }
0x18a: {  	(xrf0) =	vadd.scan.msk.s32 $0xffff, v50;
	_ =	sdelay $0x2  }
0x18b: {  	v51 =	vxor.u32 $0x7FFFFFFF, v18;
	v29 =	vxor.u32 $0x7FFFFFFF, v17  }
0x18c: {  	v30 =	vxor.u32 $0x7FFFFFFF, v16;
	v32 =	vperm.xlane v39, v3;
	v52 =	vperm.xlane v42, v3  }
0x18d: {  	vm9 =	vlt.s32 v17, $0x0;
	vm12 =	vlt.s32 v18, $0x0;
	v20 =	vperm.xlane v20, v3;
	v28, _, _ =	vpop (xrf0)  }
0x18e: {  	v29 =	vsel vm9, v29, v17;
	v27 =	vsel vm12, v51, v18;
	v18 =	vadd.s32 $0xFFFFFFFF, v8;
	v17, _, _ =	vpop (xrf0)  }
0x18f: {  	v21 =	vadd.s32 v63, v18;
	vm13 =	vlt.s32 v16, $0x0;
	v17 =	vadd.s32 v17, v20  }
0x190: {  	v30 =	vsel vm13, v30, v16;
	v16 =	vperm.xlane v36, v3;
	vm14 =	vle.s32 v17, v19  }
0x191: {  	v20 =	vperm.xlane v63, v3;
	vm7 =	vmand vm15, vm14;
	vm15 =	vgt.s32 v11, v10  }
0x192: {  	v54 =	vperm.xlane v45, v3;
	v55 =	vperm.xlane v48, v3;
	vm7 =	vmor vm15, vm7  }
0x193: {  	v31 =	vadd.s32 v20, v18;
	v16 =	vadd.s32 v20, v16;
	v53 =	vsel vm7, $0x1, v2  }
0x194: {  	v22 =	vadd.s32 v36, v31;
	v20 =	vadd.s32 v16, v32;
	v16 =	vadd.s32 v16, v18;
	(xrf0) =	vadd.scan.msk.s32 $0xffff, v53  }
0x195: {  	v60 =	vxor.u32 $0x7FFFFFFF, v15;
	[tilespmem:v21+s15+$0x0] =	vst.idx.msk vm0, v27;
	v23 =	vadd.s32 v39, v16;
	v16 =	vadd.s32 v20, v52  }
0x196: {  	v33 =	vadd.s32 v20, v18;
	v20 =	vadd.s32 v16, v18;
	v16 =	vadd.s32 v16, v54  }
0x197: {  	v57 =	vperm.xlane v28, v3;
	v24 =	vadd.s32 v42, v33;
	v56 =	vadd.s32 v16, v18  }
0x198: {  	v20 =	vadd.s32 v45, v20;
	v59 =	vadd.s32 v16, v55;
	v58 =	vadd.s32 v48, v56  }
0x199: {  	vm11 =	vlt.s32 v15, $0x0;
	v16 =	vadd.s32 v59, v57;
	v25 =	vadd.s32 v59, v18;
	[tilespmem:v22+s15+$0x0] =	vst.idx.msk vm1, v29  }
0x19a: {  	v22 =	vsel vm11, v60, v15;
	v25 =	vadd.s32 v28, v25;
	v61 =	vadd.s32 v16, v18;
	v15, _, _ =	vpop (xrf0)  }
0x19b: {  	v62 =	vxor.u32 $0x7FFFFFFF, v14;
	vm12 =	vlt.s32 v14, $0x0;
	[tilespmem:v23+s15+$0x0] =	vst.idx.msk vm2, v30;
	v26 =	vadd.s32 v15, v61  }
.Ltmp17:
0x19c: {  	v14 =	vsel vm12, v62, v14;
	vm13 =	vlt.s32 v13, $0x0;
	v63 =	vxor.u32 $0x7FFFFFFF, v13;
	[tilespmem:v24+s15+$0x0] =	vst.idx.msk vm3, v22;
	(pc) =	sbr.rel @!p0 .LBB2_19-.Ltmp17, $4  }
0x19d: {  	v13 =	vsel vm13, v63, v13;
	vm14 =	vlt.s32 v12, $0x0;
	[tilespmem:v20+s15+$0x0] =	vst.idx.msk vm4, v14;
	v14 =	vxor.u32 $0x7FFFFFFF, v12  }
0x19e: {  	vm15 =	vlt.s32 v11, $0x0;
	[tilespmem:v58+s15+$0x0] =	vst.idx.msk vm5, v13;
	v12 =	vsel vm14, v14, v12;
	v13 =	vxor.u32 $0x7FFFFFFF, v11  }
0x19f: {  	[tilespmem:v25+s15+$0x0] =	vst.idx.msk vm6, v12;
	v11 =	vsel vm15, v13, v11  }
0x1a0: {  	[tilespmem:v26+s15+$0x0] =	vst.idx.msk vm7, v11  }
0x1a1: {  	v11 =	vperm.xlane v15, v3;
	_ =	sdelay $0x1  }
0x1a2: {  	v13 =	vperm.xlane v17, v3;
	v12 =	vimm.s32 $0x80;
	v11 =	vadd.s32 v16, v11  }
.LBB2_18:
0x1a3: {  	v14 =	vor.u32 v1, v12;
	_ =	sdelay $0x4  }
0x1a4: {  	v14 =	vld.idx.msk [tilespmem:v14+s14+$0x0], $0xffff;
	_ =	sdelay $0x4  }
0x1a5: {  	vm0 =	veq.s32 v14, v10  }
0x1a6: {  	v15 =	vsel vm0, $0x1, v2  }
0x1a7: {  	(xrf0) =	vadd.scan.msk.s32 $0xffff, v15;
	_ =	sdelay $0x5  }
0x1a8: {  	v15, _, _ =	vpop (xrf0)  }
0x1a9: {  	v13 =	vadd.s32 v13, v15  }
0x1aa: {  	vm1 =	vle.s32 v13, v19  }
0x1ab: {  	vm2 =	vgt.s32 v14, v10;
	vm0 =	vmand vm0, vm1  }
0x1ac: {  	v12 =	vadd.s32 $0x10, v12;
	vm0 =	vmor vm2, vm0  }
0x1ad: {  	vm14 =	vlt.s32 v12, v9;
	v15 =	vsel vm0, $0x1, v2  }
0x1ae: {  	(xrf0) =	vadd.scan.msk.s32 $0xffff, v15;
	v15 =	vsel vm14, $0x3F800000, v5  }
0x1af: {  	(xrf0) =	vmax.scan.msk.f32 $0xffff, v15;
	_ =	sdelay $0x4  }
0x1b0: {  	v15, _, _ =	vpop (xrf0)  }
0x1b1: {  	v16, _, _ =	vpop (xrf0)  }
0x1b2: {  	(v2sf) =	vpush v16, $0xF;
	_ =	sdelay $0xe  }
0x1b3: {  	v16 =	vadd.s32 v11, v18;
	s21 =	spop (v2sf)  }
0x1b4: {  	v16 =	vadd.s32 v15, v16;
	p0 =	sgt.f32 s21, $0.0e+00  }
.Ltmp18:
0x1b5: {  	_ = 	snop;
	(pc) =	sbr.rel @p0 .LBB2_18-.Ltmp18, $4  }
0x1b6: {  	_ = 	snop  }
0x1b7: {  	vm15 =	vlt.s32 v14, $0x0;
	v17 =	vxor.u32 $0x7FFFFFFF, v14;
	v15 =	vperm.xlane v15, v3  }
0x1b8: {  	v14 =	vsel vm15, v17, v14  }
0x1b9: {  	v13 =	vperm.xlane v13, v3;
	v11 =	vadd.s32 v11, v15;
	[tilespmem:v16+s15+$0x0] =	vst.idx.msk vm0, v14  }
.LBB2_19:
0x1ba: {  	_ =	swait.ge [sflag:s16], $0x1000;
	p0 =	seq.s32 s18, $0xBF  }
0x1bb: {  	s31 =	ssub.s32 s20, s5;
	[sflag:s16] =	ssyncset.done $0x0;
	s21 =	sshll.u32 @!p0 s19, $0x9  }
0x1bc: {  	s22 =	simm.s32 @!p0 $0x0;
	[sflag:s16] =	ssyncadd.s32 $0xFFFFF000;
	s21 =	sadd.s32 @!p0 s21, s8  }
0x1bd: {  	[tilespmem:s22], [sflag:$0x1] =	stream.linear.gather @!p0 [hbm4b:s21+s22], $0x1000, $0x38;
	[tilespmem:$0x5800] =	vst v63  }
0x1be: {  	s21 =	sshll.u32 s31, $0x6  }
0x1bf: {  	s21 =	sshra.s32 s21, $0x2  }
0x1c0: {  	v9 =	vld [tilespmem:s21+$0x3000];
	[tilespmem:$0x2000] =	vst v0  }
0x1c1: {  	[tilespmem:$0x2010] =	vst v0  }
0x1c2: {  	[tilespmem:$0x2020] =	vst v0  }
0x1c3: {  	[tilespmem:$0x2030] =	vst v0  }
0x1c4: {  	[tilespmem:$0x2040] =	vst v0  }
0x1c5: {  	[tilespmem:$0x2050] =	vst v0  }
0x1c6: {  	[tilespmem:$0x2060] =	vst v0  }
0x1c7: {  	v10 =	vimm.s32 $0x0;
	[tilespmem:$0x2070] =	vst v0;
	s21 =	simm.s32 $0x0  }
.LBB2_20:
0x1c8: {  	s22 =	sshra.s32 s21, $0x2  }
0x1c9: {  	v11 =	vld [tilespmem:s22+$0x1000];
	_ =	sdelay $0x4  }
0x1ca: {  	vm0 =	vlt.s32 v11, $0x0;
	v12 =	vxor.u32 $0x7FFFFFFF, v11  }
0x1cb: {  	v11 =	vsel vm0, v12, v11  }
0x1cc: {  	vm0 =	vge.s32 v11, v9  }
0x1cd: {  	v35 =	vsel vm0, $0x1, v2  }
0x1ce: {  	(xrf0) =	vadd.scan.msk.s32 $0xffff, v35;
	_ =	sdelay $0x5  }
0x1cf: {  	v12, _, _ =	vpop (xrf0)  }
0x1d0: {  	v13 =	vadd.s32 v12, v10  }
0x1d1: {  	v13 =	vadd.s32 $0xFFFFFFFF, v13;
	_ =	sdelay $0x4  }
0x1d2: {  	[tilespmem:v13+s14+$0x0] =	vst.idx.msk vm0, v11  }
0x1d3: {  	v11 =	vld [tilespmem:s22+$0x1010];
	_ =	sdelay $0x4  }
0x1d4: {  	vm9 =	vlt.s32 v11, $0x0;
	v36 =	vxor.u32 $0x7FFFFFFF, v11  }
0x1d5: {  	v11 =	vsel vm9, v36, v11  }
0x1d6: {  	vm0 =	vge.s32 v11, v9  }
0x1d7: {  	v37 =	vsel vm0, $0x1, v2  }
0x1d8: {  	(xrf0) =	vadd.scan.msk.s32 $0xffff, v37;
	_ =	sdelay $0x3  }
0x1d9: {  	v12 =	vperm.xlane v12, v3;
	_ =	sdelay $0x1  }
0x1da: {  	v10 =	vadd.s32 v10, v12;
	v38, _, _ =	vpop (xrf0)  }
0x1db: {  	v39 =	vadd.s32 v38, v10  }
0x1dc: {  	v13 =	vadd.s32 $0xFFFFFFFF, v39;
	_ =	sdelay $0x4  }
0x1dd: {  	[tilespmem:v13+s14+$0x0] =	vst.idx.msk vm0, v11  }
0x1de: {  	v11 =	vld [tilespmem:s22+$0x1020];
	_ =	sdelay $0x4  }
0x1df: {  	vm10 =	vlt.s32 v11, $0x0;
	v40 =	vxor.u32 $0x7FFFFFFF, v11  }
0x1e0: {  	v11 =	vsel vm10, v40, v11  }
0x1e1: {  	vm0 =	vge.s32 v11, v9  }
0x1e2: {  	v41 =	vsel vm0, $0x1, v2  }
0x1e3: {  	(xrf0) =	vadd.scan.msk.s32 $0xffff, v41;
	_ =	sdelay $0x3  }
0x1e4: {  	v12 =	vperm.xlane v38, v3;
	_ =	sdelay $0x1  }
0x1e5: {  	v10 =	vadd.s32 v10, v12;
	v42, _, _ =	vpop (xrf0)  }
0x1e6: {  	v43 =	vadd.s32 v42, v10  }
0x1e7: {  	v13 =	vadd.s32 $0xFFFFFFFF, v43;
	_ =	sdelay $0x4  }
0x1e8: {  	[tilespmem:v13+s14+$0x0] =	vst.idx.msk vm0, v11  }
0x1e9: {  	v11 =	vld [tilespmem:s22+$0x1030];
	_ =	sdelay $0x4  }
0x1ea: {  	vm11 =	vlt.s32 v11, $0x0;
	v44 =	vxor.u32 $0x7FFFFFFF, v11  }
0x1eb: {  	v11 =	vsel vm11, v44, v11  }
0x1ec: {  	vm0 =	vge.s32 v11, v9  }
0x1ed: {  	v45 =	vsel vm0, $0x1, v2  }
0x1ee: {  	(xrf0) =	vadd.scan.msk.s32 $0xffff, v45;
	_ =	sdelay $0x3  }
0x1ef: {  	v12 =	vperm.xlane v42, v3;
	_ =	sdelay $0x1  }
0x1f0: {  	v10 =	vadd.s32 v10, v12;
	v46, _, _ =	vpop (xrf0)  }
0x1f1: {  	v47 =	vadd.s32 v46, v10  }
0x1f2: {  	v13 =	vadd.s32 $0xFFFFFFFF, v47;
	_ =	sdelay $0x4  }
0x1f3: {  	[tilespmem:v13+s14+$0x0] =	vst.idx.msk vm0, v11  }
0x1f4: {  	v11 =	vld [tilespmem:s22+$0x1040];
	_ =	sdelay $0x4  }
0x1f5: {  	vm12 =	vlt.s32 v11, $0x0;
	v48 =	vxor.u32 $0x7FFFFFFF, v11  }
0x1f6: {  	v11 =	vsel vm12, v48, v11  }
0x1f7: {  	vm0 =	vge.s32 v11, v9  }
0x1f8: {  	v49 =	vsel vm0, $0x1, v2  }
0x1f9: {  	(xrf0) =	vadd.scan.msk.s32 $0xffff, v49;
	_ =	sdelay $0x3  }
0x1fa: {  	v12 =	vperm.xlane v46, v3;
	_ =	sdelay $0x1  }
0x1fb: {  	v10 =	vadd.s32 v10, v12;
	v50, _, _ =	vpop (xrf0)  }
0x1fc: {  	v51 =	vadd.s32 v50, v10  }
0x1fd: {  	v13 =	vadd.s32 $0xFFFFFFFF, v51;
	_ =	sdelay $0x4  }
0x1fe: {  	[tilespmem:v13+s14+$0x0] =	vst.idx.msk vm0, v11  }
0x1ff: {  	v11 =	vld [tilespmem:s22+$0x1050];
	_ =	sdelay $0x4  }
0x200: {  	vm13 =	vlt.s32 v11, $0x0;
	v52 =	vxor.u32 $0x7FFFFFFF, v11  }
0x201: {  	v11 =	vsel vm13, v52, v11  }
0x202: {  	vm0 =	vge.s32 v11, v9  }
0x203: {  	v53 =	vsel vm0, $0x1, v2  }
0x204: {  	(xrf0) =	vadd.scan.msk.s32 $0xffff, v53;
	_ =	sdelay $0x3  }
0x205: {  	v12 =	vperm.xlane v50, v3;
	_ =	sdelay $0x1  }
0x206: {  	v10 =	vadd.s32 v10, v12;
	v54, _, _ =	vpop (xrf0)  }
0x207: {  	v55 =	vadd.s32 v54, v10  }
0x208: {  	v13 =	vadd.s32 $0xFFFFFFFF, v55;
	_ =	sdelay $0x4  }
0x209: {  	[tilespmem:v13+s14+$0x0] =	vst.idx.msk vm0, v11  }
0x20a: {  	v11 =	vld [tilespmem:s22+$0x1060];
	_ =	sdelay $0x4  }
0x20b: {  	vm14 =	vlt.s32 v11, $0x0;
	v56 =	vxor.u32 $0x7FFFFFFF, v11  }
0x20c: {  	v11 =	vsel vm14, v56, v11  }
0x20d: {  	vm0 =	vge.s32 v11, v9  }
0x20e: {  	v57 =	vsel vm0, $0x1, v2  }
0x20f: {  	(xrf0) =	vadd.scan.msk.s32 $0xffff, v57;
	_ =	sdelay $0x3  }
0x210: {  	v12 =	vperm.xlane v54, v3;
	_ =	sdelay $0x1  }
0x211: {  	v10 =	vadd.s32 v10, v12;
	v58, _, _ =	vpop (xrf0)  }
0x212: {  	v59 =	vadd.s32 v58, v10  }
0x213: {  	v13 =	vadd.s32 $0xFFFFFFFF, v59;
	_ =	sdelay $0x4  }
0x214: {  	[tilespmem:v13+s14+$0x0] =	vst.idx.msk vm0, v11  }
0x215: {  	v11 =	vld [tilespmem:s22+$0x1070];
	_ =	sdelay $0x4  }
0x216: {  	vm15 =	vlt.s32 v11, $0x0;
	v60 =	vxor.u32 $0x7FFFFFFF, v11  }
0x217: {  	v11 =	vsel vm15, v60, v11  }
0x218: {  	vm0 =	vge.s32 v11, v9  }
0x219: {  	v61 =	vsel vm0, $0x1, v2  }
0x21a: {  	(xrf0) =	vadd.scan.msk.s32 $0xffff, v61;
	_ =	sdelay $0x3  }
0x21b: {  	v12 =	vperm.xlane v58, v3;
	_ =	sdelay $0x1  }
0x21c: {  	v10 =	vadd.s32 v10, v12;
	v62, _, _ =	vpop (xrf0)  }
0x21d: {  	v63 =	vadd.s32 v62, v10  }
0x21e: {  	p0 =	sne.s32 s21, $0x3E00;
	v13 =	vadd.s32 $0xFFFFFFFF, v63  }
.Ltmp19:
0x21f: {  	_ = 	snop;
	(pc) =	sbr.rel @p0 .LBB2_20-.Ltmp19, $3  }
0x220: {  	_ = 	snop  }
0x221: {  	v12 =	vperm.xlane v62, v3;
	_ =	sdelay $0x1  }
0x222: {  	s21 =	sadd.s32 $0x200, s21;
	v10 =	vadd.s32 v10, v12;
	[tilespmem:v13+s14+$0x0] =	vst.idx.msk vm0, v11  }
0x223: {  	v9 =	vadd.s32 $0xF, v10  }
0x224: {  	v9 =	vand.u32 $0xFFFFFFF0, v9  }
0x225: {  	vm0 =	vgt.s32 v9, $0x80  }
0x226: {  	v11 =	vsel vm0, $0x3F800000, v5  }
0x227: {  	(xrf0) =	vmax.scan.msk.f32 $0xffff, v11;
	_ =	sdelay $0x5  }
0x228: {  	v11, _, _ =	vpop (xrf0)  }
0x229: {  	(v2sf) =	vpush v11, $0xF  }
0x22a: {  	v11 =	vadd.s32 v4, v9  }
0x22b: {  	vm15 =	vge.s32 v11, v10;
	_ =	sdelay $0x4  }
0x22c: {  	v10 =	vimm.s32 $0x80000000  }
0x22d: {  	[tilespmem:v11+s14+$0x0] =	vst.idx.msk vm15, v10  }
0x22e: {  	v18 =	vld [tilespmem:$0x2000]  }
0x22f: {  	v17 =	vld [tilespmem:$0x2010]  }
0x230: {  	v16 =	vld [tilespmem:$0x2020]  }
.Ltmp20:
0x231: {  	v15 =	vld [tilespmem:$0x2030];
	(pc) =	sbr.rel .LBB2_22-.Ltmp20, $4  }
0x232: {  	v14 =	vld [tilespmem:$0x2040]  }
0x233: {  	v13 =	vld [tilespmem:$0x2050]  }
0x234: {  	v12 =	vld [tilespmem:$0x2060];
	s21 =	spop (v2sf)  }
0x235: {  	s22 =	simm.s32 $0x0;
	v19 =	vimm.s32 $0x7FFFFFFF;
	v11 =	vld [tilespmem:$0x2070];
	p0 =	sgt.f32 s21, $0.0e+00  }
.LBB2_24:
0x236: {  	(xrf0) =	vadd.scan.msk.s32 $0xffff, v24  }
0x237: {  	(xrf0) =	vadd.scan.msk.s32 $0xffff, v26  }
0x238: {  	(xrf0) =	vadd.scan.msk.s32 $0xffff, v25;
	_ =	sdelay $0x3  }
0x239: {  	s22 =	sadd.s32 $0x1, s22;
	v24, _, _ =	vpop (xrf0)  }
0x23a: {  	p1 =	sne.s32 s22, $0x10;
	v24 =	vperm.xlane v24, v3;
	v59, _, _ =	vpop (xrf0)  }
.Ltmp21:
0x23b: {  	v62 =	vadd.s32 $0xFFFFFFFF, v23;
	v25 =	vperm.xlane v59, v3;
	v60, _, _ =	vpop (xrf0);
	(pc) =	sbr.rel @!p1 .LBB2_25-.Ltmp21, $4  }
0x23c: {  	v63 =	vadd.s32 $0xFFFFFFFF, v22;
	vm0 =	vgt.s32 v24, $0x3F;
	v61 =	vperm.xlane v60, v3  }
0x23d: {  	v10 =	vsel vm0, v23, v10;
	vm1 =	vgt.s32 v25, $0x3F;
	v21 =	vsel vm0, v21, v62  }
0x23e: {  	vm15 =	vgt.s32 v61, $0x3F;
	v10 =	vsel vm1, v20, v10;
	v20 =	vsel vm1, v63, v21  }
0x23f: {  	v10 =	vsel vm15, v22, v10;
	v19 =	vsel vm15, v19, v20  }
.LBB2_22:
0x240: {  	v20 =	vxor.u32 v10, v19  }
0x241: {  	v21 =	vor.u32 v10, v19;
	v20 =	vshra.s32 v20, $0x1  }
0x242: {  	v20 =	vsub.s32 v21, v20  }
0x243: {  	v21 =	vadd.s32 v6, v20  }
0x244: {  	v24 =	vxor.u32 v19, v20;
	vm6 =	vge.s32 v18, v20;
	vm8 =	vge.s32 v17, v20  }
0x245: {  	vm11 =	vge.s32 v16, v20;
	vm14 =	vge.s32 v15, v20;
	vm5 =	vge.s32 v14, v20  }
0x246: {  	v22 =	vxor.u32 v10, v21;
	v23 =	vor.u32 v10, v21;
	v24 =	vshra.s32 v24, $0x1  }
0x247: {  	v25 =	vsel vm6, $0x1, v2;
	v28 =	vsel vm8, $0x1, v2;
	vm8 =	vge.s32 v13, v20  }
0x248: {  	v22 =	vshra.s32 v22, $0x1;
	v25 =	vadd.s32 v28, v25;
	v28 =	vsel vm11, $0x1, v2  }
0x249: {  	vm11 =	vge.s32 v12, v20;
	v23 =	vsub.s32 v23, v22;
	v22 =	vor.u32 v19, v20  }
0x24a: {  	v25 =	vadd.s32 v28, v25;
	v28 =	vsel vm14, $0x1, v2;
	vm14 =	vge.s32 v11, v20  }
0x24b: {  	v22 =	vsub.s32 v22, v24;
	vm0 =	vge.s32 v18, v23;
	vm7 =	vge.s32 v17, v23  }
0x24c: {  	vm10 =	vge.s32 v16, v23;
	vm13 =	vge.s32 v15, v23;
	vm4 =	vge.s32 v14, v23  }
0x24d: {  	v25 =	vadd.s32 v28, v25;
	v28 =	vsel vm5, $0x1, v2;
	v24 =	vsel vm0, $0x1, v2  }
0x24e: {  	vm1 =	vge.s32 v18, v22;
	v27 =	vsel vm7, $0x1, v2;
	vm9 =	vge.s32 v17, v22  }
0x24f: {  	vm12 =	vge.s32 v16, v22;
	vm15 =	vge.s32 v15, v22;
	vm6 =	vge.s32 v14, v22  }
0x250: {  	vm7 =	vge.s32 v13, v23;
	v25 =	vadd.s32 v28, v25;
	v28 =	vsel vm8, $0x1, v2  }
0x251: {  	v26 =	vsel vm1, $0x1, v2;
	v29 =	vsel vm9, $0x1, v2;
	v24 =	vadd.s32 v27, v24  }
0x252: {  	v27 =	vsel vm10, $0x1, v2;
	vm9 =	vge.s32 v13, v22;
	vm10 =	vge.s32 v12, v23  }
0x253: {  	v25 =	vadd.s32 v28, v25;
	v28 =	vsel vm11, $0x1, v2;
	v26 =	vadd.s32 v29, v26  }
0x254: {  	v29 =	vsel vm12, $0x1, v2;
	v24 =	vadd.s32 v27, v24;
	v27 =	vsel vm13, $0x1, v2  }
0x255: {  	vm12 =	vge.s32 v12, v22;
	vm13 =	vge.s32 v11, v23;
	v25 =	vadd.s32 v28, v25  }
0x256: {  	v28 =	vsel vm14, $0x1, v2;
	v26 =	vadd.s32 v29, v26;
	v29 =	vsel vm15, $0x1, v2  }
0x257: {  	v24 =	vadd.s32 v27, v24;
	v27 =	vsel vm4, $0x1, v2;
	vm15 =	vge.s32 v11, v22  }
0x258: {  	v26 =	vadd.s32 v29, v26;
	v29 =	vsel vm6, $0x1, v2;
	v24 =	vadd.s32 v27, v24  }
.Ltmp22:
0x259: {  	v27 =	vsel vm7, $0x1, v2;
	v26 =	vadd.s32 v29, v26;
	v29 =	vsel vm9, $0x1, v2;
	(pc) =	sbr.rel @!p0 .LBB2_24-.Ltmp22, $4  }
0x25a: {  	v24 =	vadd.s32 v27, v24;
	v27 =	vsel vm10, $0x1, v2;
	v26 =	vadd.s32 v29, v26  }
0x25b: {  	v29 =	vsel vm12, $0x1, v2;
	v24 =	vadd.s32 v27, v24;
	v27 =	vsel vm13, $0x1, v2  }
0x25c: {  	v29 =	vadd.s32 v29, v26;
	v24 =	vadd.s32 v27, v24;
	v27 =	vsel vm15, $0x1, v2  }
0x25d: {  	v26 =	vadd.s32 v28, v25;
	v25 =	vadd.s32 v27, v29;
	v27 =	vimm.s32 $0x80  }
.LBB2_23:
0x25e: {  	v28 =	vor.u32 v1, v27;
	v27 =	vadd.s32 $0x10, v27  }
0x25f: {  	vm0 =	vlt.s32 v27, v9  }
0x260: {  	v29 =	vsel vm0, $0x3F800000, v5  }
0x261: {  	(xrf0) =	vmax.scan.msk.f32 $0xffff, v29;
	_ =	sdelay $0x5  }
0x262: {  	v29, _, _ =	vpop (xrf0)  }
0x263: {  	(v2sf) =	vpush v29, $0xF;
	_ =	sdelay $0xd  }
0x264: {  	v28 =	vld.idx.msk [tilespmem:v28+s14+$0x0], $0xffff  }
0x265: {  	s23 =	spop (v2sf)  }
0x266: {  	p1 =	sgt.f32 s23, $0.0e+00  }
.Ltmp23:
0x267: {  	_ = 	snop;
	(pc) =	sbr.rel @p1 .LBB2_23-.Ltmp23, $4  }
0x268: {  	_ = 	snop  }
0x269: {  	vm15 =	vge.s32 v28, v23;
	vm1 =	vge.s32 v28, v20;
	vm2 =	vge.s32 v28, v22  }
0x26a: {  	v28 =	vsel vm15, $0x1, v2;
	v29 =	vsel vm1, $0x1, v2;
	v30 =	vsel vm2, $0x1, v2  }
0x26b: {  	v24 =	vadd.s32 v28, v24;
	v26 =	vadd.s32 v29, v26;
	v25 =	vadd.s32 v30, v25  }
.Ltmp24:
0x26c: {  	_ = 	snop;
	(pc) =	sbr.rel .LBB2_24-.Ltmp24, $1  }
0x26d: {  	_ =	sdelay $0x3  }
.LBB2_25:
0x26e: {  	vm0 =	vge.s32 v18, v10;
	vm1 =	vge.s32 v17, v10  }
0x26f: {  	vm10 =	vge.s32 v16, v10;
	v19 =	vsel vm0, $0x1, v2;
	v20 =	vsel vm1, $0x1, v2  }
0x270: {  	vm11 =	vge.s32 v15, v10;
	v26 =	vsel vm10, $0x1, v2;
	v21 =	vadd.s32 v20, v19  }
0x271: {  	vm12 =	vge.s32 v14, v10;
	v25 =	vsel vm11, $0x1, v2;
	v21 =	vadd.s32 v26, v21  }
.Ltmp25:
0x272: {  	vm13 =	vge.s32 v13, v10;
	v24 =	vsel vm12, $0x1, v2;
	v21 =	vadd.s32 v25, v21;
	(pc) =	sbr.rel @!p0 .LBB2_27-.Ltmp25, $4  }
0x273: {  	vm14 =	vge.s32 v12, v10;
	v23 =	vsel vm13, $0x1, v2;
	v21 =	vadd.s32 v24, v21  }
0x274: {  	vm15 =	vge.s32 v11, v10;
	v22 =	vsel vm14, $0x1, v2;
	v21 =	vadd.s32 v23, v21  }
0x275: {  	v27 =	vadd.s32 v22, v21;
	v21 =	vsel vm15, $0x1, v2  }
0x276: {  	v28 =	vimm.s32 $0x80;
	v27 =	vadd.s32 v21, v27  }
.LBB2_26:
0x277: {  	v29 =	vor.u32 v1, v28;
	v28 =	vadd.s32 $0x10, v28  }
0x278: {  	vm0 =	vlt.s32 v28, v9  }
0x279: {  	v30 =	vsel vm0, $0x3F800000, v5  }
0x27a: {  	(xrf0) =	vmax.scan.msk.f32 $0xffff, v30;
	_ =	sdelay $0x5  }
0x27b: {  	v30, _, _ =	vpop (xrf0)  }
0x27c: {  	(v2sf) =	vpush v30, $0xF;
	_ =	sdelay $0xd  }
0x27d: {  	v29 =	vld.idx.msk [tilespmem:v29+s14+$0x0], $0xffff  }
0x27e: {  	s22 =	spop (v2sf)  }
0x27f: {  	p1 =	sgt.f32 s22, $0.0e+00  }
.Ltmp26:
0x280: {  	_ = 	snop;
	(pc) =	sbr.rel @p1 .LBB2_26-.Ltmp26, $4  }
0x281: {  	_ = 	snop  }
0x282: {  	vm15 =	vge.s32 v29, v10  }
0x283: {  	v29 =	vsel vm15, $0x1, v2  }
0x284: {  	v27 =	vadd.s32 v29, v27  }
.LBB2_27:
0x285: {  	(xrf0) =	vadd.scan.msk.s32 $0xffff, v27;
	_ =	sdelay $0x5  }
0x286: {  	v27, _, _ =	vpop (xrf0)  }
0x287: {  	v27 =	vperm.xlane v27, v3;
	_ =	sdelay $0x1  }
0x288: {  	vm0 =	veq.s32 v27, $0x40  }
0x289: {  	v27 =	vsel vm0, $0x3F800000, v5  }
0x28a: {  	(xrf0) =	vmin.scan.msk.f32 $0xffff, v27;
	_ =	sdelay $0x5  }
0x28b: {  	v27, _, _ =	vpop (xrf0)  }
0x28c: {  	(v2sf) =	vpush v27, $0xF;
	_ =	sdelay $0xe  }
0x28d: {  	s22 =	spop (v2sf)  }
0x28e: {  	p1 =	sgt.f32 s22, $0.0e+00;
	_ =	sdelay $0x1  }
0x28f: {  	(xrf0) =	vadd.scan.msk.s32 @p1 $0xffff, v19  }
0x290: {  	(xrf0) =	vadd.scan.msk.s32 @p1 $0xffff, v20;
	_ =	sdelay $0x3  }
0x291: {  	(xrf0) =	vadd.scan.msk.s32 @p1 $0xffff, v26  }
0x292: {  	v19 =	vadd.s32 @p1 $0x3F, v8;
	v20 =	vimm.s32 @p1 $0xF;
	v26, _, _ =	vpop @p1 (xrf0)  }
0x293: {  	(xrf0) =	vadd.scan.msk.s32 @p1 $0xffff, v25;
	v27 =	vadd.s32 @p1 v26, v19;
	v25 =	vperm.xlane @p1 v26, v20;
	v26, _, _ =	vpop @p1 (xrf0)  }
0x294: {  	vm7 =	vge.s32 @p1 v18, v10;
	v29 =	vadd.s32 @p1 v26, v19;
	_ =	sdelay $0x1  }
0x295: {  	vm8 =	vge.s32 @p1 v17, v10;
	vm9 =	vlt.s32 @p1 v18, $0x0;
	v28 =	vxor.u32 @p1 $0x7FFFFFFF, v18;
	(xrf0) =	vadd.scan.msk.s32 @p1 $0xffff, v24  }
0x296: {  	v24 =	vsel @p1 vm9, v28, v18;
	v26 =	vperm.xlane @p1 v26, v20;
	v28 =	vadd.s32 @p1 v25, v29;
	v29, _, _ =	vpop @p1 (xrf0);
	(xrf0) =	vadd.scan.msk.s32 @p1 $0xffff, v23  }
0x297: {  	vm1 =	vge.s32 @p1 v11, v10;
	(xrf0) =	vadd.scan.msk.s32 @p1 $0xffff, v22;
	v22 =	vxor.u32 @p1 $0x7FFFFFFF, v16  }
0x298: {  	vm2 =	vge.s32 @p1 v12, v10;
	s22 =	simm.s32 @p1 $0x4800;
	vm9 =	vlt.s32 @p1 v17, $0x0;
	v25 =	vadd.s32 @p1 v25, v26  }
0x299: {  	v23 =	vxor.u32 @p1 $0x7FFFFFFF, v17;
	[tilespmem:v27+s22+$0x0] =	vst.idx.msk @p1 vm7, v24;
	vm7 =	vlt.s32 @p1 v16, $0x0;
	v24 =	vperm.xlane @p1 v29, v20  }
0x29a: {  	v26 =	vadd.s32 @p1 v29, v19;
	v23 =	vsel @p1 vm9, v23, v17;
	v27 =	vsel @p1 vm7, v22, v16;
	v22, _, _ =	vpop @p1 (xrf0)  }
0x29b: {  	(xrf0) =	vadd.scan.msk.s32 @p1 $0xffff, v21;
	v21 =	vadd.s32 @p1 v25, v24;
	v24 =	vadd.s32 @p1 v22, v19;
	v22 =	vperm.xlane @p1 v22, v20  }
0x29c: {  	v26 =	vadd.s32 @p1 v25, v26;
	[tilespmem:v28+s22+$0x0] =	vst.idx.msk @p1 vm8, v23;
	v25, _, _ =	vpop @p1 (xrf0);
	v23 =	vadd.s32 @p1 v21, v24  }
0x29d: {  	v21 =	vadd.s32 @p1 v21, v22;
	v22 =	vadd.s32 @p1 v25, v19;
	v25 =	vperm.xlane @p1 v25, v20  }
0x29e: {  	vm3 =	vge.s32 @p1 v13, v10;
	vm4 =	vge.s32 @p1 v14, v10;
	vm6 =	vge.s32 @p1 v16, v10  }
0x29f: {  	vm5 =	vge.s32 @p1 v15, v10;
	v28, _, _ =	vpop @p1 (xrf0);
	v30 =	vadd.s32 @p1 v21, v22;
	v21 =	vadd.s32 @p1 v21, v25  }
0x2a0: {  	vm7 =	vlt.s32 @p1 v15, $0x0;
	v24 =	vxor.u32 @p1 $0x7FFFFFFF, v15;
	v29, _, _ =	vpop @p1 (xrf0);
	v22 =	vperm.xlane @p1 v28, v20  }
0x2a1: {  	v24 =	vsel @p1 vm7, v24, v15;
	v25 =	vadd.s32 @p1 v28, v19;
	v28 =	vperm.xlane @p1 v29, v20  }
0x2a2: {  	p2 =	sgt.f32 @p1 s21, $0.0e+00;
	v29 =	vadd.s32 @p1 v29, v19;
	v25 =	vadd.s32 @p1 v21, v25;
	v22 =	vadd.s32 @p1 v21, v22;
	v21, _, _ =	vpop @p1 (xrf0)  }
0x2a3: {  	v29 =	vadd.s32 @p1 v22, v29;
	v22 =	vadd.s32 @p1 v22, v28;
	v28 =	vadd.s32 @p1 v21, v19  }
0x2a4: {  	p2 =	por !p1, !p2;
	[tilespmem:v26+s22+$0x0] =	vst.idx.msk @p1 vm6, v27;
	vm6 =	vlt.s32 @p1 v14, $0x0;
	v26 =	vxor.u32 @p1 $0x7FFFFFFF, v14;
	v27 =	vadd.s32 @p1 v22, v28  }
.Ltmp27:
0x2a5: {  	[tilespmem:v23+s22+$0x0] =	vst.idx.msk @p1 vm5, v24;
	v23 =	vsel @p1 vm6, v26, v14;
	vm5 =	vlt.s32 @p1 v13, $0x0;
	v24 =	vxor.u32 @p1 $0x7FFFFFFF, v13;
	(pc) =	sbr.rel @p2 .LBB2_30-.Ltmp27, $4  }
0x2a6: {  	[tilespmem:v30+s22+$0x0] =	vst.idx.msk @p1 vm4, v23;
	v23 =	vsel @p1 vm5, v24, v13;
	vm4 =	vlt.s32 @p1 v12, $0x0;
	v24 =	vxor.u32 @p1 $0x7FFFFFFF, v12  }
0x2a7: {  	[tilespmem:v25+s22+$0x0] =	vst.idx.msk @p1 vm3, v23;
	v23 =	vsel @p1 vm4, v24, v12;
	vm3 =	vlt.s32 @p1 v11, $0x0;
	v24 =	vxor.u32 @p1 $0x7FFFFFFF, v11  }
0x2a8: {  	[tilespmem:v29+s22+$0x0] =	vst.idx.msk @p1 vm2, v23;
	v23 =	vsel @p1 vm3, v24, v11  }
0x2a9: {  	[tilespmem:v27+s22+$0x0] =	vst.idx.msk @p1 vm1, v23  }
0x2aa: {  	v20 =	vperm.xlane @p1 v21, v20;
	_ =	sdelay $0x1  }
0x2ab: {  	v21 =	vimm.s32 $0x80;
	v20 =	vadd.s32 v22, v20  }
.LBB2_29:
0x2ac: {  	v22 =	vor.u32 v1, v21;
	_ =	sdelay $0x4  }
0x2ad: {  	v22 =	vld.idx.msk [tilespmem:v22+s14+$0x0], $0xffff;
	_ =	sdelay $0x4  }
0x2ae: {  	v21 =	vadd.s32 $0x10, v21;
	vm1 =	vge.s32 v22, v10  }
0x2af: {  	vm2 =	vlt.s32 v21, v9;
	v23 =	vsel vm1, $0x1, v2  }
0x2b0: {  	(xrf0) =	vadd.scan.msk.s32 $0xffff, v23;
	v23 =	vsel vm2, $0x3F800000, v5  }
0x2b1: {  	(xrf0) =	vmax.scan.msk.f32 $0xffff, v23;
	_ =	sdelay $0x4  }
0x2b2: {  	v23, _, _ =	vpop (xrf0)  }
0x2b3: {  	v24, _, _ =	vpop (xrf0)  }
0x2b4: {  	(v2sf) =	vpush v24, $0xF;
	_ =	sdelay $0xe  }
0x2b5: {  	v63 =	vadd.s32 v20, v19;
	s21 =	spop (v2sf)  }
0x2b6: {  	v24 =	vadd.s32 v23, v63;
	p1 =	sgt.f32 s21, $0.0e+00  }
.Ltmp28:
0x2b7: {  	_ = 	snop;
	(pc) =	sbr.rel @p1 .LBB2_29-.Ltmp28, $4  }
0x2b8: {  	_ = 	snop  }
0x2b9: {  	v25 =	vxor.u32 $0x7FFFFFFF, v22;
	vm2 =	vlt.s32 v22, $0x0;
	v23 =	vperm.xlane v23, v3  }
0x2ba: {  	v22 =	vsel vm2, v25, v22  }
0x2bb: {  	v20 =	vadd.s32 v20, v23;
	[tilespmem:v24+s15+$0x0] =	vst.idx.msk vm1, v22  }
.LBB2_30:
0x2bc: {  	v19 =	vsel vm0, $0x0, v7  }
0x2bd: {  	(xrf0) =	vmax.scan.msk.f32 $0xffff, v19;
	_ =	sdelay $0x5  }
0x2be: {  	v19, _, _ =	vpop (xrf0)  }
0x2bf: {  	(v2sf) =	vpush v19, $0xF;
	_ =	sdelay $0xe  }
0x2c0: {  	s21 =	spop (v2sf)  }
0x2c1: {  	p1 =	sgt.f32 s21, $0.0e+00  }
.Ltmp29:
0x2c2: {  	_ = 	snop;
	(pc) =	sbr.rel @!p1 .LBB2_36-.Ltmp29, $1  }
0x2c3: {  	_ =	sdelay $0x3  }
0x2c4: {  	v19 =	vadd.s32 $0x1, v10  }
0x2c5: {  	vm0 =	vge.s32 v18, v19;
	vm1 =	vge.s32 v17, v19  }
0x2c6: {  	vm10 =	vge.s32 v16, v19;
	v20 =	vsel vm0, $0x1, v2;
	v21 =	vsel vm1, $0x1, v2  }
0x2c7: {  	vm11 =	vge.s32 v15, v19;
	v20 =	vadd.s32 v21, v20;
	v21 =	vsel vm10, $0x1, v2  }
0x2c8: {  	vm12 =	vge.s32 v14, v19;
	v20 =	vadd.s32 v21, v20;
	v21 =	vsel vm11, $0x1, v2  }
.Ltmp30:
0x2c9: {  	vm13 =	vge.s32 v13, v19;
	v20 =	vadd.s32 v21, v20;
	v21 =	vsel vm12, $0x1, v2;
	(pc) =	sbr.rel @!p0 .LBB2_33-.Ltmp30, $4  }
0x2ca: {  	vm14 =	vge.s32 v12, v19;
	v20 =	vadd.s32 v21, v20;
	v21 =	vsel vm13, $0x1, v2  }
0x2cb: {  	vm15 =	vge.s32 v11, v19;
	v20 =	vadd.s32 v21, v20;
	v21 =	vsel vm14, $0x1, v2  }
0x2cc: {  	v20 =	vadd.s32 v21, v20;
	v21 =	vsel vm15, $0x1, v2  }
0x2cd: {  	v20 =	vadd.s32 v21, v20;
	v21 =	vimm.s32 $0x80  }
.LBB2_32:
0x2ce: {  	v22 =	vor.u32 v1, v21;
	v21 =	vadd.s32 $0x10, v21  }
0x2cf: {  	vm0 =	vlt.s32 v21, v9  }
0x2d0: {  	v23 =	vsel vm0, $0x3F800000, v5  }
0x2d1: {  	(xrf0) =	vmax.scan.msk.f32 $0xffff, v23;
	_ =	sdelay $0x5  }
0x2d2: {  	v23, _, _ =	vpop (xrf0)  }
0x2d3: {  	(v2sf) =	vpush v23, $0xF;
	_ =	sdelay $0xd  }
0x2d4: {  	v22 =	vld.idx.msk [tilespmem:v22+s14+$0x0], $0xffff  }
0x2d5: {  	s21 =	spop (v2sf)  }
0x2d6: {  	p1 =	sgt.f32 s21, $0.0e+00  }
.Ltmp31:
0x2d7: {  	_ = 	snop;
	(pc) =	sbr.rel @p1 .LBB2_32-.Ltmp31, $4  }
0x2d8: {  	_ = 	snop  }
0x2d9: {  	vm15 =	vge.s32 v22, v19  }
0x2da: {  	v22 =	vsel vm15, $0x1, v2  }
0x2db: {  	v20 =	vadd.s32 v22, v20  }
.LBB2_33:
0x2dc: {  	(xrf0) =	vadd.scan.msk.s32 $0xffff, v20  }
0x2dd: {  	vm0 =	veq.s32 v18, v10  }
0x2de: {  	v19 =	vsel vm0, $0x1, v2  }
0x2df: {  	(xrf0) =	vadd.scan.msk.s32 $0xffff, v19;
	_ =	sdelay $0x2  }
0x2e0: {  	v19, _, _ =	vpop (xrf0)  }
0x2e1: {  	v19 =	vperm.xlane v19, v3;
	_ =	sdelay $0x1  }
0x2e2: {  	v20, _, _ =	vpop (xrf0);
	v19 =	vsub.s32 $0x40, v19  }
0x2e3: {  	vm1 =	vle.s32 v20, v19  }
0x2e4: {  	vm2 =	vgt.s32 v18, v10;
	vm0 =	vmand vm0, vm1  }
0x2e5: {  	vm0 =	vmor vm2, vm0  }
0x2e6: {  	vm11 =	veq.s32 v17, v10;
	v21 =	vsel vm0, $0x1, v2  }
0x2e7: {  	v62 =	vsel vm11, $0x1, v2;
	(xrf0) =	vadd.scan.msk.s32 $0xffff, v21  }
0x2e8: {  	(xrf0) =	vadd.scan.msk.s32 $0xffff, v62;
	_ =	sdelay $0x4  }
0x2e9: {  	v20 =	vperm.xlane v20, v3;
	v63, _, _ =	vpop (xrf0)  }
0x2ea: {  	v22, _, _ =	vpop (xrf0)  }
0x2eb: {  	v20 =	vadd.s32 v22, v20  }
0x2ec: {  	vm12 =	vle.s32 v20, v19  }
0x2ed: {  	vm3 =	vgt.s32 v17, v10;
	vm1 =	vmand vm11, vm12  }
0x2ee: {  	vm1 =	vmor vm3, vm1  }
0x2ef: {  	vm13 =	veq.s32 v16, v10;
	v34 =	vsel vm1, $0x1, v2  }
0x2f0: {  	v35 =	vsel vm13, $0x1, v2;
	(xrf0) =	vadd.scan.msk.s32 $0xffff, v34  }
0x2f1: {  	(xrf0) =	vadd.scan.msk.s32 $0xffff, v35;
	_ =	sdelay $0x4  }
0x2f2: {  	v20 =	vperm.xlane v20, v3;
	v36, _, _ =	vpop (xrf0)  }
0x2f3: {  	v23, _, _ =	vpop (xrf0)  }
0x2f4: {  	v20 =	vadd.s32 v23, v20  }
0x2f5: {  	vm14 =	vle.s32 v20, v19  }
0x2f6: {  	vm4 =	vgt.s32 v16, v10;
	vm2 =	vmand vm13, vm14  }
0x2f7: {  	vm2 =	vmor vm4, vm2  }
0x2f8: {  	vm15 =	veq.s32 v15, v10;
	v37 =	vsel vm2, $0x1, v2  }
0x2f9: {  	v38 =	vsel vm15, $0x1, v2;
	(xrf0) =	vadd.scan.msk.s32 $0xffff, v37  }
0x2fa: {  	(xrf0) =	vadd.scan.msk.s32 $0xffff, v38;
	_ =	sdelay $0x4  }
0x2fb: {  	v20 =	vperm.xlane v20, v3;
	v39, _, _ =	vpop (xrf0)  }
0x2fc: {  	v24, _, _ =	vpop (xrf0)  }
0x2fd: {  	v20 =	vadd.s32 v24, v20  }
0x2fe: {  	vm8 =	vle.s32 v20, v19  }
0x2ff: {  	vm5 =	vgt.s32 v15, v10;
	vm3 =	vmand vm15, vm8  }
0x300: {  	vm3 =	vmor vm5, vm3  }
0x301: {  	vm9 =	veq.s32 v14, v10;
	v40 =	vsel vm3, $0x1, v2  }
0x302: {  	v41 =	vsel vm9, $0x1, v2;
	(xrf0) =	vadd.scan.msk.s32 $0xffff, v40  }
0x303: {  	(xrf0) =	vadd.scan.msk.s32 $0xffff, v41;
	_ =	sdelay $0x4  }
0x304: {  	v20 =	vperm.xlane v20, v3;
	v42, _, _ =	vpop (xrf0)  }
0x305: {  	v25, _, _ =	vpop (xrf0)  }
0x306: {  	v20 =	vadd.s32 v25, v20  }
0x307: {  	vm10 =	vle.s32 v20, v19  }
0x308: {  	vm6 =	vgt.s32 v14, v10;
	vm4 =	vmand vm9, vm10  }
0x309: {  	vm4 =	vmor vm6, vm4  }
0x30a: {  	vm11 =	veq.s32 v13, v10;
	v43 =	vsel vm4, $0x1, v2  }
0x30b: {  	v44 =	vsel vm11, $0x1, v2;
	(xrf0) =	vadd.scan.msk.s32 $0xffff, v43  }
0x30c: {  	(xrf0) =	vadd.scan.msk.s32 $0xffff, v44;
	_ =	sdelay $0x4  }
0x30d: {  	v20 =	vperm.xlane v20, v3;
	v45, _, _ =	vpop (xrf0)  }
0x30e: {  	v26, _, _ =	vpop (xrf0)  }
0x30f: {  	v20 =	vadd.s32 v26, v20  }
0x310: {  	vm12 =	vle.s32 v20, v19  }
0x311: {  	vm7 =	vgt.s32 v13, v10;
	vm5 =	vmand vm11, vm12  }
0x312: {  	vm5 =	vmor vm7, vm5  }
0x313: {  	vm13 =	veq.s32 v12, v10;
	v46 =	vsel vm5, $0x1, v2  }
0x314: {  	v47 =	vsel vm13, $0x1, v2;
	(xrf0) =	vadd.scan.msk.s32 $0xffff, v46  }
0x315: {  	(xrf0) =	vadd.scan.msk.s32 $0xffff, v47;
	_ =	sdelay $0x4  }
0x316: {  	v20 =	vperm.xlane v20, v3;
	v48, _, _ =	vpop (xrf0)  }
0x317: {  	v27, _, _ =	vpop (xrf0)  }
0x318: {  	v20 =	vadd.s32 v27, v20  }
0x319: {  	vm14 =	vle.s32 v20, v19  }
0x31a: {  	vm8 =	vgt.s32 v12, v10;
	vm6 =	vmand vm13, vm14  }
0x31b: {  	vm6 =	vmor vm8, vm6  }
0x31c: {  	vm15 =	veq.s32 v11, v10;
	v49 =	vsel vm6, $0x1, v2  }
0x31d: {  	v50 =	vsel vm15, $0x1, v2;
	(xrf0) =	vadd.scan.msk.s32 $0xffff, v49  }
0x31e: {  	(xrf0) =	vadd.scan.msk.s32 $0xffff, v50;
	_ =	sdelay $0x2  }
0x31f: {  	v51 =	vxor.u32 $0x7FFFFFFF, v18;
	v29 =	vxor.u32 $0x7FFFFFFF, v17  }
0x320: {  	v30 =	vxor.u32 $0x7FFFFFFF, v16;
	v32 =	vperm.xlane v39, v3;
	v52 =	vperm.xlane v42, v3  }
0x321: {  	vm9 =	vlt.s32 v17, $0x0;
	vm12 =	vlt.s32 v18, $0x0;
	v20 =	vperm.xlane v20, v3;
	v28, _, _ =	vpop (xrf0)  }
0x322: {  	v29 =	vsel vm9, v29, v17;
	v27 =	vsel vm12, v51, v18;
	v18 =	vadd.s32 $0x3F, v8;
	v17, _, _ =	vpop (xrf0)  }
0x323: {  	v21 =	vadd.s32 v63, v18;
	vm13 =	vlt.s32 v16, $0x0;
	v17 =	vadd.s32 v17, v20  }
0x324: {  	v30 =	vsel vm13, v30, v16;
	v16 =	vperm.xlane v36, v3;
	vm14 =	vle.s32 v17, v19  }
0x325: {  	v20 =	vperm.xlane v63, v3;
	vm7 =	vmand vm15, vm14;
	vm15 =	vgt.s32 v11, v10  }
0x326: {  	v54 =	vperm.xlane v45, v3;
	v55 =	vperm.xlane v48, v3;
	vm7 =	vmor vm15, vm7  }
0x327: {  	v31 =	vadd.s32 v20, v18;
	v16 =	vadd.s32 v20, v16;
	v53 =	vsel vm7, $0x1, v2  }
0x328: {  	v22 =	vadd.s32 v36, v31;
	v20 =	vadd.s32 v16, v32;
	v16 =	vadd.s32 v16, v18;
	(xrf0) =	vadd.scan.msk.s32 $0xffff, v53  }
0x329: {  	v60 =	vxor.u32 $0x7FFFFFFF, v15;
	[tilespmem:v21+s15+$0x0] =	vst.idx.msk vm0, v27;
	v23 =	vadd.s32 v39, v16;
	v16 =	vadd.s32 v20, v52  }
0x32a: {  	v33 =	vadd.s32 v20, v18;
	v20 =	vadd.s32 v16, v18;
	v16 =	vadd.s32 v16, v54  }
0x32b: {  	v57 =	vperm.xlane v28, v3;
	v24 =	vadd.s32 v42, v33;
	v56 =	vadd.s32 v16, v18  }
0x32c: {  	v20 =	vadd.s32 v45, v20;
	v59 =	vadd.s32 v16, v55;
	v58 =	vadd.s32 v48, v56  }
0x32d: {  	vm11 =	vlt.s32 v15, $0x0;
	v16 =	vadd.s32 v59, v57;
	v25 =	vadd.s32 v59, v18;
	[tilespmem:v22+s15+$0x0] =	vst.idx.msk vm1, v29  }
0x32e: {  	v22 =	vsel vm11, v60, v15;
	v25 =	vadd.s32 v28, v25;
	v61 =	vadd.s32 v16, v18;
	v15, _, _ =	vpop (xrf0)  }
0x32f: {  	v62 =	vxor.u32 $0x7FFFFFFF, v14;
	vm12 =	vlt.s32 v14, $0x0;
	[tilespmem:v23+s15+$0x0] =	vst.idx.msk vm2, v30;
	v26 =	vadd.s32 v15, v61  }
.Ltmp32:
0x330: {  	v14 =	vsel vm12, v62, v14;
	vm13 =	vlt.s32 v13, $0x0;
	v63 =	vxor.u32 $0x7FFFFFFF, v13;
	[tilespmem:v24+s15+$0x0] =	vst.idx.msk vm3, v22;
	(pc) =	sbr.rel @!p0 .LBB2_36-.Ltmp32, $4  }
0x331: {  	v13 =	vsel vm13, v63, v13;
	vm14 =	vlt.s32 v12, $0x0;
	[tilespmem:v20+s15+$0x0] =	vst.idx.msk vm4, v14;
	v14 =	vxor.u32 $0x7FFFFFFF, v12  }
0x332: {  	vm15 =	vlt.s32 v11, $0x0;
	[tilespmem:v58+s15+$0x0] =	vst.idx.msk vm5, v13;
	v12 =	vsel vm14, v14, v12;
	v13 =	vxor.u32 $0x7FFFFFFF, v11  }
0x333: {  	[tilespmem:v25+s15+$0x0] =	vst.idx.msk vm6, v12;
	v11 =	vsel vm15, v13, v11  }
0x334: {  	[tilespmem:v26+s15+$0x0] =	vst.idx.msk vm7, v11  }
0x335: {  	v11 =	vperm.xlane v15, v3;
	_ =	sdelay $0x1  }
0x336: {  	v13 =	vperm.xlane v17, v3;
	v12 =	vimm.s32 $0x80;
	v11 =	vadd.s32 v16, v11  }
.LBB2_35:
0x337: {  	v14 =	vor.u32 v1, v12;
	_ =	sdelay $0x4  }
0x338: {  	v14 =	vld.idx.msk [tilespmem:v14+s14+$0x0], $0xffff;
	_ =	sdelay $0x4  }
0x339: {  	vm0 =	veq.s32 v14, v10  }
0x33a: {  	v15 =	vsel vm0, $0x1, v2  }
0x33b: {  	(xrf0) =	vadd.scan.msk.s32 $0xffff, v15;
	_ =	sdelay $0x5  }
0x33c: {  	v15, _, _ =	vpop (xrf0)  }
0x33d: {  	v13 =	vadd.s32 v13, v15  }
0x33e: {  	vm1 =	vle.s32 v13, v19  }
0x33f: {  	vm2 =	vgt.s32 v14, v10;
	vm0 =	vmand vm0, vm1  }
0x340: {  	v12 =	vadd.s32 $0x10, v12;
	vm0 =	vmor vm2, vm0  }
0x341: {  	vm14 =	vlt.s32 v12, v9;
	v15 =	vsel vm0, $0x1, v2  }
0x342: {  	(xrf0) =	vadd.scan.msk.s32 $0xffff, v15;
	v15 =	vsel vm14, $0x3F800000, v5  }
0x343: {  	(xrf0) =	vmax.scan.msk.f32 $0xffff, v15;
	_ =	sdelay $0x4  }
0x344: {  	v15, _, _ =	vpop (xrf0)  }
0x345: {  	v16, _, _ =	vpop (xrf0)  }
0x346: {  	(v2sf) =	vpush v16, $0xF;
	_ =	sdelay $0xe  }
0x347: {  	v16 =	vadd.s32 v11, v18;
	s21 =	spop (v2sf)  }
0x348: {  	v16 =	vadd.s32 v15, v16;
	p0 =	sgt.f32 s21, $0.0e+00  }
.Ltmp33:
0x349: {  	_ = 	snop;
	(pc) =	sbr.rel @p0 .LBB2_35-.Ltmp33, $4  }
0x34a: {  	_ = 	snop  }
0x34b: {  	vm15 =	vlt.s32 v14, $0x0;
	v17 =	vxor.u32 $0x7FFFFFFF, v14;
	v15 =	vperm.xlane v15, v3  }
0x34c: {  	v14 =	vsel vm15, v17, v14  }
0x34d: {  	v13 =	vperm.xlane v13, v3;
	v11 =	vadd.s32 v11, v15;
	[tilespmem:v16+s15+$0x0] =	vst.idx.msk vm0, v14  }
.Ltmp34:
0x34e: {  	_ = 	snop;
	(pc) =	sbr.rel .LBB2_36-.Ltmp34, $1  }
0x34f: {  	_ =	sdelay $0x3  }
.LBB2_38:
0x350: {  	_ =	sfence.sel $0x180000  }
0x351: {  	[bflag:$0x0] =	sbarrier.arrive $0xFFFF  }
0x352: {  	p0 =	sne.s32 s1, $0x0;
	_ =	strace $0x9000004A  }
0x353: {  	s0 =	sadd.s32 @!p0 $0x100000, s0;
	[bflag:$0x2] =	sbarrier.arrive $0xFFFF  }
0x354: {  	[sflag:s0] =	ssyncadd.tile.s32 @!p0 $0x1;
	_ =	shalt  }
.Lfunc_end2:
_tile_overlayer_lowered:
.L_overlay_start_2:
0x355: {  	(tag) =	ssettag $0x2  }
0x356: {  	s0 =	rddreg [dreg:$0x0];
	s2 =	stileid.u32  }
0x357: {  	s1 =	rddreg [dreg:$0x1];
	p0 =	sne.s32 s2, $0x0  }
0x358: {  	s3 =	rddreg [dreg:$0x2];
	[bflag:$0x3] =	sbarrier.arrive $0xFFFF;
	s2 =	simm.s32 @!p0 $0x1C03  }
0x359: {  	[timem:s3], [sflag:s2] =	dma.local @!p0 [hbm:s0], s1  }
0x35a: {  	s0 =	simm.s32 @!p0 $0x3  }
0x35b: {  	_ =	swait.ge @!p0 [sflag:s0], s1  }
0x35c: {  	s1 =	ssub.s32 @!p0 $0x0, s1;
	[sflag:s0] =	ssyncset.done @!p0 $0x0  }
0x35d: {  	[sflag:s0] =	ssyncadd.s32 @!p0 s1  }
0x35e: {  	[bflag:$0x3] =	sbarrier.arrive $0xFFFF  }
0x35f: {  	_ =	shalt  }

// kernel: sparse-core-data-format-call.cloned.1.call-start
scs
called_computation_lowered:
.L_overlay_start_0:
0x0: {  	s2 =	sld [smem:$0x3FD9]  }
0x1: {  	s3 =	sld [smem:$0x3FFE];
	_ =	sdelay $0x1  }
0x2: {  	s1 =	srdreg.scid  }
0x3: {  	s0 =	sand.u32 $0x1, s1  }
0x4: {  	s18 =	sshll.u32 s0, $0xA;
	s2 =	sadd.s32 s3, s2  }
0x5: {  	s2 =	sadd.s32 s2, s18  }
0x6: {  	[smem:$0x3FC7] =	sst s2  }
0x7: {  	_ = 	snop  }
0x8: {  	s2 =	sld [smem:$0x3FC9];
	(tm) =	ssettm $0x1  }
0x9: {  	s19 =	sld [smem:$0x3FFB];
	_ =	sdelay $0x3  }
0xa: {  	_ =	strace s19  }
0xb: {  	s3 =	sld [smem:$0x3FFC];
	_ =	sdelay $0x3  }
0xc: {  	_ =	strace s3  }
0xd: {  	s3 =	sld [smem:$0x3FFD];
	_ =	sdelay $0x3  }
0xe: {  	_ =	strace s3  }
0xf: {  	_ =	strace $0x8FFFFFFF  }
0x10: {  	s20 =	sld [smem:$0x3FDB];
	_ =	sdelay $0x1  }
0x11: {  	s4 =	simm.s32 $_scs_section_size  }
0x12: {  	s5 =	simm.s32 $_size__tile_overlayer_lowered;
	s6 =	simm.s32 $_tile_overlayer_lowered  }
0x13: {  	s23 =	simm.s32 $0x1BFF;
	s22 =	sshll.u32 s6, $0x1;
	s3 =	sadd.s32 s4, s20  }
0x14: {  	s7 =	simm.s32 $0x0;
	s21 =	sshll.u32 s5, $0x1;
	s5 =	sadd.s32 s22, s3  }
0x15: {  	[timem:s7], [sflag:s23] =	dma.local [hbm:s5], s21  }
0x16: {  	_ =	swait.ge [sflag:s23], s21  }
0x17: {  	s4 =	ssub.s32 $0x0, s21;
	[sflag:s23] =	ssyncset.done $0x0  }
0x18: {  	[sflag:s23] =	ssyncadd.s32 s4;
	_ =	sdelay $0x1  }
0x19: {  	s24 =	simm.s32 $0x1B8B  }
0x1a: {  	_ =	swait.ge [sflag:s24], $0x1  }
0x1b: {  	[sflag:s24] =	ssyncset.done $0x0  }
0x1c: {  	s26 =	simm.s32 $0x1B8E;
	s25 =	sld [smem:$0x3FFE];
	[sflag:s24] =	ssyncadd.s32 $0xFFFFFFFF  }
0x1d: {  	s27 =	simm.s32 $execute0_lowered;
	[smem:$0x3FD2] =	sst s26  }
0x1e: {  	s5 =	sshll.u32 s27, $0x1;
	_ =	strace $0x80000046;
	[dreg:$0x1] =	wrdreg $0xFFFFFFFF  }
0x1f: {  	s28 =	simm.s32 $_size_execute0_lowered;
	s3 =	sadd.s32 s3, s5;
	[dreg:$0x0] =	wrdreg $0x0  }
0x20: {  	s5 =	sshll.u32 s28, $0x1;
	[dreg:$0x2] =	wrdreg s3  }
0x21: {  	[dreg:$0x3] =	wrdreg s5  }
0x22: {  	[dreg:$0x4] =	wrdreg $0xC0  }
0x23: {  	_ =	task [dreg:s7], $0x5FFFF  }
0x24: {  	[dreg:$0x1] =	wrdreg $0xFFFFFFFF  }
0x25: {  	[dreg:$0x0] =	wrdreg $0x60  }
0x26: {  	[dreg:$0x2] =	wrdreg s2  }
0x27: {  	[dreg:$0x3] =	wrdreg s25  }
0x28: {  	[dreg:$0x4] =	wrdreg $0x9  }
0x29: {  	_ =	task.clear_ibuf [dreg:s7], $0x5FFFF;
	_ =	strace $0x90000046  }
0x2a: {  	s29 =	simm.s32 $0x9;
	_ =	strace $0x80000048  }
0x2b: {  	_ =	swait.ge [sflag:s29], $0x1  }
0x2c: {  	[sflag:s29] =	ssyncadd.s32 $0xFFFFFFFF  }
0x2d: {  	_ =	strace $0x90000048  }
0x2e: {  	_ =	sfence  }
0x2f: {  	s30 =	sld [smem:$0x0];
	_ =	sdelay $0x2  }
0x30: {  	s31 =	sshll.u32 s1, $0xD;
	s1 =	sshrl.u32 s1, $0x2  }
0x31: {  	s3 =	sand.u32 $0x4000, s31;
	s1 =	sadd.s32 s1, s30  }
0x32: {  	s0 =	sor.u32 s3, s0;
	s1 =	sshll.u32 s1, $0x11  }
0x33: {  	s0 =	sor.u32 s1, s0  }
0x34: {  	s0 =	sadd.s32 $0x8F2B, s0  }
0x35: {  	[sflag:s0] =	ssyncadd.remote.s32 $0x1  }
0x36: {  	_ =	sfence.sel $0xFFFF  }
0x37: {  	[dreg:$0x0] =	wrdreg $0xFFFFFFFF;
	(pc) =	sbr.abs _section_cstart, $3  }
0x38: {  	[dreg:$0x1] =	wrdreg $0xFFFFFFFF  }
0x39: {  	_ =	task.clear_ibuf [dreg:s7], $0x2FFFF;
	_ =	strace $0x9FFFFFFF  }
0x3a: {  	(tm) =	ssettm $0x7FFFFFFF  }
0x3b: {  	_ =	shalt  }
tec
execute0_lowered:
.L_overlay_start_1:
0x0: {  	(tag) =	ssettag $0x1  }
0x1: {  	s2 =	rddreg [dreg:$0x0]  }
0x2: {  	s1 =	rddreg [dreg:$0x1]  }
0x3: {  	s0 =	rddreg [dreg:$0x2];
	_ =	strace $0x80000047;
	s4 =	srdreg.scid  }
0x4: {  	s6 =	simm.s32 $0x2;
	s11 =	simm.s32 $0x0;
	p0 =	por $0x0, $0x0  }
.Ltmp0:
0x5: {  	s7 =	simm.s32 $0x1000;
	s12 =	simm.s32 $0x0;
	(pc) =	sbr.rel .LBB1_1-.Ltmp0, $4  }
0x6: {  	s9 =	simm.s32 $0x0;
	s3 =	sadd.s32 $0x800, s1;
	s5 =	sshll.u32 s4, $0x4  }
0x7: {  	s1 =	stileid.u32;
	s4 =	simm.s32 $0x1;
	s5 =	sand.u32 $0x10, s5  }
0x8: {  	s8 =	simm.s32 $0x0;
	[sflag:s4] =	ssyncpa.u1 $0x0;
	s5 =	sor.u32 s1, s5  }
0x9: {  	[sflag:s6] =	ssyncpa.u1 $0x0;
	s6 =	simm.s32 $0x800;
	s10 =	smov.u32 s5  }
.LBB1_7:
0xa: {  	s13 =	sadd.s32 $0x10, s9  }
0xb: {  	s11 =	sadd.s32 $0x20, s10;
	s15 =	smov.u32 s10;
	p2 =	sgt.s32 s13, $0x1F  }
0xc: {  	p1 =	slt.u32 s8, $0x2;
	s15 =	smov.u32 @p2 s11  }
0xd: {  	s8 =	sadd.s32 $0x1, s8;
	s13 =	simm.s32 @p2 $0x0;
	p2 =	sgt.s32 s15, $0x5FF  }
0xe: {  	s15 =	smov.u32 @p2 s5;
	p2 =	sne.s32 s8, $0x62  }
.Ltmp1:
0xf: {  	_ = 	snop;
	(pc) =	sbr.rel @!p2 .LBB1_8-.Ltmp1, $4  }
0x10: {  	s14 =	simm.s32 @!p1 $0x2  }
0x11: {  	s12 =	smov.u32 s10;
	_ =	swait.ge @!p1 [sflag:s14], $0x4000  }
0x12: {  	p0 =	por !p0, !p0;
	s11 =	smov.u32 s9;
	[sflag:s14] =	ssyncset.done @!p1 $0x0  }
0x13: {  	s9 =	smov.u32 s13;
	[sflag:s14] =	ssyncadd.s32 @!p1 $0xFFFFC000;
	s10 =	smov.u32 s15  }
.LBB1_1:
0x14: {  	p1 =	sgt.u32 s8, $0x5F  }
0x15: {  	s13 =	sxor.u32 @!p1 $0xFFFFFFFF, s8;
	s14 =	sshll.u32 @!p1 s10, $0xC  }
0x16: {  	s15 =	sshll.u32 @!p1 s9, $0x7;
	s13 =	sshll.u32 @!p1 s13, $0xE;
	s14 =	sadd.s32 @!p1 s2, s14  }
0x17: {  	s13 =	sand.u32 @!p1 $0x4000, s13;
	s14 =	sadd.s32 @!p1 s15, s14;
	s15 =	simm.s32 @!p1 $0x0  }
0x18: {  	[tilespmem:s13], [sflag:$0x1] =	stream.linear.gather @!p1 [hbm4b:s14+s15], $0x4000, $0x38;
	[tilespmem:$0x10000] =	vst v63  }
0x19: {  	p1 =	seq.s32 s8, $0x0  }
0x1a: {  	p2 =	seq.s32 @!p1 s8, $0x61  }
0x1b: {  	p1 =	por p1, p2  }
.Ltmp2:
0x1c: {  	_ = 	snop;
	(pc) =	sbr.rel @p1 .LBB1_7-.Ltmp2, $1  }
0x1d: {  	_ =	sdelay $0x3  }
0x1e: {  	s13 =	simm.s32 $0x1;
	_ =	swait.ge [sflag:s4], $0x4000;
	s16 =	sshll.u32 s8, $0xE  }
0x1f: {  	s13 =	simm.s32 @!p0 $0x0;
	[sflag:s4] =	ssyncset.done $0x0;
	s31 =	sand.u32 $0x4000, s16  }
0x20: {  	s16 =	simm.s32 $0x0;
	s14 =	sshll.u32 s13, $0xE;
	[sflag:s4] =	ssyncadd.s32 $0xFFFFC000  }
0x21: {  	s13 =	sor.u32 $0x8040, s14;
	s15 =	sor.u32 $0x40, s14;
	s14 =	sor.u32 $0x8000, s31  }
.LBB1_3:
0x22: {  	v0 =	vmov s15;
	_ =	sdelay $0x3  }
0x23: {  	s18 =	simm.s32 $0x0  }
0x24: {  	v6 =	vld.idx.msk [tilespmem:v0+s18+$0x30 ss:$0x1], $0xffff  }
0x25: {  	v7 =	vld.idx.msk [tilespmem:v0+s18+$0xFFFFFFC0 ss:$0x1], $0xffff  }
0x26: {  	v5 =	vld.idx.msk [tilespmem:v0+s18+$0xFFFFFFD0 ss:$0x1], $0xffff  }
0x27: {  	v4 =	vld.idx.msk [tilespmem:v0+s18+$0xFFFFFFE0 ss:$0x1], $0xffff  }
0x28: {  	v3 =	vld.idx.msk [tilespmem:v0+s18+$0xFFFFFFF0 ss:$0x1], $0xffff  }
0x29: {  	v1 =	vld.idx.msk [tilespmem:v0+s18+$0x0 ss:$0x1], $0xffff  }
0x2a: {  	v2 =	vld.idx.msk [tilespmem:v0+s18+$0x10 ss:$0x1], $0xffff;
	[tilespmem:s13+$0x30] =	vst v6  }
0x2b: {  	s17 =	simm.s32 $0x80;
	s19 =	simm.s32 $0x400;
	[tilespmem:s13+$0xFFFFFFC0] =	vst v7;
	v6 =	vld.idx.msk [tilespmem:v0+s18+$0x20 ss:$0x1], $0xffff;
	s18 =	smov.u32 s13  }
.LBB1_4:
0x2c: {  	p1 =	sne.s32 s19, $0xE00;
	v7 =	vld.idx.msk [tilespmem:v0+s17+$0x30 ss:$0x1], $0xffff;
	[tilespmem:s18+$0xFFFFFFD0] =	vst v5  }
0x2d: {  	v8 =	vld.idx.msk [tilespmem:v0+s17+$0xFFFFFFC0 ss:$0x1], $0xffff;
	[tilespmem:s18+$0xFFFFFFE0] =	vst v4  }
0x2e: {  	v5 =	vld.idx.msk [tilespmem:v0+s17+$0xFFFFFFD0 ss:$0x1], $0xffff;
	[tilespmem:s18+$0xFFFFFFF0] =	vst v3  }
.Ltmp3:
0x2f: {  	v4 =	vld.idx.msk [tilespmem:v0+s17+$0xFFFFFFE0 ss:$0x1], $0xffff;
	[tilespmem:s18+$0x0] =	vst v1;
	(pc) =	sbr.rel @p1 .LBB1_4-.Ltmp3, $4  }
0x30: {  	v3 =	vld.idx.msk [tilespmem:v0+s17+$0xFFFFFFF0 ss:$0x1], $0xffff;
	[tilespmem:s18+$0x10] =	vst v2  }
0x31: {  	v1 =	vld.idx.msk [tilespmem:v0+s17+$0x0 ss:$0x1], $0xffff;
	[tilespmem:s18+$0x20] =	vst v6;
	s18 =	sadd.s32 $0x800, s18  }
0x32: {  	v2 =	vld.idx.msk [tilespmem:v0+s17+$0x10 ss:$0x1], $0xffff;
	[tilespmem:s18+$0x30] =	vst v7  }
0x33: {  	[tilespmem:s18+$0xFFFFFFC0] =	vst v8;
	v6 =	vld.idx.msk [tilespmem:v0+s17+$0x20 ss:$0x1], $0xffff;
	s17 =	sshra.s32 s19, $0x2;
	s19 =	sadd.s32 $0x200, s19  }
0x34: {  	_ =	sdelay $0x2  }
0x35: {  	[tilespmem:s18+$0xFFFFFFD0] =	vst v5  }
0x36: {  	v56 =	vld.idx.msk [tilespmem:v0+s17+$0x30 ss:$0x1], $0xffff;
	[tilespmem:s18+$0xFFFFFFE0] =	vst v4  }
0x37: {  	v57 =	vld.idx.msk [tilespmem:v0+s17+$0xFFFFFFC0 ss:$0x1], $0xffff;
	[tilespmem:s18+$0xFFFFFFF0] =	vst v3  }
0x38: {  	v58 =	vld.idx.msk [tilespmem:v0+s17+$0xFFFFFFD0 ss:$0x1], $0xffff;
	[tilespmem:s18+$0x0] =	vst v1  }
0x39: {  	v59 =	vld.idx.msk [tilespmem:v0+s17+$0xFFFFFFE0 ss:$0x1], $0xffff;
	[tilespmem:s18+$0x10] =	vst v2  }
0x3a: {  	v60 =	vld.idx.msk [tilespmem:v0+s17+$0xFFFFFFF0 ss:$0x1], $0xffff;
	s31 =	sadd.s32 $0x800, s18;
	[tilespmem:s18+$0x20] =	vst v6  }
0x3b: {  	v61 =	vld.idx.msk [tilespmem:v0+s17+$0x0 ss:$0x1], $0xffff;
	[tilespmem:s31+$0x30] =	vst v56  }
0x3c: {  	v62 =	vld.idx.msk [tilespmem:v0+s17+$0x10 ss:$0x1], $0xffff;
	s16 =	sadd.s32 $0x1, s16;
	[tilespmem:s31+$0xFFFFFFC0] =	vst v57  }
0x3d: {  	v63 =	vld.idx.msk [tilespmem:v0+s17+$0x20 ss:$0x1], $0xffff;
	p1 =	sne.s32 s16, $0x10;
	[tilespmem:s31+$0xFFFFFFD0] =	vst v58  }
.Ltmp4:
0x3e: {  	[tilespmem:s31+$0xFFFFFFE0] =	vst v59;
	(pc) =	sbr.rel @p1 .LBB1_3-.Ltmp4, $4  }
0x3f: {  	[tilespmem:s31+$0xFFFFFFF0] =	vst v60  }
0x40: {  	[tilespmem:s31+$0x0] =	vst v61  }
0x41: {  	[tilespmem:s31+$0x10] =	vst v62  }
0x42: {  	s13 =	sadd.s32 $0x80, s13;
	s15 =	sadd.s32 $0x400, s15;
	[tilespmem:s31+$0x20] =	vst v63  }
.Ltmp5:
0x43: {  	(pc) =	sbr.rel .LBB1_7-.Ltmp5, $4  }
0x44: {  	s12 =	sshll.u32 s12, $0xC;
	s11 =	sshll.u32 s11, $0x4  }
0x45: {  	s11 =	sand.u32 $0x1F0, s11;
	s12 =	sadd.s32 s3, s12  }
0x46: {  	s11 =	sadd.s32 s11, s12  }
0x47: {  	[hbm4b:s11+s6] =	stream.strided.scatter [tilespmem:s14], [sflag:$0x2], $0x4000, s7, s6, $0x38;
	[tilespmem:$0x10000] =	vst v63  }
.LBB1_8:
0x48: {  	_ =	sfence.sel $0x180000  }
0x49: {  	s2 =	simm.s32 $0x1;
	[bflag:$0x0] =	sbarrier.arrive $0xFFFF  }
0x4a: {  	s31 =	simm.s32 $0x2;
	[sflag:s2] =	ssyncpa.u1 $0x1  }
0x4b: {  	[sflag:s31] =	ssyncpa.u1 $0x1  }
0x4c: {  	p0 =	sne.s32 s1, $0x0;
	_ =	strace $0x90000047  }
0x4d: {  	s0 =	sadd.s32 @!p0 $0x100000, s0;
	[bflag:$0x2] =	sbarrier.arrive $0xFFFF  }
0x4e: {  	[sflag:s0] =	ssyncadd.tile.s32 @!p0 $0x1;
	_ =	shalt  }
.Lfunc_end1:
_tile_overlayer_lowered:
.L_overlay_start_2:
0x4f: {  	(tag) =	ssettag $0x2  }
0x50: {  	s0 =	rddreg [dreg:$0x0];
	s2 =	stileid.u32  }
0x51: {  	s1 =	rddreg [dreg:$0x1];
	p0 =	sne.s32 s2, $0x0  }
0x52: {  	s3 =	rddreg [dreg:$0x2];
	[bflag:$0x3] =	sbarrier.arrive $0xFFFF;
	s2 =	simm.s32 @!p0 $0x1C01  }
0x53: {  	[timem:s3], [sflag:s2] =	dma.local @!p0 [hbm:s0], s1  }
0x54: {  	s0 =	simm.s32 @!p0 $0x1  }
0x55: {  	_ =	swait.ge @!p0 [sflag:s0], s1  }
0x56: {  	s1 =	ssub.s32 @!p0 $0x0, s1;
	[sflag:s0] =	ssyncset.done @!p0 $0x0  }
0x57: {  	[sflag:s0] =	ssyncadd.s32 @!p0 s1  }
0x58: {  	[bflag:$0x3] =	sbarrier.arrive $0xFFFF  }
0x59: {  	_ =	shalt  }

</sc_bundles>
